<compile_context>
chip_gen: v7x
topology: tpu7x:2x2x1
jax: 0.10.2.dev20260603
libtpu: 0.0.44.dev20260713+nightly
codegen_flags: <defaults>
</compile_context>

<pallas_src>
import functools

import jax
import jax.numpy as jnp
from jax import lax
from jax.experimental import pallas as pl
from jax.experimental.pallas import tpu as pltpu
from jax.experimental.pallas import tpu_sc as plsc

NC = 2
NS = 16
L = 16
NW = NC * NS

B = 16384
F = 16
H = F // 2
BPW = B // NW
G = 16
NSTEP = BPW // G

_mesh = plsc.VectorSubcoreMesh(core_axis_name="c", subcore_axis_name="s")


@functools.partial(
    pl.kernel,
    out_type=jax.ShapeDtypeStruct((B,), jnp.float32),
    mesh=_mesh,
    compiler_params=pltpu.CompilerParams(
        needs_layout_passes=False,
        disable_bounds_checks=True,
        disable_semaphore_checks=True,
        skip_device_barrier=True,
    ),
    scratch_types=[
        pltpu.VMEM((BPW,), jnp.int32),
        pltpu.VMEM((BPW,), jnp.int32),
        pltpu.VMEM((G, H, 128), jnp.float32),
        pltpu.VMEM((G, H, 128), jnp.float32),
        pltpu.VMEM((G, H, 128), jnp.float32),
        pltpu.VMEM((G, H, 128), jnp.float32),
        pltpu.VMEM((BPW,), jnp.float32),
        pltpu.SemaphoreType.DMA,
        pltpu.SemaphoreType.DMA,
        pltpu.SemaphoreType.DMA,
    ],
)
def _mf_score(task_hbm, worker_hbm, tfT_hbm, wfT_hbm, out_hbm,
              t_idx, w_idx, a_t, a_w, b_t, b_w, out_v,
              sem_idx, sem_a, sem_b):
    wid = lax.axis_index("s") * NC + lax.axis_index("c")
    base = wid * BPW

    cp_t = pltpu.async_copy(task_hbm.at[pl.ds(base, BPW)], t_idx, sem_idx)
    cp_w = pltpu.async_copy(worker_hbm.at[pl.ds(base, BPW)], w_idx, sem_idx)
    cp_t.wait()
    cp_w.wait()

    lanes = lax.iota(jnp.int32, L)

    def load_cols(g):
        off = pl.multiple_of(g * G, G)
        return t_idx[pl.ds(off, G)], w_idx[pl.ds(off, G)]

    def fire_half(ivt, ivw, rows, dst_t, dst_w, sem):
        for k in range(G):
            ct = pl.multiple_of(ivt[k] & -128, 128)
            cw = pl.multiple_of(ivw[k] & -128, 128)
            pltpu.async_copy(
                tfT_hbm.at[rows, pl.ds(ct, 128)], dst_t.at[k], sem)
            pltpu.async_copy(
                wfT_hbm.at[rows, pl.ds(cw, 128)], dst_w.at[k], sem)

    def drain(dst_t, dst_w, sem):
        dummy = tfT_hbm.at[pl.ds(0, H), pl.ds(0, 128)]
        for k in range(G):
            pltpu.make_async_copy(dummy, dst_t.at[k], sem).wait()
            pltpu.make_async_copy(dummy, dst_w.at[k], sem).wait()

    def half_dot(src_t, src_w, lt, lw):
        acc = jnp.zeros((L,), jnp.float32)
        for f in range(H):
            fv = jnp.full((L,), f, jnp.int32)
            tv = plsc.load_gather(src_t, [lanes, fv, lt])
            wv = plsc.load_gather(src_w, [lanes, fv, lw])
            acc = acc + tv * wv
        return acc

    rows0 = pl.ds(0, H)
    rows1 = pl.ds(H, H)

    ivt0, ivw0 = load_cols(0)
    fire_half(ivt0, ivw0, rows0, a_t, a_w, sem_a)

    def step(g, carry):
        ivt, ivw = load_cols(g)
        lt = ivt & 127
        lw = ivw & 127
        fire_half(ivt, ivw, rows1, b_t, b_w, sem_b)
        drain(a_t, a_w, sem_a)
        c0 = half_dot(a_t, a_w, lt, lw)

        @pl.when(g + 1 < NSTEP)
        def _():
            nivt, nivw = load_cols(g + 1)
            fire_half(nivt, nivw, rows0, a_t, a_w, sem_a)

        drain(b_t, b_w, sem_b)
        c1 = half_dot(b_t, b_w, lt, lw)

        off = pl.multiple_of(g * G, G)
        out_v[pl.ds(off, G)] = 1.0 / (1.0 + jnp.exp(-(c0 + c1)))
        return carry

    lax.fori_loop(0, NSTEP, step, 0)

    pltpu.sync_copy(out_v, out_hbm.at[pl.ds(base, BPW)])


def kernel(task, worker, task_factors, worker_factors):
    return _mf_score(task.astype(jnp.int32), worker.astype(jnp.int32),
                     task_factors.T, worker_factors.T)

# --- scband reference (transcript-rebuilt; emitter-appended) ---
"""Pipeline reference for scband-mcgp-mf-4750233830094 (READ-ONLY COPY).

The authoritative reference and input builder live on the scoring server;
editing this copy changes nothing except your own understanding.
"""

import jax, jax.numpy as jnp
import numpy as np

N_TASKS = 1000000
N_WORKERS = 1000000
N_FACTORS = 16
BATCH = 16384

def setup_inputs(seed: int = 0) -> dict:
    key = jax.random.key(seed)
    k1, k2, k3, k4 = jax.random.split(key, 4)
    task = jax.random.randint(k1, (BATCH,), 0, N_TASKS, dtype=jnp.int64 if jax.config.jax_enable_x64 else jnp.int32)
    worker = jax.random.randint(k2, (BATCH,), 0, N_WORKERS, dtype=jnp.int64 if jax.config.jax_enable_x64 else jnp.int32)
    # Embedding tables initialized like torch.nn.Embedding (standard normal)
    task_factors = jax.random.normal(k3, (N_TASKS, N_FACTORS), dtype=jnp.float32)
    worker_factors = jax.random.normal(k4, (N_WORKERS, N_FACTORS), dtype=jnp.float32)
    return {"task": task, "worker": worker, "task_factors": task_factors, "worker_factors": worker_factors}

def reference(task, worker, task_factors, worker_factors):
    # MCGP_MF.forward with loss='BCE':
    # score = sigmoid((task_factors(task) * worker_factors(worker)).sum(1))
    t_emb = jnp.take(task_factors, task, axis=0)
    w_emb = jnp.take(worker_factors, worker, axis=0)
    score = jax.nn.sigmoid(jnp.sum(t_emb * w_emb, axis=1))
    return score

if __name__ == "__main__":
    import jax
    _d = setup_inputs()
    print(jax.jit(kernel)(*tuple(_d.values())))

</pallas_src>

<mosaic_0001>
#map = affine_map<(d0, d1) -> (0)>
#map1 = affine_map<(d0, d1) -> (0, 0)>
module attributes {stable_mosaic.version = 14 : i64} {
  func.func @_mf_score(%arg0: i32, %arg1: i32, %arg2: memref<16384xi32, #tpu.memory_space<hbm>>, %arg3: memref<16384xi32, #tpu.memory_space<hbm>>, %arg4: memref<16x1000000xf32, #tpu.memory_space<hbm>>, %arg5: memref<16x1000000xf32, #tpu.memory_space<hbm>>, %arg6: memref<16384xf32, #tpu.memory_space<hbm>>, %arg7: memref<512xi32, #tpu.memory_space<vmem>>, %arg8: memref<512xi32, #tpu.memory_space<vmem>>, %arg9: memref<16x8x128xf32, #tpu.memory_space<vmem>>, %arg10: memref<16x8x128xf32, #tpu.memory_space<vmem>>, %arg11: memref<16x8x128xf32, #tpu.memory_space<vmem>>, %arg12: memref<16x8x128xf32, #tpu.memory_space<vmem>>, %arg13: memref<512xf32, #tpu.memory_space<vmem>>, %arg14: memref<!tpu.dma_semaphore, #tpu.memory_space<semaphore_mem>>, %arg15: memref<!tpu.dma_semaphore, #tpu.memory_space<semaphore_mem>>, %arg16: memref<!tpu.dma_semaphore, #tpu.memory_space<semaphore_mem>>) attributes {dimension_semantics = [#tpu.dimension_semantics<core_parallel>, #tpu.dimension_semantics<subcore_parallel>], iteration_bounds = array<i64: 2, 16>, scalar_prefetch = 0 : i64, scratch_operands = 10 : i64, tpu.core_type = #tpu.core_type<sc_vector_subcore>, window_params = [{transform_indices = #map}, {transform_indices = #map}, {transform_indices = #map1}, {transform_indices = #map1}, {transform_indices = #map}]} {
    %mul3A = arith.constant 2 : i32
    %mul3A_0 = arith.muli %arg1, %mul3A : i32
    %add3A = arith.addi %mul3A_0, %arg0 : i32
    %mul3A_1 = arith.constant 512 : i32
    %mul3A_2 = arith.muli %add3A, %mul3A_1 : i32
    %dma_start3A = tpu.memref_slice %arg2[%mul3A_2] : memref<16384xi32, #tpu.memory_space<hbm>> -> memref<512xi32, #tpu.memory_space<hbm>>
    %dma_start3A_3 = tpu.memref_slice %arg2[%mul3A_2] : memref<16384xi32, #tpu.memory_space<hbm>> -> memref<512xi32, #tpu.memory_space<hbm>>
    tpu.enqueue_dma source(%dma_start3A_3 : memref<512xi32, #tpu.memory_space<hbm>>) target(%arg7 : memref<512xi32, #tpu.memory_space<vmem>>) target_semaphore(%arg14 : memref<!tpu.dma_semaphore, #tpu.memory_space<semaphore_mem>>)
    %dma_start3A_4 = tpu.memref_slice %arg3[%mul3A_2] : memref<16384xi32, #tpu.memory_space<hbm>> -> memref<512xi32, #tpu.memory_space<hbm>>
    %dma_start3A_5 = tpu.memref_slice %arg3[%mul3A_2] : memref<16384xi32, #tpu.memory_space<hbm>> -> memref<512xi32, #tpu.memory_space<hbm>>
    tpu.enqueue_dma source(%dma_start3A_5 : memref<512xi32, #tpu.memory_space<hbm>>) target(%arg8 : memref<512xi32, #tpu.memory_space<vmem>>) target_semaphore(%arg14 : memref<!tpu.dma_semaphore, #tpu.memory_space<semaphore_mem>>)
    %dma_wait3A = tpu.memref_slice %arg2[%mul3A_2] : memref<16384xi32, #tpu.memory_space<hbm>> -> memref<512xi32, #tpu.memory_space<hbm>>
    %dma_wait3A_6 = tpu.memref_slice %arg2[%mul3A_2] : memref<16384xi32, #tpu.memory_space<hbm>> -> memref<512xi32, #tpu.memory_space<hbm>>
    tpu.wait_dma2 semaphore(%arg14 : memref<!tpu.dma_semaphore, #tpu.memory_space<semaphore_mem>>) src(%dma_wait3A_6 : memref<512xi32, #tpu.memory_space<hbm>>) dst(%arg7 : memref<512xi32, #tpu.memory_space<vmem>>)
    %dma_wait3A_7 = tpu.memref_slice %arg3[%mul3A_2] : memref<16384xi32, #tpu.memory_space<hbm>> -> memref<512xi32, #tpu.memory_space<hbm>>
    %dma_wait3A_8 = tpu.memref_slice %arg3[%mul3A_2] : memref<16384xi32, #tpu.memory_space<hbm>> -> memref<512xi32, #tpu.memory_space<hbm>>
    tpu.wait_dma2 semaphore(%arg14 : memref<!tpu.dma_semaphore, #tpu.memory_space<semaphore_mem>>) src(%dma_wait3A_8 : memref<512xi32, #tpu.memory_space<hbm>>) dst(%arg8 : memref<512xi32, #tpu.memory_space<vmem>>)
    %iota3A = tpu.iota {dimensions = array<i32: 0>} : vector<16xi32>
    %multiple_of3A = arith.constant 0 : i32
    %multiple_of3A_9 = tpu.assume_multiple %multiple_of3A, 16 : i32
    %get3A = arith.index_cast %multiple_of3A_9 : i32 to index
    %get3A_10 = tpu.vector_load %arg7[%get3A] {strides = array<i32>} : memref<512xi32, #tpu.memory_space<vmem>>, vector<16xi32>,
    %get3A_11 = arith.index_cast %multiple_of3A_9 : i32 to index
    %get3A_12 = tpu.vector_load %arg8[%get3A_11] {strides = array<i32>} : memref<512xi32, #tpu.memory_space<vmem>>, vector<16xi32>,
    %slice3A = vector.extract_strided_slice %get3A_10 {offsets = [0], sizes = [1], strides = [1]} : vector<16xi32> to vector<1xi32>
    %squeeze3A = vector.extract %slice3A[0] : i32 from vector<1xi32>
    %and3A = arith.constant -128 : i32
    %and3A_13 = arith.andi %squeeze3A, %and3A : i32
    %multiple_of3A_14 = tpu.assume_multiple %and3A_13, 128 : i32
    %slice3A_15 = vector.extract_strided_slice %get3A_12 {offsets = [0], sizes = [1], strides = [1]} : vector<16xi32> to vector<1xi32>
    %squeeze3A_16 = vector.extract %slice3A_15[0] : i32 from vector<1xi32>
    %and3A_17 = arith.constant -128 : i32
    %and3A_18 = arith.andi %squeeze3A_16, %and3A_17 : i32
    %multiple_of3A_19 = tpu.assume_multiple %and3A_18, 128 : i32
    %dma_start3A_20 = arith.constant 0 : i32
    %dma_start3A_21 = arith.constant 0 : i32
    %dma_start3A_22 = arith.constant 0 : i32
    %dma_start3A_23 = tpu.memref_slice %arg9[%dma_start3A_20, %dma_start3A_21, %dma_start3A_22] : memref<16x8x128xf32, #tpu.memory_space<vmem>> -> memref<1x8x128xf32, #tpu.memory_space<vmem>>
    %dma_start3A_24 = tpu.memref_squeeze %dma_start3A_23 : memref<1x8x128xf32, #tpu.memory_space<vmem>> -> memref<8x128xf32, #tpu.memory_space<vmem>>
    %dma_start3A_25 = arith.constant 0 : i32
    %dma_start3A_26 = tpu.memref_slice %arg4[%dma_start3A_25, %multiple_of3A_14] : memref<16x1000000xf32, #tpu.memory_space<hbm>> -> memref<8x128xf32, #tpu.memory_space<hbm>>
    %dma_start3A_27 = arith.constant 0 : i32
    %dma_start3A_28 = arith.constant 0 : i32
    %dma_start3A_29 = tpu.memref_slice %arg9[%dma_start3A_20, %dma_start3A_27, %dma_start3A_28] : memref<16x8x128xf32, #tpu.memory_space<vmem>> -> memref<1x8x128xf32, #tpu.memory_space<vmem>>
    %dma_start3A_30 = tpu.memref_squeeze %dma_start3A_29 : memref<1x8x128xf32, #tpu.memory_space<vmem>> -> memref<8x128xf32, #tpu.memory_space<vmem>>
    %dma_start3A_31 = arith.constant 0 : i32
    %dma_start3A_32 = tpu.memref_slice %arg4[%dma_start3A_31, %multiple_of3A_14] : memref<16x1000000xf32, #tpu.memory_space<hbm>> -> memref<8x128xf32, #tpu.memory_space<hbm>>
    tpu.enqueue_dma source(%dma_start3A_32 : memref<8x128xf32, #tpu.memory_space<hbm>>) target(%dma_start3A_30 : memref<8x128xf32, #tpu.memory_space<vmem>>) target_semaphore(%arg15 : memref<!tpu.dma_semaphore, #tpu.memory_space<semaphore_mem>>)
    %dma_start3A_33 = arith.constant 0 : i32
    %dma_start3A_34 = arith.constant 0 : i32
    %dma_start3A_35 = arith.constant 0 : i32
    %dma_start3A_36 = tpu.memref_slice %arg10[%dma_start3A_33, %dma_start3A_34, %dma_start3A_35] : memref<16x8x128xf32, #tpu.memory_space<vmem>> -> memref<1x8x128xf32, #tpu.memory_space<vmem>>
    %dma_start3A_37 = tpu.memref_squeeze %dma_start3A_36 : memref<1x8x128xf32, #tpu.memory_space<vmem>> -> memref<8x128xf32, #tpu.memory_space<vmem>>
    %dma_start3A_38 = arith.constant 0 : i32
    %dma_start3A_39 = tpu.memref_slice %arg5[%dma_start3A_38, %multiple_of3A_19] : memref<16x1000000xf32, #tpu.memory_space<hbm>> -> memref<8x128xf32, #tpu.memory_space<hbm>>
    %dma_start3A_40 = arith.constant 0 : i32
    %dma_start3A_41 = arith.constant 0 : i32
    %dma_start3A_42 = tpu.memref_slice %arg10[%dma_start3A_33, %dma_start3A_40, %dma_start3A_41] : memref<16x8x128xf32, #tpu.memory_space<vmem>> -> memref<1x8x128xf32, #tpu.memory_space<vmem>>
    %dma_start3A_43 = tpu.memref_squeeze %dma_start3A_42 : memref<1x8x128xf32, #tpu.memory_space<vmem>> -> memref<8x128xf32, #tpu.memory_space<vmem>>
    %dma_start3A_44 = arith.constant 0 : i32
    %dma_start3A_45 = tpu.memref_slice %arg5[%dma_start3A_44, %multiple_of3A_19] : memref<16x1000000xf32, #tpu.memory_space<hbm>> -> memref<8x128xf32, #tpu.memory_space<hbm>>
    tpu.enqueue_dma source(%dma_start3A_45 : memref<8x128xf32, #tpu.memory_space<hbm>>) target(%dma_start3A_43 : memref<8x128xf32, #tpu.memory_space<vmem>>) target_semaphore(%arg15 : memref<!tpu.dma_semaphore, #tpu.memory_space<semaphore_mem>>)
    %slice3A_46 = vector.extract_strided_slice %get3A_10 {offsets = [1], sizes = [1], strides = [1]} : vector<16xi32> to vector<1xi32>
    %squeeze3A_47 = vector.extract %slice3A_46[0] : i32 from vector<1xi32>
    %and3A_48 = arith.constant -128 : i32
    %and3A_49 = arith.andi %squeeze3A_47, %and3A_48 : i32
    %multiple_of3A_50 = tpu.assume_multiple %and3A_49, 128 : i32
    %slice3A_51 = vector.extract_strided_slice %get3A_12 {offsets = [1], sizes = [1], strides = [1]} : vector<16xi32> to vector<1xi32>
    %squeeze3A_52 = vector.extract %slice3A_51[0] : i32 from vector<1xi32>
    %and3A_53 = arith.constant -128 : i32
    %and3A_54 = arith.andi %squeeze3A_52, %and3A_53 : i32
    %multiple_of3A_55 = tpu.assume_multiple %and3A_54, 128 : i32
    %dma_start3A_56 = arith.constant 1 : i32
    %dma_start3A_57 = arith.constant 0 : i32
    %dma_start3A_58 = arith.constant 0 : i32
    %dma_start3A_59 = tpu.memref_slice %arg9[%dma_start3A_56, %dma_start3A_57, %dma_start3A_58] : memref<16x8x128xf32, #tpu.memory_space<vmem>> -> memref<1x8x128xf32, #tpu.memory_space<vmem>>
    %dma_start3A_60 = tpu.memref_squeeze %dma_start3A_59 : memref<1x8x128xf32, #tpu.memory_space<vmem>> -> memref<8x128xf32, #tpu.memory_space<vmem>>
    %dma_start3A_61 = arith.constant 0 : i32
    %dma_start3A_62 = tpu.memref_slice %arg4[%dma_start3A_61, %multiple_of3A_50] : memref<16x1000000xf32, #tpu.memory_space<hbm>> -> memref<8x128xf32, #tpu.memory_space<hbm>>
    %dma_start3A_63 = arith.constant 0 : i32
    %dma_start3A_64 = arith.constant 0 : i32
    %dma_start3A_65 = tpu.memref_slice %arg9[%dma_start3A_56, %dma_start3A_63, %dma_start3A_64] : memref<16x8x128xf32, #tpu.memory_space<vmem>> -> memref<1x8x128xf32, #tpu.memory_space<vmem>>
    %dma_start3A_66 = tpu.memref_squeeze %dma_start3A_65 : memref<1x8x128xf32, #tpu.memory_space<vmem>> -> memref<8x128xf32, #tpu.memory_space<vmem>>
    %dma_start3A_67 = arith.constant 0 : i32
    %dma_start3A_68 = tpu.memref_slice %arg4[%dma_start3A_67, %multiple_of3A_50] : memref<16x1000000xf32, #tpu.memory_space<hbm>> -> memref<8x128xf32, #tpu.memory_space<hbm>>
    tpu.enqueue_dma source(%dma_start3A_68 : memref<8x128xf32, #tpu.memory_space<hbm>>) target(%dma_start3A_66 : memref<8x128xf32, #tpu.memory_space<vmem>>) target_semaphore(%arg15 : memref<!tpu.dma_semaphore, #tpu.memory_space<semaphore_mem>>)
    %dma_start3A_69 = arith.constant 1 : i32
    %dma_start3A_70 = arith.constant 0 : i32
    %dma_start3A_71 = arith.constant 0 : i32
    %dma_start3A_72 = tpu.memref_slice %arg10[%dma_start3A_69, %dma_start3A_70, %dma_start3A_71] : memref<16x8x128xf32, #tpu.memory_space<vmem>> -> memref<1x8x128xf32, #tpu.memory_space<vmem>>
    %dma_start3A_73 = tpu.memref_squeeze %dma_start3A_72 : memref<1x8x128xf32, #tpu.memory_space<vmem>> -> memref<8x128xf32, #tpu.memory_space<vmem>>
    %dma_start3A_74 = arith.constant 0 : i32
    %dma_start3A_75 = tpu.memref_slice %arg5[%dma_start3A_74, %multiple_of3A_55] : memref<16x1000000xf32, #tpu.memory_space<hbm>> -> memref<8x128xf32, #tpu.memory_space<hbm>>
    %dma_start3A_76 = arith.constant 0 : i32
    %dma_start3A_77 = arith.constant 0 : i32
    %dma_start3A_78 = tpu.memref_slice %arg10[%dma_start3A_69, %dma_start3A_76, %dma_start3A_77] : memref<16x8x128xf32, #tpu.memory_space<vmem>> -> memref<1x8x128xf32, #tpu.memory_space<vmem>>
    %dma_start3A_79 = tpu.memref_squeeze %dma_start3A_78 : memref<1x8x128xf32, #tpu.memory_space<vmem>> -> memref<8x128xf32, #tpu.memory_space<vmem>>
    %dma_start3A_80 = arith.constant 0 : i32
    %dma_start3A_81 = tpu.memref_slice %arg5[%dma_start3A_80, %multiple_of3A_55] : memref<16x1000000xf32, #tpu.memory_space<hbm>> -> memref<8x128xf32, #tpu.memory_space<hbm>>
    tpu.enqueue_dma source(%dma_start3A_81 : memref<8x128xf32, #tpu.memory_space<hbm>>) target(%dma_start3A_79 : memref<8x128xf32, #tpu.memory_space<vmem>>) target_semaphore(%arg15 : memref<!tpu.dma_semaphore, #tpu.memory_space<semaphore_mem>>)
    %slice3A_82 = vector.extract_strided_slice %get3A_10 {offsets = [2], sizes = [1], strides = [1]} : vector<16xi32> to vector<1xi32>
    %squeeze3A_83 = vector.extract %slice3A_82[0] : i32 from vector<1xi32>
    %and3A_84 = arith.constant -128 : i32
    %and3A_85 = arith.andi %squeeze3A_83, %and3A_84 : i32
    %multiple_of3A_86 = tpu.assume_multiple %and3A_85, 128 : i32
    %slice3A_87 = vector.extract_strided_slice %get3A_12 {offsets = [2], sizes = [1], strides = [1]} : vector<16xi32> to vector<1xi32>
    %squeeze3A_88 = vector.extract %slice3A_87[0] : i32 from vector<1xi32>
    %and3A_89 = arith.constant -128 : i32
    %and3A_90 = arith.andi %squeeze3A_88, %and3A_89 : i32
    %multiple_of3A_91 = tpu.assume_multiple %and3A_90, 128 : i32
    %dma_start3A_92 = arith.constant 2 : i32
    %dma_start3A_93 = arith.constant 0 : i32
    %dma_start3A_94 = arith.constant 0 : i32
    %dma_start3A_95 = tpu.memref_slice %arg9[%dma_start3A_92, %dma_start3A_93, %dma_start3A_94] : memref<16x8x128xf32, #tpu.memory_space<vmem>> -> memref<1x8x128xf32, #tpu.memory_space<vmem>>
    %dma_start3A_96 = tpu.memref_squeeze %dma_start3A_95 : memref<1x8x128xf32, #tpu.memory_space<vmem>> -> memref<8x128xf32, #tpu.memory_space<vmem>>
    %dma_start3A_97 = arith.constant 0 : i32
    %dma_start3A_98 = tpu.memref_slice %arg4[%dma_start3A_97, %multiple_of3A_86] : memref<16x1000000xf32, #tpu.memory_space<hbm>> -> memref<8x128xf32, #tpu.memory_space<hbm>>
    %dma_start3A_99 = arith.constant 0 : i32
    %dma_start3A_100 = arith.constant 0 : i32
    %dma_start3A_101 = tpu.memref_slice %arg9[%dma_start3A_92, %dma_start3A_99, %dma_start3A_100] : memref<16x8x128xf32, #tpu.memory_space<vmem>> -> memref<1x8x128xf32, #tpu.memory_space<vmem>>
    %dma_start3A_102 = tpu.memref_squeeze %dma_start3A_101 : memref<1x8x128xf32, #tpu.memory_space<vmem>> -> memref<8x128xf32, #tpu.memory_space<vmem>>
    %dma_start3A_103 = arith.constant 0 : i32
    %dma_start3A_104 = tpu.memref_slice %arg4[%dma_start3A_103, %multiple_of3A_86] : memref<16x1000000xf32, #tpu.memory_space<hbm>> -> memref<8x128xf32, #tpu.memory_space<hbm>>
    tpu.enqueue_dma source(%dma_start3A_104 : memref<8x128xf32, #tpu.memory_space<hbm>>) target(%dma_start3A_102 : memref<8x128xf32, #tpu.memory_space<vmem>>) target_semaphore(%arg15 : memref<!tpu.dma_semaphore, #tpu.memory_space<semaphore_mem>>)
    %dma_start3A_105 = arith.constant 2 : i32
    %dma_start3A_106 = arith.constant 0 : i32
    %dma_start3A_107 = arith.constant 0 : i32
    %dma_start3A_108 = tpu.memref_slice %arg10[%dma_start3A_105, %dma_start3A_106, %dma_start3A_107] : memref<16x8x128xf32, #tpu.memory_space<vmem>> -> memref<1x8x128xf32, #tpu.memory_space<vmem>>
    %dma_start3A_109 = tpu.memref_squeeze %dma_start3A_108 : memref<1x8x128xf32, #tpu.memory_space<vmem>> -> memref<8x128xf32, #tpu.memory_space<vmem>>
    %dma_start3A_110 = arith.constant 0 : i32
    %dma_start3A_111 = tpu.memref_slice %arg5[%dma_start3A_110, %multiple_of3A_91] : memref<16x1000000xf32, #tpu.memory_space<hbm>> -> memref<8x128xf32, #tpu.memory_space<hbm>>
    %dma_start3A_112 = arith.constant 0 : i32
    %dma_start3A_113 = arith.constant 0 : i32
    %dma_start3A_114 = tpu.memref_slice %arg10[%dma_start3A_105, %dma_start3A_112, %dma_start3A_113] : memref<16x8x128xf32, #tpu.memory_space<vmem>> -> memref<1x8x128xf32, #tpu.memory_space<vmem>>
    %dma_start3A_115 = tpu.memref_squeeze %dma_start3A_114 : memref<1x8x128xf32, #tpu.memory_space<vmem>> -> memref<8x128xf32, #tpu.memory_space<vmem>>
    %dma_start3A_116 = arith.constant 0 : i32
    %dma_start3A_117 = tpu.memref_slice %arg5[%dma_start3A_116, %multiple_of3A_91] : memref<16x1000000xf32, #tpu.memory_space<hbm>> -> memref<8x128xf32, #tpu.memory_space<hbm>>
    tpu.enqueue_dma source(%dma_start3A_117 : memref<8x128xf32, #tpu.memory_space<hbm>>) target(%dma_start3A_115 : memref<8x128xf32, #tpu.memory_space<vmem>>) target_semaphore(%arg15 : memref<!tpu.dma_semaphore, #tpu.memory_space<semaphore_mem>>)
    %slice3A_118 = vector.extract_strided_slice %get3A_10 {offsets = [3], sizes = [1], strides = [1]} : vector<16xi32> to vector<1xi32>
    %squeeze3A_119 = vector.extract %slice3A_118[0] : i32 from vector<1xi32>
    %and3A_120 = arith.constant -128 : i32
    %and3A_121 = arith.andi %squeeze3A_119, %and3A_120 : i32
    %multiple_of3A_122 = tpu.assume_multiple %and3A_121, 128 : i32
    %slice3A_123 = vector.extract_strided_slice %get3A_12 {offsets = [3], sizes = [1], strides = [1]} : vector<16xi32> to vector<1xi32>
    %squeeze3A_124 = vector.extract %slice3A_123[0] : i32 from vector<1xi32>
    %and3A_125 = arith.constant -128 : i32
    %and3A_126 = arith.andi %squeeze3A_124, %and3A_125 : i32
    %multiple_of3A_127 = tpu.assume_multiple %and3A_126, 128 : i32
    %dma_start3A_128 = arith.constant 3 : i32
    %dma_start3A_129 = arith.constant 0 : i32
    %dma_start3A_130 = arith.constant 0 : i32
    %dma_start3A_131 = tpu.memref_slice %arg9[%dma_start3A_128, %dma_start3A_129, %dma_start3A_130] : memref<16x8x128xf32, #tpu.memory_space<vmem>> -> memref<1x8x128xf32, #tpu.memory_space<vmem>>
    %dma_start3A_132 = tpu.memref_squeeze %dma_start3A_131 : memref<1x8x128xf32, #tpu.memory_space<vmem>> -> memref<8x128xf32, #tpu.memory_space<vmem>>
    %dma_start3A_133 = arith.constant 0 : i32
    %dma_start3A_134 = tpu.memref_slice %arg4[%dma_start3A_133, %multiple_of3A_122] : memref<16x1000000xf32, #tpu.memory_space<hbm>> -> memref<8x128xf32, #tpu.memory_space<hbm>>
    %dma_start3A_135 = arith.constant 0 : i32
    %dma_start3A_136 = arith.constant 0 : i32
    %dma_start3A_137 = tpu.memref_slice %arg9[%dma_start3A_128, %dma_start3A_135, %dma_start3A_136] : memref<16x8x128xf32, #tpu.memory_space<vmem>> -> memref<1x8x128xf32, #tpu.memory_space<vmem>>
    %dma_start3A_138 = tpu.memref_squeeze %dma_start3A_137 : memref<1x8x128xf32, #tpu.memory_space<vmem>> -> memref<8x128xf32, #tpu.memory_space<vmem>>
    %dma_start3A_139 = arith.constant 0 : i32
    %dma_start3A_140 = tpu.memref_slice %arg4[%dma_start3A_139, %multiple_of3A_122] : memref<16x1000000xf32, #tpu.memory_space<hbm>> -> memref<8x128xf32, #tpu.memory_space<hbm>>
    tpu.enqueue_dma source(%dma_start3A_140 : memref<8x128xf32, #tpu.memory_space<hbm>>) target(%dma_start3A_138 : memref<8x128xf32, #tpu.memory_space<vmem>>) target_semaphore(%arg15 : memref<!tpu.dma_semaphore, #tpu.memory_space<semaphore_mem>>)
    %dma_start3A_141 = arith.constant 3 : i32
    %dma_start3A_142 = arith.constant 0 : i32
    %dma_start3A_143 = arith.constant 0 : i32
    %dma_start3A_144 = tpu.memref_slice %arg10[%dma_start3A_141, %dma_start3A_142, %dma_start3A_143] : memref<16x8x128xf32, #tpu.memory_space<vmem>> -> memref<1x8x128xf32, #tpu.memory_space<vmem>>
    %dma_start3A_145 = tpu.memref_squeeze %dma_start3A_144 : memref<1x8x128xf32, #tpu.memory_space<vmem>> -> memref<8x128xf32, #tpu.memory_space<vmem>>
    %dma_start3A_146 = arith.constant 0 : i32
    %dma_start3A_147 = tpu.memref_slice %arg5[%dma_start3A_146, %multiple_of3A_127] : memref<16x1000000xf32, #tpu.memory_space<hbm>> -> memref<8x128xf32, #tpu.memory_space<hbm>>
    %dma_start3A_148 = arith.constant 0 : i32
    %dma_start3A_149 = arith.constant 0 : i32
    %dma_start3A_150 = tpu.memref_slice %arg10[%dma_start3A_141, %dma_start3A_148, %dma_start3A_149] : memref<16x8x128xf32, #tpu.memory_space<vmem>> -> memref<1x8x128xf32, #tpu.memory_space<vmem>>
    %dma_start3A_151 = tpu.memref_squeeze %dma_start3A_150 : memref<1x8x128xf32, #tpu.memory_space<vmem>> -> memref<8x128xf32, #tpu.memory_space<vmem>>
    %dma_start3A_152 = arith.constant 0 : i32
    %dma_start3A_153 = tpu.memref_slice %arg5[%dma_start3A_152, %multiple_of3A_127] : memref<16x1000000xf32, #tpu.memory_space<hbm>> -> memref<8x128xf32, #tpu.memory_space<hbm>>
    tpu.enqueue_dma source(%dma_start3A_153 : memref<8x128xf32, #tpu.memory_space<hbm>>) target(%dma_start3A_151 : memref<8x128xf32, #tpu.memory_space<vmem>>) target_semaphore(%arg15 : memref<!tpu.dma_semaphore, #tpu.memory_space<semaphore_mem>>)
    %slice3A_154 = vector.extract_strided_slice %get3A_10 {offsets = [4], sizes = [1], strides = [1]} : vector<16xi32> to vector<1xi32>
    %squeeze3A_155 = vector.extract %slice3A_154[0] : i32 from vector<1xi32>
    %and3A_156 = arith.constant -128 : i32
    %and3A_157 = arith.andi %squeeze3A_155, %and3A_156 : i32
    %multiple_of3A_158 = tpu.assume_multiple %and3A_157, 128 : i32
    %slice3A_159 = vector.extract_strided_slice %get3A_12 {offsets = [4], sizes = [1], strides = [1]} : vector<16xi32> to vector<1xi32>
    %squeeze3A_160 = vector.extract %slice3A_159[0] : i32 from vector<1xi32>
    %and3A_161 = arith.constant -128 : i32
    %and3A_162 = arith.andi %squeeze3A_160, %and3A_161 : i32
    %multiple_of3A_163 = tpu.assume_multiple %and3A_162, 128 : i32
    %dma_start3A_164 = arith.constant 4 : i32
    %dma_start3A_165 = arith.constant 0 : i32
    %dma_start3A_166 = arith.constant 0 : i32
    %dma_start3A_167 = tpu.memref_slice %arg9[%dma_start3A_164, %dma_start3A_165, %dma_start3A_166] : memref<16x8x128xf32, #tpu.memory_space<vmem>> -> memref<1x8x128xf32, #tpu.memory_space<vmem>>
    %dma_start3A_168 = tpu.memref_squeeze %dma_start3A_167 : memref<1x8x128xf32, #tpu.memory_space<vmem>> -> memref<8x128xf32, #tpu.memory_space<vmem>>
    %dma_start3A_169 = arith.constant 0 : i32
    %dma_start3A_170 = tpu.memref_slice %arg4[%dma_start3A_169, %multiple_of3A_158] : memref<16x1000000xf32, #tpu.memory_space<hbm>> -> memref<8x128xf32, #tpu.memory_space<hbm>>
    %dma_start3A_171 = arith.constant 0 : i32
    %dma_start3A_172 = arith.constant 0 : i32
    %dma_start3A_173 = tpu.memref_slice %arg9[%dma_start3A_164, %dma_start3A_171, %dma_start3A_172] : memref<16x8x128xf32, #tpu.memory_space<vmem>> -> memref<1x8x128xf32, #tpu.memory_space<vmem>>
    %dma_start3A_174 = tpu.memref_squeeze %dma_start3A_173 : memref<1x8x128xf32, #tpu.memory_space<vmem>> -> memref<8x128xf32, #tpu.memory_space<vmem>>
    %dma_start3A_175 = arith.constant 0 : i32
    %dma_start3A_176 = tpu.memref_slice %arg4[%dma_start3A_175, %multiple_of3A_158] : memref<16x1000000xf32, #tpu.memory_space<hbm>> -> memref<8x128xf32, #tpu.memory_space<hbm>>
    tpu.enqueue_dma source(%dma_start3A_176 : memref<8x128xf32, #tpu.memory_space<hbm>>) target(%dma_start3A_174 : memref<8x128xf32, #tpu.memory_space<vmem>>) target_semaphore(%arg15 : memref<!tpu.dma_semaphore, #tpu.memory_space<semaphore_mem>>)
    %dma_start3A_177 = arith.constant 4 : i32
    %dma_start3A_178 = arith.constant 0 : i32
    %dma_start3A_179 = arith.constant 0 : i32
    %dma_start3A_180 = tpu.memref_slice %arg10[%dma_start3A_177, %dma_start3A_178, %dma_start3A_179] : memref<16x8x128xf32, #tpu.memory_space<vmem>> -> memref<1x8x128xf32, #tpu.memory_space<vmem>>
    %dma_start3A_181 = tpu.memref_squeeze %dma_start3A_180 : memref<1x8x128xf32, #tpu.memory_space<vmem>> -> memref<8x128xf32, #tpu.memory_space<vmem>>
    %dma_start3A_182 = arith.constant 0 : i32
    %dma_start3A_183 = tpu.memref_slice %arg5[%dma_start3A_182, %multiple_of3A_163] : memref<16x1000000xf32, #tpu.memory_space<hbm>> -> memref<8x128xf32, #tpu.memory_space<hbm>>
    %dma_start3A_184 = arith.constant 0 : i32
    %dma_start3A_185 = arith.constant 0 : i32
    %dma_start3A_186 = tpu.memref_slice %arg10[%dma_start3A_177, %dma_start3A_184, %dma_start3A_185] : memref<16x8x128xf32, #tpu.memory_space<vmem>> -> memref<1x8x128xf32, #tpu.memory_space<vmem>>
    %dma_start3A_187 = tpu.memref_squeeze %dma_start3A_186 : memref<1x8x128xf32, #tpu.memory_space<vmem>> -> memref<8x128xf32, #tpu.memory_space<vmem>>
    %dma_start3A_188 = arith.constant 0 : i32
    %dma_start3A_189 = tpu.memref_slice %arg5[%dma_start3A_188, %multiple_of3A_163] : memref<16x1000000xf32, #tpu.memory_space<hbm>> -> memref<8x128xf32, #tpu.memory_space<hbm>>
    tpu.enqueue_dma source(%dma_start3A_189 : memref<8x128xf32, #tpu.memory_space<hbm>>) target(%dma_start3A_187 : memref<8x128xf32, #tpu.memory_space<vmem>>) target_semaphore(%arg15 : memref<!tpu.dma_semaphore, #tpu.memory_space<semaphore_mem>>)
    %slice3A_190 = vector.extract_strided_slice %get3A_10 {offsets = [5], sizes = [1], strides = [1]} : vector<16xi32> to vector<1xi32>
    %squeeze3A_191 = vector.extract %slice3A_190[0] : i32 from vector<1xi32>
    %and3A_192 = arith.constant -128 : i32
    %and3A_193 = arith.andi %squeeze3A_191, %and3A_192 : i32
    %multiple_of3A_194 = tpu.assume_multiple %and3A_193, 128 : i32
    %slice3A_195 = vector.extract_strided_slice %get3A_12 {offsets = [5], sizes = [1], strides = [1]} : vector<16xi32> to vector<1xi32>
    %squeeze3A_196 = vector.extract %slice3A_195[0] : i32 from vector<1xi32>
    %and3A_197 = arith.constant -128 : i32
    %and3A_198 = arith.andi %squeeze3A_196, %and3A_197 : i32
    %multiple_of3A_199 = tpu.assume_multiple %and3A_198, 128 : i32
    %dma_start3A_200 = arith.constant 5 : i32
    %dma_start3A_201 = arith.constant 0 : i32
    %dma_start3A_202 = arith.constant 0 : i32
    %dma_start3A_203 = tpu.memref_slice %arg9[%dma_start3A_200, %dma_start3A_201, %dma_start3A_202] : memref<16x8x128xf32, #tpu.memory_space<vmem>> -> memref<1x8x128xf32, #tpu.memory_space<vmem>>
    %dma_start3A_204 = tpu.memref_squeeze %dma_start3A_203 : memref<1x8x128xf32, #tpu.memory_space<vmem>> -> memref<8x128xf32, #tpu.memory_space<vmem>>
    %dma_start3A_205 = arith.constant 0 : i32
    %dma_start3A_206 = tpu.memref_slice %arg4[%dma_start3A_205, %multiple_of3A_194] : memref<16x1000000xf32, #tpu.memory_space<hbm>> -> memref<8x128xf32, #tpu.memory_space<hbm>>
    %dma_start3A_207 = arith.constant 0 : i32
    %dma_start3A_208 = arith.constant 0 : i32
    %dma_start3A_209 = tpu.memref_slice %arg9[%dma_start3A_200, %dma_start3A_207, %dma_start3A_208] : memref<16x8x128xf32, #tpu.memory_space<vmem>> -> memref<1x8x128xf32, #tpu.memory_space<vmem>>
    %dma_start3A_210 = tpu.memref_squeeze %dma_start3A_209 : memref<1x8x128xf32, #tpu.memory_space<vmem>> -> memref<8x128xf32, #tpu.memory_space<vmem>>
    %dma_start3A_211 = arith.constant 0 : i32
    %dma_start3A_212 = tpu.memref_slice %arg4[%dma_start3A_211, %multiple_of3A_194] : memref<16x1000000xf32, #tpu.memory_space<hbm>> -> memref<8x128xf32, #tpu.memory_space<hbm>>
    tpu.enqueue_dma source(%dma_start3A_212 : memref<8x128xf32, #tpu.memory_space<hbm>>) target(%dma_start3A_210 : memref<8x128xf32, #tpu.memory_space<vmem>>) target_semaphore(%arg15 : memref<!tpu.dma_semaphore, #tpu.memory_space<semaphore_mem>>)
    %dma_start3A_213 = arith.constant 5 : i32
    %dma_start3A_214 = arith.constant 0 : i32
    %dma_start3A_215 = arith.constant 0 : i32
    %dma_start3A_216 = tpu.memref_slice %arg10[%dma_start3A_213, %dma_start3A_214, %dma_start3A_215] : memref<16x8x128xf32, #tpu.memory_space<vmem>> -> memref<1x8x128xf32, #tpu.memory_space<vmem>>
    %dma_start3A_217 = tpu.memref_squeeze %dma_start3A_216 : memref<1x8x128xf32, #tpu.memory_space<vmem>> -> memref<8x128xf32, #tpu.memory_space<vmem>>
    %dma_start3A_218 = arith.constant 0 : i32
    %dma_start3A_219 = tpu.memref_slice %arg5[%dma_start3A_218, %multiple_of3A_199] : memref<16x1000000xf32, #tpu.memory_space<hbm>> -> memref<8x128xf32, #tpu.memory_space<hbm>>
    %dma_start3A_220 = arith.constant 0 : i32
    %dma_start3A_221 = arith.constant 0 : i32
    %dma_start3A_222 = tpu.memref_slice %arg10[%dma_start3A_213, %dma_start3A_220, %dma_start3A_221] : memref<16x8x128xf32, #tpu.memory_space<vmem>> -> memref<1x8x128xf32, #tpu.memory_space<vmem>>
    %dma_start3A_223 = tpu.memref_squeeze %dma_start3A_222 : memref<1x8x128xf32, #tpu.memory_space<vmem>> -> memref<8x128xf32, #tpu.memory_space<vmem>>
    %dma_start3A_224 = arith.constant 0 : i32
    %dma_start3A_225 = tpu.memref_slice %arg5[%dma_start3A_224, %multiple_of3A_199] : memref<16x1000000xf32, #tpu.memory_space<hbm>> -> memref<8x128xf32, #tpu.memory_space<hbm>>
    tpu.enqueue_dma source(%dma_start3A_225 : memref<8x128xf32, #tpu.memory_space<hbm>>) target(%dma_start3A_223 : memref<8x128xf32, #tpu.memory_space<vmem>>) target_semaphore(%arg15 : memref<!tpu.dma_semaphore, #tpu.memory_space<semaphore_mem>>)
    %slice3A_226 = vector.extract_strided_slice %get3A_10 {offsets = [6], sizes = [1], strides = [1]} : vector<16xi32> to vector<1xi32>
    %squeeze3A_227 = vector.extract %slice3A_226[0] : i32 from vector<1xi32>
    %and3A_228 = arith.constant -128 : i32
    %and3A_229 = arith.andi %squeeze3A_227, %and3A_228 : i32
    %multiple_of3A_230 = tpu.assume_multiple %and3A_229, 128 : i32
    %slice3A_231 = vector.extract_strided_slice %get3A_12 {offsets = [6], sizes = [1], strides = [1]} : vector<16xi32> to vector<1xi32>
    %squeeze3A_232 = vector.extract %slice3A_231[0] : i32 from vector<1xi32>
    %and3A_233 = arith.constant -128 : i32
    %and3A_234 = arith.andi %squeeze3A_232, %and3A_233 : i32
    %multiple_of3A_235 = tpu.assume_multiple %and3A_234, 128 : i32
    %dma_start3A_236 = arith.constant 6 : i32
    %dma_start3A_237 = arith.constant 0 : i32
    %dma_start3A_238 = arith.constant 0 : i32
    %dma_start3A_239 = tpu.memref_slice %arg9[%dma_start3A_236, %dma_start3A_237, %dma_start3A_238] : memref<16x8x128xf32, #tpu.memory_space<vmem>> -> memref<1x8x128xf32, #tpu.memory_space<vmem>>
    %dma_start3A_240 = tpu.memref_squeeze %dma_start3A_239 : memref<1x8x128xf32, #tpu.memory_space<vmem>> -> memref<8x128xf32, #tpu.memory_space<vmem>>
    %dma_start3A_241 = arith.constant 0 : i32
    %dma_start3A_242 = tpu.memref_slice %arg4[%dma_start3A_241, %multiple_of3A_230] : memref<16x1000000xf32, #tpu.memory_space<hbm>> -> memref<8x128xf32, #tpu.memory_space<hbm>>
    %dma_start3A_243 = arith.constant 0 : i32
    %dma_start3A_244 = arith.constant 0 : i32
    %dma_start3A_245 = tpu.memref_slice %arg9[%dma_start3A_236, %dma_start3A_243, %dma_start3A_244] : memref<16x8x128xf32, #tpu.memory_space<vmem>> -> memref<1x8x128xf32, #tpu.memory_space<vmem>>
    %dma_start3A_246 = tpu.memref_squeeze %dma_start3A_245 : memref<1x8x128xf32, #tpu.memory_space<vmem>> -> memref<8x128xf32, #tpu.memory_space<vmem>>
    %dma_start3A_247 = arith.constant 0 : i32
    %dma_start3A_248 = tpu.memref_slice %arg4[%dma_start3A_247, %multiple_of3A_230] : memref<16x1000000xf32, #tpu.memory_space<hbm>> -> memref<8x128xf32, #tpu.memory_space<hbm>>
    tpu.enqueue_dma source(%dma_start3A_248 : memref<8x128xf32, #tpu.memory_space<hbm>>) target(%dma_start3A_246 : memref<8x128xf32, #tpu.memory_space<vmem>>) target_semaphore(%arg15 : memref<!tpu.dma_semaphore, #tpu.memory_space<semaphore_mem>>)
    %dma_start3A_249 = arith.constant 6 : i32
    %dma_start3A_250 = arith.constant 0 : i32
    %dma_start3A_251 = arith.constant 0 : i32
    %dma_start3A_252 = tpu.memref_slice %arg10[%dma_start3A_249, %dma_start3A_250, %dma_start3A_251] : memref<16x8x128xf32, #tpu.memory_space<vmem>> -> memref<1x8x128xf32, #tpu.memory_space<vmem>>
    %dma_start3A_253 = tpu.memref_squeeze %dma_start3A_252 : memref<1x8x128xf32, #tpu.memory_space<vmem>> -> memref<8x128xf32, #tpu.memory_space<vmem>>
    %dma_start3A_254 = arith.constant 0 : i32
    %dma_start3A_255 = tpu.memref_slice %arg5[%dma_start3A_254, %multiple_of3A_235] : memref<16x1000000xf32, #tpu.memory_space<hbm>> -> memref<8x128xf32, #tpu.memory_space<hbm>>
    %dma_start3A_256 = arith.constant 0 : i32
    %dma_start3A_257 = arith.constant 0 : i32
    %dma_start3A_258 = tpu.memref_slice %arg10[%dma_start3A_249, %dma_start3A_256, %dma_start3A_257] : memref<16x8x128xf32, #tpu.memory_space<vmem>> -> memref<1x8x128xf32, #tpu.memory_space<vmem>>
    %dma_start3A_259 = tpu.memref_squeeze %dma_start3A_258 : memref<1x8x128xf32, #tpu.memory_space<vmem>> -> memref<8x128xf32, #tpu.memory_space<vmem>>
    %dma_start3A_260 = arith.constant 0 : i32
    %dma_start3A_261 = tpu.memref_slice %arg5[%dma_start3A_260, %multiple_of3A_235] : memref<16x1000000xf32, #tpu.memory_space<hbm>> -> memref<8x128xf32, #tpu.memory_space<hbm>>
    tpu.enqueue_dma source(%dma_start3A_261 : memref<8x128xf32, #tpu.memory_space<hbm>>) target(%dma_start3A_259 : memref<8x128xf32, #tpu.memory_space<vmem>>) target_semaphore(%arg15 : memref<!tpu.dma_semaphore, #tpu.memory_space<semaphore_mem>>)
    %slice3A_262 = vector.extract_strided_slice %get3A_10 {offsets = [7], sizes = [1], strides = [1]} : vector<16xi32> to vector<1xi32>
    %squeeze3A_263 = vector.extract %slice3A_262[0] : i32 from vector<1xi32>
    %and3A_264 = arith.constant -128 : i32
    %and3A_265 = arith.andi %squeeze3A_263, %and3A_264 : i32
    %multiple_of3A_266 = tpu.assume_multiple %and3A_265, 128 : i32
    %slice3A_267 = vector.extract_strided_slice %get3A_12 {offsets = [7], sizes = [1], strides = [1]} : vector<16xi32> to vector<1xi32>
    %squeeze3A_268 = vector.extract %slice3A_267[0] : i32 from vector<1xi32>
    %and3A_269 = arith.constant -128 : i32
    %and3A_270 = arith.andi %squeeze3A_268, %and3A_269 : i32
    %multiple_of3A_271 = tpu.assume_multiple %and3A_270, 128 : i32
    %dma_start3A_272 = arith.constant 7 : i32
    %dma_start3A_273 = arith.constant 0 : i32
    %dma_start3A_274 = arith.constant 0 : i32
    %dma_start3A_275 = tpu.memref_slice %arg9[%dma_start3A_272, %dma_start3A_273, %dma_start3A_274] : memref<16x8x128xf32, #tpu.memory_space<vmem>> -> memref<1x8x128xf32, #tpu.memory_space<vmem>>
    %dma_start3A_276 = tpu.memref_squeeze %dma_start3A_275 : memref<1x8x128xf32, #tpu.memory_space<vmem>> -> memref<8x128xf32, #tpu.memory_space<vmem>>
    %dma_start3A_277 = arith.constant 0 : i32
    %dma_start3A_278 = tpu.memref_slice %arg4[%dma_start3A_277, %multiple_of3A_266] : memref<16x1000000xf32, #tpu.memory_space<hbm>> -> memref<8x128xf32, #tpu.memory_space<hbm>>
    %dma_start3A_279 = arith.constant 0 : i32
    %dma_start3A_280 = arith.constant 0 : i32
    %dma_start3A_281 = tpu.memref_slice %arg9[%dma_start3A_272, %dma_start3A_279, %dma_start3A_280] : memref<16x8x128xf32, #tpu.memory_space<vmem>> -> memref<1x8x128xf32, #tpu.memory_space<vmem>>
    %dma_start3A_282 = tpu.memref_squeeze %dma_start3A_281 : memref<1x8x128xf32, #tpu.memory_space<vmem>> -> memref<8x128xf32, #tpu.memory_space<vmem>>
    %dma_start3A_283 = arith.constant 0 : i32
    %dma_start3A_284 = tpu.memref_slice %arg4[%dma_start3A_283, %multiple_of3A_266] : memref<16x1000000xf32, #tpu.memory_space<hbm>> -> memref<8x128xf32, #tpu.memory_space<hbm>>
    tpu.enqueue_dma source(%dma_start3A_284 : memref<8x128xf32, #tpu.memory_space<hbm>>) target(%dma_start3A_282 : memref<8x128xf32, #tpu.memory_space<vmem>>) target_semaphore(%arg15 : memref<!tpu.dma_semaphore, #tpu.memory_space<semaphore_mem>>)
    %dma_start3A_285 = arith.constant 7 : i32
    %dma_start3A_286 = arith.constant 0 : i32
    %dma_start3A_287 = arith.constant 0 : i32
    %dma_start3A_288 = tpu.memref_slice %arg10[%dma_start3A_285, %dma_start3A_286, %dma_start3A_287] : memref<16x8x128xf32, #tpu.memory_space<vmem>> -> memref<1x8x128xf32, #tpu.memory_space<vmem>>
    %dma_start3A_289 = tpu.memref_squeeze %dma_start3A_288 : memref<1x8x128xf32, #tpu.memory_space<vmem>> -> memref<8x128xf32, #tpu.memory_space<vmem>>
    %dma_start3A_290 = arith.constant 0 : i32
    %dma_start3A_291 = tpu.memref_slice %arg5[%dma_start3A_290, %multiple_of3A_271] : memref<16x1000000xf32, #tpu.memory_space<hbm>> -> memref<8x128xf32, #tpu.memory_space<hbm>>
    %dma_start3A_292 = arith.constant 0 : i32
    %dma_start3A_293 = arith.constant 0 : i32
    %dma_start3A_294 = tpu.memref_slice %arg10[%dma_start3A_285, %dma_start3A_292, %dma_start3A_293] : memref<16x8x128xf32, #tpu.memory_space<vmem>> -> memref<1x8x128xf32, #tpu.memory_space<vmem>>
    %dma_start3A_295 = tpu.memref_squeeze %dma_start3A_294 : memref<1x8x128xf32, #tpu.memory_space<vmem>> -> memref<8x128xf32, #tpu.memory_space<vmem>>
    %dma_start3A_296 = arith.constant 0 : i32
    %dma_start3A_297 = tpu.memref_slice %arg5[%dma_start3A_296, %multiple_of3A_271] : memref<16x1000000xf32, #tpu.memory_space<hbm>> -> memref<8x128xf32, #tpu.memory_space<hbm>>
    tpu.enqueue_dma source(%dma_start3A_297 : memref<8x128xf32, #tpu.memory_space<hbm>>) target(%dma_start3A_295 : memref<8x128xf32, #tpu.memory_space<vmem>>) target_semaphore(%arg15 : memref<!tpu.dma_semaphore, #tpu.memory_space<semaphore_mem>>)
    %slice3A_298 = vector.extract_strided_slice %get3A_10 {offsets = [8], sizes = [1], strides = [1]} : vector<16xi32> to vector<1xi32>
    %squeeze3A_299 = vector.extract %slice3A_298[0] : i32 from vector<1xi32>
    %and3A_300 = arith.constant -128 : i32
    %and3A_301 = arith.andi %squeeze3A_299, %and3A_300 : i32
    %multiple_of3A_302 = tpu.assume_multiple %and3A_301, 128 : i32
    %slice3A_303 = vector.extract_strided_slice %get3A_12 {offsets = [8], sizes = [1], strides = [1]} : vector<16xi32> to vector<1xi32>
    %squeeze3A_304 = vector.extract %slice3A_303[0] : i32 from vector<1xi32>
    %and3A_305 = arith.constant -128 : i32
    %and3A_306 = arith.andi %squeeze3A_304, %and3A_305 : i32
    %multiple_of3A_307 = tpu.assume_multiple %and3A_306, 128 : i32
    %dma_start3A_308 = arith.constant 8 : i32
    %dma_start3A_309 = arith.constant 0 : i32
    %dma_start3A_310 = arith.constant 0 : i32
    %dma_start3A_311 = tpu.memref_slice %arg9[%dma_start3A_308, %dma_start3A_309, %dma_start3A_310] : memref<16x8x128xf32, #tpu.memory_space<vmem>> -> memref<1x8x128xf32, #tpu.memory_space<vmem>>
    %dma_start3A_312 = tpu.memref_squeeze %dma_start3A_311 : memref<1x8x128xf32, #tpu.memory_space<vmem>> -> memref<8x128xf32, #tpu.memory_space<vmem>>
    %dma_start3A_313 = arith.constant 0 : i32
    %dma_start3A_314 = tpu.memref_slice %arg4[%dma_start3A_313, %multiple_of3A_302] : memref<16x1000000xf32, #tpu.memory_space<hbm>> -> memref<8x128xf32, #tpu.memory_space<hbm>>
    %dma_start3A_315 = arith.constant 0 : i32
    %dma_start3A_316 = arith.constant 0 : i32
    %dma_start3A_317 = tpu.memref_slice %arg9[%dma_start3A_308, %dma_start3A_315, %dma_start3A_316] : memref<16x8x128xf32, #tpu.memory_space<vmem>> -> memref<1x8x128xf32, #tpu.memory_space<vmem>>
    %dma_start3A_318 = tpu.memref_squeeze %dma_start3A_317 : memref<1x8x128xf32, #tpu.memory_space<vmem>> -> memref<8x128xf32, #tpu.memory_space<vmem>>
    %dma_start3A_319 = arith.constant 0 : i32
    %dma_start3A_320 = tpu.memref_slice %arg4[%dma_start3A_319, %multiple_of3A_302] : memref<16x1000000xf32, #tpu.memory_space<hbm>> -> memref<8x128xf32, #tpu.memory_space<hbm>>
    tpu.enqueue_dma source(%dma_start3A_320 : memref<8x128xf32, #tpu.memory_space<hbm>>) target(%dma_start3A_318 : memref<8x128xf32, #tpu.memory_space<vmem>>) target_semaphore(%arg15 : memref<!tpu.dma_semaphore, #tpu.memory_space<semaphore_mem>>)
    %dma_start3A_321 = arith.constant 8 : i32
    %dma_start3A_322 = arith.constant 0 : i32
    %dma_start3A_323 = arith.constant 0 : i32
    %dma_start3A_324 = tpu.memref_slice %arg10[%dma_start3A_321, %dma_start3A_322, %dma_start3A_323] : memref<16x8x128xf32, #tpu.memory_space<vmem>> -> memref<1x8x128xf32, #tpu.memory_space<vmem>>
    %dma_start3A_325 = tpu.memref_squeeze %dma_start3A_324 : memref<1x8x128xf32, #tpu.memory_space<vmem>> -> memref<8x128xf32, #tpu.memory_space<vmem>>
    %dma_start3A_326 = arith.constant 0 : i32
    %dma_start3A_327 = tpu.memref_slice %arg5[%dma_start3A_326, %multiple_of3A_307] : memref<16x1000000xf32, #tpu.memory_space<hbm>> -> memref<8x128xf32, #tpu.memory_space<hbm>>
    %dma_start3A_328 = arith.constant 0 : i32
    %dma_start3A_329 = arith.constant 0 : i32
    %dma_start3A_330 = tpu.memref_slice %arg10[%dma_start3A_321, %dma_start3A_328, %dma_start3A_329] : memref<16x8x128xf32, #tpu.memory_space<vmem>> -> memref<1x8x128xf32, #tpu.memory_space<vmem>>
    %dma_start3A_331 = tpu.memref_squeeze %dma_start3A_330 : memref<1x8x128xf32, #tpu.memory_space<vmem>> -> memref<8x128xf32, #tpu.memory_space<vmem>>
    %dma_start3A_332 = arith.constant 0 : i32
    %dma_start3A_333 = tpu.memref_slice %arg5[%dma_start3A_332, %multiple_of3A_307] : memref<16x1000000xf32, #tpu.memory_space<hbm>> -> memref<8x128xf32, #tpu.memory_space<hbm>>
    tpu.enqueue_dma source(%dma_start3A_333 : memref<8x128xf32, #tpu.memory_space<hbm>>) target(%dma_start3A_331 : memref<8x128xf32, #tpu.memory_space<vmem>>) target_semaphore(%arg15 : memref<!tpu.dma_semaphore, #tpu.memory_space<semaphore_mem>>)
    %slice3A_334 = vector.extract_strided_slice %get3A_10 {offsets = [9], sizes = [1], strides = [1]} : vector<16xi32> to vector<1xi32>
    %squeeze3A_335 = vector.extract %slice3A_334[0] : i32 from vector<1xi32>
    %and3A_336 = arith.constant -128 : i32
    %and3A_337 = arith.andi %squeeze3A_335, %and3A_336 : i32
    %multiple_of3A_338 = tpu.assume_multiple %and3A_337, 128 : i32
    %slice3A_339 = vector.extract_strided_slice %get3A_12 {offsets = [9], sizes = [1], strides = [1]} : vector<16xi32> to vector<1xi32>
    %squeeze3A_340 = vector.extract %slice3A_339[0] : i32 from vector<1xi32>
    %and3A_341 = arith.constant -128 : i32
    %and3A_342 = arith.andi %squeeze3A_340, %and3A_341 : i32
    %multiple_of3A_343 = tpu.assume_multiple %and3A_342, 128 : i32
    %dma_start3A_344 = arith.constant 9 : i32
    %dma_start3A_345 = arith.constant 0 : i32
    %dma_start3A_346 = arith.constant 0 : i32
    %dma_start3A_347 = tpu.memref_slice %arg9[%dma_start3A_344, %dma_start3A_345, %dma_start3A_346] : memref<16x8x128xf32, #tpu.memory_space<vmem>> -> memref<1x8x128xf32, #tpu.memory_space<vmem>>
    %dma_start3A_348 = tpu.memref_squeeze %dma_start3A_347 : memref<1x8x128xf32, #tpu.memory_space<vmem>> -> memref<8x128xf32, #tpu.memory_space<vmem>>
    %dma_start3A_349 = arith.constant 0 : i32
    %dma_start3A_350 = tpu.memref_slice %arg4[%dma_start3A_349, %multiple_of3A_338] : memref<16x1000000xf32, #tpu.memory_space<hbm>> -> memref<8x128xf32, #tpu.memory_space<hbm>>
    %dma_start3A_351 = arith.constant 0 : i32
    %dma_start3A_352 = arith.constant 0 : i32
    %dma_start3A_353 = tpu.memref_slice %arg9[%dma_start3A_344, %dma_start3A_351, %dma_start3A_352] : memref<16x8x128xf32, #tpu.memory_space<vmem>> -> memref<1x8x128xf32, #tpu.memory_space<vmem>>
    %dma_start3A_354 = tpu.memref_squeeze %dma_start3A_353 : memref<1x8x128xf32, #tpu.memory_space<vmem>> -> memref<8x128xf32, #tpu.memory_space<vmem>>
    %dma_start3A_355 = arith.constant 0 : i32
    %dma_start3A_356 = tpu.memref_slice %arg4[%dma_start3A_355, %multiple_of3A_338] : memref<16x1000000xf32, #tpu.memory_space<hbm>> -> memref<8x128xf32, #tpu.memory_space<hbm>>
    tpu.enqueue_dma source(%dma_start3A_356 : memref<8x128xf32, #tpu.memory_space<hbm>>) target(%dma_start3A_354 : memref<8x128xf32, #tpu.memory_space<vmem>>) target_semaphore(%arg15 : memref<!tpu.dma_semaphore, #tpu.memory_space<semaphore_mem>>)
    %dma_start3A_357 = arith.constant 9 : i32
    %dma_start3A_358 = arith.constant 0 : i32
    %dma_start3A_359 = arith.constant 0 : i32
    %dma_start3A_360 = tpu.memref_slice %arg10[%dma_start3A_357, %dma_start3A_358, %dma_start3A_359] : memref<16x8x128xf32, #tpu.memory_space<vmem>> -> memref<1x8x128xf32, #tpu.memory_space<vmem>>
    %dma_start3A_361 = tpu.memref_squeeze %dma_start3A_360 : memref<1x8x128xf32, #tpu.memory_space<vmem>> -> memref<8x128xf32, #tpu.memory_space<vmem>>
    %dma_start3A_362 = arith.constant 0 : i32
    %dma_start3A_363 = tpu.memref_slice %arg5[%dma_start3A_362, %multiple_of3A_343] : memref<16x1000000xf32, #tpu.memory_space<hbm>> -> memref<8x128xf32, #tpu.memory_space<hbm>>
    %dma_start3A_364 = arith.constant 0 : i32
    %dma_start3A_365 = arith.constant 0 : i32
    %dma_start3A_366 = tpu.memref_slice %arg10[%dma_start3A_357, %dma_start3A_364, %dma_start3A_365] : memref<16x8x128xf32, #tpu.memory_space<vmem>> -> memref<1x8x128xf32, #tpu.memory_space<vmem>>
    %dma_start3A_367 = tpu.memref_squeeze %dma_start3A_366 : memref<1x8x128xf32, #tpu.memory_space<vmem>> -> memref<8x128xf32, #tpu.memory_space<vmem>>
    %dma_start3A_368 = arith.constant 0 : i32
    %dma_start3A_369 = tpu.memref_slice %arg5[%dma_start3A_368, %multiple_of3A_343] : memref<16x1000000xf32, #tpu.memory_space<hbm>> -> memref<8x128xf32, #tpu.memory_space<hbm>>
    tpu.enqueue_dma source(%dma_start3A_369 : memref<8x128xf32, #tpu.memory_space<hbm>>) target(%dma_start3A_367 : memref<8x128xf32, #tpu.memory_space<vmem>>) target_semaphore(%arg15 : memref<!tpu.dma_semaphore, #tpu.memory_space<semaphore_mem>>)
    %slice3A_370 = vector.extract_strided_slice %get3A_10 {offsets = [10], sizes = [1], strides = [1]} : vector<16xi32> to vector<1xi32>
    %squeeze3A_371 = vector.extract %slice3A_370[0] : i32 from vector<1xi32>
    %and3A_372 = arith.constant -128 : i32
    %and3A_373 = arith.andi %squeeze3A_371, %and3A_372 : i32
    %multiple_of3A_374 = tpu.assume_multiple %and3A_373, 128 : i32
    %slice3A_375 = vector.extract_strided_slice %get3A_12 {offsets = [10], sizes = [1], strides = [1]} : vector<16xi32> to vector<1xi32>
    %squeeze3A_376 = vector.extract %slice3A_375[0] : i32 from vector<1xi32>
    %and3A_377 = arith.constant -128 : i32
    %and3A_378 = arith.andi %squeeze3A_376, %and3A_377 : i32
    %multiple_of3A_379 = tpu.assume_multiple %and3A_378, 128 : i32
    %dma_start3A_380 = arith.constant 10 : i32
    %dma_start3A_381 = arith.constant 0 : i32
    %dma_start3A_382 = arith.constant 0 : i32
    %dma_start3A_383 = tpu.memref_slice %arg9[%dma_start3A_380, %dma_start3A_381, %dma_start3A_382] : memref<16x8x128xf32, #tpu.memory_space<vmem>> -> memref<1x8x128xf32, #tpu.memory_space<vmem>>
    %dma_start3A_384 = tpu.memref_squeeze %dma_start3A_383 : memref<1x8x128xf32, #tpu.memory_space<vmem>> -> memref<8x128xf32, #tpu.memory_space<vmem>>
    %dma_start3A_385 = arith.constant 0 : i32
    %dma_start3A_386 = tpu.memref_slice %arg4[%dma_start3A_385, %multiple_of3A_374] : memref<16x1000000xf32, #tpu.memory_space<hbm>> -> memref<8x128xf32, #tpu.memory_space<hbm>>
    %dma_start3A_387 = arith.constant 0 : i32
    %dma_start3A_388 = arith.constant 0 : i32
    %dma_start3A_389 = tpu.memref_slice %arg9[%dma_start3A_380, %dma_start3A_387, %dma_start3A_388] : memref<16x8x128xf32, #tpu.memory_space<vmem>> -> memref<1x8x128xf32, #tpu.memory_space<vmem>>
    %dma_start3A_390 = tpu.memref_squeeze %dma_start3A_389 : memref<1x8x128xf32, #tpu.memory_space<vmem>> -> memref<8x128xf32, #tpu.memory_space<vmem>>
    %dma_start3A_391 = arith.constant 0 : i32
    %dma_start3A_392 = tpu.memref_slice %arg4[%dma_start3A_391, %multiple_of3A_374] : memref<16x1000000xf32, #tpu.memory_space<hbm>> -> memref<8x128xf32, #tpu.memory_space<hbm>>
    tpu.enqueue_dma source(%dma_start3A_392 : memref<8x128xf32, #tpu.memory_space<hbm>>) target(%dma_start3A_390 : memref<8x128xf32, #tpu.memory_space<vmem>>) target_semaphore(%arg15 : memref<!tpu.dma_semaphore, #tpu.memory_space<semaphore_mem>>)
    %dma_start3A_393 = arith.constant 10 : i32
    %dma_start3A_394 = arith.constant 0 : i32
    %dma_start3A_395 = arith.constant 0 : i32
    %dma_start3A_396 = tpu.memref_slice %arg10[%dma_start3A_393, %dma_start3A_394, %dma_start3A_395] : memref<16x8x128xf32, #tpu.memory_space<vmem>> -> memref<1x8x128xf32, #tpu.memory_space<vmem>>
    %dma_start3A_397 = tpu.memref_squeeze %dma_start3A_396 : memref<1x8x128xf32, #tpu.memory_space<vmem>> -> memref<8x128xf32, #tpu.memory_space<vmem>>
    %dma_start3A_398 = arith.constant 0 : i32
    %dma_start3A_399 = tpu.memref_slice %arg5[%dma_start3A_398, %multiple_of3A_379] : memref<16x1000000xf32, #tpu.memory_space<hbm>> -> memref<8x128xf32, #tpu.memory_space<hbm>>
    %dma_start3A_400 = arith.constant 0 : i32
    %dma_start3A_401 = arith.constant 0 : i32
    %dma_start3A_402 = tpu.memref_slice %arg10[%dma_start3A_393, %dma_start3A_400, %dma_start3A_401] : memref<16x8x128xf32, #tpu.memory_space<vmem>> -> memref<1x8x128xf32, #tpu.memory_space<vmem>>
    %dma_start3A_403 = tpu.memref_squeeze %dma_start3A_402 : memref<1x8x128xf32, #tpu.memory_space<vmem>> -> memref<8x128xf32, #tpu.memory_space<vmem>>
    %dma_start3A_404 = arith.constant 0 : i32
    %dma_start3A_405 = tpu.memref_slice %arg5[%dma_start3A_404, %multiple_of3A_379] : memref<16x1000000xf32, #tpu.memory_space<hbm>> -> memref<8x128xf32, #tpu.memory_space<hbm>>
    tpu.enqueue_dma source(%dma_start3A_405 : memref<8x128xf32, #tpu.memory_space<hbm>>) target(%dma_start3A_403 : memref<8x128xf32, #tpu.memory_space<vmem>>) target_semaphore(%arg15 : memref<!tpu.dma_semaphore, #tpu.memory_space<semaphore_mem>>)
    %slice3A_406 = vector.extract_strided_slice %get3A_10 {offsets = [11], sizes = [1], strides = [1]} : vector<16xi32> to vector<1xi32>
    %squeeze3A_407 = vector.extract %slice3A_406[0] : i32 from vector<1xi32>
    %and3A_408 = arith.constant -128 : i32
    %and3A_409 = arith.andi %squeeze3A_407, %and3A_408 : i32
    %multiple_of3A_410 = tpu.assume_multiple %and3A_409, 128 : i32
    %slice3A_411 = vector.extract_strided_slice %get3A_12 {offsets = [11], sizes = [1], strides = [1]} : vector<16xi32> to vector<1xi32>
    %squeeze3A_412 = vector.extract %slice3A_411[0] : i32 from vector<1xi32>
    %and3A_413 = arith.constant -128 : i32
    %and3A_414 = arith.andi %squeeze3A_412, %and3A_413 : i32
    %multiple_of3A_415 = tpu.assume_multiple %and3A_414, 128 : i32
    %dma_start3A_416 = arith.constant 11 : i32
    %dma_start3A_417 = arith.constant 0 : i32
    %dma_start3A_418 = arith.constant 0 : i32
    %dma_start3A_419 = tpu.memref_slice %arg9[%dma_start3A_416, %dma_start3A_417, %dma_start3A_418] : memref<16x8x128xf32, #tpu.memory_space<vmem>> -> memref<1x8x128xf32, #tpu.memory_space<vmem>>
    %dma_start3A_420 = tpu.memref_squeeze %dma_start3A_419 : memref<1x8x128xf32, #tpu.memory_space<vmem>> -> memref<8x128xf32, #tpu.memory_space<vmem>>
    %dma_start3A_421 = arith.constant 0 : i32
    %dma_start3A_422 = tpu.memref_slice %arg4[%dma_start3A_421, %multiple_of3A_410] : memref<16x1000000xf32, #tpu.memory_space<hbm>> -> memref<8x128xf32, #tpu.memory_space<hbm>>
    %dma_start3A_423 = arith.constant 0 : i32
    %dma_start3A_424 = arith.constant 0 : i32
    %dma_start3A_425 = tpu.memref_slice %arg9[%dma_start3A_416, %dma_start3A_423, %dma_start3A_424] : memref<16x8x128xf32, #tpu.memory_space<vmem>> -> memref<1x8x128xf32, #tpu.memory_space<vmem>>
    %dma_start3A_426 = tpu.memref_squeeze %dma_start3A_425 : memref<1x8x128xf32, #tpu.memory_space<vmem>> -> memref<8x128xf32, #tpu.memory_space<vmem>>
    %dma_start3A_427 = arith.constant 0 : i32
    %dma_start3A_428 = tpu.memref_slice %arg4[%dma_start3A_427, %multiple_of3A_410] : memref<16x1000000xf32, #tpu.memory_space<hbm>> -> memref<8x128xf32, #tpu.memory_space<hbm>>
    tpu.enqueue_dma source(%dma_start3A_428 : memref<8x128xf32, #tpu.memory_space<hbm>>) target(%dma_start3A_426 : memref<8x128xf32, #tpu.memory_space<vmem>>) target_semaphore(%arg15 : memref<!tpu.dma_semaphore, #tpu.memory_space<semaphore_mem>>)
    %dma_start3A_429 = arith.constant 11 : i32
    %dma_start3A_430 = arith.constant 0 : i32
    %dma_start3A_431 = arith.constant 0 : i32
    %dma_start3A_432 = tpu.memref_slice %arg10[%dma_start3A_429, %dma_start3A_430, %dma_start3A_431] : memref<16x8x128xf32, #tpu.memory_space<vmem>> -> memref<1x8x128xf32, #tpu.memory_space<vmem>>
    %dma_start3A_433 = tpu.memref_squeeze %dma_start3A_432 : memref<1x8x128xf32, #tpu.memory_space<vmem>> -> memref<8x128xf32, #tpu.memory_space<vmem>>
    %dma_start3A_434 = arith.constant 0 : i32
    %dma_start3A_435 = tpu.memref_slice %arg5[%dma_start3A_434, %multiple_of3A_415] : memref<16x1000000xf32, #tpu.memory_space<hbm>> -> memref<8x128xf32, #tpu.memory_space<hbm>>
    %dma_start3A_436 = arith.constant 0 : i32
    %dma_start3A_437 = arith.constant 0 : i32
    %dma_start3A_438 = tpu.memref_slice %arg10[%dma_start3A_429, %dma_start3A_436, %dma_start3A_437] : memref<16x8x128xf32, #tpu.memory_space<vmem>> -> memref<1x8x128xf32, #tpu.memory_space<vmem>>
    %dma_start3A_439 = tpu.memref_squeeze %dma_start3A_438 : memref<1x8x128xf32, #tpu.memory_space<vmem>> -> memref<8x128xf32, #tpu.memory_space<vmem>>
    %dma_start3A_440 = arith.constant 0 : i32
    %dma_start3A_441 = tpu.memref_slice %arg5[%dma_start3A_440, %multiple_of3A_415] : memref<16x1000000xf32, #tpu.memory_space<hbm>> -> memref<8x128xf32, #tpu.memory_space<hbm>>
    tpu.enqueue_dma source(%dma_start3A_441 : memref<8x128xf32, #tpu.memory_space<hbm>>) target(%dma_start3A_439 : memref<8x128xf32, #tpu.memory_space<vmem>>) target_semaphore(%arg15 : memref<!tpu.dma_semaphore, #tpu.memory_space<semaphore_mem>>)
    %slice3A_442 = vector.extract_strided_slice %get3A_10 {offsets = [12], sizes = [1], strides = [1]} : vector<16xi32> to vector<1xi32>
    %squeeze3A_443 = vector.extract %slice3A_442[0] : i32 from vector<1xi32>
    %and3A_444 = arith.constant -128 : i32
    %and3A_445 = arith.andi %squeeze3A_443, %and3A_444 : i32
    %multiple_of3A_446 = tpu.assume_multiple %and3A_445, 128 : i32
    %slice3A_447 = vector.extract_strided_slice %get3A_12 {offsets = [12], sizes = [1], strides = [1]} : vector<16xi32> to vector<1xi32>
    %squeeze3A_448 = vector.extract %slice3A_447[0] : i32 from vector<1xi32>
    %and3A_449 = arith.constant -128 : i32
    %and3A_450 = arith.andi %squeeze3A_448, %and3A_449 : i32
    %multiple_of3A_451 = tpu.assume_multiple %and3A_450, 128 : i32
    %dma_start3A_452 = arith.constant 12 : i32
    %dma_start3A_453 = arith.constant 0 : i32
    %dma_start3A_454 = arith.constant 0 : i32
    %dma_start3A_455 = tpu.memref_slice %arg9[%dma_start3A_452, %dma_start3A_453, %dma_start3A_454] : memref<16x8x128xf32, #tpu.memory_space<vmem>> -> memref<1x8x128xf32, #tpu.memory_space<vmem>>
    %dma_start3A_456 = tpu.memref_squeeze %dma_start3A_455 : memref<1x8x128xf32, #tpu.memory_space<vmem>> -> memref<8x128xf32, #tpu.memory_space<vmem>>
    %dma_start3A_457 = arith.constant 0 : i32
    %dma_start3A_458 = tpu.memref_slice %arg4[%dma_start3A_457, %multiple_of3A_446] : memref<16x1000000xf32, #tpu.memory_space<hbm>> -> memref<8x128xf32, #tpu.memory_space<hbm>>
    %dma_start3A_459 = arith.constant 0 : i32
    %dma_start3A_460 = arith.constant 0 : i32
    %dma_start3A_461 = tpu.memref_slice %arg9[%dma_start3A_452, %dma_start3A_459, %dma_start3A_460] : memref<16x8x128xf32, #tpu.memory_space<vmem>> -> memref<1x8x128xf32, #tpu.memory_space<vmem>>
    %dma_start3A_462 = tpu.memref_squeeze %dma_start3A_461 : memref<1x8x128xf32, #tpu.memory_space<vmem>> -> memref<8x128xf32, #tpu.memory_space<vmem>>
    %dma_start3A_463 = arith.constant 0 : i32
    %dma_start3A_464 = tpu.memref_slice %arg4[%dma_start3A_463, %multiple_of3A_446] : memref<16x1000000xf32, #tpu.memory_space<hbm>> -> memref<8x128xf32, #tpu.memory_space<hbm>>
    tpu.enqueue_dma source(%dma_start3A_464 : memref<8x128xf32, #tpu.memory_space<hbm>>) target(%dma_start3A_462 : memref<8x128xf32, #tpu.memory_space<vmem>>) target_semaphore(%arg15 : memref<!tpu.dma_semaphore, #tpu.memory_space<semaphore_mem>>)
    %dma_start3A_465 = arith.constant 12 : i32
    %dma_start3A_466 = arith.constant 0 : i32
    %dma_start3A_467 = arith.constant 0 : i32
    %dma_start3A_468 = tpu.memref_slice %arg10[%dma_start3A_465, %dma_start3A_466, %dma_start3A_467] : memref<16x8x128xf32, #tpu.memory_space<vmem>> -> memref<1x8x128xf32, #tpu.memory_space<vmem>>
    %dma_start3A_469 = tpu.memref_squeeze %dma_start3A_468 : memref<1x8x128xf32, #tpu.memory_space<vmem>> -> memref<8x128xf32, #tpu.memory_space<vmem>>
    %dma_start3A_470 = arith.constant 0 : i32
    %dma_start3A_471 = tpu.memref_slice %arg5[%dma_start3A_470, %multiple_of3A_451] : memref<16x1000000xf32, #tpu.memory_space<hbm>> -> memref<8x128xf32, #tpu.memory_space<hbm>>
    %dma_start3A_472 = arith.constant 0 : i32
    %dma_start3A_473 = arith.constant 0 : i32
    %dma_start3A_474 = tpu.memref_slice %arg10[%dma_start3A_465, %dma_start3A_472, %dma_start3A_473] : memref<16x8x128xf32, #tpu.memory_space<vmem>> -> memref<1x8x128xf32, #tpu.memory_space<vmem>>
    %dma_start3A_475 = tpu.memref_squeeze %dma_start3A_474 : memref<1x8x128xf32, #tpu.memory_space<vmem>> -> memref<8x128xf32, #tpu.memory_space<vmem>>
    %dma_start3A_476 = arith.constant 0 : i32
    %dma_start3A_477 = tpu.memref_slice %arg5[%dma_start3A_476, %multiple_of3A_451] : memref<16x1000000xf32, #tpu.memory_space<hbm>> -> memref<8x128xf32, #tpu.memory_space<hbm>>
    tpu.enqueue_dma source(%dma_start3A_477 : memref<8x128xf32, #tpu.memory_space<hbm>>) target(%dma_start3A_475 : memref<8x128xf32, #tpu.memory_space<vmem>>) target_semaphore(%arg15 : memref<!tpu.dma_semaphore, #tpu.memory_space<semaphore_mem>>)
    %slice3A_478 = vector.extract_strided_slice %get3A_10 {offsets = [13], sizes = [1], strides = [1]} : vector<16xi32> to vector<1xi32>
    %squeeze3A_479 = vector.extract %slice3A_478[0] : i32 from vector<1xi32>
    %and3A_480 = arith.constant -128 : i32
    %and3A_481 = arith.andi %squeeze3A_479, %and3A_480 : i32
    %multiple_of3A_482 = tpu.assume_multiple %and3A_481, 128 : i32
    %slice3A_483 = vector.extract_strided_slice %get3A_12 {offsets = [13], sizes = [1], strides = [1]} : vector<16xi32> to vector<1xi32>
    %squeeze3A_484 = vector.extract %slice3A_483[0] : i32 from vector<1xi32>
    %and3A_485 = arith.constant -128 : i32
    %and3A_486 = arith.andi %squeeze3A_484, %and3A_485 : i32
    %multiple_of3A_487 = tpu.assume_multiple %and3A_486, 128 : i32
    %dma_start3A_488 = arith.constant 13 : i32
    %dma_start3A_489 = arith.constant 0 : i32
    %dma_start3A_490 = arith.constant 0 : i32
    %dma_start3A_491 = tpu.memref_slice %arg9[%dma_start3A_488, %dma_start3A_489, %dma_start3A_490] : memref<16x8x128xf32, #tpu.memory_space<vmem>> -> memref<1x8x128xf32, #tpu.memory_space<vmem>>
    %dma_start3A_492 = tpu.memref_squeeze %dma_start3A_491 : memref<1x8x128xf32, #tpu.memory_space<vmem>> -> memref<8x128xf32, #tpu.memory_space<vmem>>
    %dma_start3A_493 = arith.constant 0 : i32
    %dma_start3A_494 = tpu.memref_slice %arg4[%dma_start3A_493, %multiple_of3A_482] : memref<16x1000000xf32, #tpu.memory_space<hbm>> -> memref<8x128xf32, #tpu.memory_space<hbm>>
    %dma_start3A_495 = arith.constant 0 : i32
    %dma_start3A_496 = arith.constant 0 : i32
    %dma_start3A_497 = tpu.memref_slice %arg9[%dma_start3A_488, %dma_start3A_495, %dma_start3A_496] : memref<16x8x128xf32, #tpu.memory_space<vmem>> -> memref<1x8x128xf32, #tpu.memory_space<vmem>>
    %dma_start3A_498 = tpu.memref_squeeze %dma_start3A_497 : memref<1x8x128xf32, #tpu.memory_space<vmem>> -> memref<8x128xf32, #tpu.memory_space<vmem>>
    %dma_start3A_499 = arith.constant 0 : i32
    %dma_start3A_500 = tpu.memref_slice %arg4[%dma_start3A_499, %multiple_of3A_482] : memref<16x1000000xf32, #tpu.memory_space<hbm>> -> memref<8x128xf32, #tpu.memory_space<hbm>>
    tpu.enqueue_dma source(%dma_start3A_500 : memref<8x128xf32, #tpu.memory_space<hbm>>) target(%dma_start3A_498 : memref<8x128xf32, #tpu.memory_space<vmem>>) target_semaphore(%arg15 : memref<!tpu.dma_semaphore, #tpu.memory_space<semaphore_mem>>)
    %dma_start3A_501 = arith.constant 13 : i32
    %dma_start3A_502 = arith.constant 0 : i32
    %dma_start3A_503 = arith.constant 0 : i32
    %dma_start3A_504 = tpu.memref_slice %arg10[%dma_start3A_501, %dma_start3A_502, %dma_start3A_503] : memref<16x8x128xf32, #tpu.memory_space<vmem>> -> memref<1x8x128xf32, #tpu.memory_space<vmem>>
    %dma_start3A_505 = tpu.memref_squeeze %dma_start3A_504 : memref<1x8x128xf32, #tpu.memory_space<vmem>> -> memref<8x128xf32, #tpu.memory_space<vmem>>
    %dma_start3A_506 = arith.constant 0 : i32
    %dma_start3A_507 = tpu.memref_slice %arg5[%dma_start3A_506, %multiple_of3A_487] : memref<16x1000000xf32, #tpu.memory_space<hbm>> -> memref<8x128xf32, #tpu.memory_space<hbm>>
    %dma_start3A_508 = arith.constant 0 : i32
    %dma_start3A_509 = arith.constant 0 : i32
    %dma_start3A_510 = tpu.memref_slice %arg10[%dma_start3A_501, %dma_start3A_508, %dma_start3A_509] : memref<16x8x128xf32, #tpu.memory_space<vmem>> -> memref<1x8x128xf32, #tpu.memory_space<vmem>>
    %dma_start3A_511 = tpu.memref_squeeze %dma_start3A_510 : memref<1x8x128xf32, #tpu.memory_space<vmem>> -> memref<8x128xf32, #tpu.memory_space<vmem>>
    %dma_start3A_512 = arith.constant 0 : i32
    %dma_start3A_513 = tpu.memref_slice %arg5[%dma_start3A_512, %multiple_of3A_487] : memref<16x1000000xf32, #tpu.memory_space<hbm>> -> memref<8x128xf32, #tpu.memory_space<hbm>>
    tpu.enqueue_dma source(%dma_start3A_513 : memref<8x128xf32, #tpu.memory_space<hbm>>) target(%dma_start3A_511 : memref<8x128xf32, #tpu.memory_space<vmem>>) target_semaphore(%arg15 : memref<!tpu.dma_semaphore, #tpu.memory_space<semaphore_mem>>)
    %slice3A_514 = vector.extract_strided_slice %get3A_10 {offsets = [14], sizes = [1], strides = [1]} : vector<16xi32> to vector<1xi32>
    %squeeze3A_515 = vector.extract %slice3A_514[0] : i32 from vector<1xi32>
    %and3A_516 = arith.constant -128 : i32
    %and3A_517 = arith.andi %squeeze3A_515, %and3A_516 : i32
    %multiple_of3A_518 = tpu.assume_multiple %and3A_517, 128 : i32
    %slice3A_519 = vector.extract_strided_slice %get3A_12 {offsets = [14], sizes = [1], strides = [1]} : vector<16xi32> to vector<1xi32>
    %squeeze3A_520 = vector.extract %slice3A_519[0] : i32 from vector<1xi32>
    %and3A_521 = arith.constant -128 : i32
    %and3A_522 = arith.andi %squeeze3A_520, %and3A_521 : i32
    %multiple_of3A_523 = tpu.assume_multiple %and3A_522, 128 : i32
    %dma_start3A_524 = arith.constant 14 : i32
    %dma_start3A_525 = arith.constant 0 : i32
    %dma_start3A_526 = arith.constant 0 : i32
    %dma_start3A_527 = tpu.memref_slice %arg9[%dma_start3A_524, %dma_start3A_525, %dma_start3A_526] : memref<16x8x128xf32, #tpu.memory_space<vmem>> -> memref<1x8x128xf32, #tpu.memory_space<vmem>>
    %dma_start3A_528 = tpu.memref_squeeze %dma_start3A_527 : memref<1x8x128xf32, #tpu.memory_space<vmem>> -> memref<8x128xf32, #tpu.memory_space<vmem>>
    %dma_start3A_529 = arith.constant 0 : i32
    %dma_start3A_530 = tpu.memref_slice %arg4[%dma_start3A_529, %multiple_of3A_518] : memref<16x1000000xf32, #tpu.memory_space<hbm>> -> memref<8x128xf32, #tpu.memory_space<hbm>>
    %dma_start3A_531 = arith.constant 0 : i32
    %dma_start3A_532 = arith.constant 0 : i32
    %dma_start3A_533 = tpu.memref_slice %arg9[%dma_start3A_524, %dma_start3A_531, %dma_start3A_532] : memref<16x8x128xf32, #tpu.memory_space<vmem>> -> memref<1x8x128xf32, #tpu.memory_space<vmem>>
    %dma_start3A_534 = tpu.memref_squeeze %dma_start3A_533 : memref<1x8x128xf32, #tpu.memory_space<vmem>> -> memref<8x128xf32, #tpu.memory_space<vmem>>
    %dma_start3A_535 = arith.constant 0 : i32
    %dma_start3A_536 = tpu.memref_slice %arg4[%dma_start3A_535, %multiple_of3A_518] : memref<16x1000000xf32, #tpu.memory_space<hbm>> -> memref<8x128xf32, #tpu.memory_space<hbm>>
    tpu.enqueue_dma source(%dma_start3A_536 : memref<8x128xf32, #tpu.memory_space<hbm>>) target(%dma_start3A_534 : memref<8x128xf32, #tpu.memory_space<vmem>>) target_semaphore(%arg15 : memref<!tpu.dma_semaphore, #tpu.memory_space<semaphore_mem>>)
    %dma_start3A_537 = arith.constant 14 : i32
    %dma_start3A_538 = arith.constant 0 : i32
    %dma_start3A_539 = arith.constant 0 : i32
    %dma_start3A_540 = tpu.memref_slice %arg10[%dma_start3A_537, %dma_start3A_538, %dma_start3A_539] : memref<16x8x128xf32, #tpu.memory_space<vmem>> -> memref<1x8x128xf32, #tpu.memory_space<vmem>>
    %dma_start3A_541 = tpu.memref_squeeze %dma_start3A_540 : memref<1x8x128xf32, #tpu.memory_space<vmem>> -> memref<8x128xf32, #tpu.memory_space<vmem>>
    %dma_start3A_542 = arith.constant 0 : i32
    %dma_start3A_543 = tpu.memref_slice %arg5[%dma_start3A_542, %multiple_of3A_523] : memref<16x1000000xf32, #tpu.memory_space<hbm>> -> memref<8x128xf32, #tpu.memory_space<hbm>>
    %dma_start3A_544 = arith.constant 0 : i32
    %dma_start3A_545 = arith.constant 0 : i32
    %dma_start3A_546 = tpu.memref_slice %arg10[%dma_start3A_537, %dma_start3A_544, %dma_start3A_545] : memref<16x8x128xf32, #tpu.memory_space<vmem>> -> memref<1x8x128xf32, #tpu.memory_space<vmem>>
    %dma_start3A_547 = tpu.memref_squeeze %dma_start3A_546 : memref<1x8x128xf32, #tpu.memory_space<vmem>> -> memref<8x128xf32, #tpu.memory_space<vmem>>
    %dma_start3A_548 = arith.constant 0 : i32
    %dma_start3A_549 = tpu.memref_slice %arg5[%dma_start3A_548, %multiple_of3A_523] : memref<16x1000000xf32, #tpu.memory_space<hbm>> -> memref<8x128xf32, #tpu.memory_space<hbm>>
    tpu.enqueue_dma source(%dma_start3A_549 : memref<8x128xf32, #tpu.memory_space<hbm>>) target(%dma_start3A_547 : memref<8x128xf32, #tpu.memory_space<vmem>>) target_semaphore(%arg15 : memref<!tpu.dma_semaphore, #tpu.memory_space<semaphore_mem>>)
    %slice3A_550 = vector.extract_strided_slice %get3A_10 {offsets = [15], sizes = [1], strides = [1]} : vector<16xi32> to vector<1xi32>
    %squeeze3A_551 = vector.extract %slice3A_550[0] : i32 from vector<1xi32>
    %and3A_552 = arith.constant -128 : i32
    %and3A_553 = arith.andi %squeeze3A_551, %and3A_552 : i32
    %multiple_of3A_554 = tpu.assume_multiple %and3A_553, 128 : i32
    %slice3A_555 = vector.extract_strided_slice %get3A_12 {offsets = [15], sizes = [1], strides = [1]} : vector<16xi32> to vector<1xi32>
    %squeeze3A_556 = vector.extract %slice3A_555[0] : i32 from vector<1xi32>
    %and3A_557 = arith.constant -128 : i32
    %and3A_558 = arith.andi %squeeze3A_556, %and3A_557 : i32
    %multiple_of3A_559 = tpu.assume_multiple %and3A_558, 128 : i32
    %dma_start3A_560 = arith.constant 15 : i32
    %dma_start3A_561 = arith.constant 0 : i32
    %dma_start3A_562 = arith.constant 0 : i32
    %dma_start3A_563 = tpu.memref_slice %arg9[%dma_start3A_560, %dma_start3A_561, %dma_start3A_562] : memref<16x8x128xf32, #tpu.memory_space<vmem>> -> memref<1x8x128xf32, #tpu.memory_space<vmem>>
    %dma_start3A_564 = tpu.memref_squeeze %dma_start3A_563 : memref<1x8x128xf32, #tpu.memory_space<vmem>> -> memref<8x128xf32, #tpu.memory_space<vmem>>
    %dma_start3A_565 = arith.constant 0 : i32
    %dma_start3A_566 = tpu.memref_slice %arg4[%dma_start3A_565, %multiple_of3A_554] : memref<16x1000000xf32, #tpu.memory_space<hbm>> -> memref<8x128xf32, #tpu.memory_space<hbm>>
    %dma_start3A_567 = arith.constant 0 : i32
    %dma_start3A_568 = arith.constant 0 : i32
    %dma_start3A_569 = tpu.memref_slice %arg9[%dma_start3A_560, %dma_start3A_567, %dma_start3A_568] : memref<16x8x128xf32, #tpu.memory_space<vmem>> -> memref<1x8x128xf32, #tpu.memory_space<vmem>>
    %dma_start3A_570 = tpu.memref_squeeze %dma_start3A_569 : memref<1x8x128xf32, #tpu.memory_space<vmem>> -> memref<8x128xf32, #tpu.memory_space<vmem>>
    %dma_start3A_571 = arith.constant 0 : i32
    %dma_start3A_572 = tpu.memref_slice %arg4[%dma_start3A_571, %multiple_of3A_554] : memref<16x1000000xf32, #tpu.memory_space<hbm>> -> memref<8x128xf32, #tpu.memory_space<hbm>>
    tpu.enqueue_dma source(%dma_start3A_572 : memref<8x128xf32, #tpu.memory_space<hbm>>) target(%dma_start3A_570 : memref<8x128xf32, #tpu.memory_space<vmem>>) target_semaphore(%arg15 : memref<!tpu.dma_semaphore, #tpu.memory_space<semaphore_mem>>)
    %dma_start3A_573 = arith.constant 15 : i32
    %dma_start3A_574 = arith.constant 0 : i32
    %dma_start3A_575 = arith.constant 0 : i32
    %dma_start3A_576 = tpu.memref_slice %arg10[%dma_start3A_573, %dma_start3A_574, %dma_start3A_575] : memref<16x8x128xf32, #tpu.memory_space<vmem>> -> memref<1x8x128xf32, #tpu.memory_space<vmem>>
    %dma_start3A_577 = tpu.memref_squeeze %dma_start3A_576 : memref<1x8x128xf32, #tpu.memory_space<vmem>> -> memref<8x128xf32, #tpu.memory_space<vmem>>
    %dma_start3A_578 = arith.constant 0 : i32
    %dma_start3A_579 = tpu.memref_slice %arg5[%dma_start3A_578, %multiple_of3A_559] : memref<16x1000000xf32, #tpu.memory_space<hbm>> -> memref<8x128xf32, #tpu.memory_space<hbm>>
    %dma_start3A_580 = arith.constant 0 : i32
    %dma_start3A_581 = arith.constant 0 : i32
    %dma_start3A_582 = tpu.memref_slice %arg10[%dma_start3A_573, %dma_start3A_580, %dma_start3A_581] : memref<16x8x128xf32, #tpu.memory_space<vmem>> -> memref<1x8x128xf32, #tpu.memory_space<vmem>>
    %dma_start3A_583 = tpu.memref_squeeze %dma_start3A_582 : memref<1x8x128xf32, #tpu.memory_space<vmem>> -> memref<8x128xf32, #tpu.memory_space<vmem>>
    %dma_start3A_584 = arith.constant 0 : i32
    %dma_start3A_585 = tpu.memref_slice %arg5[%dma_start3A_584, %multiple_of3A_559] : memref<16x1000000xf32, #tpu.memory_space<hbm>> -> memref<8x128xf32, #tpu.memory_space<hbm>>
    tpu.enqueue_dma source(%dma_start3A_585 : memref<8x128xf32, #tpu.memory_space<hbm>>) target(%dma_start3A_583 : memref<8x128xf32, #tpu.memory_space<vmem>>) target_semaphore(%arg15 : memref<!tpu.dma_semaphore, #tpu.memory_space<semaphore_mem>>)
    %scan3A = arith.constant 0 : i32
    %scan3A_586 = arith.constant 0 : i32
    %scan3A_587 = arith.constant 32 : i32
    %scan3A_588 = arith.addi %scan3A_586, %scan3A_587 : i32
    %scan3A_589 = arith.constant 1 : i32
    scf.for %scan3A_591 = %scan3A_586 to %scan3A_588 step %scan3A_589  : i32 {
      %mul3A_592 = arith.constant 16 : i32
      %mul3A_593 = arith.muli %scan3A_591, %mul3A_592 : i32
      %multiple_of3A_594 = tpu.assume_multiple %mul3A_593, 16 : i32
      %get3A_595 = arith.index_cast %multiple_of3A_594 : i32 to index
      %get3A_596 = tpu.vector_load %arg7[%get3A_595] {strides = array<i32>} : memref<512xi32, #tpu.memory_space<vmem>>, vector<16xi32>,
      %get3A_597 = arith.index_cast %multiple_of3A_594 : i32 to index
      %get3A_598 = tpu.vector_load %arg8[%get3A_597] {strides = array<i32>} : memref<512xi32, #tpu.memory_space<vmem>>, vector<16xi32>,
      %and3A_599 = arith.constant 127 : i32
      %and3A_600 = vector.broadcast %and3A_599 : i32 to vector<16xi32>
      %and3A_601 = arith.andi %get3A_596, %and3A_600 : vector<16xi32>
      %and3A_602 = arith.constant 127 : i32
      %and3A_603 = vector.broadcast %and3A_602 : i32 to vector<16xi32>
      %and3A_604 = arith.andi %get3A_598, %and3A_603 : vector<16xi32>
      %slice3A_605 = vector.extract_strided_slice %get3A_596 {offsets = [0], sizes = [1], strides = [1]} : vector<16xi32> to vector<1xi32>
      %squeeze3A_606 = vector.extract %slice3A_605[0] : i32 from vector<1xi32>
      %and3A_607 = arith.constant -128 : i32
      %and3A_608 = arith.andi %squeeze3A_606, %and3A_607 : i32
      %multiple_of3A_609 = tpu.assume_multiple %and3A_608, 128 : i32
      %slice3A_610 = vector.extract_strided_slice %get3A_598 {offsets = [0], sizes = [1], strides = [1]} : vector<16xi32> to vector<1xi32>
      %squeeze3A_611 = vector.extract %slice3A_610[0] : i32 from vector<1xi32>
      %and3A_612 = arith.constant -128 : i32
      %and3A_613 = arith.andi %squeeze3A_611, %and3A_612 : i32
      %multiple_of3A_614 = tpu.assume_multiple %and3A_613, 128 : i32
      %dma_start3A_615 = arith.constant 0 : i32
      %dma_start3A_616 = arith.constant 0 : i32
      %dma_start3A_617 = arith.constant 0 : i32
      %dma_start3A_618 = tpu.memref_slice %arg11[%dma_start3A_615, %dma_start3A_616, %dma_start3A_617] : memref<16x8x128xf32, #tpu.memory_space<vmem>> -> memref<1x8x128xf32, #tpu.memory_space<vmem>>
      %dma_start3A_619 = tpu.memref_squeeze %dma_start3A_618 : memref<1x8x128xf32, #tpu.memory_space<vmem>> -> memref<8x128xf32, #tpu.memory_space<vmem>>
      %dma_start3A_620 = arith.constant 8 : i32
      %dma_start3A_621 = tpu.memref_slice %arg4[%dma_start3A_620, %multiple_of3A_609] : memref<16x1000000xf32, #tpu.memory_space<hbm>> -> memref<8x128xf32, #tpu.memory_space<hbm>>
      %dma_start3A_622 = arith.constant 0 : i32
      %dma_start3A_623 = arith.constant 0 : i32
      %dma_start3A_624 = tpu.memref_slice %arg11[%dma_start3A_615, %dma_start3A_622, %dma_start3A_623] : memref<16x8x128xf32, #tpu.memory_space<vmem>> -> memref<1x8x128xf32, #tpu.memory_space<vmem>>
      %dma_start3A_625 = tpu.memref_squeeze %dma_start3A_624 : memref<1x8x128xf32, #tpu.memory_space<vmem>> -> memref<8x128xf32, #tpu.memory_space<vmem>>
      %dma_start3A_626 = arith.constant 8 : i32
      %dma_start3A_627 = tpu.memref_slice %arg4[%dma_start3A_626, %multiple_of3A_609] : memref<16x1000000xf32, #tpu.memory_space<hbm>> -> memref<8x128xf32, #tpu.memory_space<hbm>>
      tpu.enqueue_dma source(%dma_start3A_627 : memref<8x128xf32, #tpu.memory_space<hbm>>) target(%dma_start3A_625 : memref<8x128xf32, #tpu.memory_space<vmem>>) target_semaphore(%arg16 : memref<!tpu.dma_semaphore, #tpu.memory_space<semaphore_mem>>)
      %dma_start3A_628 = arith.constant 0 : i32
      %dma_start3A_629 = arith.constant 0 : i32
      %dma_start3A_630 = arith.constant 0 : i32
      %dma_start3A_631 = tpu.memref_slice %arg12[%dma_start3A_628, %dma_start3A_629, %dma_start3A_630] : memref<16x8x128xf32, #tpu.memory_space<vmem>> -> memref<1x8x128xf32, #tpu.memory_space<vmem>>
      %dma_start3A_632 = tpu.memref_squeeze %dma_start3A_631 : memref<1x8x128xf32, #tpu.memory_space<vmem>> -> memref<8x128xf32, #tpu.memory_space<vmem>>
      %dma_start3A_633 = arith.constant 8 : i32
      %dma_start3A_634 = tpu.memref_slice %arg5[%dma_start3A_633, %multiple_of3A_614] : memref<16x1000000xf32, #tpu.memory_space<hbm>> -> memref<8x128xf32, #tpu.memory_space<hbm>>
      %dma_start3A_635 = arith.constant 0 : i32
      %dma_start3A_636 = arith.constant 0 : i32
      %dma_start3A_637 = tpu.memref_slice %arg12[%dma_start3A_628, %dma_start3A_635, %dma_start3A_636] : memref<16x8x128xf32, #tpu.memory_space<vmem>> -> memref<1x8x128xf32, #tpu.memory_space<vmem>>
      %dma_start3A_638 = tpu.memref_squeeze %dma_start3A_637 : memref<1x8x128xf32, #tpu.memory_space<vmem>> -> memref<8x128xf32, #tpu.memory_space<vmem>>
      %dma_start3A_639 = arith.constant 8 : i32
      %dma_start3A_640 = tpu.memref_slice %arg5[%dma_start3A_639, %multiple_of3A_614] : memref<16x1000000xf32, #tpu.memory_space<hbm>> -> memref<8x128xf32, #tpu.memory_space<hbm>>
      tpu.enqueue_dma source(%dma_start3A_640 : memref<8x128xf32, #tpu.memory_space<hbm>>) target(%dma_start3A_638 : memref<8x128xf32, #tpu.memory_space<vmem>>) target_semaphore(%arg16 : memref<!tpu.dma_semaphore, #tpu.memory_space<semaphore_mem>>)
      %slice3A_641 = vector.extract_strided_slice %get3A_596 {offsets = [1], sizes = [1], strides = [1]} : vector<16xi32> to vector<1xi32>
      %squeeze3A_642 = vector.extract %slice3A_641[0] : i32 from vector<1xi32>
      %and3A_643 = arith.constant -128 : i32
      %and3A_644 = arith.andi %squeeze3A_642, %and3A_643 : i32
      %multiple_of3A_645 = tpu.assume_multiple %and3A_644, 128 : i32
      %slice3A_646 = vector.extract_strided_slice %get3A_598 {offsets = [1], sizes = [1], strides = [1]} : vector<16xi32> to vector<1xi32>
      %squeeze3A_647 = vector.extract %slice3A_646[0] : i32 from vector<1xi32>
      %and3A_648 = arith.constant -128 : i32
      %and3A_649 = arith.andi %squeeze3A_647, %and3A_648 : i32
      %multiple_of3A_650 = tpu.assume_multiple %and3A_649, 128 : i32
      %dma_start3A_651 = arith.constant 1 : i32
      %dma_start3A_652 = arith.constant 0 : i32
      %dma_start3A_653 = arith.constant 0 : i32
      %dma_start3A_654 = tpu.memref_slice %arg11[%dma_start3A_651, %dma_start3A_652, %dma_start3A_653] : memref<16x8x128xf32, #tpu.memory_space<vmem>> -> memref<1x8x128xf32, #tpu.memory_space<vmem>>
      %dma_start3A_655 = tpu.memref_squeeze %dma_start3A_654 : memref<1x8x128xf32, #tpu.memory_space<vmem>> -> memref<8x128xf32, #tpu.memory_space<vmem>>
      %dma_start3A_656 = arith.constant 8 : i32
      %dma_start3A_657 = tpu.memref_slice %arg4[%dma_start3A_656, %multiple_of3A_645] : memref<16x1000000xf32, #tpu.memory_space<hbm>> -> memref<8x128xf32, #tpu.memory_space<hbm>>
      %dma_start3A_658 = arith.constant 0 : i32
      %dma_start3A_659 = arith.constant 0 : i32
      %dma_start3A_660 = tpu.memref_slice %arg11[%dma_start3A_651, %dma_start3A_658, %dma_start3A_659] : memref<16x8x128xf32, #tpu.memory_space<vmem>> -> memref<1x8x128xf32, #tpu.memory_space<vmem>>
      %dma_start3A_661 = tpu.memref_squeeze %dma_start3A_660 : memref<1x8x128xf32, #tpu.memory_space<vmem>> -> memref<8x128xf32, #tpu.memory_space<vmem>>
      %dma_start3A_662 = arith.constant 8 : i32
      %dma_start3A_663 = tpu.memref_slice %arg4[%dma_start3A_662, %multiple_of3A_645] : memref<16x1000000xf32, #tpu.memory_space<hbm>> -> memref<8x128xf32, #tpu.memory_space<hbm>>
      tpu.enqueue_dma source(%dma_start3A_663 : memref<8x128xf32, #tpu.memory_space<hbm>>) target(%dma_start3A_661 : memref<8x128xf32, #tpu.memory_space<vmem>>) target_semaphore(%arg16 : memref<!tpu.dma_semaphore, #tpu.memory_space<semaphore_mem>>)
      %dma_start3A_664 = arith.constant 1 : i32
      %dma_start3A_665 = arith.constant 0 : i32
      %dma_start3A_666 = arith.constant 0 : i32
      %dma_start3A_667 = tpu.memref_slice %arg12[%dma_start3A_664, %dma_start3A_665, %dma_start3A_666] : memref<16x8x128xf32, #tpu.memory_space<vmem>> -> memref<1x8x128xf32, #tpu.memory_space<vmem>>
      %dma_start3A_668 = tpu.memref_squeeze %dma_start3A_667 : memref<1x8x128xf32, #tpu.memory_space<vmem>> -> memref<8x128xf32, #tpu.memory_space<vmem>>
      %dma_start3A_669 = arith.constant 8 : i32
      %dma_start3A_670 = tpu.memref_slice %arg5[%dma_start3A_669, %multiple_of3A_650] : memref<16x1000000xf32, #tpu.memory_space<hbm>> -> memref<8x128xf32, #tpu.memory_space<hbm>>
      %dma_start3A_671 = arith.constant 0 : i32
      %dma_start3A_672 = arith.constant 0 : i32
      %dma_start3A_673 = tpu.memref_slice %arg12[%dma_start3A_664, %dma_start3A_671, %dma_start3A_672] : memref<16x8x128xf32, #tpu.memory_space<vmem>> -> memref<1x8x128xf32, #tpu.memory_space<vmem>>
      %dma_start3A_674 = tpu.memref_squeeze %dma_start3A_673 : memref<1x8x128xf32, #tpu.memory_space<vmem>> -> memref<8x128xf32, #tpu.memory_space<vmem>>
      %dma_start3A_675 = arith.constant 8 : i32
      %dma_start3A_676 = tpu.memref_slice %arg5[%dma_start3A_675, %multiple_of3A_650] : memref<16x1000000xf32, #tpu.memory_space<hbm>> -> memref<8x128xf32, #tpu.memory_space<hbm>>
      tpu.enqueue_dma source(%dma_start3A_676 : memref<8x128xf32, #tpu.memory_space<hbm>>) target(%dma_start3A_674 : memref<8x128xf32, #tpu.memory_space<vmem>>) target_semaphore(%arg16 : memref<!tpu.dma_semaphore, #tpu.memory_space<semaphore_mem>>)
      %slice3A_677 = vector.extract_strided_slice %get3A_596 {offsets = [2], sizes = [1], strides = [1]} : vector<16xi32> to vector<1xi32>
      %squeeze3A_678 = vector.extract %slice3A_677[0] : i32 from vector<1xi32>
      %and3A_679 = arith.constant -128 : i32
      %and3A_680 = arith.andi %squeeze3A_678, %and3A_679 : i32
      %multiple_of3A_681 = tpu.assume_multiple %and3A_680, 128 : i32
      %slice3A_682 = vector.extract_strided_slice %get3A_598 {offsets = [2], sizes = [1], strides = [1]} : vector<16xi32> to vector<1xi32>
      %squeeze3A_683 = vector.extract %slice3A_682[0] : i32 from vector<1xi32>
      %and3A_684 = arith.constant -128 : i32
      %and3A_685 = arith.andi %squeeze3A_683, %and3A_684 : i32
      %multiple_of3A_686 = tpu.assume_multiple %and3A_685, 128 : i32
      %dma_start3A_687 = arith.constant 2 : i32
      %dma_start3A_688 = arith.constant 0 : i32
      %dma_start3A_689 = arith.constant 0 : i32
      %dma_start3A_690 = tpu.memref_slice %arg11[%dma_start3A_687, %dma_start3A_688, %dma_start3A_689] : memref<16x8x128xf32, #tpu.memory_space<vmem>> -> memref<1x8x128xf32, #tpu.memory_space<vmem>>
      %dma_start3A_691 = tpu.memref_squeeze %dma_start3A_690 : memref<1x8x128xf32, #tpu.memory_space<vmem>> -> memref<8x128xf32, #tpu.memory_space<vmem>>
      %dma_start3A_692 = arith.constant 8 : i32
      %dma_start3A_693 = tpu.memref_slice %arg4[%dma_start3A_692, %multiple_of3A_681] : memref<16x1000000xf32, #tpu.memory_space<hbm>> -> memref<8x128xf32, #tpu.memory_space<hbm>>
      %dma_start3A_694 = arith.constant 0 : i32
      %dma_start3A_695 = arith.constant 0 : i32
      %dma_start3A_696 = tpu.memref_slice %arg11[%dma_start3A_687, %dma_start3A_694, %dma_start3A_695] : memref<16x8x128xf32, #tpu.memory_space<vmem>> -> memref<1x8x128xf32, #tpu.memory_space<vmem>>
      %dma_start3A_697 = tpu.memref_squeeze %dma_start3A_696 : memref<1x8x128xf32, #tpu.memory_space<vmem>> -> memref<8x128xf32, #tpu.memory_space<vmem>>
      %dma_start3A_698 = arith.constant 8 : i32
      %dma_start3A_699 = tpu.memref_slice %arg4[%dma_start3A_698, %multiple_of3A_681] : memref<16x1000000xf32, #tpu.memory_space<hbm>> -> memref<8x128xf32, #tpu.memory_space<hbm>>
      tpu.enqueue_dma source(%dma_start3A_699 : memref<8x128xf32, #tpu.memory_space<hbm>>) target(%dma_start3A_697 : memref<8x128xf32, #tpu.memory_space<vmem>>) target_semaphore(%arg16 : memref<!tpu.dma_semaphore, #tpu.memory_space<semaphore_mem>>)
      %dma_start3A_700 = arith.constant 2 : i32
      %dma_start3A_701 = arith.constant 0 : i32
      %dma_start3A_702 = arith.constant 0 : i32
      %dma_start3A_703 = tpu.memref_slice %arg12[%dma_start3A_700, %dma_start3A_701, %dma_start3A_702] : memref<16x8x128xf32, #tpu.memory_space<vmem>> -> memref<1x8x128xf32, #tpu.memory_space<vmem>>
      %dma_start3A_704 = tpu.memref_squeeze %dma_start3A_703 : memref<1x8x128xf32, #tpu.memory_space<vmem>> -> memref<8x128xf32, #tpu.memory_space<vmem>>
      %dma_start3A_705 = arith.constant 8 : i32
      %dma_start3A_706 = tpu.memref_slice %arg5[%dma_start3A_705, %multiple_of3A_686] : memref<16x1000000xf32, #tpu.memory_space<hbm>> -> memref<8x128xf32, #tpu.memory_space<hbm>>
      %dma_start3A_707 = arith.constant 0 : i32
      %dma_start3A_708 = arith.constant 0 : i32
      %dma_start3A_709 = tpu.memref_slice %arg12[%dma_start3A_700, %dma_start3A_707, %dma_start3A_708] : memref<16x8x128xf32, #tpu.memory_space<vmem>> -> memref<1x8x128xf32, #tpu.memory_space<vmem>>
      %dma_start3A_710 = tpu.memref_squeeze %dma_start3A_709 : memref<1x8x128xf32, #tpu.memory_space<vmem>> -> memref<8x128xf32, #tpu.memory_space<vmem>>
      %dma_start3A_711 = arith.constant 8 : i32
      %dma_start3A_712 = tpu.memref_slice %arg5[%dma_start3A_711, %multiple_of3A_686] : memref<16x1000000xf32, #tpu.memory_space<hbm>> -> memref<8x128xf32, #tpu.memory_space<hbm>>
      tpu.enqueue_dma source(%dma_start3A_712 : memref<8x128xf32, #tpu.memory_space<hbm>>) target(%dma_start3A_710 : memref<8x128xf32, #tpu.memory_space<vmem>>) target_semaphore(%arg16 : memref<!tpu.dma_semaphore, #tpu.memory_space<semaphore_mem>>)
      %slice3A_713 = vector.extract_strided_slice %get3A_596 {offsets = [3], sizes = [1], strides = [1]} : vector<16xi32> to vector<1xi32>
      %squeeze3A_714 = vector.extract %slice3A_713[0] : i32 from vector<1xi32>
      %and3A_715 = arith.constant -128 : i32
      %and3A_716 = arith.andi %squeeze3A_714, %and3A_715 : i32
      %multiple_of3A_717 = tpu.assume_multiple %and3A_716, 128 : i32
      %slice3A_718 = vector.extract_strided_slice %get3A_598 {offsets = [3], sizes = [1], strides = [1]} : vector<16xi32> to vector<1xi32>
      %squeeze3A_719 = vector.extract %slice3A_718[0] : i32 from vector<1xi32>
      %and3A_720 = arith.constant -128 : i32
      %and3A_721 = arith.andi %squeeze3A_719, %and3A_720 : i32
      %multiple_of3A_722 = tpu.assume_multiple %and3A_721, 128 : i32
      %dma_start3A_723 = arith.constant 3 : i32
      %dma_start3A_724 = arith.constant 0 : i32
      %dma_start3A_725 = arith.constant 0 : i32
      %dma_start3A_726 = tpu.memref_slice %arg11[%dma_start3A_723, %dma_start3A_724, %dma_start3A_725] : memref<16x8x128xf32, #tpu.memory_space<vmem>> -> memref<1x8x128xf32, #tpu.memory_space<vmem>>
      %dma_start3A_727 = tpu.memref_squeeze %dma_start3A_726 : memref<1x8x128xf32, #tpu.memory_space<vmem>> -> memref<8x128xf32, #tpu.memory_space<vmem>>
      %dma_start3A_728 = arith.constant 8 : i32
      %dma_start3A_729 = tpu.memref_slice %arg4[%dma_start3A_728, %multiple_of3A_717] : memref<16x1000000xf32, #tpu.memory_space<hbm>> -> memref<8x128xf32, #tpu.memory_space<hbm>>
      %dma_start3A_730 = arith.constant 0 : i32
      %dma_start3A_731 = arith.constant 0 : i32
      %dma_start3A_732 = tpu.memref_slice %arg11[%dma_start3A_723, %dma_start3A_730, %dma_start3A_731] : memref<16x8x128xf32, #tpu.memory_space<vmem>> -> memref<1x8x128xf32, #tpu.memory_space<vmem>>
      %dma_start3A_733 = tpu.memref_squeeze %dma_start3A_732 : memref<1x8x128xf32, #tpu.memory_space<vmem>> -> memref<8x128xf32, #tpu.memory_space<vmem>>
      %dma_start3A_734 = arith.constant 8 : i32
      %dma_start3A_735 = tpu.memref_slice %arg4[%dma_start3A_734, %multiple_of3A_717] : memref<16x1000000xf32, #tpu.memory_space<hbm>> -> memref<8x128xf32, #tpu.memory_space<hbm>>
      tpu.enqueue_dma source(%dma_start3A_735 : memref<8x128xf32, #tpu.memory_space<hbm>>) target(%dma_start3A_733 : memref<8x128xf32, #tpu.memory_space<vmem>>) target_semaphore(%arg16 : memref<!tpu.dma_semaphore, #tpu.memory_space<semaphore_mem>>)
      %dma_start3A_736 = arith.constant 3 : i32
      %dma_start3A_737 = arith.constant 0 : i32
      %dma_start3A_738 = arith.constant 0 : i32
      %dma_start3A_739 = tpu.memref_slice %arg12[%dma_start3A_736, %dma_start3A_737, %dma_start3A_738] : memref<16x8x128xf32, #tpu.memory_space<vmem>> -> memref<1x8x128xf32, #tpu.memory_space<vmem>>
      %dma_start3A_740 = tpu.memref_squeeze %dma_start3A_739 : memref<1x8x128xf32, #tpu.memory_space<vmem>> -> memref<8x128xf32, #tpu.memory_space<vmem>>
      %dma_start3A_741 = arith.constant 8 : i32
      %dma_start3A_742 = tpu.memref_slice %arg5[%dma_start3A_741, %multiple_of3A_722] : memref<16x1000000xf32, #tpu.memory_space<hbm>> -> memref<8x128xf32, #tpu.memory_space<hbm>>
      %dma_start3A_743 = arith.constant 0 : i32
      %dma_start3A_744 = arith.constant 0 : i32
      %dma_start3A_745 = tpu.memref_slice %arg12[%dma_start3A_736, %dma_start3A_743, %dma_start3A_744] : memref<16x8x128xf32, #tpu.memory_space<vmem>> -> memref<1x8x128xf32, #tpu.memory_space<vmem>>
      %dma_start3A_746 = tpu.memref_squeeze %dma_start3A_745 : memref<1x8x128xf32, #tpu.memory_space<vmem>> -> memref<8x128xf32, #tpu.memory_space<vmem>>
      %dma_start3A_747 = arith.constant 8 : i32
      %dma_start3A_748 = tpu.memref_slice %arg5[%dma_start3A_747, %multiple_of3A_722] : memref<16x1000000xf32, #tpu.memory_space<hbm>> -> memref<8x128xf32, #tpu.memory_space<hbm>>
      tpu.enqueue_dma source(%dma_start3A_748 : memref<8x128xf32, #tpu.memory_space<hbm>>) target(%dma_start3A_746 : memref<8x128xf32, #tpu.memory_space<vmem>>) target_semaphore(%arg16 : memref<!tpu.dma_semaphore, #tpu.memory_space<semaphore_mem>>)
      %slice3A_749 = vector.extract_strided_slice %get3A_596 {offsets = [4], sizes = [1], strides = [1]} : vector<16xi32> to vector<1xi32>
      %squeeze3A_750 = vector.extract %slice3A_749[0] : i32 from vector<1xi32>
      %and3A_751 = arith.constant -128 : i32
      %and3A_752 = arith.andi %squeeze3A_750, %and3A_751 : i32
      %multiple_of3A_753 = tpu.assume_multiple %and3A_752, 128 : i32
      %slice3A_754 = vector.extract_strided_slice %get3A_598 {offsets = [4], sizes = [1], strides = [1]} : vector<16xi32> to vector<1xi32>
      %squeeze3A_755 = vector.extract %slice3A_754[0] : i32 from vector<1xi32>
      %and3A_756 = arith.constant -128 : i32
      %and3A_757 = arith.andi %squeeze3A_755, %and3A_756 : i32
      %multiple_of3A_758 = tpu.assume_multiple %and3A_757, 128 : i32
      %dma_start3A_759 = arith.constant 4 : i32
      %dma_start3A_760 = arith.constant 0 : i32
      %dma_start3A_761 = arith.constant 0 : i32
      %dma_start3A_762 = tpu.memref_slice %arg11[%dma_start3A_759, %dma_start3A_760, %dma_start3A_761] : memref<16x8x128xf32, #tpu.memory_space<vmem>> -> memref<1x8x128xf32, #tpu.memory_space<vmem>>
      %dma_start3A_763 = tpu.memref_squeeze %dma_start3A_762 : memref<1x8x128xf32, #tpu.memory_space<vmem>> -> memref<8x128xf32, #tpu.memory_space<vmem>>
      %dma_start3A_764 = arith.constant 8 : i32
      %dma_start3A_765 = tpu.memref_slice %arg4[%dma_start3A_764, %multiple_of3A_753] : memref<16x1000000xf32, #tpu.memory_space<hbm>> -> memref<8x128xf32, #tpu.memory_space<hbm>>
      %dma_start3A_766 = arith.constant 0 : i32
      %dma_start3A_767 = arith.constant 0 : i32
      %dma_start3A_768 = tpu.memref_slice %arg11[%dma_start3A_759, %dma_start3A_766, %dma_start3A_767] : memref<16x8x128xf32, #tpu.memory_space<vmem>> -> memref<1x8x128xf32, #tpu.memory_space<vmem>>
      %dma_start3A_769 = tpu.memref_squeeze %dma_start3A_768 : memref<1x8x128xf32, #tpu.memory_space<vmem>> -> memref<8x128xf32, #tpu.memory_space<vmem>>
      %dma_start3A_770 = arith.constant 8 : i32
      %dma_start3A_771 = tpu.memref_slice %arg4[%dma_start3A_770, %multiple_of3A_753] : memref<16x1000000xf32, #tpu.memory_space<hbm>> -> memref<8x128xf32, #tpu.memory_space<hbm>>
      tpu.enqueue_dma source(%dma_start3A_771 : memref<8x128xf32, #tpu.memory_space<hbm>>) target(%dma_start3A_769 : memref<8x128xf32, #tpu.memory_space<vmem>>) target_semaphore(%arg16 : memref<!tpu.dma_semaphore, #tpu.memory_space<semaphore_mem>>)
      %dma_start3A_772 = arith.constant 4 : i32
      %dma_start3A_773 = arith.constant 0 : i32
      %dma_start3A_774 = arith.constant 0 : i32
      %dma_start3A_775 = tpu.memref_slice %arg12[%dma_start3A_772, %dma_start3A_773, %dma_start3A_774] : memref<16x8x128xf32, #tpu.memory_space<vmem>> -> memref<1x8x128xf32, #tpu.memory_space<vmem>>
      %dma_start3A_776 = tpu.memref_squeeze %dma_start3A_775 : memref<1x8x128xf32, #tpu.memory_space<vmem>> -> memref<8x128xf32, #tpu.memory_space<vmem>>
      %dma_start3A_777 = arith.constant 8 : i32
      %dma_start3A_778 = tpu.memref_slice %arg5[%dma_start3A_777, %multiple_of3A_758] : memref<16x1000000xf32, #tpu.memory_space<hbm>> -> memref<8x128xf32, #tpu.memory_space<hbm>>
      %dma_start3A_779 = arith.constant 0 : i32
      %dma_start3A_780 = arith.constant 0 : i32
      %dma_start3A_781 = tpu.memref_slice %arg12[%dma_start3A_772, %dma_start3A_779, %dma_start3A_780] : memref<16x8x128xf32, #tpu.memory_space<vmem>> -> memref<1x8x128xf32, #tpu.memory_space<vmem>>
      %dma_start3A_782 = tpu.memref_squeeze %dma_start3A_781 : memref<1x8x128xf32, #tpu.memory_space<vmem>> -> memref<8x128xf32, #tpu.memory_space<vmem>>
      %dma_start3A_783 = arith.constant 8 : i32
      %dma_start3A_784 = tpu.memref_slice %arg5[%dma_start3A_783, %multiple_of3A_758] : memref<16x1000000xf32, #tpu.memory_space<hbm>> -> memref<8x128xf32, #tpu.memory_space<hbm>>
      tpu.enqueue_dma source(%dma_start3A_784 : memref<8x128xf32, #tpu.memory_space<hbm>>) target(%dma_start3A_782 : memref<8x128xf32, #tpu.memory_space<vmem>>) target_semaphore(%arg16 : memref<!tpu.dma_semaphore, #tpu.memory_space<semaphore_mem>>)
      %slice3A_785 = vector.extract_strided_slice %get3A_596 {offsets = [5], sizes = [1], strides = [1]} : vector<16xi32> to vector<1xi32>
      %squeeze3A_786 = vector.extract %slice3A_785[0] : i32 from vector<1xi32>
      %and3A_787 = arith.constant -128 : i32
      %and3A_788 = arith.andi %squeeze3A_786, %and3A_787 : i32
      %multiple_of3A_789 = tpu.assume_multiple %and3A_788, 128 : i32
      %slice3A_790 = vector.extract_strided_slice %get3A_598 {offsets = [5], sizes = [1], strides = [1]} : vector<16xi32> to vector<1xi32>
      %squeeze3A_791 = vector.extract %slice3A_790[0] : i32 from vector<1xi32>
      %and3A_792 = arith.constant -128 : i32
      %and3A_793 = arith.andi %squeeze3A_791, %and3A_792 : i32
      %multiple_of3A_794 = tpu.assume_multiple %and3A_793, 128 : i32
      %dma_start3A_795 = arith.constant 5 : i32
      %dma_start3A_796 = arith.constant 0 : i32
      %dma_start3A_797 = arith.constant 0 : i32
      %dma_start3A_798 = tpu.memref_slice %arg11[%dma_start3A_795, %dma_start3A_796, %dma_start3A_797] : memref<16x8x128xf32, #tpu.memory_space<vmem>> -> memref<1x8x128xf32, #tpu.memory_space<vmem>>
      %dma_start3A_799 = tpu.memref_squeeze %dma_start3A_798 : memref<1x8x128xf32, #tpu.memory_space<vmem>> -> memref<8x128xf32, #tpu.memory_space<vmem>>
      %dma_start3A_800 = arith.constant 8 : i32
      %dma_start3A_801 = tpu.memref_slice %arg4[%dma_start3A_800, %multiple_of3A_789] : memref<16x1000000xf32, #tpu.memory_space<hbm>> -> memref<8x128xf32, #tpu.memory_space<hbm>>
      %dma_start3A_802 = arith.constant 0 : i32
      %dma_start3A_803 = arith.constant 0 : i32
      %dma_start3A_804 = tpu.memref_slice %arg11[%dma_start3A_795, %dma_start3A_802, %dma_start3A_803] : memref<16x8x128xf32, #tpu.memory_space<vmem>> -> memref<1x8x128xf32, #tpu.memory_space<vmem>>
      %dma_start3A_805 = tpu.memref_squeeze %dma_start3A_804 : memref<1x8x128xf32, #tpu.memory_space<vmem>> -> memref<8x128xf32, #tpu.memory_space<vmem>>
      %dma_start3A_806 = arith.constant 8 : i32
      %dma_start3A_807 = tpu.memref_slice %arg4[%dma_start3A_806, %multiple_of3A_789] : memref<16x1000000xf32, #tpu.memory_space<hbm>> -> memref<8x128xf32, #tpu.memory_space<hbm>>
      tpu.enqueue_dma source(%dma_start3A_807 : memref<8x128xf32, #tpu.memory_space<hbm>>) target(%dma_start3A_805 : memref<8x128xf32, #tpu.memory_space<vmem>>) target_semaphore(%arg16 : memref<!tpu.dma_semaphore, #tpu.memory_space<semaphore_mem>>)
      %dma_start3A_808 = arith.constant 5 : i32
      %dma_start3A_809 = arith.constant 0 : i32
      %dma_start3A_810 = arith.constant 0 : i32
      %dma_start3A_811 = tpu.memref_slice %arg12[%dma_start3A_808, %dma_start3A_809, %dma_start3A_810] : memref<16x8x128xf32, #tpu.memory_space<vmem>> -> memref<1x8x128xf32, #tpu.memory_space<vmem>>
      %dma_start3A_812 = tpu.memref_squeeze %dma_start3A_811 : memref<1x8x128xf32, #tpu.memory_space<vmem>> -> memref<8x128xf32, #tpu.memory_space<vmem>>
      %dma_start3A_813 = arith.constant 8 : i32
      %dma_start3A_814 = tpu.memref_slice %arg5[%dma_start3A_813, %multiple_of3A_794] : memref<16x1000000xf32, #tpu.memory_space<hbm>> -> memref<8x128xf32, #tpu.memory_space<hbm>>
      %dma_start3A_815 = arith.constant 0 : i32
      %dma_start3A_816 = arith.constant 0 : i32
      %dma_start3A_817 = tpu.memref_slice %arg12[%dma_start3A_808, %dma_start3A_815, %dma_start3A_816] : memref<16x8x128xf32, #tpu.memory_space<vmem>> -> memref<1x8x128xf32, #tpu.memory_space<vmem>>
      %dma_start3A_818 = tpu.memref_squeeze %dma_start3A_817 : memref<1x8x128xf32, #tpu.memory_space<vmem>> -> memref<8x128xf32, #tpu.memory_space<vmem>>
      %dma_start3A_819 = arith.constant 8 : i32
      %dma_start3A_820 = tpu.memref_slice %arg5[%dma_start3A_819, %multiple_of3A_794] : memref<16x1000000xf32, #tpu.memory_space<hbm>> -> memref<8x128xf32, #tpu.memory_space<hbm>>
      tpu.enqueue_dma source(%dma_start3A_820 : memref<8x128xf32, #tpu.memory_space<hbm>>) target(%dma_start3A_818 : memref<8x128xf32, #tpu.memory_space<vmem>>) target_semaphore(%arg16 : memref<!tpu.dma_semaphore, #tpu.memory_space<semaphore_mem>>)
      %slice3A_821 = vector.extract_strided_slice %get3A_596 {offsets = [6], sizes = [1], strides = [1]} : vector<16xi32> to vector<1xi32>
      %squeeze3A_822 = vector.extract %slice3A_821[0] : i32 from vector<1xi32>
      %and3A_823 = arith.constant -128 : i32
      %and3A_824 = arith.andi %squeeze3A_822, %and3A_823 : i32
      %multiple_of3A_825 = tpu.assume_multiple %and3A_824, 128 : i32
      %slice3A_826 = vector.extract_strided_slice %get3A_598 {offsets = [6], sizes = [1], strides = [1]} : vector<16xi32> to vector<1xi32>
      %squeeze3A_827 = vector.extract %slice3A_826[0] : i32 from vector<1xi32>
      %and3A_828 = arith.constant -128 : i32
      %and3A_829 = arith.andi %squeeze3A_827, %and3A_828 : i32
      %multiple_of3A_830 = tpu.assume_multiple %and3A_829, 128 : i32
      %dma_start3A_831 = arith.constant 6 : i32
      %dma_start3A_832 = arith.constant 0 : i32
      %dma_start3A_833 = arith.constant 0 : i32
      %dma_start3A_834 = tpu.memref_slice %arg11[%dma_start3A_831, %dma_start3A_832, %dma_start3A_833] : memref<16x8x128xf32, #tpu.memory_space<vmem>> -> memref<1x8x128xf32, #tpu.memory_space<vmem>>
      %dma_start3A_835 = tpu.memref_squeeze %dma_start3A_834 : memref<1x8x128xf32, #tpu.memory_space<vmem>> -> memref<8x128xf32, #tpu.memory_space<vmem>>
      %dma_start3A_836 = arith.constant 8 : i32
      %dma_start3A_837 = tpu.memref_slice %arg4[%dma_start3A_836, %multiple_of3A_825] : memref<16x1000000xf32, #tpu.memory_space<hbm>> -> memref<8x128xf32, #tpu.memory_space<hbm>>
      %dma_start3A_838 = arith.constant 0 : i32
      %dma_start3A_839 = arith.constant 0 : i32
      %dma_start3A_840 = tpu.memref_slice %arg11[%dma_start3A_831, %dma_start3A_838, %dma_start3A_839] : memref<16x8x128xf32, #tpu.memory_space<vmem>> -> memref<1x8x128xf32, #tpu.memory_space<vmem>>
      %dma_start3A_841 = tpu.memref_squeeze %dma_start3A_840 : memref<1x8x128xf32, #tpu.memory_space<vmem>> -> memref<8x128xf32, #tpu.memory_space<vmem>>
      %dma_start3A_842 = arith.constant 8 : i32
      %dma_start3A_843 = tpu.memref_slice %arg4[%dma_start3A_842, %multiple_of3A_825] : memref<16x1000000xf32, #tpu.memory_space<hbm>> -> memref<8x128xf32, #tpu.memory_space<hbm>>
      tpu.enqueue_dma source(%dma_start3A_843 : memref<8x128xf32, #tpu.memory_space<hbm>>) target(%dma_start3A_841 : memref<8x128xf32, #tpu.memory_space<vmem>>) target_semaphore(%arg16 : memref<!tpu.dma_semaphore, #tpu.memory_space<semaphore_mem>>)
      %dma_start3A_844 = arith.constant 6 : i32
      %dma_start3A_845 = arith.constant 0 : i32
      %dma_start3A_846 = arith.constant 0 : i32
      %dma_start3A_847 = tpu.memref_slice %arg12[%dma_start3A_844, %dma_start3A_845, %dma_start3A_846] : memref<16x8x128xf32, #tpu.memory_space<vmem>> -> memref<1x8x128xf32, #tpu.memory_space<vmem>>
      %dma_start3A_848 = tpu.memref_squeeze %dma_start3A_847 : memref<1x8x128xf32, #tpu.memory_space<vmem>> -> memref<8x128xf32, #tpu.memory_space<vmem>>
      %dma_start3A_849 = arith.constant 8 : i32
      %dma_start3A_850 = tpu.memref_slice %arg5[%dma_start3A_849, %multiple_of3A_830] : memref<16x1000000xf32, #tpu.memory_space<hbm>> -> memref<8x128xf32, #tpu.memory_space<hbm>>
      %dma_start3A_851 = arith.constant 0 : i32
      %dma_start3A_852 = arith.constant 0 : i32
      %dma_start3A_853 = tpu.memref_slice %arg12[%dma_start3A_844, %dma_start3A_851, %dma_start3A_852] : memref<16x8x128xf32, #tpu.memory_space<vmem>> -> memref<1x8x128xf32, #tpu.memory_space<vmem>>
      %dma_start3A_854 = tpu.memref_squeeze %dma_start3A_853 : memref<1x8x128xf32, #tpu.memory_space<vmem>> -> memref<8x128xf32, #tpu.memory_space<vmem>>
      %dma_start3A_855 = arith.constant 8 : i32
      %dma_start3A_856 = tpu.memref_slice %arg5[%dma_start3A_855, %multiple_of3A_830] : memref<16x1000000xf32, #tpu.memory_space<hbm>> -> memref<8x128xf32, #tpu.memory_space<hbm>>
      tpu.enqueue_dma source(%dma_start3A_856 : memref<8x128xf32, #tpu.memory_space<hbm>>) target(%dma_start3A_854 : memref<8x128xf32, #tpu.memory_space<vmem>>) target_semaphore(%arg16 : memref<!tpu.dma_semaphore, #tpu.memory_space<semaphore_mem>>)
      %slice3A_857 = vector.extract_strided_slice %get3A_596 {offsets = [7], sizes = [1], strides = [1]} : vector<16xi32> to vector<1xi32>
      %squeeze3A_858 = vector.extract %slice3A_857[0] : i32 from vector<1xi32>
      %and3A_859 = arith.constant -128 : i32
      %and3A_860 = arith.andi %squeeze3A_858, %and3A_859 : i32
      %multiple_of3A_861 = tpu.assume_multiple %and3A_860, 128 : i32
      %slice3A_862 = vector.extract_strided_slice %get3A_598 {offsets = [7], sizes = [1], strides = [1]} : vector<16xi32> to vector<1xi32>
      %squeeze3A_863 = vector.extract %slice3A_862[0] : i32 from vector<1xi32>
      %and3A_864 = arith.constant -128 : i32
      %and3A_865 = arith.andi %squeeze3A_863, %and3A_864 : i32
      %multiple_of3A_866 = tpu.assume_multiple %and3A_865, 128 : i32
      %dma_start3A_867 = arith.constant 7 : i32
      %dma_start3A_868 = arith.constant 0 : i32
      %dma_start3A_869 = arith.constant 0 : i32
      %dma_start3A_870 = tpu.memref_slice %arg11[%dma_start3A_867, %dma_start3A_868, %dma_start3A_869] : memref<16x8x128xf32, #tpu.memory_space<vmem>> -> memref<1x8x128xf32, #tpu.memory_space<vmem>>
      %dma_start3A_871 = tpu.memref_squeeze %dma_start3A_870 : memref<1x8x128xf32, #tpu.memory_space<vmem>> -> memref<8x128xf32, #tpu.memory_space<vmem>>
      %dma_start3A_872 = arith.constant 8 : i32
      %dma_start3A_873 = tpu.memref_slice %arg4[%dma_start3A_872, %multiple_of3A_861] : memref<16x1000000xf32, #tpu.memory_space<hbm>> -> memref<8x128xf32, #tpu.memory_space<hbm>>
      %dma_start3A_874 = arith.constant 0 : i32
      %dma_start3A_875 = arith.constant 0 : i32
      %dma_start3A_876 = tpu.memref_slice %arg11[%dma_start3A_867, %dma_start3A_874, %dma_start3A_875] : memref<16x8x128xf32, #tpu.memory_space<vmem>> -> memref<1x8x128xf32, #tpu.memory_space<vmem>>
      %dma_start3A_877 = tpu.memref_squeeze %dma_start3A_876 : memref<1x8x128xf32, #tpu.memory_space<vmem>> -> memref<8x128xf32, #tpu.memory_space<vmem>>
      %dma_start3A_878 = arith.constant 8 : i32
      %dma_start3A_879 = tpu.memref_slice %arg4[%dma_start3A_878, %multiple_of3A_861] : memref<16x1000000xf32, #tpu.memory_space<hbm>> -> memref<8x128xf32, #tpu.memory_space<hbm>>
      tpu.enqueue_dma source(%dma_start3A_879 : memref<8x128xf32, #tpu.memory_space<hbm>>) target(%dma_start3A_877 : memref<8x128xf32, #tpu.memory_space<vmem>>) target_semaphore(%arg16 : memref<!tpu.dma_semaphore, #tpu.memory_space<semaphore_mem>>)
      %dma_start3A_880 = arith.constant 7 : i32
      %dma_start3A_881 = arith.constant 0 : i32
      %dma_start3A_882 = arith.constant 0 : i32
      %dma_start3A_883 = tpu.memref_slice %arg12[%dma_start3A_880, %dma_start3A_881, %dma_start3A_882] : memref<16x8x128xf32, #tpu.memory_space<vmem>> -> memref<1x8x128xf32, #tpu.memory_space<vmem>>
      %dma_start3A_884 = tpu.memref_squeeze %dma_start3A_883 : memref<1x8x128xf32, #tpu.memory_space<vmem>> -> memref<8x128xf32, #tpu.memory_space<vmem>>
      %dma_start3A_885 = arith.constant 8 : i32
      %dma_start3A_886 = tpu.memref_slice %arg5[%dma_start3A_885, %multiple_of3A_866] : memref<16x1000000xf32, #tpu.memory_space<hbm>> -> memref<8x128xf32, #tpu.memory_space<hbm>>
      %dma_start3A_887 = arith.constant 0 : i32
      %dma_start3A_888 = arith.constant 0 : i32
      %dma_start3A_889 = tpu.memref_slice %arg12[%dma_start3A_880, %dma_start3A_887, %dma_start3A_888] : memref<16x8x128xf32, #tpu.memory_space<vmem>> -> memref<1x8x128xf32, #tpu.memory_space<vmem>>
      %dma_start3A_890 = tpu.memref_squeeze %dma_start3A_889 : memref<1x8x128xf32, #tpu.memory_space<vmem>> -> memref<8x128xf32, #tpu.memory_space<vmem>>
      %dma_start3A_891 = arith.constant 8 : i32
      %dma_start3A_892 = tpu.memref_slice %arg5[%dma_start3A_891, %multiple_of3A_866] : memref<16x1000000xf32, #tpu.memory_space<hbm>> -> memref<8x128xf32, #tpu.memory_space<hbm>>
      tpu.enqueue_dma source(%dma_start3A_892 : memref<8x128xf32, #tpu.memory_space<hbm>>) target(%dma_start3A_890 : memref<8x128xf32, #tpu.memory_space<vmem>>) target_semaphore(%arg16 : memref<!tpu.dma_semaphore, #tpu.memory_space<semaphore_mem>>)
      %slice3A_893 = vector.extract_strided_slice %get3A_596 {offsets = [8], sizes = [1], strides = [1]} : vector<16xi32> to vector<1xi32>
      %squeeze3A_894 = vector.extract %slice3A_893[0] : i32 from vector<1xi32>
      %and3A_895 = arith.constant -128 : i32
      %and3A_896 = arith.andi %squeeze3A_894, %and3A_895 : i32
      %multiple_of3A_897 = tpu.assume_multiple %and3A_896, 128 : i32
      %slice3A_898 = vector.extract_strided_slice %get3A_598 {offsets = [8], sizes = [1], strides = [1]} : vector<16xi32> to vector<1xi32>
      %squeeze3A_899 = vector.extract %slice3A_898[0] : i32 from vector<1xi32>
      %and3A_900 = arith.constant -128 : i32
      %and3A_901 = arith.andi %squeeze3A_899, %and3A_900 : i32
      %multiple_of3A_902 = tpu.assume_multiple %and3A_901, 128 : i32
      %dma_start3A_903 = arith.constant 8 : i32
      %dma_start3A_904 = arith.constant 0 : i32
      %dma_start3A_905 = arith.constant 0 : i32
      %dma_start3A_906 = tpu.memref_slice %arg11[%dma_start3A_903, %dma_start3A_904, %dma_start3A_905] : memref<16x8x128xf32, #tpu.memory_space<vmem>> -> memref<1x8x128xf32, #tpu.memory_space<vmem>>
      %dma_start3A_907 = tpu.memref_squeeze %dma_start3A_906 : memref<1x8x128xf32, #tpu.memory_space<vmem>> -> memref<8x128xf32, #tpu.memory_space<vmem>>
      %dma_start3A_908 = arith.constant 8 : i32
      %dma_start3A_909 = tpu.memref_slice %arg4[%dma_start3A_908, %multiple_of3A_897] : memref<16x1000000xf32, #tpu.memory_space<hbm>> -> memref<8x128xf32, #tpu.memory_space<hbm>>
      %dma_start3A_910 = arith.constant 0 : i32
      %dma_start3A_911 = arith.constant 0 : i32
      %dma_start3A_912 = tpu.memref_slice %arg11[%dma_start3A_903, %dma_start3A_910, %dma_start3A_911] : memref<16x8x128xf32, #tpu.memory_space<vmem>> -> memref<1x8x128xf32, #tpu.memory_space<vmem>>
      %dma_start3A_913 = tpu.memref_squeeze %dma_start3A_912 : memref<1x8x128xf32, #tpu.memory_space<vmem>> -> memref<8x128xf32, #tpu.memory_space<vmem>>
      %dma_start3A_914 = arith.constant 8 : i32
      %dma_start3A_915 = tpu.memref_slice %arg4[%dma_start3A_914, %multiple_of3A_897] : memref<16x1000000xf32, #tpu.memory_space<hbm>> -> memref<8x128xf32, #tpu.memory_space<hbm>>
      tpu.enqueue_dma source(%dma_start3A_915 : memref<8x128xf32, #tpu.memory_space<hbm>>) target(%dma_start3A_913 : memref<8x128xf32, #tpu.memory_space<vmem>>) target_semaphore(%arg16 : memref<!tpu.dma_semaphore, #tpu.memory_space<semaphore_mem>>)
      %dma_start3A_916 = arith.constant 8 : i32
      %dma_start3A_917 = arith.constant 0 : i32
      %dma_start3A_918 = arith.constant 0 : i32
      %dma_start3A_919 = tpu.memref_slice %arg12[%dma_start3A_916, %dma_start3A_917, %dma_start3A_918] : memref<16x8x128xf32, #tpu.memory_space<vmem>> -> memref<1x8x128xf32, #tpu.memory_space<vmem>>
      %dma_start3A_920 = tpu.memref_squeeze %dma_start3A_919 : memref<1x8x128xf32, #tpu.memory_space<vmem>> -> memref<8x128xf32, #tpu.memory_space<vmem>>
      %dma_start3A_921 = arith.constant 8 : i32
      %dma_start3A_922 = tpu.memref_slice %arg5[%dma_start3A_921, %multiple_of3A_902] : memref<16x1000000xf32, #tpu.memory_space<hbm>> -> memref<8x128xf32, #tpu.memory_space<hbm>>
      %dma_start3A_923 = arith.constant 0 : i32
      %dma_start3A_924 = arith.constant 0 : i32
      %dma_start3A_925 = tpu.memref_slice %arg12[%dma_start3A_916, %dma_start3A_923, %dma_start3A_924] : memref<16x8x128xf32, #tpu.memory_space<vmem>> -> memref<1x8x128xf32, #tpu.memory_space<vmem>>
      %dma_start3A_926 = tpu.memref_squeeze %dma_start3A_925 : memref<1x8x128xf32, #tpu.memory_space<vmem>> -> memref<8x128xf32, #tpu.memory_space<vmem>>
      %dma_start3A_927 = arith.constant 8 : i32
      %dma_start3A_928 = tpu.memref_slice %arg5[%dma_start3A_927, %multiple_of3A_902] : memref<16x1000000xf32, #tpu.memory_space<hbm>> -> memref<8x128xf32, #tpu.memory_space<hbm>>
      tpu.enqueue_dma source(%dma_start3A_928 : memref<8x128xf32, #tpu.memory_space<hbm>>) target(%dma_start3A_926 : memref<8x128xf32, #tpu.memory_space<vmem>>) target_semaphore(%arg16 : memref<!tpu.dma_semaphore, #tpu.memory_space<semaphore_mem>>)
      %slice3A_929 = vector.extract_strided_slice %get3A_596 {offsets = [9], sizes = [1], strides = [1]} : vector<16xi32> to vector<1xi32>
      %squeeze3A_930 = vector.extract %slice3A_929[0] : i32 from vector<1xi32>
      %and3A_931 = arith.constant -128 : i32
      %and3A_932 = arith.andi %squeeze3A_930, %and3A_931 : i32
      %multiple_of3A_933 = tpu.assume_multiple %and3A_932, 128 : i32
      %slice3A_934 = vector.extract_strided_slice %get3A_598 {offsets = [9], sizes = [1], strides = [1]} : vector<16xi32> to vector<1xi32>
      %squeeze3A_935 = vector.extract %slice3A_934[0] : i32 from vector<1xi32>
      %and3A_936 = arith.constant -128 : i32
      %and3A_937 = arith.andi %squeeze3A_935, %and3A_936 : i32
      %multiple_of3A_938 = tpu.assume_multiple %and3A_937, 128 : i32
      %dma_start3A_939 = arith.constant 9 : i32
      %dma_start3A_940 = arith.constant 0 : i32
      %dma_start3A_941 = arith.constant 0 : i32
      %dma_start3A_942 = tpu.memref_slice %arg11[%dma_start3A_939, %dma_start3A_940, %dma_start3A_941] : memref<16x8x128xf32, #tpu.memory_space<vmem>> -> memref<1x8x128xf32, #tpu.memory_space<vmem>>
      %dma_start3A_943 = tpu.memref_squeeze %dma_start3A_942 : memref<1x8x128xf32, #tpu.memory_space<vmem>> -> memref<8x128xf32, #tpu.memory_space<vmem>>
      %dma_start3A_944 = arith.constant 8 : i32
      %dma_start3A_945 = tpu.memref_slice %arg4[%dma_start3A_944, %multiple_of3A_933] : memref<16x1000000xf32, #tpu.memory_space<hbm>> -> memref<8x128xf32, #tpu.memory_space<hbm>>
      %dma_start3A_946 = arith.constant 0 : i32
      %dma_start3A_947 = arith.constant 0 : i32
      %dma_start3A_948 = tpu.memref_slice %arg11[%dma_start3A_939, %dma_start3A_946, %dma_start3A_947] : memref<16x8x128xf32, #tpu.memory_space<vmem>> -> memref<1x8x128xf32, #tpu.memory_space<vmem>>
      %dma_start3A_949 = tpu.memref_squeeze %dma_start3A_948 : memref<1x8x128xf32, #tpu.memory_space<vmem>> -> memref<8x128xf32, #tpu.memory_space<vmem>>
      %dma_start3A_950 = arith.constant 8 : i32
      %dma_start3A_951 = tpu.memref_slice %arg4[%dma_start3A_950, %multiple_of3A_933] : memref<16x1000000xf32, #tpu.memory_space<hbm>> -> memref<8x128xf32, #tpu.memory_space<hbm>>
      tpu.enqueue_dma source(%dma_start3A_951 : memref<8x128xf32, #tpu.memory_space<hbm>>) target(%dma_start3A_949 : memref<8x128xf32, #tpu.memory_space<vmem>>) target_semaphore(%arg16 : memref<!tpu.dma_semaphore, #tpu.memory_space<semaphore_mem>>)
      %dma_start3A_952 = arith.constant 9 : i32
      %dma_start3A_953 = arith.constant 0 : i32
      %dma_start3A_954 = arith.constant 0 : i32
      %dma_start3A_955 = tpu.memref_slice %arg12[%dma_start3A_952, %dma_start3A_953, %dma_start3A_954] : memref<16x8x128xf32, #tpu.memory_space<vmem>> -> memref<1x8x128xf32, #tpu.memory_space<vmem>>
      %dma_start3A_956 = tpu.memref_squeeze %dma_start3A_955 : memref<1x8x128xf32, #tpu.memory_space<vmem>> -> memref<8x128xf32, #tpu.memory_space<vmem>>
      %dma_start3A_957 = arith.constant 8 : i32
      %dma_start3A_958 = tpu.memref_slice %arg5[%dma_start3A_957, %multiple_of3A_938] : memref<16x1000000xf32, #tpu.memory_space<hbm>> -> memref<8x128xf32, #tpu.memory_space<hbm>>
      %dma_start3A_959 = arith.constant 0 : i32
      %dma_start3A_960 = arith.constant 0 : i32
      %dma_start3A_961 = tpu.memref_slice %arg12[%dma_start3A_952, %dma_start3A_959, %dma_start3A_960] : memref<16x8x128xf32, #tpu.memory_space<vmem>> -> memref<1x8x128xf32, #tpu.memory_space<vmem>>
      %dma_start3A_962 = tpu.memref_squeeze %dma_start3A_961 : memref<1x8x128xf32, #tpu.memory_space<vmem>> -> memref<8x128xf32, #tpu.memory_space<vmem>>
      %dma_start3A_963 = arith.constant 8 : i32
      %dma_start3A_964 = tpu.memref_slice %arg5[%dma_start3A_963, %multiple_of3A_938] : memref<16x1000000xf32, #tpu.memory_space<hbm>> -> memref<8x128xf32, #tpu.memory_space<hbm>>
      tpu.enqueue_dma source(%dma_start3A_964 : memref<8x128xf32, #tpu.memory_space<hbm>>) target(%dma_start3A_962 : memref<8x128xf32, #tpu.memory_space<vmem>>) target_semaphore(%arg16 : memref<!tpu.dma_semaphore, #tpu.memory_space<semaphore_mem>>)
      %slice3A_965 = vector.extract_strided_slice %get3A_596 {offsets = [10], sizes = [1], strides = [1]} : vector<16xi32> to vector<1xi32>
      %squeeze3A_966 = vector.extract %slice3A_965[0] : i32 from vector<1xi32>
      %and3A_967 = arith.constant -128 : i32
      %and3A_968 = arith.andi %squeeze3A_966, %and3A_967 : i32
      %multiple_of3A_969 = tpu.assume_multiple %and3A_968, 128 : i32
      %slice3A_970 = vector.extract_strided_slice %get3A_598 {offsets = [10], sizes = [1], strides = [1]} : vector<16xi32> to vector<1xi32>
      %squeeze3A_971 = vector.extract %slice3A_970[0] : i32 from vector<1xi32>
      %and3A_972 = arith.constant -128 : i32
      %and3A_973 = arith.andi %squeeze3A_971, %and3A_972 : i32
      %multiple_of3A_974 = tpu.assume_multiple %and3A_973, 128 : i32
      %dma_start3A_975 = arith.constant 10 : i32
      %dma_start3A_976 = arith.constant 0 : i32
      %dma_start3A_977 = arith.constant 0 : i32
      %dma_start3A_978 = tpu.memref_slice %arg11[%dma_start3A_975, %dma_start3A_976, %dma_start3A_977] : memref<16x8x128xf32, #tpu.memory_space<vmem>> -> memref<1x8x128xf32, #tpu.memory_space<vmem>>
      %dma_start3A_979 = tpu.memref_squeeze %dma_start3A_978 : memref<1x8x128xf32, #tpu.memory_space<vmem>> -> memref<8x128xf32, #tpu.memory_space<vmem>>
      %dma_start3A_980 = arith.constant 8 : i32
      %dma_start3A_981 = tpu.memref_slice %arg4[%dma_start3A_980, %multiple_of3A_969] : memref<16x1000000xf32, #tpu.memory_space<hbm>> -> memref<8x128xf32, #tpu.memory_space<hbm>>
      %dma_start3A_982 = arith.constant 0 : i32
      %dma_start3A_983 = arith.constant 0 : i32
      %dma_start3A_984 = tpu.memref_slice %arg11[%dma_start3A_975, %dma_start3A_982, %dma_start3A_983] : memref<16x8x128xf32, #tpu.memory_space<vmem>> -> memref<1x8x128xf32, #tpu.memory_space<vmem>>
      %dma_start3A_985 = tpu.memref_squeeze %dma_start3A_984 : memref<1x8x128xf32, #tpu.memory_space<vmem>> -> memref<8x128xf32, #tpu.memory_space<vmem>>
      %dma_start3A_986 = arith.constant 8 : i32
      %dma_start3A_987 = tpu.memref_slice %arg4[%dma_start3A_986, %multiple_of3A_969] : memref<16x1000000xf32, #tpu.memory_space<hbm>> -> memref<8x128xf32, #tpu.memory_space<hbm>>
      tpu.enqueue_dma source(%dma_start3A_987 : memref<8x128xf32, #tpu.memory_space<hbm>>) target(%dma_start3A_985 : memref<8x128xf32, #tpu.memory_space<vmem>>) target_semaphore(%arg16 : memref<!tpu.dma_semaphore, #tpu.memory_space<semaphore_mem>>)
      %dma_start3A_988 = arith.constant 10 : i32
      %dma_start3A_989 = arith.constant 0 : i32
      %dma_start3A_990 = arith.constant 0 : i32
      %dma_start3A_991 = tpu.memref_slice %arg12[%dma_start3A_988, %dma_start3A_989, %dma_start3A_990] : memref<16x8x128xf32, #tpu.memory_space<vmem>> -> memref<1x8x128xf32, #tpu.memory_space<vmem>>
      %dma_start3A_992 = tpu.memref_squeeze %dma_start3A_991 : memref<1x8x128xf32, #tpu.memory_space<vmem>> -> memref<8x128xf32, #tpu.memory_space<vmem>>
      %dma_start3A_993 = arith.constant 8 : i32
      %dma_start3A_994 = tpu.memref_slice %arg5[%dma_start3A_993, %multiple_of3A_974] : memref<16x1000000xf32, #tpu.memory_space<hbm>> -> memref<8x128xf32, #tpu.memory_space<hbm>>
      %dma_start3A_995 = arith.constant 0 : i32
      %dma_start3A_996 = arith.constant 0 : i32
      %dma_start3A_997 = tpu.memref_slice %arg12[%dma_start3A_988, %dma_start3A_995, %dma_start3A_996] : memref<16x8x128xf32, #tpu.memory_space<vmem>> -> memref<1x8x128xf32, #tpu.memory_space<vmem>>
      %dma_start3A_998 = tpu.memref_squeeze %dma_start3A_997 : memref<1x8x128xf32, #tpu.memory_space<vmem>> -> memref<8x128xf32, #tpu.memory_space<vmem>>
      %dma_start3A_999 = arith.constant 8 : i32
      %dma_start3A_1000 = tpu.memref_slice %arg5[%dma_start3A_999, %multiple_of3A_974] : memref<16x1000000xf32, #tpu.memory_space<hbm>> -> memref<8x128xf32, #tpu.memory_space<hbm>>
      tpu.enqueue_dma source(%dma_start3A_1000 : memref<8x128xf32, #tpu.memory_space<hbm>>) target(%dma_start3A_998 : memref<8x128xf32, #tpu.memory_space<vmem>>) target_semaphore(%arg16 : memref<!tpu.dma_semaphore, #tpu.memory_space<semaphore_mem>>)
      %slice3A_1001 = vector.extract_strided_slice %get3A_596 {offsets = [11], sizes = [1], strides = [1]} : vector<16xi32> to vector<1xi32>
      %squeeze3A_1002 = vector.extract %slice3A_1001[0] : i32 from vector<1xi32>
      %and3A_1003 = arith.constant -128 : i32
      %and3A_1004 = arith.andi %squeeze3A_1002, %and3A_1003 : i32
      %multiple_of3A_1005 = tpu.assume_multiple %and3A_1004, 128 : i32
      %slice3A_1006 = vector.extract_strided_slice %get3A_598 {offsets = [11], sizes = [1], strides = [1]} : vector<16xi32> to vector<1xi32>
      %squeeze3A_1007 = vector.extract %slice3A_1006[0] : i32 from vector<1xi32>
      %and3A_1008 = arith.constant -128 : i32
      %and3A_1009 = arith.andi %squeeze3A_1007, %and3A_1008 : i32
      %multiple_of3A_1010 = tpu.assume_multiple %and3A_1009, 128 : i32
      %dma_start3A_1011 = arith.constant 11 : i32
      %dma_start3A_1012 = arith.constant 0 : i32
      %dma_start3A_1013 = arith.constant 0 : i32
      %dma_start3A_1014 = tpu.memref_slice %arg11[%dma_start3A_1011, %dma_start3A_1012, %dma_start3A_1013] : memref<16x8x128xf32, #tpu.memory_space<vmem>> -> memref<1x8x128xf32, #tpu.memory_space<vmem>>
      %dma_start3A_1015 = tpu.memref_squeeze %dma_start3A_1014 : memref<1x8x128xf32, #tpu.memory_space<vmem>> -> memref<8x128xf32, #tpu.memory_space<vmem>>
      %dma_start3A_1016 = arith.constant 8 : i32
      %dma_start3A_1017 = tpu.memref_slice %arg4[%dma_start3A_1016, %multiple_of3A_1005] : memref<16x1000000xf32, #tpu.memory_space<hbm>> -> memref<8x128xf32, #tpu.memory_space<hbm>>
      %dma_start3A_1018 = arith.constant 0 : i32
      %dma_start3A_1019 = arith.constant 0 : i32
      %dma_start3A_1020 = tpu.memref_slice %arg11[%dma_start3A_1011, %dma_start3A_1018, %dma_start3A_1019] : memref<16x8x128xf32, #tpu.memory_space<vmem>> -> memref<1x8x128xf32, #tpu.memory_space<vmem>>
      %dma_start3A_1021 = tpu.memref_squeeze %dma_start3A_1020 : memref<1x8x128xf32, #tpu.memory_space<vmem>> -> memref<8x128xf32, #tpu.memory_space<vmem>>
      %dma_start3A_1022 = arith.constant 8 : i32
      %dma_start3A_1023 = tpu.memref_slice %arg4[%dma_start3A_1022, %multiple_of3A_1005] : memref<16x1000000xf32, #tpu.memory_space<hbm>> -> memref<8x128xf32, #tpu.memory_space<hbm>>
      tpu.enqueue_dma source(%dma_start3A_1023 : memref<8x128xf32, #tpu.memory_space<hbm>>) target(%dma_start3A_1021 : memref<8x128xf32, #tpu.memory_space<vmem>>) target_semaphore(%arg16 : memref<!tpu.dma_semaphore, #tpu.memory_space<semaphore_mem>>)
      %dma_start3A_1024 = arith.constant 11 : i32
      %dma_start3A_1025 = arith.constant 0 : i32
      %dma_start3A_1026 = arith.constant 0 : i32
      %dma_start3A_1027 = tpu.memref_slice %arg12[%dma_start3A_1024, %dma_start3A_1025, %dma_start3A_1026] : memref<16x8x128xf32, #tpu.memory_space<vmem>> -> memref<1x8x128xf32, #tpu.memory_space<vmem>>
      %dma_start3A_1028 = tpu.memref_squeeze %dma_start3A_1027 : memref<1x8x128xf32, #tpu.memory_space<vmem>> -> memref<8x128xf32, #tpu.memory_space<vmem>>
      %dma_start3A_1029 = arith.constant 8 : i32
      %dma_start3A_1030 = tpu.memref_slice %arg5[%dma_start3A_1029, %multiple_of3A_1010] : memref<16x1000000xf32, #tpu.memory_space<hbm>> -> memref<8x128xf32, #tpu.memory_space<hbm>>
      %dma_start3A_1031 = arith.constant 0 : i32
      %dma_start3A_1032 = arith.constant 0 : i32
      %dma_start3A_1033 = tpu.memref_slice %arg12[%dma_start3A_1024, %dma_start3A_1031, %dma_start3A_1032] : memref<16x8x128xf32, #tpu.memory_space<vmem>> -> memref<1x8x128xf32, #tpu.memory_space<vmem>>
      %dma_start3A_1034 = tpu.memref_squeeze %dma_start3A_1033 : memref<1x8x128xf32, #tpu.memory_space<vmem>> -> memref<8x128xf32, #tpu.memory_space<vmem>>
      %dma_start3A_1035 = arith.constant 8 : i32
      %dma_start3A_1036 = tpu.memref_slice %arg5[%dma_start3A_1035, %multiple_of3A_1010] : memref<16x1000000xf32, #tpu.memory_space<hbm>> -> memref<8x128xf32, #tpu.memory_space<hbm>>
      tpu.enqueue_dma source(%dma_start3A_1036 : memref<8x128xf32, #tpu.memory_space<hbm>>) target(%dma_start3A_1034 : memref<8x128xf32, #tpu.memory_space<vmem>>) target_semaphore(%arg16 : memref<!tpu.dma_semaphore, #tpu.memory_space<semaphore_mem>>)
      %slice3A_1037 = vector.extract_strided_slice %get3A_596 {offsets = [12], sizes = [1], strides = [1]} : vector<16xi32> to vector<1xi32>
      %squeeze3A_1038 = vector.extract %slice3A_1037[0] : i32 from vector<1xi32>
      %and3A_1039 = arith.constant -128 : i32
      %and3A_1040 = arith.andi %squeeze3A_1038, %and3A_1039 : i32
      %multiple_of3A_1041 = tpu.assume_multiple %and3A_1040, 128 : i32
      %slice3A_1042 = vector.extract_strided_slice %get3A_598 {offsets = [12], sizes = [1], strides = [1]} : vector<16xi32> to vector<1xi32>
      %squeeze3A_1043 = vector.extract %slice3A_1042[0] : i32 from vector<1xi32>
      %and3A_1044 = arith.constant -128 : i32
      %and3A_1045 = arith.andi %squeeze3A_1043, %and3A_1044 : i32
      %multiple_of3A_1046 = tpu.assume_multiple %and3A_1045, 128 : i32
      %dma_start3A_1047 = arith.constant 12 : i32
      %dma_start3A_1048 = arith.constant 0 : i32
      %dma_start3A_1049 = arith.constant 0 : i32
      %dma_start3A_1050 = tpu.memref_slice %arg11[%dma_start3A_1047, %dma_start3A_1048, %dma_start3A_1049] : memref<16x8x128xf32, #tpu.memory_space<vmem>> -> memref<1x8x128xf32, #tpu.memory_space<vmem>>
      %dma_start3A_1051 = tpu.memref_squeeze %dma_start3A_1050 : memref<1x8x128xf32, #tpu.memory_space<vmem>> -> memref<8x128xf32, #tpu.memory_space<vmem>>
      %dma_start3A_1052 = arith.constant 8 : i32
      %dma_start3A_1053 = tpu.memref_slice %arg4[%dma_start3A_1052, %multiple_of3A_1041] : memref<16x1000000xf32, #tpu.memory_space<hbm>> -> memref<8x128xf32, #tpu.memory_space<hbm>>
      %dma_start3A_1054 = arith.constant 0 : i32
      %dma_start3A_1055 = arith.constant 0 : i32
      %dma_start3A_1056 = tpu.memref_slice %arg11[%dma_start3A_1047, %dma_start3A_1054, %dma_start3A_1055] : memref<16x8x128xf32, #tpu.memory_space<vmem>> -> memref<1x8x128xf32, #tpu.memory_space<vmem>>
      %dma_start3A_1057 = tpu.memref_squeeze %dma_start3A_1056 : memref<1x8x128xf32, #tpu.memory_space<vmem>> -> memref<8x128xf32, #tpu.memory_space<vmem>>
      %dma_start3A_1058 = arith.constant 8 : i32
      %dma_start3A_1059 = tpu.memref_slice %arg4[%dma_start3A_1058, %multiple_of3A_1041] : memref<16x1000000xf32, #tpu.memory_space<hbm>> -> memref<8x128xf32, #tpu.memory_space<hbm>>
      tpu.enqueue_dma source(%dma_start3A_1059 : memref<8x128xf32, #tpu.memory_space<hbm>>) target(%dma_start3A_1057 : memref<8x128xf32, #tpu.memory_space<vmem>>) target_semaphore(%arg16 : memref<!tpu.dma_semaphore, #tpu.memory_space<semaphore_mem>>)
      %dma_start3A_1060 = arith.constant 12 : i32
      %dma_start3A_1061 = arith.constant 0 : i32
      %dma_start3A_1062 = arith.constant 0 : i32
      %dma_start3A_1063 = tpu.memref_slice %arg12[%dma_start3A_1060, %dma_start3A_1061, %dma_start3A_1062] : memref<16x8x128xf32, #tpu.memory_space<vmem>> -> memref<1x8x128xf32, #tpu.memory_space<vmem>>
      %dma_start3A_1064 = tpu.memref_squeeze %dma_start3A_1063 : memref<1x8x128xf32, #tpu.memory_space<vmem>> -> memref<8x128xf32, #tpu.memory_space<vmem>>
      %dma_start3A_1065 = arith.constant 8 : i32
      %dma_start3A_1066 = tpu.memref_slice %arg5[%dma_start3A_1065, %multiple_of3A_1046] : memref<16x1000000xf32, #tpu.memory_space<hbm>> -> memref<8x128xf32, #tpu.memory_space<hbm>>
      %dma_start3A_1067 = arith.constant 0 : i32
      %dma_start3A_1068 = arith.constant 0 : i32
      %dma_start3A_1069 = tpu.memref_slice %arg12[%dma_start3A_1060, %dma_start3A_1067, %dma_start3A_1068] : memref<16x8x128xf32, #tpu.memory_space<vmem>> -> memref<1x8x128xf32, #tpu.memory_space<vmem>>
      %dma_start3A_1070 = tpu.memref_squeeze %dma_start3A_1069 : memref<1x8x128xf32, #tpu.memory_space<vmem>> -> memref<8x128xf32, #tpu.memory_space<vmem>>
      %dma_start3A_1071 = arith.constant 8 : i32
      %dma_start3A_1072 = tpu.memref_slice %arg5[%dma_start3A_1071, %multiple_of3A_1046] : memref<16x1000000xf32, #tpu.memory_space<hbm>> -> memref<8x128xf32, #tpu.memory_space<hbm>>
      tpu.enqueue_dma source(%dma_start3A_1072 : memref<8x128xf32, #tpu.memory_space<hbm>>) target(%dma_start3A_1070 : memref<8x128xf32, #tpu.memory_space<vmem>>) target_semaphore(%arg16 : memref<!tpu.dma_semaphore, #tpu.memory_space<semaphore_mem>>)
      %slice3A_1073 = vector.extract_strided_slice %get3A_596 {offsets = [13], sizes = [1], strides = [1]} : vector<16xi32> to vector<1xi32>
      %squeeze3A_1074 = vector.extract %slice3A_1073[0] : i32 from vector<1xi32>
      %and3A_1075 = arith.constant -128 : i32
      %and3A_1076 = arith.andi %squeeze3A_1074, %and3A_1075 : i32
      %multiple_of3A_1077 = tpu.assume_multiple %and3A_1076, 128 : i32
      %slice3A_1078 = vector.extract_strided_slice %get3A_598 {offsets = [13], sizes = [1], strides = [1]} : vector<16xi32> to vector<1xi32>
      %squeeze3A_1079 = vector.extract %slice3A_1078[0] : i32 from vector<1xi32>
      %and3A_1080 = arith.constant -128 : i32
      %and3A_1081 = arith.andi %squeeze3A_1079, %and3A_1080 : i32
      %multiple_of3A_1082 = tpu.assume_multiple %and3A_1081, 128 : i32
      %dma_start3A_1083 = arith.constant 13 : i32
      %dma_start3A_1084 = arith.constant 0 : i32
      %dma_start3A_1085 = arith.constant 0 : i32
      %dma_start3A_1086 = tpu.memref_slice %arg11[%dma_start3A_1083, %dma_start3A_1084, %dma_start3A_1085] : memref<16x8x128xf32, #tpu.memory_space<vmem>> -> memref<1x8x128xf32, #tpu.memory_space<vmem>>
      %dma_start3A_1087 = tpu.memref_squeeze %dma_start3A_1086 : memref<1x8x128xf32, #tpu.memory_space<vmem>> -> memref<8x128xf32, #tpu.memory_space<vmem>>
      %dma_start3A_1088 = arith.constant 8 : i32
      %dma_start3A_1089 = tpu.memref_slice %arg4[%dma_start3A_1088, %multiple_of3A_1077] : memref<16x1000000xf32, #tpu.memory_space<hbm>> -> memref<8x128xf32, #tpu.memory_space<hbm>>
      %dma_start3A_1090 = arith.constant 0 : i32
      %dma_start3A_1091 = arith.constant 0 : i32
      %dma_start3A_1092 = tpu.memref_slice %arg11[%dma_start3A_1083, %dma_start3A_1090, %dma_start3A_1091] : memref<16x8x128xf32, #tpu.memory_space<vmem>> -> memref<1x8x128xf32, #tpu.memory_space<vmem>>
      %dma_start3A_1093 = tpu.memref_squeeze %dma_start3A_1092 : memref<1x8x128xf32, #tpu.memory_space<vmem>> -> memref<8x128xf32, #tpu.memory_space<vmem>>
      %dma_start3A_1094 = arith.constant 8 : i32
      %dma_start3A_1095 = tpu.memref_slice %arg4[%dma_start3A_1094, %multiple_of3A_1077] : memref<16x1000000xf32, #tpu.memory_space<hbm>> -> memref<8x128xf32, #tpu.memory_space<hbm>>
      tpu.enqueue_dma source(%dma_start3A_1095 : memref<8x128xf32, #tpu.memory_space<hbm>>) target(%dma_start3A_1093 : memref<8x128xf32, #tpu.memory_space<vmem>>) target_semaphore(%arg16 : memref<!tpu.dma_semaphore, #tpu.memory_space<semaphore_mem>>)
      %dma_start3A_1096 = arith.constant 13 : i32
      %dma_start3A_1097 = arith.constant 0 : i32
      %dma_start3A_1098 = arith.constant 0 : i32
      %dma_start3A_1099 = tpu.memref_slice %arg12[%dma_start3A_1096, %dma_start3A_1097, %dma_start3A_1098] : memref<16x8x128xf32, #tpu.memory_space<vmem>> -> memref<1x8x128xf32, #tpu.memory_space<vmem>>
      %dma_start3A_1100 = tpu.memref_squeeze %dma_start3A_1099 : memref<1x8x128xf32, #tpu.memory_space<vmem>> -> memref<8x128xf32, #tpu.memory_space<vmem>>
      %dma_start3A_1101 = arith.constant 8 : i32
      %dma_start3A_1102 = tpu.memref_slice %arg5[%dma_start3A_1101, %multiple_of3A_1082] : memref<16x1000000xf32, #tpu.memory_space<hbm>> -> memref<8x128xf32, #tpu.memory_space<hbm>>
      %dma_start3A_1103 = arith.constant 0 : i32
      %dma_start3A_1104 = arith.constant 0 : i32
      %dma_start3A_1105 = tpu.memref_slice %arg12[%dma_start3A_1096, %dma_start3A_1103, %dma_start3A_1104] : memref<16x8x128xf32, #tpu.memory_space<vmem>> -> memref<1x8x128xf32, #tpu.memory_space<vmem>>
      %dma_start3A_1106 = tpu.memref_squeeze %dma_start3A_1105 : memref<1x8x128xf32, #tpu.memory_space<vmem>> -> memref<8x128xf32, #tpu.memory_space<vmem>>
      %dma_start3A_1107 = arith.constant 8 : i32
      %dma_start3A_1108 = tpu.memref_slice %arg5[%dma_start3A_1107, %multiple_of3A_1082] : memref<16x1000000xf32, #tpu.memory_space<hbm>> -> memref<8x128xf32, #tpu.memory_space<hbm>>
      tpu.enqueue_dma source(%dma_start3A_1108 : memref<8x128xf32, #tpu.memory_space<hbm>>) target(%dma_start3A_1106 : memref<8x128xf32, #tpu.memory_space<vmem>>) target_semaphore(%arg16 : memref<!tpu.dma_semaphore, #tpu.memory_space<semaphore_mem>>)
      %slice3A_1109 = vector.extract_strided_slice %get3A_596 {offsets = [14], sizes = [1], strides = [1]} : vector<16xi32> to vector<1xi32>
      %squeeze3A_1110 = vector.extract %slice3A_1109[0] : i32 from vector<1xi32>
      %and3A_1111 = arith.constant -128 : i32
      %and3A_1112 = arith.andi %squeeze3A_1110, %and3A_1111 : i32
      %multiple_of3A_1113 = tpu.assume_multiple %and3A_1112, 128 : i32
      %slice3A_1114 = vector.extract_strided_slice %get3A_598 {offsets = [14], sizes = [1], strides = [1]} : vector<16xi32> to vector<1xi32>
      %squeeze3A_1115 = vector.extract %slice3A_1114[0] : i32 from vector<1xi32>
      %and3A_1116 = arith.constant -128 : i32
      %and3A_1117 = arith.andi %squeeze3A_1115, %and3A_1116 : i32
      %multiple_of3A_1118 = tpu.assume_multiple %and3A_1117, 128 : i32
      %dma_start3A_1119 = arith.constant 14 : i32
      %dma_start3A_1120 = arith.constant 0 : i32
      %dma_start3A_1121 = arith.constant 0 : i32
      %dma_start3A_1122 = tpu.memref_slice %arg11[%dma_start3A_1119, %dma_start3A_1120, %dma_start3A_1121] : memref<16x8x128xf32, #tpu.memory_space<vmem>> -> memref<1x8x128xf32, #tpu.memory_space<vmem>>
      %dma_start3A_1123 = tpu.memref_squeeze %dma_start3A_1122 : memref<1x8x128xf32, #tpu.memory_space<vmem>> -> memref<8x128xf32, #tpu.memory_space<vmem>>
      %dma_start3A_1124 = arith.constant 8 : i32
      %dma_start3A_1125 = tpu.memref_slice %arg4[%dma_start3A_1124, %multiple_of3A_1113] : memref<16x1000000xf32, #tpu.memory_space<hbm>> -> memref<8x128xf32, #tpu.memory_space<hbm>>
      %dma_start3A_1126 = arith.constant 0 : i32
      %dma_start3A_1127 = arith.constant 0 : i32
      %dma_start3A_1128 = tpu.memref_slice %arg11[%dma_start3A_1119, %dma_start3A_1126, %dma_start3A_1127] : memref<16x8x128xf32, #tpu.memory_space<vmem>> -> memref<1x8x128xf32, #tpu.memory_space<vmem>>
      %dma_start3A_1129 = tpu.memref_squeeze %dma_start3A_1128 : memref<1x8x128xf32, #tpu.memory_space<vmem>> -> memref<8x128xf32, #tpu.memory_space<vmem>>
      %dma_start3A_1130 = arith.constant 8 : i32
      %dma_start3A_1131 = tpu.memref_slice %arg4[%dma_start3A_1130, %multiple_of3A_1113] : memref<16x1000000xf32, #tpu.memory_space<hbm>> -> memref<8x128xf32, #tpu.memory_space<hbm>>
      tpu.enqueue_dma source(%dma_start3A_1131 : memref<8x128xf32, #tpu.memory_space<hbm>>) target(%dma_start3A_1129 : memref<8x128xf32, #tpu.memory_space<vmem>>) target_semaphore(%arg16 : memref<!tpu.dma_semaphore, #tpu.memory_space<semaphore_mem>>)
      %dma_start3A_1132 = arith.constant 14 : i32
      %dma_start3A_1133 = arith.constant 0 : i32
      %dma_start3A_1134 = arith.constant 0 : i32
      %dma_start3A_1135 = tpu.memref_slice %arg12[%dma_start3A_1132, %dma_start3A_1133, %dma_start3A_1134] : memref<16x8x128xf32, #tpu.memory_space<vmem>> -> memref<1x8x128xf32, #tpu.memory_space<vmem>>
      %dma_start3A_1136 = tpu.memref_squeeze %dma_start3A_1135 : memref<1x8x128xf32, #tpu.memory_space<vmem>> -> memref<8x128xf32, #tpu.memory_space<vmem>>
      %dma_start3A_1137 = arith.constant 8 : i32
      %dma_start3A_1138 = tpu.memref_slice %arg5[%dma_start3A_1137, %multiple_of3A_1118] : memref<16x1000000xf32, #tpu.memory_space<hbm>> -> memref<8x128xf32, #tpu.memory_space<hbm>>
      %dma_start3A_1139 = arith.constant 0 : i32
      %dma_start3A_1140 = arith.constant 0 : i32
      %dma_start3A_1141 = tpu.memref_slice %arg12[%dma_start3A_1132, %dma_start3A_1139, %dma_start3A_1140] : memref<16x8x128xf32, #tpu.memory_space<vmem>> -> memref<1x8x128xf32, #tpu.memory_space<vmem>>
      %dma_start3A_1142 = tpu.memref_squeeze %dma_start3A_1141 : memref<1x8x128xf32, #tpu.memory_space<vmem>> -> memref<8x128xf32, #tpu.memory_space<vmem>>
      %dma_start3A_1143 = arith.constant 8 : i32
      %dma_start3A_1144 = tpu.memref_slice %arg5[%dma_start3A_1143, %multiple_of3A_1118] : memref<16x1000000xf32, #tpu.memory_space<hbm>> -> memref<8x128xf32, #tpu.memory_space<hbm>>
      tpu.enqueue_dma source(%dma_start3A_1144 : memref<8x128xf32, #tpu.memory_space<hbm>>) target(%dma_start3A_1142 : memref<8x128xf32, #tpu.memory_space<vmem>>) target_semaphore(%arg16 : memref<!tpu.dma_semaphore, #tpu.memory_space<semaphore_mem>>)
      %slice3A_1145 = vector.extract_strided_slice %get3A_596 {offsets = [15], sizes = [1], strides = [1]} : vector<16xi32> to vector<1xi32>
      %squeeze3A_1146 = vector.extract %slice3A_1145[0] : i32 from vector<1xi32>
      %and3A_1147 = arith.constant -128 : i32
      %and3A_1148 = arith.andi %squeeze3A_1146, %and3A_1147 : i32
      %multiple_of3A_1149 = tpu.assume_multiple %and3A_1148, 128 : i32
      %slice3A_1150 = vector.extract_strided_slice %get3A_598 {offsets = [15], sizes = [1], strides = [1]} : vector<16xi32> to vector<1xi32>
      %squeeze3A_1151 = vector.extract %slice3A_1150[0] : i32 from vector<1xi32>
      %and3A_1152 = arith.constant -128 : i32
      %and3A_1153 = arith.andi %squeeze3A_1151, %and3A_1152 : i32
      %multiple_of3A_1154 = tpu.assume_multiple %and3A_1153, 128 : i32
      %dma_start3A_1155 = arith.constant 15 : i32
      %dma_start3A_1156 = arith.constant 0 : i32
      %dma_start3A_1157 = arith.constant 0 : i32
      %dma_start3A_1158 = tpu.memref_slice %arg11[%dma_start3A_1155, %dma_start3A_1156, %dma_start3A_1157] : memref<16x8x128xf32, #tpu.memory_space<vmem>> -> memref<1x8x128xf32, #tpu.memory_space<vmem>>
      %dma_start3A_1159 = tpu.memref_squeeze %dma_start3A_1158 : memref<1x8x128xf32, #tpu.memory_space<vmem>> -> memref<8x128xf32, #tpu.memory_space<vmem>>
      %dma_start3A_1160 = arith.constant 8 : i32
      %dma_start3A_1161 = tpu.memref_slice %arg4[%dma_start3A_1160, %multiple_of3A_1149] : memref<16x1000000xf32, #tpu.memory_space<hbm>> -> memref<8x128xf32, #tpu.memory_space<hbm>>
      %dma_start3A_1162 = arith.constant 0 : i32
      %dma_start3A_1163 = arith.constant 0 : i32
      %dma_start3A_1164 = tpu.memref_slice %arg11[%dma_start3A_1155, %dma_start3A_1162, %dma_start3A_1163] : memref<16x8x128xf32, #tpu.memory_space<vmem>> -> memref<1x8x128xf32, #tpu.memory_space<vmem>>
      %dma_start3A_1165 = tpu.memref_squeeze %dma_start3A_1164 : memref<1x8x128xf32, #tpu.memory_space<vmem>> -> memref<8x128xf32, #tpu.memory_space<vmem>>
      %dma_start3A_1166 = arith.constant 8 : i32
      %dma_start3A_1167 = tpu.memref_slice %arg4[%dma_start3A_1166, %multiple_of3A_1149] : memref<16x1000000xf32, #tpu.memory_space<hbm>> -> memref<8x128xf32, #tpu.memory_space<hbm>>
      tpu.enqueue_dma source(%dma_start3A_1167 : memref<8x128xf32, #tpu.memory_space<hbm>>) target(%dma_start3A_1165 : memref<8x128xf32, #tpu.memory_space<vmem>>) target_semaphore(%arg16 : memref<!tpu.dma_semaphore, #tpu.memory_space<semaphore_mem>>)
      %dma_start3A_1168 = arith.constant 15 : i32
      %dma_start3A_1169 = arith.constant 0 : i32
      %dma_start3A_1170 = arith.constant 0 : i32
      %dma_start3A_1171 = tpu.memref_slice %arg12[%dma_start3A_1168, %dma_start3A_1169, %dma_start3A_1170] : memref<16x8x128xf32, #tpu.memory_space<vmem>> -> memref<1x8x128xf32, #tpu.memory_space<vmem>>
      %dma_start3A_1172 = tpu.memref_squeeze %dma_start3A_1171 : memref<1x8x128xf32, #tpu.memory_space<vmem>> -> memref<8x128xf32, #tpu.memory_space<vmem>>
      %dma_start3A_1173 = arith.constant 8 : i32
      %dma_start3A_1174 = tpu.memref_slice %arg5[%dma_start3A_1173, %multiple_of3A_1154] : memref<16x1000000xf32, #tpu.memory_space<hbm>> -> memref<8x128xf32, #tpu.memory_space<hbm>>
      %dma_start3A_1175 = arith.constant 0 : i32
      %dma_start3A_1176 = arith.constant 0 : i32
      %dma_start3A_1177 = tpu.memref_slice %arg12[%dma_start3A_1168, %dma_start3A_1175, %dma_start3A_1176] : memref<16x8x128xf32, #tpu.memory_space<vmem>> -> memref<1x8x128xf32, #tpu.memory_space<vmem>>
      %dma_start3A_1178 = tpu.memref_squeeze %dma_start3A_1177 : memref<1x8x128xf32, #tpu.memory_space<vmem>> -> memref<8x128xf32, #tpu.memory_space<vmem>>
      %dma_start3A_1179 = arith.constant 8 : i32
      %dma_start3A_1180 = tpu.memref_slice %arg5[%dma_start3A_1179, %multiple_of3A_1154] : memref<16x1000000xf32, #tpu.memory_space<hbm>> -> memref<8x128xf32, #tpu.memory_space<hbm>>
      tpu.enqueue_dma source(%dma_start3A_1180 : memref<8x128xf32, #tpu.memory_space<hbm>>) target(%dma_start3A_1178 : memref<8x128xf32, #tpu.memory_space<vmem>>) target_semaphore(%arg16 : memref<!tpu.dma_semaphore, #tpu.memory_space<semaphore_mem>>)
      %dma_wait3A_1181 = arith.constant 0 : i32
      %dma_wait3A_1182 = arith.constant 0 : i32
      %dma_wait3A_1183 = arith.constant 0 : i32
      %dma_wait3A_1184 = tpu.memref_slice %arg9[%dma_wait3A_1181, %dma_wait3A_1182, %dma_wait3A_1183] : memref<16x8x128xf32, #tpu.memory_space<vmem>> -> memref<1x8x128xf32, #tpu.memory_space<vmem>>
      %dma_wait3A_1185 = tpu.memref_squeeze %dma_wait3A_1184 : memref<1x8x128xf32, #tpu.memory_space<vmem>> -> memref<8x128xf32, #tpu.memory_space<vmem>>
      %dma_wait3A_1186 = arith.constant 0 : i32
      %dma_wait3A_1187 = arith.constant 0 : i32
      %dma_wait3A_1188 = tpu.memref_slice %arg4[%dma_wait3A_1186, %dma_wait3A_1187] : memref<16x1000000xf32, #tpu.memory_space<hbm>> -> memref<8x128xf32, #tpu.memory_space<hbm>>
      %dma_wait3A_1189 = arith.constant 0 : i32
      %dma_wait3A_1190 = arith.constant 0 : i32
      %dma_wait3A_1191 = tpu.memref_slice %arg9[%dma_wait3A_1181, %dma_wait3A_1189, %dma_wait3A_1190] : memref<16x8x128xf32, #tpu.memory_space<vmem>> -> memref<1x8x128xf32, #tpu.memory_space<vmem>>
      %dma_wait3A_1192 = tpu.memref_squeeze %dma_wait3A_1191 : memref<1x8x128xf32, #tpu.memory_space<vmem>> -> memref<8x128xf32, #tpu.memory_space<vmem>>
      %dma_wait3A_1193 = arith.constant 0 : i32
      %dma_wait3A_1194 = arith.constant 0 : i32
      %dma_wait3A_1195 = tpu.memref_slice %arg4[%dma_wait3A_1193, %dma_wait3A_1194] : memref<16x1000000xf32, #tpu.memory_space<hbm>> -> memref<8x128xf32, #tpu.memory_space<hbm>>
      tpu.wait_dma2 semaphore(%arg15 : memref<!tpu.dma_semaphore, #tpu.memory_space<semaphore_mem>>) src(%dma_wait3A_1195 : memref<8x128xf32, #tpu.memory_space<hbm>>) dst(%dma_wait3A_1192 : memref<8x128xf32, #tpu.memory_space<vmem>>)
      %dma_wait3A_1196 = arith.constant 0 : i32
      %dma_wait3A_1197 = arith.constant 0 : i32
      %dma_wait3A_1198 = arith.constant 0 : i32
      %dma_wait3A_1199 = tpu.memref_slice %arg10[%dma_wait3A_1196, %dma_wait3A_1197, %dma_wait3A_1198] : memref<16x8x128xf32, #tpu.memory_space<vmem>> -> memref<1x8x128xf32, #tpu.memory_space<vmem>>
      %dma_wait3A_1200 = tpu.memref_squeeze %dma_wait3A_1199 : memref<1x8x128xf32, #tpu.memory_space<vmem>> -> memref<8x128xf32, #tpu.memory_space<vmem>>
      %dma_wait3A_1201 = arith.constant 0 : i32
      %dma_wait3A_1202 = arith.constant 0 : i32
      %dma_wait3A_1203 = tpu.memref_slice %arg4[%dma_wait3A_1201, %dma_wait3A_1202] : memref<16x1000000xf32, #tpu.memory_space<hbm>> -> memref<8x128xf32, #tpu.memory_space<hbm>>
      %dma_wait3A_1204 = arith.constant 0 : i32
      %dma_wait3A_1205 = arith.constant 0 : i32
      %dma_wait3A_1206 = tpu.memref_slice %arg10[%dma_wait3A_1196, %dma_wait3A_1204, %dma_wait3A_1205] : memref<16x8x128xf32, #tpu.memory_space<vmem>> -> memref<1x8x128xf32, #tpu.memory_space<vmem>>
      %dma_wait3A_1207 = tpu.memref_squeeze %dma_wait3A_1206 : memref<1x8x128xf32, #tpu.memory_space<vmem>> -> memref<8x128xf32, #tpu.memory_space<vmem>>
      %dma_wait3A_1208 = arith.constant 0 : i32
      %dma_wait3A_1209 = arith.constant 0 : i32
      %dma_wait3A_1210 = tpu.memref_slice %arg4[%dma_wait3A_1208, %dma_wait3A_1209] : memref<16x1000000xf32, #tpu.memory_space<hbm>> -> memref<8x128xf32, #tpu.memory_space<hbm>>
      tpu.wait_dma2 semaphore(%arg15 : memref<!tpu.dma_semaphore, #tpu.memory_space<semaphore_mem>>) src(%dma_wait3A_1210 : memref<8x128xf32, #tpu.memory_space<hbm>>) dst(%dma_wait3A_1207 : memref<8x128xf32, #tpu.memory_space<vmem>>)
      %dma_wait3A_1211 = arith.constant 1 : i32
      %dma_wait3A_1212 = arith.constant 0 : i32
      %dma_wait3A_1213 = arith.constant 0 : i32
      %dma_wait3A_1214 = tpu.memref_slice %arg9[%dma_wait3A_1211, %dma_wait3A_1212, %dma_wait3A_1213] : memref<16x8x128xf32, #tpu.memory_space<vmem>> -> memref<1x8x128xf32, #tpu.memory_space<vmem>>
      %dma_wait3A_1215 = tpu.memref_squeeze %dma_wait3A_1214 : memref<1x8x128xf32, #tpu.memory_space<vmem>> -> memref<8x128xf32, #tpu.memory_space<vmem>>
      %dma_wait3A_1216 = arith.constant 0 : i32
      %dma_wait3A_1217 = arith.constant 0 : i32
      %dma_wait3A_1218 = tpu.memref_slice %arg4[%dma_wait3A_1216, %dma_wait3A_1217] : memref<16x1000000xf32, #tpu.memory_space<hbm>> -> memref<8x128xf32, #tpu.memory_space<hbm>>
      %dma_wait3A_1219 = arith.constant 0 : i32
      %dma_wait3A_1220 = arith.constant 0 : i32
      %dma_wait3A_1221 = tpu.memref_slice %arg9[%dma_wait3A_1211, %dma_wait3A_1219, %dma_wait3A_1220] : memref<16x8x128xf32, #tpu.memory_space<vmem>> -> memref<1x8x128xf32, #tpu.memory_space<vmem>>
      %dma_wait3A_1222 = tpu.memref_squeeze %dma_wait3A_1221 : memref<1x8x128xf32, #tpu.memory_space<vmem>> -> memref<8x128xf32, #tpu.memory_space<vmem>>
      %dma_wait3A_1223 = arith.constant 0 : i32
      %dma_wait3A_1224 = arith.constant 0 : i32
      %dma_wait3A_1225 = tpu.memref_slice %arg4[%dma_wait3A_1223, %dma_wait3A_1224] : memref<16x1000000xf32, #tpu.memory_space<hbm>> -> memref<8x128xf32, #tpu.memory_space<hbm>>
      tpu.wait_dma2 semaphore(%arg15 : memref<!tpu.dma_semaphore, #tpu.memory_space<semaphore_mem>>) src(%dma_wait3A_1225 : memref<8x128xf32, #tpu.memory_space<hbm>>) dst(%dma_wait3A_1222 : memref<8x128xf32, #tpu.memory_space<vmem>>)
      %dma_wait3A_1226 = arith.constant 1 : i32
      %dma_wait3A_1227 = arith.constant 0 : i32
      %dma_wait3A_1228 = arith.constant 0 : i32
      %dma_wait3A_1229 = tpu.memref_slice %arg10[%dma_wait3A_1226, %dma_wait3A_1227, %dma_wait3A_1228] : memref<16x8x128xf32, #tpu.memory_space<vmem>> -> memref<1x8x128xf32, #tpu.memory_space<vmem>>
      %dma_wait3A_1230 = tpu.memref_squeeze %dma_wait3A_1229 : memref<1x8x128xf32, #tpu.memory_space<vmem>> -> memref<8x128xf32, #tpu.memory_space<vmem>>
      %dma_wait3A_1231 = arith.constant 0 : i32
      %dma_wait3A_1232 = arith.constant 0 : i32
      %dma_wait3A_1233 = tpu.memref_slice %arg4[%dma_wait3A_1231, %dma_wait3A_1232] : memref<16x1000000xf32, #tpu.memory_space<hbm>> -> memref<8x128xf32, #tpu.memory_space<hbm>>
      %dma_wait3A_1234 = arith.constant 0 : i32
      %dma_wait3A_1235 = arith.constant 0 : i32
      %dma_wait3A_1236 = tpu.memref_slice %arg10[%dma_wait3A_1226, %dma_wait3A_1234, %dma_wait3A_1235] : memref<16x8x128xf32, #tpu.memory_space<vmem>> -> memref<1x8x128xf32, #tpu.memory_space<vmem>>
      %dma_wait3A_1237 = tpu.memref_squeeze %dma_wait3A_1236 : memref<1x8x128xf32, #tpu.memory_space<vmem>> -> memref<8x128xf32, #tpu.memory_space<vmem>>
      %dma_wait3A_1238 = arith.constant 0 : i32
      %dma_wait3A_1239 = arith.constant 0 : i32
      %dma_wait3A_1240 = tpu.memref_slice %arg4[%dma_wait3A_1238, %dma_wait3A_1239] : memref<16x1000000xf32, #tpu.memory_space<hbm>> -> memref<8x128xf32, #tpu.memory_space<hbm>>
      tpu.wait_dma2 semaphore(%arg15 : memref<!tpu.dma_semaphore, #tpu.memory_space<semaphore_mem>>) src(%dma_wait3A_1240 : memref<8x128xf32, #tpu.memory_space<hbm>>) dst(%dma_wait3A_1237 : memref<8x128xf32, #tpu.memory_space<vmem>>)
      %dma_wait3A_1241 = arith.constant 2 : i32
      %dma_wait3A_1242 = arith.constant 0 : i32
      %dma_wait3A_1243 = arith.constant 0 : i32
      %dma_wait3A_1244 = tpu.memref_slice %arg9[%dma_wait3A_1241, %dma_wait3A_1242, %dma_wait3A_1243] : memref<16x8x128xf32, #tpu.memory_space<vmem>> -> memref<1x8x128xf32, #tpu.memory_space<vmem>>
      %dma_wait3A_1245 = tpu.memref_squeeze %dma_wait3A_1244 : memref<1x8x128xf32, #tpu.memory_space<vmem>> -> memref<8x128xf32, #tpu.memory_space<vmem>>
      %dma_wait3A_1246 = arith.constant 0 : i32
      %dma_wait3A_1247 = arith.constant 0 : i32
      %dma_wait3A_1248 = tpu.memref_slice %arg4[%dma_wait3A_1246, %dma_wait3A_1247] : memref<16x1000000xf32, #tpu.memory_space<hbm>> -> memref<8x128xf32, #tpu.memory_space<hbm>>
      %dma_wait3A_1249 = arith.constant 0 : i32
      %dma_wait3A_1250 = arith.constant 0 : i32
      %dma_wait3A_1251 = tpu.memref_slice %arg9[%dma_wait3A_1241, %dma_wait3A_1249, %dma_wait3A_1250] : memref<16x8x128xf32, #tpu.memory_space<vmem>> -> memref<1x8x128xf32, #tpu.memory_space<vmem>>
      %dma_wait3A_1252 = tpu.memref_squeeze %dma_wait3A_1251 : memref<1x8x128xf32, #tpu.memory_space<vmem>> -> memref<8x128xf32, #tpu.memory_space<vmem>>
      %dma_wait3A_1253 = arith.constant 0 : i32
      %dma_wait3A_1254 = arith.constant 0 : i32
      %dma_wait3A_1255 = tpu.memref_slice %arg4[%dma_wait3A_1253, %dma_wait3A_1254] : memref<16x1000000xf32, #tpu.memory_space<hbm>> -> memref<8x128xf32, #tpu.memory_space<hbm>>
      tpu.wait_dma2 semaphore(%arg15 : memref<!tpu.dma_semaphore, #tpu.memory_space<semaphore_mem>>) src(%dma_wait3A_1255 : memref<8x128xf32, #tpu.memory_space<hbm>>) dst(%dma_wait3A_1252 : memref<8x128xf32, #tpu.memory_space<vmem>>)
      %dma_wait3A_1256 = arith.constant 2 : i32
      %dma_wait3A_1257 = arith.constant 0 : i32
      %dma_wait3A_1258 = arith.constant 0 : i32
      %dma_wait3A_1259 = tpu.memref_slice %arg10[%dma_wait3A_1256, %dma_wait3A_1257, %dma_wait3A_1258] : memref<16x8x128xf32, #tpu.memory_space<vmem>> -> memref<1x8x128xf32, #tpu.memory_space<vmem>>
      %dma_wait3A_1260 = tpu.memref_squeeze %dma_wait3A_1259 : memref<1x8x128xf32, #tpu.memory_space<vmem>> -> memref<8x128xf32, #tpu.memory_space<vmem>>
      %dma_wait3A_1261 = arith.constant 0 : i32
      %dma_wait3A_1262 = arith.constant 0 : i32
      %dma_wait3A_1263 = tpu.memref_slice %arg4[%dma_wait3A_1261, %dma_wait3A_1262] : memref<16x1000000xf32, #tpu.memory_space<hbm>> -> memref<8x128xf32, #tpu.memory_space<hbm>>
      %dma_wait3A_1264 = arith.constant 0 : i32
      %dma_wait3A_1265 = arith.constant 0 : i32
      %dma_wait3A_1266 = tpu.memref_slice %arg10[%dma_wait3A_1256, %dma_wait3A_1264, %dma_wait3A_1265] : memref<16x8x128xf32, #tpu.memory_space<vmem>> -> memref<1x8x128xf32, #tpu.memory_space<vmem>>
      %dma_wait3A_1267 = tpu.memref_squeeze %dma_wait3A_1266 : memref<1x8x128xf32, #tpu.memory_space<vmem>> -> memref<8x128xf32, #tpu.memory_space<vmem>>
      %dma_wait3A_1268 = arith.constant 0 : i32
      %dma_wait3A_1269 = arith.constant 0 : i32
      %dma_wait3A_1270 = tpu.memref_slice %arg4[%dma_wait3A_1268, %dma_wait3A_1269] : memref<16x1000000xf32, #tpu.memory_space<hbm>> -> memref<8x128xf32, #tpu.memory_space<hbm>>
      tpu.wait_dma2 semaphore(%arg15 : memref<!tpu.dma_semaphore, #tpu.memory_space<semaphore_mem>>) src(%dma_wait3A_1270 : memref<8x128xf32, #tpu.memory_space<hbm>>) dst(%dma_wait3A_1267 : memref<8x128xf32, #tpu.memory_space<vmem>>)
      %dma_wait3A_1271 = arith.constant 3 : i32
      %dma_wait3A_1272 = arith.constant 0 : i32
      %dma_wait3A_1273 = arith.constant 0 : i32
      %dma_wait3A_1274 = tpu.memref_slice %arg9[%dma_wait3A_1271, %dma_wait3A_1272, %dma_wait3A_1273] : memref<16x8x128xf32, #tpu.memory_space<vmem>> -> memref<1x8x128xf32, #tpu.memory_space<vmem>>
      %dma_wait3A_1275 = tpu.memref_squeeze %dma_wait3A_1274 : memref<1x8x128xf32, #tpu.memory_space<vmem>> -> memref<8x128xf32, #tpu.memory_space<vmem>>
      %dma_wait3A_1276 = arith.constant 0 : i32
      %dma_wait3A_1277 = arith.constant 0 : i32
      %dma_wait3A_1278 = tpu.memref_slice %arg4[%dma_wait3A_1276, %dma_wait3A_1277] : memref<16x1000000xf32, #tpu.memory_space<hbm>> -> memref<8x128xf32, #tpu.memory_space<hbm>>
      %dma_wait3A_1279 = arith.constant 0 : i32
      %dma_wait3A_1280 = arith.constant 0 : i32
      %dma_wait3A_1281 = tpu.memref_slice %arg9[%dma_wait3A_1271, %dma_wait3A_1279, %dma_wait3A_1280] : memref<16x8x128xf32, #tpu.memory_space<vmem>> -> memref<1x8x128xf32, #tpu.memory_space<vmem>>
      %dma_wait3A_1282 = tpu.memref_squeeze %dma_wait3A_1281 : memref<1x8x128xf32, #tpu.memory_space<vmem>> -> memref<8x128xf32, #tpu.memory_space<vmem>>
      %dma_wait3A_1283 = arith.constant 0 : i32
      %dma_wait3A_1284 = arith.constant 0 : i32
      %dma_wait3A_1285 = tpu.memref_slice %arg4[%dma_wait3A_1283, %dma_wait3A_1284] : memref<16x1000000xf32, #tpu.memory_space<hbm>> -> memref<8x128xf32, #tpu.memory_space<hbm>>
      tpu.wait_dma2 semaphore(%arg15 : memref<!tpu.dma_semaphore, #tpu.memory_space<semaphore_mem>>) src(%dma_wait3A_1285 : memref<8x128xf32, #tpu.memory_space<hbm>>) dst(%dma_wait3A_1282 : memref<8x128xf32, #tpu.memory_space<vmem>>)
      %dma_wait3A_1286 = arith.constant 3 : i32
      %dma_wait3A_1287 = arith.constant 0 : i32
      %dma_wait3A_1288 = arith.constant 0 : i32
      %dma_wait3A_1289 = tpu.memref_slice %arg10[%dma_wait3A_1286, %dma_wait3A_1287, %dma_wait3A_1288] : memref<16x8x128xf32, #tpu.memory_space<vmem>> -> memref<1x8x128xf32, #tpu.memory_space<vmem>>
      %dma_wait3A_1290 = tpu.memref_squeeze %dma_wait3A_1289 : memref<1x8x128xf32, #tpu.memory_space<vmem>> -> memref<8x128xf32, #tpu.memory_space<vmem>>
      %dma_wait3A_1291 = arith.constant 0 : i32
      %dma_wait3A_1292 = arith.constant 0 : i32
      %dma_wait3A_1293 = tpu.memref_slice %arg4[%dma_wait3A_1291, %dma_wait3A_1292] : memref<16x1000000xf32, #tpu.memory_space<hbm>> -> memref<8x128xf32, #tpu.memory_space<hbm>>
      %dma_wait3A_1294 = arith.constant 0 : i32
      %dma_wait3A_1295 = arith.constant 0 : i32
      %dma_wait3A_1296 = tpu.memref_slice %arg10[%dma_wait3A_1286, %dma_wait3A_1294, %dma_wait3A_1295] : memref<16x8x128xf32, #tpu.memory_space<vmem>> -> memref<1x8x128xf32, #tpu.memory_space<vmem>>
      %dma_wait3A_1297 = tpu.memref_squeeze %dma_wait3A_1296 : memref<1x8x128xf32, #tpu.memory_space<vmem>> -> memref<8x128xf32, #tpu.memory_space<vmem>>
      %dma_wait3A_1298 = arith.constant 0 : i32
      %dma_wait3A_1299 = arith.constant 0 : i32
      %dma_wait3A_1300 = tpu.memref_slice %arg4[%dma_wait3A_1298, %dma_wait3A_1299] : memref<16x1000000xf32, #tpu.memory_space<hbm>> -> memref<8x128xf32, #tpu.memory_space<hbm>>
      tpu.wait_dma2 semaphore(%arg15 : memref<!tpu.dma_semaphore, #tpu.memory_space<semaphore_mem>>) src(%dma_wait3A_1300 : memref<8x128xf32, #tpu.memory_space<hbm>>) dst(%dma_wait3A_1297 : memref<8x128xf32, #tpu.memory_space<vmem>>)
      %dma_wait3A_1301 = arith.constant 4 : i32
      %dma_wait3A_1302 = arith.constant 0 : i32
      %dma_wait3A_1303 = arith.constant 0 : i32
      %dma_wait3A_1304 = tpu.memref_slice %arg9[%dma_wait3A_1301, %dma_wait3A_1302, %dma_wait3A_1303] : memref<16x8x128xf32, #tpu.memory_space<vmem>> -> memref<1x8x128xf32, #tpu.memory_space<vmem>>
      %dma_wait3A_1305 = tpu.memref_squeeze %dma_wait3A_1304 : memref<1x8x128xf32, #tpu.memory_space<vmem>> -> memref<8x128xf32, #tpu.memory_space<vmem>>
      %dma_wait3A_1306 = arith.constant 0 : i32
      %dma_wait3A_1307 = arith.constant 0 : i32
      %dma_wait3A_1308 = tpu.memref_slice %arg4[%dma_wait3A_1306, %dma_wait3A_1307] : memref<16x1000000xf32, #tpu.memory_space<hbm>> -> memref<8x128xf32, #tpu.memory_space<hbm>>
      %dma_wait3A_1309 = arith.constant 0 : i32
      %dma_wait3A_1310 = arith.constant 0 : i32
      %dma_wait3A_1311 = tpu.memref_slice %arg9[%dma_wait3A_1301, %dma_wait3A_1309, %dma_wait3A_1310] : memref<16x8x128xf32, #tpu.memory_space<vmem>> -> memref<1x8x128xf32, #tpu.memory_space<vmem>>
      %dma_wait3A_1312 = tpu.memref_squeeze %dma_wait3A_1311 : memref<1x8x128xf32, #tpu.memory_space<vmem>> -> memref<8x128xf32, #tpu.memory_space<vmem>>
      %dma_wait3A_1313 = arith.constant 0 : i32
      %dma_wait3A_1314 = arith.constant 0 : i32
      %dma_wait3A_1315 = tpu.memref_slice %arg4[%dma_wait3A_1313, %dma_wait3A_1314] : memref<16x1000000xf32, #tpu.memory_space<hbm>> -> memref<8x128xf32, #tpu.memory_space<hbm>>
      tpu.wait_dma2 semaphore(%arg15 : memref<!tpu.dma_semaphore, #tpu.memory_space<semaphore_mem>>) src(%dma_wait3A_1315 : memref<8x128xf32, #tpu.memory_space<hbm>>) dst(%dma_wait3A_1312 : memref<8x128xf32, #tpu.memory_space<vmem>>)
      %dma_wait3A_1316 = arith.constant 4 : i32
      %dma_wait3A_1317 = arith.constant 0 : i32
      %dma_wait3A_1318 = arith.constant 0 : i32
      %dma_wait3A_1319 = tpu.memref_slice %arg10[%dma_wait3A_1316, %dma_wait3A_1317, %dma_wait3A_1318] : memref<16x8x128xf32, #tpu.memory_space<vmem>> -> memref<1x8x128xf32, #tpu.memory_space<vmem>>
      %dma_wait3A_1320 = tpu.memref_squeeze %dma_wait3A_1319 : memref<1x8x128xf32, #tpu.memory_space<vmem>> -> memref<8x128xf32, #tpu.memory_space<vmem>>
      %dma_wait3A_1321 = arith.constant 0 : i32
      %dma_wait3A_1322 = arith.constant 0 : i32
      %dma_wait3A_1323 = tpu.memref_slice %arg4[%dma_wait3A_1321, %dma_wait3A_1322] : memref<16x1000000xf32, #tpu.memory_space<hbm>> -> memref<8x128xf32, #tpu.memory_space<hbm>>
      %dma_wait3A_1324 = arith.constant 0 : i32
      %dma_wait3A_1325 = arith.constant 0 : i32
      %dma_wait3A_1326 = tpu.memref_slice %arg10[%dma_wait3A_1316, %dma_wait3A_1324, %dma_wait3A_1325] : memref<16x8x128xf32, #tpu.memory_space<vmem>> -> memref<1x8x128xf32, #tpu.memory_space<vmem>>
      %dma_wait3A_1327 = tpu.memref_squeeze %dma_wait3A_1326 : memref<1x8x128xf32, #tpu.memory_space<vmem>> -> memref<8x128xf32, #tpu.memory_space<vmem>>
      %dma_wait3A_1328 = arith.constant 0 : i32
      %dma_wait3A_1329 = arith.constant 0 : i32
      %dma_wait3A_1330 = tpu.memref_slice %arg4[%dma_wait3A_1328, %dma_wait3A_1329] : memref<16x1000000xf32, #tpu.memory_space<hbm>> -> memref<8x128xf32, #tpu.memory_space<hbm>>
      tpu.wait_dma2 semaphore(%arg15 : memref<!tpu.dma_semaphore, #tpu.memory_space<semaphore_mem>>) src(%dma_wait3A_1330 : memref<8x128xf32, #tpu.memory_space<hbm>>) dst(%dma_wait3A_1327 : memref<8x128xf32, #tpu.memory_space<vmem>>)
      %dma_wait3A_1331 = arith.constant 5 : i32
      %dma_wait3A_1332 = arith.constant 0 : i32
      %dma_wait3A_1333 = arith.constant 0 : i32
      %dma_wait3A_1334 = tpu.memref_slice %arg9[%dma_wait3A_1331, %dma_wait3A_1332, %dma_wait3A_1333] : memref<16x8x128xf32, #tpu.memory_space<vmem>> -> memref<1x8x128xf32, #tpu.memory_space<vmem>>
      %dma_wait3A_1335 = tpu.memref_squeeze %dma_wait3A_1334 : memref<1x8x128xf32, #tpu.memory_space<vmem>> -> memref<8x128xf32, #tpu.memory_space<vmem>>
      %dma_wait3A_1336 = arith.constant 0 : i32
      %dma_wait3A_1337 = arith.constant 0 : i32
      %dma_wait3A_1338 = tpu.memref_slice %arg4[%dma_wait3A_1336, %dma_wait3A_1337] : memref<16x1000000xf32, #tpu.memory_space<hbm>> -> memref<8x128xf32, #tpu.memory_space<hbm>>
      %dma_wait3A_1339 = arith.constant 0 : i32
      %dma_wait3A_1340 = arith.constant 0 : i32
      %dma_wait3A_1341 = tpu.memref_slice %arg9[%dma_wait3A_1331, %dma_wait3A_1339, %dma_wait3A_1340] : memref<16x8x128xf32, #tpu.memory_space<vmem>> -> memref<1x8x128xf32, #tpu.memory_space<vmem>>
      %dma_wait3A_1342 = tpu.memref_squeeze %dma_wait3A_1341 : memref<1x8x128xf32, #tpu.memory_space<vmem>> -> memref<8x128xf32, #tpu.memory_space<vmem>>
      %dma_wait3A_1343 = arith.constant 0 : i32
      %dma_wait3A_1344 = arith.constant 0 : i32
      %dma_wait3A_1345 = tpu.memref_slice %arg4[%dma_wait3A_1343, %dma_wait3A_1344] : memref<16x1000000xf32, #tpu.memory_space<hbm>> -> memref<8x128xf32, #tpu.memory_space<hbm>>
      tpu.wait_dma2 semaphore(%arg15 : memref<!tpu.dma_semaphore, #tpu.memory_space<semaphore_mem>>) src(%dma_wait3A_1345 : memref<8x128xf32, #tpu.memory_space<hbm>>) dst(%dma_wait3A_1342 : memref<8x128xf32, #tpu.memory_space<vmem>>)
      %dma_wait3A_1346 = arith.constant 5 : i32
      %dma_wait3A_1347 = arith.constant 0 : i32
      %dma_wait3A_1348 = arith.constant 0 : i32
      %dma_wait3A_1349 = tpu.memref_slice %arg10[%dma_wait3A_1346, %dma_wait3A_1347, %dma_wait3A_1348] : memref<16x8x128xf32, #tpu.memory_space<vmem>> -> memref<1x8x128xf32, #tpu.memory_space<vmem>>
      %dma_wait3A_1350 = tpu.memref_squeeze %dma_wait3A_1349 : memref<1x8x128xf32, #tpu.memory_space<vmem>> -> memref<8x128xf32, #tpu.memory_space<vmem>>
      %dma_wait3A_1351 = arith.constant 0 : i32
      %dma_wait3A_1352 = arith.constant 0 : i32
      %dma_wait3A_1353 = tpu.memref_slice %arg4[%dma_wait3A_1351, %dma_wait3A_1352] : memref<16x1000000xf32, #tpu.memory_space<hbm>> -> memref<8x128xf32, #tpu.memory_space<hbm>>
      %dma_wait3A_1354 = arith.constant 0 : i32
      %dma_wait3A_1355 = arith.constant 0 : i32
      %dma_wait3A_1356 = tpu.memref_slice %arg10[%dma_wait3A_1346, %dma_wait3A_1354, %dma_wait3A_1355] : memref<16x8x128xf32, #tpu.memory_space<vmem>> -> memref<1x8x128xf32, #tpu.memory_space<vmem>>
      %dma_wait3A_1357 = tpu.memref_squeeze %dma_wait3A_1356 : memref<1x8x128xf32, #tpu.memory_space<vmem>> -> memref<8x128xf32, #tpu.memory_space<vmem>>
      %dma_wait3A_1358 = arith.constant 0 : i32
      %dma_wait3A_1359 = arith.constant 0 : i32
      %dma_wait3A_1360 = tpu.memref_slice %arg4[%dma_wait3A_1358, %dma_wait3A_1359] : memref<16x1000000xf32, #tpu.memory_space<hbm>> -> memref<8x128xf32, #tpu.memory_space<hbm>>
      tpu.wait_dma2 semaphore(%arg15 : memref<!tpu.dma_semaphore, #tpu.memory_space<semaphore_mem>>) src(%dma_wait3A_1360 : memref<8x128xf32, #tpu.memory_space<hbm>>) dst(%dma_wait3A_1357 : memref<8x128xf32, #tpu.memory_space<vmem>>)
      %dma_wait3A_1361 = arith.constant 6 : i32
      %dma_wait3A_1362 = arith.constant 0 : i32
      %dma_wait3A_1363 = arith.constant 0 : i32
      %dma_wait3A_1364 = tpu.memref_slice %arg9[%dma_wait3A_1361, %dma_wait3A_1362, %dma_wait3A_1363] : memref<16x8x128xf32, #tpu.memory_space<vmem>> -> memref<1x8x128xf32, #tpu.memory_space<vmem>>
      %dma_wait3A_1365 = tpu.memref_squeeze %dma_wait3A_1364 : memref<1x8x128xf32, #tpu.memory_space<vmem>> -> memref<8x128xf32, #tpu.memory_space<vmem>>
      %dma_wait3A_1366 = arith.constant 0 : i32
      %dma_wait3A_1367 = arith.constant 0 : i32
      %dma_wait3A_1368 = tpu.memref_slice %arg4[%dma_wait3A_1366, %dma_wait3A_1367] : memref<16x1000000xf32, #tpu.memory_space<hbm>> -> memref<8x128xf32, #tpu.memory_space<hbm>>
      %dma_wait3A_1369 = arith.constant 0 : i32
      %dma_wait3A_1370 = arith.constant 0 : i32
      %dma_wait3A_1371 = tpu.memref_slice %arg9[%dma_wait3A_1361, %dma_wait3A_1369, %dma_wait3A_1370] : memref<16x8x128xf32, #tpu.memory_space<vmem>> -> memref<1x8x128xf32, #tpu.memory_space<vmem>>
      %dma_wait3A_1372 = tpu.memref_squeeze %dma_wait3A_1371 : memref<1x8x128xf32, #tpu.memory_space<vmem>> -> memref<8x128xf32, #tpu.memory_space<vmem>>
      %dma_wait3A_1373 = arith.constant 0 : i32
      %dma_wait3A_1374 = arith.constant 0 : i32
      %dma_wait3A_1375 = tpu.memref_slice %arg4[%dma_wait3A_1373, %dma_wait3A_1374] : memref<16x1000000xf32, #tpu.memory_space<hbm>> -> memref<8x128xf32, #tpu.memory_space<hbm>>
      tpu.wait_dma2 semaphore(%arg15 : memref<!tpu.dma_semaphore, #tpu.memory_space<semaphore_mem>>) src(%dma_wait3A_1375 : memref<8x128xf32, #tpu.memory_space<hbm>>) dst(%dma_wait3A_1372 : memref<8x128xf32, #tpu.memory_space<vmem>>)
      %dma_wait3A_1376 = arith.constant 6 : i32
      %dma_wait3A_1377 = arith.constant 0 : i32
      %dma_wait3A_1378 = arith.constant 0 : i32
      %dma_wait3A_1379 = tpu.memref_slice %arg10[%dma_wait3A_1376, %dma_wait3A_1377, %dma_wait3A_1378] : memref<16x8x128xf32, #tpu.memory_space<vmem>> -> memref<1x8x128xf32, #tpu.memory_space<vmem>>
      %dma_wait3A_1380 = tpu.memref_squeeze %dma_wait3A_1379 : memref<1x8x128xf32, #tpu.memory_space<vmem>> -> memref<8x128xf32, #tpu.memory_space<vmem>>
      %dma_wait3A_1381 = arith.constant 0 : i32
      %dma_wait3A_1382 = arith.constant 0 : i32
      %dma_wait3A_1383 = tpu.memref_slice %arg4[%dma_wait3A_1381, %dma_wait3A_1382] : memref<16x1000000xf32, #tpu.memory_space<hbm>> -> memref<8x128xf32, #tpu.memory_space<hbm>>
      %dma_wait3A_1384 = arith.constant 0 : i32
      %dma_wait3A_1385 = arith.constant 0 : i32
      %dma_wait3A_1386 = tpu.memref_slice %arg10[%dma_wait3A_1376, %dma_wait3A_1384, %dma_wait3A_1385] : memref<16x8x128xf32, #tpu.memory_space<vmem>> -> memref<1x8x128xf32, #tpu.memory_space<vmem>>
      %dma_wait3A_1387 = tpu.memref_squeeze %dma_wait3A_1386 : memref<1x8x128xf32, #tpu.memory_space<vmem>> -> memref<8x128xf32, #tpu.memory_space<vmem>>
      %dma_wait3A_1388 = arith.constant 0 : i32
      %dma_wait3A_1389 = arith.constant 0 : i32
      %dma_wait3A_1390 = tpu.memref_slice %arg4[%dma_wait3A_1388, %dma_wait3A_1389] : memref<16x1000000xf32, #tpu.memory_space<hbm>> -> memref<8x128xf32, #tpu.memory_space<hbm>>
      tpu.wait_dma2 semaphore(%arg15 : memref<!tpu.dma_semaphore, #tpu.memory_space<semaphore_mem>>) src(%dma_wait3A_1390 : memref<8x128xf32, #tpu.memory_space<hbm>>) dst(%dma_wait3A_1387 : memref<8x128xf32, #tpu.memory_space<vmem>>)
      %dma_wait3A_1391 = arith.constant 7 : i32
      %dma_wait3A_1392 = arith.constant 0 : i32
      %dma_wait3A_1393 = arith.constant 0 : i32
      %dma_wait3A_1394 = tpu.memref_slice %arg9[%dma_wait3A_1391, %dma_wait3A_1392, %dma_wait3A_1393] : memref<16x8x128xf32, #tpu.memory_space<vmem>> -> memref<1x8x128xf32, #tpu.memory_space<vmem>>
      %dma_wait3A_1395 = tpu.memref_squeeze %dma_wait3A_1394 : memref<1x8x128xf32, #tpu.memory_space<vmem>> -> memref<8x128xf32, #tpu.memory_space<vmem>>
      %dma_wait3A_1396 = arith.constant 0 : i32
      %dma_wait3A_1397 = arith.constant 0 : i32
      %dma_wait3A_1398 = tpu.memref_slice %arg4[%dma_wait3A_1396, %dma_wait3A_1397] : memref<16x1000000xf32, #tpu.memory_space<hbm>> -> memref<8x128xf32, #tpu.memory_space<hbm>>
      %dma_wait3A_1399 = arith.constant 0 : i32
      %dma_wait3A_1400 = arith.constant 0 : i32
      %dma_wait3A_1401 = tpu.memref_slice %arg9[%dma_wait3A_1391, %dma_wait3A_1399, %dma_wait3A_1400] : memref<16x8x128xf32, #tpu.memory_space<vmem>> -> memref<1x8x128xf32, #tpu.memory_space<vmem>>
      %dma_wait3A_1402 = tpu.memref_squeeze %dma_wait3A_1401 : memref<1x8x128xf32, #tpu.memory_space<vmem>> -> memref<8x128xf32, #tpu.memory_space<vmem>>
      %dma_wait3A_1403 = arith.constant 0 : i32
      %dma_wait3A_1404 = arith.constant 0 : i32
      %dma_wait3A_1405 = tpu.memref_slice %arg4[%dma_wait3A_1403, %dma_wait3A_1404] : memref<16x1000000xf32, #tpu.memory_space<hbm>> -> memref<8x128xf32, #tpu.memory_space<hbm>>
      tpu.wait_dma2 semaphore(%arg15 : memref<!tpu.dma_semaphore, #tpu.memory_space<semaphore_mem>>) src(%dma_wait3A_1405 : memref<8x128xf32, #tpu.memory_space<hbm>>) dst(%dma_wait3A_1402 : memref<8x128xf32, #tpu.memory_space<vmem>>)
      %dma_wait3A_1406 = arith.constant 7 : i32
      %dma_wait3A_1407 = arith.constant 0 : i32
      %dma_wait3A_1408 = arith.constant 0 : i32
      %dma_wait3A_1409 = tpu.memref_slice %arg10[%dma_wait3A_1406, %dma_wait3A_1407, %dma_wait3A_1408] : memref<16x8x128xf32, #tpu.memory_space<vmem>> -> memref<1x8x128xf32, #tpu.memory_space<vmem>>
      %dma_wait3A_1410 = tpu.memref_squeeze %dma_wait3A_1409 : memref<1x8x128xf32, #tpu.memory_space<vmem>> -> memref<8x128xf32, #tpu.memory_space<vmem>>
      %dma_wait3A_1411 = arith.constant 0 : i32
      %dma_wait3A_1412 = arith.constant 0 : i32
      %dma_wait3A_1413 = tpu.memref_slice %arg4[%dma_wait3A_1411, %dma_wait3A_1412] : memref<16x1000000xf32, #tpu.memory_space<hbm>> -> memref<8x128xf32, #tpu.memory_space<hbm>>
      %dma_wait3A_1414 = arith.constant 0 : i32
      %dma_wait3A_1415 = arith.constant 0 : i32
      %dma_wait3A_1416 = tpu.memref_slice %arg10[%dma_wait3A_1406, %dma_wait3A_1414, %dma_wait3A_1415] : memref<16x8x128xf32, #tpu.memory_space<vmem>> -> memref<1x8x128xf32, #tpu.memory_space<vmem>>
      %dma_wait3A_1417 = tpu.memref_squeeze %dma_wait3A_1416 : memref<1x8x128xf32, #tpu.memory_space<vmem>> -> memref<8x128xf32, #tpu.memory_space<vmem>>
      %dma_wait3A_1418 = arith.constant 0 : i32
      %dma_wait3A_1419 = arith.constant 0 : i32
      %dma_wait3A_1420 = tpu.memref_slice %arg4[%dma_wait3A_1418, %dma_wait3A_1419] : memref<16x1000000xf32, #tpu.memory_space<hbm>> -> memref<8x128xf32, #tpu.memory_space<hbm>>
      tpu.wait_dma2 semaphore(%arg15 : memref<!tpu.dma_semaphore, #tpu.memory_space<semaphore_mem>>) src(%dma_wait3A_1420 : memref<8x128xf32, #tpu.memory_space<hbm>>) dst(%dma_wait3A_1417 : memref<8x128xf32, #tpu.memory_space<vmem>>)
      %dma_wait3A_1421 = arith.constant 8 : i32
      %dma_wait3A_1422 = arith.constant 0 : i32
      %dma_wait3A_1423 = arith.constant 0 : i32
      %dma_wait3A_1424 = tpu.memref_slice %arg9[%dma_wait3A_1421, %dma_wait3A_1422, %dma_wait3A_1423] : memref<16x8x128xf32, #tpu.memory_space<vmem>> -> memref<1x8x128xf32, #tpu.memory_space<vmem>>
      %dma_wait3A_1425 = tpu.memref_squeeze %dma_wait3A_1424 : memref<1x8x128xf32, #tpu.memory_space<vmem>> -> memref<8x128xf32, #tpu.memory_space<vmem>>
      %dma_wait3A_1426 = arith.constant 0 : i32
      %dma_wait3A_1427 = arith.constant 0 : i32
      %dma_wait3A_1428 = tpu.memref_slice %arg4[%dma_wait3A_1426, %dma_wait3A_1427] : memref<16x1000000xf32, #tpu.memory_space<hbm>> -> memref<8x128xf32, #tpu.memory_space<hbm>>
      %dma_wait3A_1429 = arith.constant 0 : i32
      %dma_wait3A_1430 = arith.constant 0 : i32
      %dma_wait3A_1431 = tpu.memref_slice %arg9[%dma_wait3A_1421, %dma_wait3A_1429, %dma_wait3A_1430] : memref<16x8x128xf32, #tpu.memory_space<vmem>> -> memref<1x8x128xf32, #tpu.memory_space<vmem>>
      %dma_wait3A_1432 = tpu.memref_squeeze %dma_wait3A_1431 : memref<1x8x128xf32, #tpu.memory_space<vmem>> -> memref<8x128xf32, #tpu.memory_space<vmem>>
      %dma_wait3A_1433 = arith.constant 0 : i32
      %dma_wait3A_1434 = arith.constant 0 : i32
      %dma_wait3A_1435 = tpu.memref_slice %arg4[%dma_wait3A_1433, %dma_wait3A_1434] : memref<16x1000000xf32, #tpu.memory_space<hbm>> -> memref<8x128xf32, #tpu.memory_space<hbm>>
      tpu.wait_dma2 semaphore(%arg15 : memref<!tpu.dma_semaphore, #tpu.memory_space<semaphore_mem>>) src(%dma_wait3A_1435 : memref<8x128xf32, #tpu.memory_space<hbm>>) dst(%dma_wait3A_1432 : memref<8x128xf32, #tpu.memory_space<vmem>>)
      %dma_wait3A_1436 = arith.constant 8 : i32
      %dma_wait3A_1437 = arith.constant 0 : i32
      %dma_wait3A_1438 = arith.constant 0 : i32
      %dma_wait3A_1439 = tpu.memref_slice %arg10[%dma_wait3A_1436, %dma_wait3A_1437, %dma_wait3A_1438] : memref<16x8x128xf32, #tpu.memory_space<vmem>> -> memref<1x8x128xf32, #tpu.memory_space<vmem>>
      %dma_wait3A_1440 = tpu.memref_squeeze %dma_wait3A_1439 : memref<1x8x128xf32, #tpu.memory_space<vmem>> -> memref<8x128xf32, #tpu.memory_space<vmem>>
      %dma_wait3A_1441 = arith.constant 0 : i32
      %dma_wait3A_1442 = arith.constant 0 : i32
      %dma_wait3A_1443 = tpu.memref_slice %arg4[%dma_wait3A_1441, %dma_wait3A_1442] : memref<16x1000000xf32, #tpu.memory_space<hbm>> -> memref<8x128xf32, #tpu.memory_space<hbm>>
      %dma_wait3A_1444 = arith.constant 0 : i32
      %dma_wait3A_1445 = arith.constant 0 : i32
      %dma_wait3A_1446 = tpu.memref_slice %arg10[%dma_wait3A_1436, %dma_wait3A_1444, %dma_wait3A_1445] : memref<16x8x128xf32, #tpu.memory_space<vmem>> -> memref<1x8x128xf32, #tpu.memory_space<vmem>>
      %dma_wait3A_1447 = tpu.memref_squeeze %dma_wait3A_1446 : memref<1x8x128xf32, #tpu.memory_space<vmem>> -> memref<8x128xf32, #tpu.memory_space<vmem>>
      %dma_wait3A_1448 = arith.constant 0 : i32
      %dma_wait3A_1449 = arith.constant 0 : i32
      %dma_wait3A_1450 = tpu.memref_slice %arg4[%dma_wait3A_1448, %dma_wait3A_1449] : memref<16x1000000xf32, #tpu.memory_space<hbm>> -> memref<8x128xf32, #tpu.memory_space<hbm>>
      tpu.wait_dma2 semaphore(%arg15 : memref<!tpu.dma_semaphore, #tpu.memory_space<semaphore_mem>>) src(%dma_wait3A_1450 : memref<8x128xf32, #tpu.memory_space<hbm>>) dst(%dma_wait3A_1447 : memref<8x128xf32, #tpu.memory_space<vmem>>)
      %dma_wait3A_1451 = arith.constant 9 : i32
      %dma_wait3A_1452 = arith.constant 0 : i32
      %dma_wait3A_1453 = arith.constant 0 : i32
      %dma_wait3A_1454 = tpu.memref_slice %arg9[%dma_wait3A_1451, %dma_wait3A_1452, %dma_wait3A_1453] : memref<16x8x128xf32, #tpu.memory_space<vmem>> -> memref<1x8x128xf32, #tpu.memory_space<vmem>>
      %dma_wait3A_1455 = tpu.memref_squeeze %dma_wait3A_1454 : memref<1x8x128xf32, #tpu.memory_space<vmem>> -> memref<8x128xf32, #tpu.memory_space<vmem>>
      %dma_wait3A_1456 = arith.constant 0 : i32
      %dma_wait3A_1457 = arith.constant 0 : i32
      %dma_wait3A_1458 = tpu.memref_slice %arg4[%dma_wait3A_1456, %dma_wait3A_1457] : memref<16x1000000xf32, #tpu.memory_space<hbm>> -> memref<8x128xf32, #tpu.memory_space<hbm>>
      %dma_wait3A_1459 = arith.constant 0 : i32
      %dma_wait3A_1460 = arith.constant 0 : i32
      %dma_wait3A_1461 = tpu.memref_slice %arg9[%dma_wait3A_1451, %dma_wait3A_1459, %dma_wait3A_1460] : memref<16x8x128xf32, #tpu.memory_space<vmem>> -> memref<1x8x128xf32, #tpu.memory_space<vmem>>
      %dma_wait3A_1462 = tpu.memref_squeeze %dma_wait3A_1461 : memref<1x8x128xf32, #tpu.memory_space<vmem>> -> memref<8x128xf32, #tpu.memory_space<vmem>>
      %dma_wait3A_1463 = arith.constant 0 : i32
      %dma_wait3A_1464 = arith.constant 0 : i32
      %dma_wait3A_1465 = tpu.memref_slice %arg4[%dma_wait3A_1463, %dma_wait3A_1464] : memref<16x1000000xf32, #tpu.memory_space<hbm>> -> memref<8x128xf32, #tpu.memory_space<hbm>>
      tpu.wait_dma2 semaphore(%arg15 : memref<!tpu.dma_semaphore, #tpu.memory_space<semaphore_mem>>) src(%dma_wait3A_1465 : memref<8x128xf32, #tpu.memory_space<hbm>>) dst(%dma_wait3A_1462 : memref<8x128xf32, #tpu.memory_space<vmem>>)
      %dma_wait3A_1466 = arith.constant 9 : i32
      %dma_wait3A_1467 = arith.constant 0 : i32
      %dma_wait3A_1468 = arith.constant 0 : i32
      %dma_wait3A_1469 = tpu.memref_slice %arg10[%dma_wait3A_1466, %dma_wait3A_1467, %dma_wait3A_1468] : memref<16x8x128xf32, #tpu.memory_space<vmem>> -> memref<1x8x128xf32, #tpu.memory_space<vmem>>
      %dma_wait3A_1470 = tpu.memref_squeeze %dma_wait3A_1469 : memref<1x8x128xf32, #tpu.memory_space<vmem>> -> memref<8x128xf32, #tpu.memory_space<vmem>>
      %dma_wait3A_1471 = arith.constant 0 : i32
      %dma_wait3A_1472 = arith.constant 0 : i32
      %dma_wait3A_1473 = tpu.memref_slice %arg4[%dma_wait3A_1471, %dma_wait3A_1472] : memref<16x1000000xf32, #tpu.memory_space<hbm>> -> memref<8x128xf32, #tpu.memory_space<hbm>>
      %dma_wait3A_1474 = arith.constant 0 : i32
      %dma_wait3A_1475 = arith.constant 0 : i32
      %dma_wait3A_1476 = tpu.memref_slice %arg10[%dma_wait3A_1466, %dma_wait3A_1474, %dma_wait3A_1475] : memref<16x8x128xf32, #tpu.memory_space<vmem>> -> memref<1x8x128xf32, #tpu.memory_space<vmem>>
      %dma_wait3A_1477 = tpu.memref_squeeze %dma_wait3A_1476 : memref<1x8x128xf32, #tpu.memory_space<vmem>> -> memref<8x128xf32, #tpu.memory_space<vmem>>
      %dma_wait3A_1478 = arith.constant 0 : i32
      %dma_wait3A_1479 = arith.constant 0 : i32
      %dma_wait3A_1480 = tpu.memref_slice %arg4[%dma_wait3A_1478, %dma_wait3A_1479] : memref<16x1000000xf32, #tpu.memory_space<hbm>> -> memref<8x128xf32, #tpu.memory_space<hbm>>
      tpu.wait_dma2 semaphore(%arg15 : memref<!tpu.dma_semaphore, #tpu.memory_space<semaphore_mem>>) src(%dma_wait3A_1480 : memref<8x128xf32, #tpu.memory_space<hbm>>) dst(%dma_wait3A_1477 : memref<8x128xf32, #tpu.memory_space<vmem>>)
      %dma_wait3A_1481 = arith.constant 10 : i32
      %dma_wait3A_1482 = arith.constant 0 : i32
      %dma_wait3A_1483 = arith.constant 0 : i32
      %dma_wait3A_1484 = tpu.memref_slice %arg9[%dma_wait3A_1481, %dma_wait3A_1482, %dma_wait3A_1483] : memref<16x8x128xf32, #tpu.memory_space<vmem>> -> memref<1x8x128xf32, #tpu.memory_space<vmem>>
      %dma_wait3A_1485 = tpu.memref_squeeze %dma_wait3A_1484 : memref<1x8x128xf32, #tpu.memory_space<vmem>> -> memref<8x128xf32, #tpu.memory_space<vmem>>
      %dma_wait3A_1486 = arith.constant 0 : i32
      %dma_wait3A_1487 = arith.constant 0 : i32
      %dma_wait3A_1488 = tpu.memref_slice %arg4[%dma_wait3A_1486, %dma_wait3A_1487] : memref<16x1000000xf32, #tpu.memory_space<hbm>> -> memref<8x128xf32, #tpu.memory_space<hbm>>
      %dma_wait3A_1489 = arith.constant 0 : i32
      %dma_wait3A_1490 = arith.constant 0 : i32
      %dma_wait3A_1491 = tpu.memref_slice %arg9[%dma_wait3A_1481, %dma_wait3A_1489, %dma_wait3A_1490] : memref<16x8x128xf32, #tpu.memory_space<vmem>> -> memref<1x8x128xf32, #tpu.memory_space<vmem>>
      %dma_wait3A_1492 = tpu.memref_squeeze %dma_wait3A_1491 : memref<1x8x128xf32, #tpu.memory_space<vmem>> -> memref<8x128xf32, #tpu.memory_space<vmem>>
      %dma_wait3A_1493 = arith.constant 0 : i32
      %dma_wait3A_1494 = arith.constant 0 : i32
      %dma_wait3A_1495 = tpu.memref_slice %arg4[%dma_wait3A_1493, %dma_wait3A_1494] : memref<16x1000000xf32, #tpu.memory_space<hbm>> -> memref<8x128xf32, #tpu.memory_space<hbm>>
      tpu.wait_dma2 semaphore(%arg15 : memref<!tpu.dma_semaphore, #tpu.memory_space<semaphore_mem>>) src(%dma_wait3A_1495 : memref<8x128xf32, #tpu.memory_space<hbm>>) dst(%dma_wait3A_1492 : memref<8x128xf32, #tpu.memory_space<vmem>>)
      %dma_wait3A_1496 = arith.constant 10 : i32
      %dma_wait3A_1497 = arith.constant 0 : i32
      %dma_wait3A_1498 = arith.constant 0 : i32
      %dma_wait3A_1499 = tpu.memref_slice %arg10[%dma_wait3A_1496, %dma_wait3A_1497, %dma_wait3A_1498] : memref<16x8x128xf32, #tpu.memory_space<vmem>> -> memref<1x8x128xf32, #tpu.memory_space<vmem>>
      %dma_wait3A_1500 = tpu.memref_squeeze %dma_wait3A_1499 : memref<1x8x128xf32, #tpu.memory_space<vmem>> -> memref<8x128xf32, #tpu.memory_space<vmem>>
      %dma_wait3A_1501 = arith.constant 0 : i32
      %dma_wait3A_1502 = arith.constant 0 : i32
      %dma_wait3A_1503 = tpu.memref_slice %arg4[%dma_wait3A_1501, %dma_wait3A_1502] : memref<16x1000000xf32, #tpu.memory_space<hbm>> -> memref<8x128xf32, #tpu.memory_space<hbm>>
      %dma_wait3A_1504 = arith.constant 0 : i32
      %dma_wait3A_1505 = arith.constant 0 : i32
      %dma_wait3A_1506 = tpu.memref_slice %arg10[%dma_wait3A_1496, %dma_wait3A_1504, %dma_wait3A_1505] : memref<16x8x128xf32, #tpu.memory_space<vmem>> -> memref<1x8x128xf32, #tpu.memory_space<vmem>>
      %dma_wait3A_1507 = tpu.memref_squeeze %dma_wait3A_1506 : memref<1x8x128xf32, #tpu.memory_space<vmem>> -> memref<8x128xf32, #tpu.memory_space<vmem>>
      %dma_wait3A_1508 = arith.constant 0 : i32
      %dma_wait3A_1509 = arith.constant 0 : i32
      %dma_wait3A_1510 = tpu.memref_slice %arg4[%dma_wait3A_1508, %dma_wait3A_1509] : memref<16x1000000xf32, #tpu.memory_space<hbm>> -> memref<8x128xf32, #tpu.memory_space<hbm>>
      tpu.wait_dma2 semaphore(%arg15 : memref<!tpu.dma_semaphore, #tpu.memory_space<semaphore_mem>>) src(%dma_wait3A_1510 : memref<8x128xf32, #tpu.memory_space<hbm>>) dst(%dma_wait3A_1507 : memref<8x128xf32, #tpu.memory_space<vmem>>)
      %dma_wait3A_1511 = arith.constant 11 : i32
      %dma_wait3A_1512 = arith.constant 0 : i32
      %dma_wait3A_1513 = arith.constant 0 : i32
      %dma_wait3A_1514 = tpu.memref_slice %arg9[%dma_wait3A_1511, %dma_wait3A_1512, %dma_wait3A_1513] : memref<16x8x128xf32, #tpu.memory_space<vmem>> -> memref<1x8x128xf32, #tpu.memory_space<vmem>>
      %dma_wait3A_1515 = tpu.memref_squeeze %dma_wait3A_1514 : memref<1x8x128xf32, #tpu.memory_space<vmem>> -> memref<8x128xf32, #tpu.memory_space<vmem>>
      %dma_wait3A_1516 = arith.constant 0 : i32
      %dma_wait3A_1517 = arith.constant 0 : i32
      %dma_wait3A_1518 = tpu.memref_slice %arg4[%dma_wait3A_1516, %dma_wait3A_1517] : memref<16x1000000xf32, #tpu.memory_space<hbm>> -> memref<8x128xf32, #tpu.memory_space<hbm>>
      %dma_wait3A_1519 = arith.constant 0 : i32
      %dma_wait3A_1520 = arith.constant 0 : i32
      %dma_wait3A_1521 = tpu.memref_slice %arg9[%dma_wait3A_1511, %dma_wait3A_1519, %dma_wait3A_1520] : memref<16x8x128xf32, #tpu.memory_space<vmem>> -> memref<1x8x128xf32, #tpu.memory_space<vmem>>
      %dma_wait3A_1522 = tpu.memref_squeeze %dma_wait3A_1521 : memref<1x8x128xf32, #tpu.memory_space<vmem>> -> memref<8x128xf32, #tpu.memory_space<vmem>>
      %dma_wait3A_1523 = arith.constant 0 : i32
      %dma_wait3A_1524 = arith.constant 0 : i32
      %dma_wait3A_1525 = tpu.memref_slice %arg4[%dma_wait3A_1523, %dma_wait3A_1524] : memref<16x1000000xf32, #tpu.memory_space<hbm>> -> memref<8x128xf32, #tpu.memory_space<hbm>>
      tpu.wait_dma2 semaphore(%arg15 : memref<!tpu.dma_semaphore, #tpu.memory_space<semaphore_mem>>) src(%dma_wait3A_1525 : memref<8x128xf32, #tpu.memory_space<hbm>>) dst(%dma_wait3A_1522 : memref<8x128xf32, #tpu.memory_space<vmem>>)
      %dma_wait3A_1526 = arith.constant 11 : i32
      %dma_wait3A_1527 = arith.constant 0 : i32
      %dma_wait3A_1528 = arith.constant 0 : i32
      %dma_wait3A_1529 = tpu.memref_slice %arg10[%dma_wait3A_1526, %dma_wait3A_1527, %dma_wait3A_1528] : memref<16x8x128xf32, #tpu.memory_space<vmem>> -> memref<1x8x128xf32, #tpu.memory_space<vmem>>
      %dma_wait3A_1530 = tpu.memref_squeeze %dma_wait3A_1529 : memref<1x8x128xf32, #tpu.memory_space<vmem>> -> memref<8x128xf32, #tpu.memory_space<vmem>>
      %dma_wait3A_1531 = arith.constant 0 : i32
      %dma_wait3A_1532 = arith.constant 0 : i32
      %dma_wait3A_1533 = tpu.memref_slice %arg4[%dma_wait3A_1531, %dma_wait3A_1532] : memref<16x1000000xf32, #tpu.memory_space<hbm>> -> memref<8x128xf32, #tpu.memory_space<hbm>>
      %dma_wait3A_1534 = arith.constant 0 : i32
      %dma_wait3A_1535 = arith.constant 0 : i32
      %dma_wait3A_1536 = tpu.memref_slice %arg10[%dma_wait3A_1526, %dma_wait3A_1534, %dma_wait3A_1535] : memref<16x8x128xf32, #tpu.memory_space<vmem>> -> memref<1x8x128xf32, #tpu.memory_space<vmem>>
      %dma_wait3A_1537 = tpu.memref_squeeze %dma_wait3A_1536 : memref<1x8x128xf32, #tpu.memory_space<vmem>> -> memref<8x128xf32, #tpu.memory_space<vmem>>
      %dma_wait3A_1538 = arith.constant 0 : i32
      %dma_wait3A_1539 = arith.constant 0 : i32
      %dma_wait3A_1540 = tpu.memref_slice %arg4[%dma_wait3A_1538, %dma_wait3A_1539] : memref<16x1000000xf32, #tpu.memory_space<hbm>> -> memref<8x128xf32, #tpu.memory_space<hbm>>
      tpu.wait_dma2 semaphore(%arg15 : memref<!tpu.dma_semaphore, #tpu.memory_space<semaphore_mem>>) src(%dma_wait3A_1540 : memref<8x128xf32, #tpu.memory_space<hbm>>) dst(%dma_wait3A_1537 : memref<8x128xf32, #tpu.memory_space<vmem>>)
      %dma_wait3A_1541 = arith.constant 12 : i32
      %dma_wait3A_1542 = arith.constant 0 : i32
      %dma_wait3A_1543 = arith.constant 0 : i32
      %dma_wait3A_1544 = tpu.memref_slice %arg9[%dma_wait3A_1541, %dma_wait3A_1542, %dma_wait3A_1543] : memref<16x8x128xf32, #tpu.memory_space<vmem>> -> memref<1x8x128xf32, #tpu.memory_space<vmem>>
      %dma_wait3A_1545 = tpu.memref_squeeze %dma_wait3A_1544 : memref<1x8x128xf32, #tpu.memory_space<vmem>> -> memref<8x128xf32, #tpu.memory_space<vmem>>
      %dma_wait3A_1546 = arith.constant 0 : i32
      %dma_wait3A_1547 = arith.constant 0 : i32
      %dma_wait3A_1548 = tpu.memref_slice %arg4[%dma_wait3A_1546, %dma_wait3A_1547] : memref<16x1000000xf32, #tpu.memory_space<hbm>> -> memref<8x128xf32, #tpu.memory_space<hbm>>
      %dma_wait3A_1549 = arith.constant 0 : i32
      %dma_wait3A_1550 = arith.constant 0 : i32
      %dma_wait3A_1551 = tpu.memref_slice %arg9[%dma_wait3A_1541, %dma_wait3A_1549, %dma_wait3A_1550] : memref<16x8x128xf32, #tpu.memory_space<vmem>> -> memref<1x8x128xf32, #tpu.memory_space<vmem>>
      %dma_wait3A_1552 = tpu.memref_squeeze %dma_wait3A_1551 : memref<1x8x128xf32, #tpu.memory_space<vmem>> -> memref<8x128xf32, #tpu.memory_space<vmem>>
      %dma_wait3A_1553 = arith.constant 0 : i32
      %dma_wait3A_1554 = arith.constant 0 : i32
      %dma_wait3A_1555 = tpu.memref_slice %arg4[%dma_wait3A_1553, %dma_wait3A_1554] : memref<16x1000000xf32, #tpu.memory_space<hbm>> -> memref<8x128xf32, #tpu.memory_space<hbm>>
      tpu.wait_dma2 semaphore(%arg15 : memref<!tpu.dma_semaphore, #tpu.memory_space<semaphore_mem>>) src(%dma_wait3A_1555 : memref<8x128xf32, #tpu.memory_space<hbm>>) dst(%dma_wait3A_1552 : memref<8x128xf32, #tpu.memory_space<vmem>>)
      %dma_wait3A_1556 = arith.constant 12 : i32
      %dma_wait3A_1557 = arith.constant 0 : i32
      %dma_wait3A_1558 = arith.constant 0 : i32
      %dma_wait3A_1559 = tpu.memref_slice %arg10[%dma_wait3A_1556, %dma_wait3A_1557, %dma_wait3A_1558] : memref<16x8x128xf32, #tpu.memory_space<vmem>> -> memref<1x8x128xf32, #tpu.memory_space<vmem>>
      %dma_wait3A_1560 = tpu.memref_squeeze %dma_wait3A_1559 : memref<1x8x128xf32, #tpu.memory_space<vmem>> -> memref<8x128xf32, #tpu.memory_space<vmem>>
      %dma_wait3A_1561 = arith.constant 0 : i32
      %dma_wait3A_1562 = arith.constant 0 : i32
      %dma_wait3A_1563 = tpu.memref_slice %arg4[%dma_wait3A_1561, %dma_wait3A_1562] : memref<16x1000000xf32, #tpu.memory_space<hbm>> -> memref<8x128xf32, #tpu.memory_space<hbm>>
      %dma_wait3A_1564 = arith.constant 0 : i32
      %dma_wait3A_1565 = arith.constant 0 : i32
      %dma_wait3A_1566 = tpu.memref_slice %arg10[%dma_wait3A_1556, %dma_wait3A_1564, %dma_wait3A_1565] : memref<16x8x128xf32, #tpu.memory_space<vmem>> -> memref<1x8x128xf32, #tpu.memory_space<vmem>>
      %dma_wait3A_1567 = tpu.memref_squeeze %dma_wait3A_1566 : memref<1x8x128xf32, #tpu.memory_space<vmem>> -> memref<8x128xf32, #tpu.memory_space<vmem>>
      %dma_wait3A_1568 = arith.constant 0 : i32
      %dma_wait3A_1569 = arith.constant 0 : i32
      %dma_wait3A_1570 = tpu.memref_slice %arg4[%dma_wait3A_1568, %dma_wait3A_1569] : memref<16x1000000xf32, #tpu.memory_space<hbm>> -> memref<8x128xf32, #tpu.memory_space<hbm>>
      tpu.wait_dma2 semaphore(%arg15 : memref<!tpu.dma_semaphore, #tpu.memory_space<semaphore_mem>>) src(%dma_wait3A_1570 : memref<8x128xf32, #tpu.memory_space<hbm>>) dst(%dma_wait3A_1567 : memref<8x128xf32, #tpu.memory_space<vmem>>)
      %dma_wait3A_1571 = arith.constant 13 : i32
      %dma_wait3A_1572 = arith.constant 0 : i32
      %dma_wait3A_1573 = arith.constant 0 : i32
      %dma_wait3A_1574 = tpu.memref_slice %arg9[%dma_wait3A_1571, %dma_wait3A_1572, %dma_wait3A_1573] : memref<16x8x128xf32, #tpu.memory_space<vmem>> -> memref<1x8x128xf32, #tpu.memory_space<vmem>>
      %dma_wait3A_1575 = tpu.memref_squeeze %dma_wait3A_1574 : memref<1x8x128xf32, #tpu.memory_space<vmem>> -> memref<8x128xf32, #tpu.memory_space<vmem>>
      %dma_wait3A_1576 = arith.constant 0 : i32
      %dma_wait3A_1577 = arith.constant 0 : i32
      %dma_wait3A_1578 = tpu.memref_slice %arg4[%dma_wait3A_1576, %dma_wait3A_1577] : memref<16x1000000xf32, #tpu.memory_space<hbm>> -> memref<8x128xf32, #tpu.memory_space<hbm>>
      %dma_wait3A_1579 = arith.constant 0 : i32
      %dma_wait3A_1580 = arith.constant 0 : i32
      %dma_wait3A_1581 = tpu.memref_slice %arg9[%dma_wait3A_1571, %dma_wait3A_1579, %dma_wait3A_1580] : memref<16x8x128xf32, #tpu.memory_space<vmem>> -> memref<1x8x128xf32, #tpu.memory_space<vmem>>
      %dma_wait3A_1582 = tpu.memref_squeeze %dma_wait3A_1581 : memref<1x8x128xf32, #tpu.memory_space<vmem>> -> memref<8x128xf32, #tpu.memory_space<vmem>>
      %dma_wait3A_1583 = arith.constant 0 : i32
      %dma_wait3A_1584 = arith.constant 0 : i32
      %dma_wait3A_1585 = tpu.memref_slice %arg4[%dma_wait3A_1583, %dma_wait3A_1584] : memref<16x1000000xf32, #tpu.memory_space<hbm>> -> memref<8x128xf32, #tpu.memory_space<hbm>>
      tpu.wait_dma2 semaphore(%arg15 : memref<!tpu.dma_semaphore, #tpu.memory_space<semaphore_mem>>) src(%dma_wait3A_1585 : memref<8x128xf32, #tpu.memory_space<hbm>>) dst(%dma_wait3A_1582 : memref<8x128xf32, #tpu.memory_space<vmem>>)
      %dma_wait3A_1586 = arith.constant 13 : i32
      %dma_wait3A_1587 = arith.constant 0 : i32
      %dma_wait3A_1588 = arith.constant 0 : i32
      %dma_wait3A_1589 = tpu.memref_slice %arg10[%dma_wait3A_1586, %dma_wait3A_1587, %dma_wait3A_1588] : memref<16x8x128xf32, #tpu.memory_space<vmem>> -> memref<1x8x128xf32, #tpu.memory_space<vmem>>
      %dma_wait3A_1590 = tpu.memref_squeeze %dma_wait3A_1589 : memref<1x8x128xf32, #tpu.memory_space<vmem>> -> memref<8x128xf32, #tpu.memory_space<vmem>>
      %dma_wait3A_1591 = arith.constant 0 : i32
      %dma_wait3A_1592 = arith.constant 0 : i32
      %dma_wait3A_1593 = tpu.memref_slice %arg4[%dma_wait3A_1591, %dma_wait3A_1592] : memref<16x1000000xf32, #tpu.memory_space<hbm>> -> memref<8x128xf32, #tpu.memory_space<hbm>>
      %dma_wait3A_1594 = arith.constant 0 : i32
      %dma_wait3A_1595 = arith.constant 0 : i32
      %dma_wait3A_1596 = tpu.memref_slice %arg10[%dma_wait3A_1586, %dma_wait3A_1594, %dma_wait3A_1595] : memref<16x8x128xf32, #tpu.memory_space<vmem>> -> memref<1x8x128xf32, #tpu.memory_space<vmem>>
      %dma_wait3A_1597 = tpu.memref_squeeze %dma_wait3A_1596 : memref<1x8x128xf32, #tpu.memory_space<vmem>> -> memref<8x128xf32, #tpu.memory_space<vmem>>
      %dma_wait3A_1598 = arith.constant 0 : i32
      %dma_wait3A_1599 = arith.constant 0 : i32
      %dma_wait3A_1600 = tpu.memref_slice %arg4[%dma_wait3A_1598, %dma_wait3A_1599] : memref<16x1000000xf32, #tpu.memory_space<hbm>> -> memref<8x128xf32, #tpu.memory_space<hbm>>
      tpu.wait_dma2 semaphore(%arg15 : memref<!tpu.dma_semaphore, #tpu.memory_space<semaphore_mem>>) src(%dma_wait3A_1600 : memref<8x128xf32, #tpu.memory_space<hbm>>) dst(%dma_wait3A_1597 : memref<8x128xf32, #tpu.memory_space<vmem>>)
      %dma_wait3A_1601 = arith.constant 14 : i32
      %dma_wait3A_1602 = arith.constant 0 : i32
      %dma_wait3A_1603 = arith.constant 0 : i32
      %dma_wait3A_1604 = tpu.memref_slice %arg9[%dma_wait3A_1601, %dma_wait3A_1602, %dma_wait3A_1603] : memref<16x8x128xf32, #tpu.memory_space<vmem>> -> memref<1x8x128xf32, #tpu.memory_space<vmem>>
      %dma_wait3A_1605 = tpu.memref_squeeze %dma_wait3A_1604 : memref<1x8x128xf32, #tpu.memory_space<vmem>> -> memref<8x128xf32, #tpu.memory_space<vmem>>
      %dma_wait3A_1606 = arith.constant 0 : i32
      %dma_wait3A_1607 = arith.constant 0 : i32
      %dma_wait3A_1608 = tpu.memref_slice %arg4[%dma_wait3A_1606, %dma_wait3A_1607] : memref<16x1000000xf32, #tpu.memory_space<hbm>> -> memref<8x128xf32, #tpu.memory_space<hbm>>
      %dma_wait3A_1609 = arith.constant 0 : i32
      %dma_wait3A_1610 = arith.constant 0 : i32
      %dma_wait3A_1611 = tpu.memref_slice %arg9[%dma_wait3A_1601, %dma_wait3A_1609, %dma_wait3A_1610] : memref<16x8x128xf32, #tpu.memory_space<vmem>> -> memref<1x8x128xf32, #tpu.memory_space<vmem>>
      %dma_wait3A_1612 = tpu.memref_squeeze %dma_wait3A_1611 : memref<1x8x128xf32, #tpu.memory_space<vmem>> -> memref<8x128xf32, #tpu.memory_space<vmem>>
      %dma_wait3A_1613 = arith.constant 0 : i32
      %dma_wait3A_1614 = arith.constant 0 : i32
      %dma_wait3A_1615 = tpu.memref_slice %arg4[%dma_wait3A_1613, %dma_wait3A_1614] : memref<16x1000000xf32, #tpu.memory_space<hbm>> -> memref<8x128xf32, #tpu.memory_space<hbm>>
      tpu.wait_dma2 semaphore(%arg15 : memref<!tpu.dma_semaphore, #tpu.memory_space<semaphore_mem>>) src(%dma_wait3A_1615 : memref<8x128xf32, #tpu.memory_space<hbm>>) dst(%dma_wait3A_1612 : memref<8x128xf32, #tpu.memory_space<vmem>>)
      %dma_wait3A_1616 = arith.constant 14 : i32
      %dma_wait3A_1617 = arith.constant 0 : i32
      %dma_wait3A_1618 = arith.constant 0 : i32
      %dma_wait3A_1619 = tpu.memref_slice %arg10[%dma_wait3A_1616, %dma_wait3A_1617, %dma_wait3A_1618] : memref<16x8x128xf32, #tpu.memory_space<vmem>> -> memref<1x8x128xf32, #tpu.memory_space<vmem>>
      %dma_wait3A_1620 = tpu.memref_squeeze %dma_wait3A_1619 : memref<1x8x128xf32, #tpu.memory_space<vmem>> -> memref<8x128xf32, #tpu.memory_space<vmem>>
      %dma_wait3A_1621 = arith.constant 0 : i32
      %dma_wait3A_1622 = arith.constant 0 : i32
      %dma_wait3A_1623 = tpu.memref_slice %arg4[%dma_wait3A_1621, %dma_wait3A_1622] : memref<16x1000000xf32, #tpu.memory_space<hbm>> -> memref<8x128xf32, #tpu.memory_space<hbm>>
      %dma_wait3A_1624 = arith.constant 0 : i32
      %dma_wait3A_1625 = arith.constant 0 : i32
      %dma_wait3A_1626 = tpu.memref_slice %arg10[%dma_wait3A_1616, %dma_wait3A_1624, %dma_wait3A_1625] : memref<16x8x128xf32, #tpu.memory_space<vmem>> -> memref<1x8x128xf32, #tpu.memory_space<vmem>>
      %dma_wait3A_1627 = tpu.memref_squeeze %dma_wait3A_1626 : memref<1x8x128xf32, #tpu.memory_space<vmem>> -> memref<8x128xf32, #tpu.memory_space<vmem>>
      %dma_wait3A_1628 = arith.constant 0 : i32
      %dma_wait3A_1629 = arith.constant 0 : i32
      %dma_wait3A_1630 = tpu.memref_slice %arg4[%dma_wait3A_1628, %dma_wait3A_1629] : memref<16x1000000xf32, #tpu.memory_space<hbm>> -> memref<8x128xf32, #tpu.memory_space<hbm>>
      tpu.wait_dma2 semaphore(%arg15 : memref<!tpu.dma_semaphore, #tpu.memory_space<semaphore_mem>>) src(%dma_wait3A_1630 : memref<8x128xf32, #tpu.memory_space<hbm>>) dst(%dma_wait3A_1627 : memref<8x128xf32, #tpu.memory_space<vmem>>)
      %dma_wait3A_1631 = arith.constant 15 : i32
      %dma_wait3A_1632 = arith.constant 0 : i32
      %dma_wait3A_1633 = arith.constant 0 : i32
      %dma_wait3A_1634 = tpu.memref_slice %arg9[%dma_wait3A_1631, %dma_wait3A_1632, %dma_wait3A_1633] : memref<16x8x128xf32, #tpu.memory_space<vmem>> -> memref<1x8x128xf32, #tpu.memory_space<vmem>>
      %dma_wait3A_1635 = tpu.memref_squeeze %dma_wait3A_1634 : memref<1x8x128xf32, #tpu.memory_space<vmem>> -> memref<8x128xf32, #tpu.memory_space<vmem>>
      %dma_wait3A_1636 = arith.constant 0 : i32
      %dma_wait3A_1637 = arith.constant 0 : i32
      %dma_wait3A_1638 = tpu.memref_slice %arg4[%dma_wait3A_1636, %dma_wait3A_1637] : memref<16x1000000xf32, #tpu.memory_space<hbm>> -> memref<8x128xf32, #tpu.memory_space<hbm>>
      %dma_wait3A_1639 = arith.constant 0 : i32
      %dma_wait3A_1640 = arith.constant 0 : i32
      %dma_wait3A_1641 = tpu.memref_slice %arg9[%dma_wait3A_1631, %dma_wait3A_1639, %dma_wait3A_1640] : memref<16x8x128xf32, #tpu.memory_space<vmem>> -> memref<1x8x128xf32, #tpu.memory_space<vmem>>
      %dma_wait3A_1642 = tpu.memref_squeeze %dma_wait3A_1641 : memref<1x8x128xf32, #tpu.memory_space<vmem>> -> memref<8x128xf32, #tpu.memory_space<vmem>>
      %dma_wait3A_1643 = arith.constant 0 : i32
      %dma_wait3A_1644 = arith.constant 0 : i32
      %dma_wait3A_1645 = tpu.memref_slice %arg4[%dma_wait3A_1643, %dma_wait3A_1644] : memref<16x1000000xf32, #tpu.memory_space<hbm>> -> memref<8x128xf32, #tpu.memory_space<hbm>>
      tpu.wait_dma2 semaphore(%arg15 : memref<!tpu.dma_semaphore, #tpu.memory_space<semaphore_mem>>) src(%dma_wait3A_1645 : memref<8x128xf32, #tpu.memory_space<hbm>>) dst(%dma_wait3A_1642 : memref<8x128xf32, #tpu.memory_space<vmem>>)
      %dma_wait3A_1646 = arith.constant 15 : i32
      %dma_wait3A_1647 = arith.constant 0 : i32
      %dma_wait3A_1648 = arith.constant 0 : i32
      %dma_wait3A_1649 = tpu.memref_slice %arg10[%dma_wait3A_1646, %dma_wait3A_1647, %dma_wait3A_1648] : memref<16x8x128xf32, #tpu.memory_space<vmem>> -> memref<1x8x128xf32, #tpu.memory_space<vmem>>
      %dma_wait3A_1650 = tpu.memref_squeeze %dma_wait3A_1649 : memref<1x8x128xf32, #tpu.memory_space<vmem>> -> memref<8x128xf32, #tpu.memory_space<vmem>>
      %dma_wait3A_1651 = arith.constant 0 : i32
      %dma_wait3A_1652 = arith.constant 0 : i32
      %dma_wait3A_1653 = tpu.memref_slice %arg4[%dma_wait3A_1651, %dma_wait3A_1652] : memref<16x1000000xf32, #tpu.memory_space<hbm>> -> memref<8x128xf32, #tpu.memory_space<hbm>>
      %dma_wait3A_1654 = arith.constant 0 : i32
      %dma_wait3A_1655 = arith.constant 0 : i32
      %dma_wait3A_1656 = tpu.memref_slice %arg10[%dma_wait3A_1646, %dma_wait3A_1654, %dma_wait3A_1655] : memref<16x8x128xf32, #tpu.memory_space<vmem>> -> memref<1x8x128xf32, #tpu.memory_space<vmem>>
      %dma_wait3A_1657 = tpu.memref_squeeze %dma_wait3A_1656 : memref<1x8x128xf32, #tpu.memory_space<vmem>> -> memref<8x128xf32, #tpu.memory_space<vmem>>
      %dma_wait3A_1658 = arith.constant 0 : i32
      %dma_wait3A_1659 = arith.constant 0 : i32
      %dma_wait3A_1660 = tpu.memref_slice %arg4[%dma_wait3A_1658, %dma_wait3A_1659] : memref<16x1000000xf32, #tpu.memory_space<hbm>> -> memref<8x128xf32, #tpu.memory_space<hbm>>
      tpu.wait_dma2 semaphore(%arg15 : memref<!tpu.dma_semaphore, #tpu.memory_space<semaphore_mem>>) src(%dma_wait3A_1660 : memref<8x128xf32, #tpu.memory_space<hbm>>) dst(%dma_wait3A_1657 : memref<8x128xf32, #tpu.memory_space<vmem>>)
      %broadcast_in_dim3A = arith.constant 0.000000e+00 : f32
      %broadcast_in_dim3A_1661 = vector.broadcast %broadcast_in_dim3A : f32 to vector<16xf32>
      %broadcast_in_dim3A_1662 = arith.constant 0 : i32
      %broadcast_in_dim3A_1663 = vector.broadcast %broadcast_in_dim3A_1662 : i32 to vector<16xi32>
      %gather3A = tpu.vector_load_idx %arg9[%iota3A, %broadcast_in_dim3A_1663, %and3A_601] : memref<16x8x128xf32, #tpu.memory_space<vmem>>[vector<16xi32>, vector<16xi32>, vector<16xi32>], vector<16xf32>,
      %gather3A_1664 = tpu.vector_load_idx %arg10[%iota3A, %broadcast_in_dim3A_1663, %and3A_604] : memref<16x8x128xf32, #tpu.memory_space<vmem>>[vector<16xi32>, vector<16xi32>, vector<16xi32>], vector<16xf32>,
      %mul3A_1665 = arith.mulf %gather3A, %gather3A_1664 : vector<16xf32>
      %add3A_1666 = arith.addf %broadcast_in_dim3A_1661, %mul3A_1665 : vector<16xf32>
      %broadcast_in_dim3A_1667 = arith.constant 1 : i32
      %broadcast_in_dim3A_1668 = vector.broadcast %broadcast_in_dim3A_1667 : i32 to vector<16xi32>
      %gather3A_1669 = tpu.vector_load_idx %arg9[%iota3A, %broadcast_in_dim3A_1668, %and3A_601] : memref<16x8x128xf32, #tpu.memory_space<vmem>>[vector<16xi32>, vector<16xi32>, vector<16xi32>], vector<16xf32>,
      %gather3A_1670 = tpu.vector_load_idx %arg10[%iota3A, %broadcast_in_dim3A_1668, %and3A_604] : memref<16x8x128xf32, #tpu.memory_space<vmem>>[vector<16xi32>, vector<16xi32>, vector<16xi32>], vector<16xf32>,
      %mul3A_1671 = arith.mulf %gather3A_1669, %gather3A_1670 : vector<16xf32>
      %add3A_1672 = arith.addf %add3A_1666, %mul3A_1671 : vector<16xf32>
      %broadcast_in_dim3A_1673 = arith.constant 2 : i32
      %broadcast_in_dim3A_1674 = vector.broadcast %broadcast_in_dim3A_1673 : i32 to vector<16xi32>
      %gather3A_1675 = tpu.vector_load_idx %arg9[%iota3A, %broadcast_in_dim3A_1674, %and3A_601] : memref<16x8x128xf32, #tpu.memory_space<vmem>>[vector<16xi32>, vector<16xi32>, vector<16xi32>], vector<16xf32>,
      %gather3A_1676 = tpu.vector_load_idx %arg10[%iota3A, %broadcast_in_dim3A_1674, %and3A_604] : memref<16x8x128xf32, #tpu.memory_space<vmem>>[vector<16xi32>, vector<16xi32>, vector<16xi32>], vector<16xf32>,
      %mul3A_1677 = arith.mulf %gather3A_1675, %gather3A_1676 : vector<16xf32>
      %add3A_1678 = arith.addf %add3A_1672, %mul3A_1677 : vector<16xf32>
      %broadcast_in_dim3A_1679 = arith.constant 3 : i32
      %broadcast_in_dim3A_1680 = vector.broadcast %broadcast_in_dim3A_1679 : i32 to vector<16xi32>
      %gather3A_1681 = tpu.vector_load_idx %arg9[%iota3A, %broadcast_in_dim3A_1680, %and3A_601] : memref<16x8x128xf32, #tpu.memory_space<vmem>>[vector<16xi32>, vector<16xi32>, vector<16xi32>], vector<16xf32>,
      %gather3A_1682 = tpu.vector_load_idx %arg10[%iota3A, %broadcast_in_dim3A_1680, %and3A_604] : memref<16x8x128xf32, #tpu.memory_space<vmem>>[vector<16xi32>, vector<16xi32>, vector<16xi32>], vector<16xf32>,
      %mul3A_1683 = arith.mulf %gather3A_1681, %gather3A_1682 : vector<16xf32>
      %add3A_1684 = arith.addf %add3A_1678, %mul3A_1683 : vector<16xf32>
      %broadcast_in_dim3A_1685 = arith.constant 4 : i32
      %broadcast_in_dim3A_1686 = vector.broadcast %broadcast_in_dim3A_1685 : i32 to vector<16xi32>
      %gather3A_1687 = tpu.vector_load_idx %arg9[%iota3A, %broadcast_in_dim3A_1686, %and3A_601] : memref<16x8x128xf32, #tpu.memory_space<vmem>>[vector<16xi32>, vector<16xi32>, vector<16xi32>], vector<16xf32>,
      %gather3A_1688 = tpu.vector_load_idx %arg10[%iota3A, %broadcast_in_dim3A_1686, %and3A_604] : memref<16x8x128xf32, #tpu.memory_space<vmem>>[vector<16xi32>, vector<16xi32>, vector<16xi32>], vector<16xf32>,
      %mul3A_1689 = arith.mulf %gather3A_1687, %gather3A_1688 : vector<16xf32>
      %add3A_1690 = arith.addf %add3A_1684, %mul3A_1689 : vector<16xf32>
      %broadcast_in_dim3A_1691 = arith.constant 5 : i32
      %broadcast_in_dim3A_1692 = vector.broadcast %broadcast_in_dim3A_1691 : i32 to vector<16xi32>
      %gather3A_1693 = tpu.vector_load_idx %arg9[%iota3A, %broadcast_in_dim3A_1692, %and3A_601] : memref<16x8x128xf32, #tpu.memory_space<vmem>>[vector<16xi32>, vector<16xi32>, vector<16xi32>], vector<16xf32>,
      %gather3A_1694 = tpu.vector_load_idx %arg10[%iota3A, %broadcast_in_dim3A_1692, %and3A_604] : memref<16x8x128xf32, #tpu.memory_space<vmem>>[vector<16xi32>, vector<16xi32>, vector<16xi32>], vector<16xf32>,
      %mul3A_1695 = arith.mulf %gather3A_1693, %gather3A_1694 : vector<16xf32>
      %add3A_1696 = arith.addf %add3A_1690, %mul3A_1695 : vector<16xf32>
      %broadcast_in_dim3A_1697 = arith.constant 6 : i32
      %broadcast_in_dim3A_1698 = vector.broadcast %broadcast_in_dim3A_1697 : i32 to vector<16xi32>
      %gather3A_1699 = tpu.vector_load_idx %arg9[%iota3A, %broadcast_in_dim3A_1698, %and3A_601] : memref<16x8x128xf32, #tpu.memory_space<vmem>>[vector<16xi32>, vector<16xi32>, vector<16xi32>], vector<16xf32>,
      %gather3A_1700 = tpu.vector_load_idx %arg10[%iota3A, %broadcast_in_dim3A_1698, %and3A_604] : memref<16x8x128xf32, #tpu.memory_space<vmem>>[vector<16xi32>, vector<16xi32>, vector<16xi32>], vector<16xf32>,
      %mul3A_1701 = arith.mulf %gather3A_1699, %gather3A_1700 : vector<16xf32>
      %add3A_1702 = arith.addf %add3A_1696, %mul3A_1701 : vector<16xf32>
      %broadcast_in_dim3A_1703 = arith.constant 7 : i32
      %broadcast_in_dim3A_1704 = vector.broadcast %broadcast_in_dim3A_1703 : i32 to vector<16xi32>
      %gather3A_1705 = tpu.vector_load_idx %arg9[%iota3A, %broadcast_in_dim3A_1704, %and3A_601] : memref<16x8x128xf32, #tpu.memory_space<vmem>>[vector<16xi32>, vector<16xi32>, vector<16xi32>], vector<16xf32>,
      %gather3A_1706 = tpu.vector_load_idx %arg10[%iota3A, %broadcast_in_dim3A_1704, %and3A_604] : memref<16x8x128xf32, #tpu.memory_space<vmem>>[vector<16xi32>, vector<16xi32>, vector<16xi32>], vector<16xf32>,
      %mul3A_1707 = arith.mulf %gather3A_1705, %gather3A_1706 : vector<16xf32>
      %add3A_1708 = arith.addf %add3A_1702, %mul3A_1707 : vector<16xf32>
      %add3A_1709 = arith.constant 1 : i32
      %add3A_1710 = arith.addi %scan3A_591, %add3A_1709 : i32
      %lt3A = arith.constant 32 : i32
      %lt3A_1711 = arith.cmpi slt, %add3A_1710, %lt3A : i32
      %convert_element_type3A = arith.extui %lt3A_1711 : i1 to i32
      %cond3A = arith.constant 0 : i32
      %cond3A_1712 = arith.cmpi ne, %convert_element_type3A, %cond3A : i32
      scf.if %cond3A_1712 {
        %add3A_2255 = arith.constant 1 : i32
        %add3A_2256 = arith.addi %scan3A_591, %add3A_2255 : i32
        %mul3A_2257 = arith.constant 16 : i32
        %mul3A_2258 = arith.muli %add3A_2256, %mul3A_2257 : i32
        %multiple_of3A_2259 = tpu.assume_multiple %mul3A_2258, 16 : i32
        %get3A_2260 = arith.index_cast %multiple_of3A_2259 : i32 to index
        %get3A_2261 = tpu.vector_load %arg7[%get3A_2260] {strides = array<i32>} : memref<512xi32, #tpu.memory_space<vmem>>, vector<16xi32>,
        %get3A_2262 = arith.index_cast %multiple_of3A_2259 : i32 to index
        %get3A_2263 = tpu.vector_load %arg8[%get3A_2262] {strides = array<i32>} : memref<512xi32, #tpu.memory_space<vmem>>, vector<16xi32>,
        %slice3A_2264 = vector.extract_strided_slice %get3A_2261 {offsets = [0], sizes = [1], strides = [1]} : vector<16xi32> to vector<1xi32>
        %squeeze3A_2265 = vector.extract %slice3A_2264[0] : i32 from vector<1xi32>
        %and3A_2266 = arith.constant -128 : i32
        %and3A_2267 = arith.andi %squeeze3A_2265, %and3A_2266 : i32
        %multiple_of3A_2268 = tpu.assume_multiple %and3A_2267, 128 : i32
        %slice3A_2269 = vector.extract_strided_slice %get3A_2263 {offsets = [0], sizes = [1], strides = [1]} : vector<16xi32> to vector<1xi32>
        %squeeze3A_2270 = vector.extract %slice3A_2269[0] : i32 from vector<1xi32>
        %and3A_2271 = arith.constant -128 : i32
        %and3A_2272 = arith.andi %squeeze3A_2270, %and3A_2271 : i32
        %multiple_of3A_2273 = tpu.assume_multiple %and3A_2272, 128 : i32
        %dma_start3A_2274 = arith.constant 0 : i32
        %dma_start3A_2275 = arith.constant 0 : i32
        %dma_start3A_2276 = arith.constant 0 : i32
        %dma_start3A_2277 = tpu.memref_slice %arg9[%dma_start3A_2274, %dma_start3A_2275, %dma_start3A_2276] : memref<16x8x128xf32, #tpu.memory_space<vmem>> -> memref<1x8x128xf32, #tpu.memory_space<vmem>>
        %dma_start3A_2278 = tpu.memref_squeeze %dma_start3A_2277 : memref<1x8x128xf32, #tpu.memory_space<vmem>> -> memref<8x128xf32, #tpu.memory_space<vmem>>
        %dma_start3A_2279 = arith.constant 0 : i32
        %dma_start3A_2280 = tpu.memref_slice %arg4[%dma_start3A_2279, %multiple_of3A_2268] : memref<16x1000000xf32, #tpu.memory_space<hbm>> -> memref<8x128xf32, #tpu.memory_space<hbm>>
        %dma_start3A_2281 = arith.constant 0 : i32
        %dma_start3A_2282 = arith.constant 0 : i32
        %dma_start3A_2283 = tpu.memref_slice %arg9[%dma_start3A_2274, %dma_start3A_2281, %dma_start3A_2282] : memref<16x8x128xf32, #tpu.memory_space<vmem>> -> memref<1x8x128xf32, #tpu.memory_space<vmem>>
        %dma_start3A_2284 = tpu.memref_squeeze %dma_start3A_2283 : memref<1x8x128xf32, #tpu.memory_space<vmem>> -> memref<8x128xf32, #tpu.memory_space<vmem>>
        %dma_start3A_2285 = arith.constant 0 : i32
        %dma_start3A_2286 = tpu.memref_slice %arg4[%dma_start3A_2285, %multiple_of3A_2268] : memref<16x1000000xf32, #tpu.memory_space<hbm>> -> memref<8x128xf32, #tpu.memory_space<hbm>>
        tpu.enqueue_dma source(%dma_start3A_2286 : memref<8x128xf32, #tpu.memory_space<hbm>>) target(%dma_start3A_2284 : memref<8x128xf32, #tpu.memory_space<vmem>>) target_semaphore(%arg15 : memref<!tpu.dma_semaphore, #tpu.memory_space<semaphore_mem>>)
        %dma_start3A_2287 = arith.constant 0 : i32
        %dma_start3A_2288 = arith.constant 0 : i32
        %dma_start3A_2289 = arith.constant 0 : i32
        %dma_start3A_2290 = tpu.memref_slice %arg10[%dma_start3A_2287, %dma_start3A_2288, %dma_start3A_2289] : memref<16x8x128xf32, #tpu.memory_space<vmem>> -> memref<1x8x128xf32, #tpu.memory_space<vmem>>
        %dma_start3A_2291 = tpu.memref_squeeze %dma_start3A_2290 : memref<1x8x128xf32, #tpu.memory_space<vmem>> -> memref<8x128xf32, #tpu.memory_space<vmem>>
        %dma_start3A_2292 = arith.constant 0 : i32
        %dma_start3A_2293 = tpu.memref_slice %arg5[%dma_start3A_2292, %multiple_of3A_2273] : memref<16x1000000xf32, #tpu.memory_space<hbm>> -> memref<8x128xf32, #tpu.memory_space<hbm>>
        %dma_start3A_2294 = arith.constant 0 : i32
        %dma_start3A_2295 = arith.constant 0 : i32
        %dma_start3A_2296 = tpu.memref_slice %arg10[%dma_start3A_2287, %dma_start3A_2294, %dma_start3A_2295] : memref<16x8x128xf32, #tpu.memory_space<vmem>> -> memref<1x8x128xf32, #tpu.memory_space<vmem>>
        %dma_start3A_2297 = tpu.memref_squeeze %dma_start3A_2296 : memref<1x8x128xf32, #tpu.memory_space<vmem>> -> memref<8x128xf32, #tpu.memory_space<vmem>>
        %dma_start3A_2298 = arith.constant 0 : i32
        %dma_start3A_2299 = tpu.memref_slice %arg5[%dma_start3A_2298, %multiple_of3A_2273] : memref<16x1000000xf32, #tpu.memory_space<hbm>> -> memref<8x128xf32, #tpu.memory_space<hbm>>
        tpu.enqueue_dma source(%dma_start3A_2299 : memref<8x128xf32, #tpu.memory_space<hbm>>) target(%dma_start3A_2297 : memref<8x128xf32, #tpu.memory_space<vmem>>) target_semaphore(%arg15 : memref<!tpu.dma_semaphore, #tpu.memory_space<semaphore_mem>>)
        %slice3A_2300 = vector.extract_strided_slice %get3A_2261 {offsets = [1], sizes = [1], strides = [1]} : vector<16xi32> to vector<1xi32>
        %squeeze3A_2301 = vector.extract %slice3A_2300[0] : i32 from vector<1xi32>
        %and3A_2302 = arith.constant -128 : i32
        %and3A_2303 = arith.andi %squeeze3A_2301, %and3A_2302 : i32
        %multiple_of3A_2304 = tpu.assume_multiple %and3A_2303, 128 : i32
        %slice3A_2305 = vector.extract_strided_slice %get3A_2263 {offsets = [1], sizes = [1], strides = [1]} : vector<16xi32> to vector<1xi32>
        %squeeze3A_2306 = vector.extract %slice3A_2305[0] : i32 from vector<1xi32>
        %and3A_2307 = arith.constant -128 : i32
        %and3A_2308 = arith.andi %squeeze3A_2306, %and3A_2307 : i32
        %multiple_of3A_2309 = tpu.assume_multiple %and3A_2308, 128 : i32
        %dma_start3A_2310 = arith.constant 1 : i32
        %dma_start3A_2311 = arith.constant 0 : i32
        %dma_start3A_2312 = arith.constant 0 : i32
        %dma_start3A_2313 = tpu.memref_slice %arg9[%dma_start3A_2310, %dma_start3A_2311, %dma_start3A_2312] : memref<16x8x128xf32, #tpu.memory_space<vmem>> -> memref<1x8x128xf32, #tpu.memory_space<vmem>>
        %dma_start3A_2314 = tpu.memref_squeeze %dma_start3A_2313 : memref<1x8x128xf32, #tpu.memory_space<vmem>> -> memref<8x128xf32, #tpu.memory_space<vmem>>
        %dma_start3A_2315 = arith.constant 0 : i32
        %dma_start3A_2316 = tpu.memref_slice %arg4[%dma_start3A_2315, %multiple_of3A_2304] : memref<16x1000000xf32, #tpu.memory_space<hbm>> -> memref<8x128xf32, #tpu.memory_space<hbm>>
        %dma_start3A_2317 = arith.constant 0 : i32
        %dma_start3A_2318 = arith.constant 0 : i32
        %dma_start3A_2319 = tpu.memref_slice %arg9[%dma_start3A_2310, %dma_start3A_2317, %dma_start3A_2318] : memref<16x8x128xf32, #tpu.memory_space<vmem>> -> memref<1x8x128xf32, #tpu.memory_space<vmem>>
        %dma_start3A_2320 = tpu.memref_squeeze %dma_start3A_2319 : memref<1x8x128xf32, #tpu.memory_space<vmem>> -> memref<8x128xf32, #tpu.memory_space<vmem>>
        %dma_start3A_2321 = arith.constant 0 : i32
        %dma_start3A_2322 = tpu.memref_slice %arg4[%dma_start3A_2321, %multiple_of3A_2304] : memref<16x1000000xf32, #tpu.memory_space<hbm>> -> memref<8x128xf32, #tpu.memory_space<hbm>>
        tpu.enqueue_dma source(%dma_start3A_2322 : memref<8x128xf32, #tpu.memory_space<hbm>>) target(%dma_start3A_2320 : memref<8x128xf32, #tpu.memory_space<vmem>>) target_semaphore(%arg15 : memref<!tpu.dma_semaphore, #tpu.memory_space<semaphore_mem>>)
        %dma_start3A_2323 = arith.constant 1 : i32
        %dma_start3A_2324 = arith.constant 0 : i32
        %dma_start3A_2325 = arith.constant 0 : i32
        %dma_start3A_2326 = tpu.memref_slice %arg10[%dma_start3A_2323, %dma_start3A_2324, %dma_start3A_2325] : memref<16x8x128xf32, #tpu.memory_space<vmem>> -> memref<1x8x128xf32, #tpu.memory_space<vmem>>
        %dma_start3A_2327 = tpu.memref_squeeze %dma_start3A_2326 : memref<1x8x128xf32, #tpu.memory_space<vmem>> -> memref<8x128xf32, #tpu.memory_space<vmem>>
        %dma_start3A_2328 = arith.constant 0 : i32
        %dma_start3A_2329 = tpu.memref_slice %arg5[%dma_start3A_2328, %multiple_of3A_2309] : memref<16x1000000xf32, #tpu.memory_space<hbm>> -> memref<8x128xf32, #tpu.memory_space<hbm>>
        %dma_start3A_2330 = arith.constant 0 : i32
        %dma_start3A_2331 = arith.constant 0 : i32
        %dma_start3A_2332 = tpu.memref_slice %arg10[%dma_start3A_2323, %dma_start3A_2330, %dma_start3A_2331] : memref<16x8x128xf32, #tpu.memory_space<vmem>> -> memref<1x8x128xf32, #tpu.memory_space<vmem>>
        %dma_start3A_2333 = tpu.memref_squeeze %dma_start3A_2332 : memref<1x8x128xf32, #tpu.memory_space<vmem>> -> memref<8x128xf32, #tpu.memory_space<vmem>>
        %dma_start3A_2334 = arith.constant 0 : i32
        %dma_start3A_2335 = tpu.memref_slice %arg5[%dma_start3A_2334, %multiple_of3A_2309] : memref<16x1000000xf32, #tpu.memory_space<hbm>> -> memref<8x128xf32, #tpu.memory_space<hbm>>
        tpu.enqueue_dma source(%dma_start3A_2335 : memref<8x128xf32, #tpu.memory_space<hbm>>) target(%dma_start3A_2333 : memref<8x128xf32, #tpu.memory_space<vmem>>) target_semaphore(%arg15 : memref<!tpu.dma_semaphore, #tpu.memory_space<semaphore_mem>>)
        %slice3A_2336 = vector.extract_strided_slice %get3A_2261 {offsets = [2], sizes = [1], strides = [1]} : vector<16xi32> to vector<1xi32>
        %squeeze3A_2337 = vector.extract %slice3A_2336[0] : i32 from vector<1xi32>
        %and3A_2338 = arith.constant -128 : i32
        %and3A_2339 = arith.andi %squeeze3A_2337, %and3A_2338 : i32
        %multiple_of3A_2340 = tpu.assume_multiple %and3A_2339, 128 : i32
        %slice3A_2341 = vector.extract_strided_slice %get3A_2263 {offsets = [2], sizes = [1], strides = [1]} : vector<16xi32> to vector<1xi32>
        %squeeze3A_2342 = vector.extract %slice3A_2341[0] : i32 from vector<1xi32>
        %and3A_2343 = arith.constant -128 : i32
        %and3A_2344 = arith.andi %squeeze3A_2342, %and3A_2343 : i32
        %multiple_of3A_2345 = tpu.assume_multiple %and3A_2344, 128 : i32
        %dma_start3A_2346 = arith.constant 2 : i32
        %dma_start3A_2347 = arith.constant 0 : i32
        %dma_start3A_2348 = arith.constant 0 : i32
        %dma_start3A_2349 = tpu.memref_slice %arg9[%dma_start3A_2346, %dma_start3A_2347, %dma_start3A_2348] : memref<16x8x128xf32, #tpu.memory_space<vmem>> -> memref<1x8x128xf32, #tpu.memory_space<vmem>>
        %dma_start3A_2350 = tpu.memref_squeeze %dma_start3A_2349 : memref<1x8x128xf32, #tpu.memory_space<vmem>> -> memref<8x128xf32, #tpu.memory_space<vmem>>
        %dma_start3A_2351 = arith.constant 0 : i32
        %dma_start3A_2352 = tpu.memref_slice %arg4[%dma_start3A_2351, %multiple_of3A_2340] : memref<16x1000000xf32, #tpu.memory_space<hbm>> -> memref<8x128xf32, #tpu.memory_space<hbm>>
        %dma_start3A_2353 = arith.constant 0 : i32
        %dma_start3A_2354 = arith.constant 0 : i32
        %dma_start3A_2355 = tpu.memref_slice %arg9[%dma_start3A_2346, %dma_start3A_2353, %dma_start3A_2354] : memref<16x8x128xf32, #tpu.memory_space<vmem>> -> memref<1x8x128xf32, #tpu.memory_space<vmem>>
        %dma_start3A_2356 = tpu.memref_squeeze %dma_start3A_2355 : memref<1x8x128xf32, #tpu.memory_space<vmem>> -> memref<8x128xf32, #tpu.memory_space<vmem>>
        %dma_start3A_2357 = arith.constant 0 : i32
        %dma_start3A_2358 = tpu.memref_slice %arg4[%dma_start3A_2357, %multiple_of3A_2340] : memref<16x1000000xf32, #tpu.memory_space<hbm>> -> memref<8x128xf32, #tpu.memory_space<hbm>>
        tpu.enqueue_dma source(%dma_start3A_2358 : memref<8x128xf32, #tpu.memory_space<hbm>>) target(%dma_start3A_2356 : memref<8x128xf32, #tpu.memory_space<vmem>>) target_semaphore(%arg15 : memref<!tpu.dma_semaphore, #tpu.memory_space<semaphore_mem>>)
        %dma_start3A_2359 = arith.constant 2 : i32
        %dma_start3A_2360 = arith.constant 0 : i32
        %dma_start3A_2361 = arith.constant 0 : i32
        %dma_start3A_2362 = tpu.memref_slice %arg10[%dma_start3A_2359, %dma_start3A_2360, %dma_start3A_2361] : memref<16x8x128xf32, #tpu.memory_space<vmem>> -> memref<1x8x128xf32, #tpu.memory_space<vmem>>
        %dma_start3A_2363 = tpu.memref_squeeze %dma_start3A_2362 : memref<1x8x128xf32, #tpu.memory_space<vmem>> -> memref<8x128xf32, #tpu.memory_space<vmem>>
        %dma_start3A_2364 = arith.constant 0 : i32
        %dma_start3A_2365 = tpu.memref_slice %arg5[%dma_start3A_2364, %multiple_of3A_2345] : memref<16x1000000xf32, #tpu.memory_space<hbm>> -> memref<8x128xf32, #tpu.memory_space<hbm>>
        %dma_start3A_2366 = arith.constant 0 : i32
        %dma_start3A_2367 = arith.constant 0 : i32
        %dma_start3A_2368 = tpu.memref_slice %arg10[%dma_start3A_2359, %dma_start3A_2366, %dma_start3A_2367] : memref<16x8x128xf32, #tpu.memory_space<vmem>> -> memref<1x8x128xf32, #tpu.memory_space<vmem>>
        %dma_start3A_2369 = tpu.memref_squeeze %dma_start3A_2368 : memref<1x8x128xf32, #tpu.memory_space<vmem>> -> memref<8x128xf32, #tpu.memory_space<vmem>>
        %dma_start3A_2370 = arith.constant 0 : i32
        %dma_start3A_2371 = tpu.memref_slice %arg5[%dma_start3A_2370, %multiple_of3A_2345] : memref<16x1000000xf32, #tpu.memory_space<hbm>> -> memref<8x128xf32, #tpu.memory_space<hbm>>
        tpu.enqueue_dma source(%dma_start3A_2371 : memref<8x128xf32, #tpu.memory_space<hbm>>) target(%dma_start3A_2369 : memref<8x128xf32, #tpu.memory_space<vmem>>) target_semaphore(%arg15 : memref<!tpu.dma_semaphore, #tpu.memory_space<semaphore_mem>>)
        %slice3A_2372 = vector.extract_strided_slice %get3A_2261 {offsets = [3], sizes = [1], strides = [1]} : vector<16xi32> to vector<1xi32>
        %squeeze3A_2373 = vector.extract %slice3A_2372[0] : i32 from vector<1xi32>
        %and3A_2374 = arith.constant -128 : i32
        %and3A_2375 = arith.andi %squeeze3A_2373, %and3A_2374 : i32
        %multiple_of3A_2376 = tpu.assume_multiple %and3A_2375, 128 : i32
        %slice3A_2377 = vector.extract_strided_slice %get3A_2263 {offsets = [3], sizes = [1], strides = [1]} : vector<16xi32> to vector<1xi32>
        %squeeze3A_2378 = vector.extract %slice3A_2377[0] : i32 from vector<1xi32>
        %and3A_2379 = arith.constant -128 : i32
        %and3A_2380 = arith.andi %squeeze3A_2378, %and3A_2379 : i32
        %multiple_of3A_2381 = tpu.assume_multiple %and3A_2380, 128 : i32
        %dma_start3A_2382 = arith.constant 3 : i32
        %dma_start3A_2383 = arith.constant 0 : i32
        %dma_start3A_2384 = arith.constant 0 : i32
        %dma_start3A_2385 = tpu.memref_slice %arg9[%dma_start3A_2382, %dma_start3A_2383, %dma_start3A_2384] : memref<16x8x128xf32, #tpu.memory_space<vmem>> -> memref<1x8x128xf32, #tpu.memory_space<vmem>>
        %dma_start3A_2386 = tpu.memref_squeeze %dma_start3A_2385 : memref<1x8x128xf32, #tpu.memory_space<vmem>> -> memref<8x128xf32, #tpu.memory_space<vmem>>
        %dma_start3A_2387 = arith.constant 0 : i32
        %dma_start3A_2388 = tpu.memref_slice %arg4[%dma_start3A_2387, %multiple_of3A_2376] : memref<16x1000000xf32, #tpu.memory_space<hbm>> -> memref<8x128xf32, #tpu.memory_space<hbm>>
        %dma_start3A_2389 = arith.constant 0 : i32
        %dma_start3A_2390 = arith.constant 0 : i32
        %dma_start3A_2391 = tpu.memref_slice %arg9[%dma_start3A_2382, %dma_start3A_2389, %dma_start3A_2390] : memref<16x8x128xf32, #tpu.memory_space<vmem>> -> memref<1x8x128xf32, #tpu.memory_space<vmem>>
        %dma_start3A_2392 = tpu.memref_squeeze %dma_start3A_2391 : memref<1x8x128xf32, #tpu.memory_space<vmem>> -> memref<8x128xf32, #tpu.memory_space<vmem>>
        %dma_start3A_2393 = arith.constant 0 : i32
        %dma_start3A_2394 = tpu.memref_slice %arg4[%dma_start3A_2393, %multiple_of3A_2376] : memref<16x1000000xf32, #tpu.memory_space<hbm>> -> memref<8x128xf32, #tpu.memory_space<hbm>>
        tpu.enqueue_dma source(%dma_start3A_2394 : memref<8x128xf32, #tpu.memory_space<hbm>>) target(%dma_start3A_2392 : memref<8x128xf32, #tpu.memory_space<vmem>>) target_semaphore(%arg15 : memref<!tpu.dma_semaphore, #tpu.memory_space<semaphore_mem>>)
        %dma_start3A_2395 = arith.constant 3 : i32
        %dma_start3A_2396 = arith.constant 0 : i32
        %dma_start3A_2397 = arith.constant 0 : i32
        %dma_start3A_2398 = tpu.memref_slice %arg10[%dma_start3A_2395, %dma_start3A_2396, %dma_start3A_2397] : memref<16x8x128xf32, #tpu.memory_space<vmem>> -> memref<1x8x128xf32, #tpu.memory_space<vmem>>
        %dma_start3A_2399 = tpu.memref_squeeze %dma_start3A_2398 : memref<1x8x128xf32, #tpu.memory_space<vmem>> -> memref<8x128xf32, #tpu.memory_space<vmem>>
        %dma_start3A_2400 = arith.constant 0 : i32
        %dma_start3A_2401 = tpu.memref_slice %arg5[%dma_start3A_2400, %multiple_of3A_2381] : memref<16x1000000xf32, #tpu.memory_space<hbm>> -> memref<8x128xf32, #tpu.memory_space<hbm>>
        %dma_start3A_2402 = arith.constant 0 : i32
        %dma_start3A_2403 = arith.constant 0 : i32
        %dma_start3A_2404 = tpu.memref_slice %arg10[%dma_start3A_2395, %dma_start3A_2402, %dma_start3A_2403] : memref<16x8x128xf32, #tpu.memory_space<vmem>> -> memref<1x8x128xf32, #tpu.memory_space<vmem>>
        %dma_start3A_2405 = tpu.memref_squeeze %dma_start3A_2404 : memref<1x8x128xf32, #tpu.memory_space<vmem>> -> memref<8x128xf32, #tpu.memory_space<vmem>>
        %dma_start3A_2406 = arith.constant 0 : i32
        %dma_start3A_2407 = tpu.memref_slice %arg5[%dma_start3A_2406, %multiple_of3A_2381] : memref<16x1000000xf32, #tpu.memory_space<hbm>> -> memref<8x128xf32, #tpu.memory_space<hbm>>
        tpu.enqueue_dma source(%dma_start3A_2407 : memref<8x128xf32, #tpu.memory_space<hbm>>) target(%dma_start3A_2405 : memref<8x128xf32, #tpu.memory_space<vmem>>) target_semaphore(%arg15 : memref<!tpu.dma_semaphore, #tpu.memory_space<semaphore_mem>>)
        %slice3A_2408 = vector.extract_strided_slice %get3A_2261 {offsets = [4], sizes = [1], strides = [1]} : vector<16xi32> to vector<1xi32>
        %squeeze3A_2409 = vector.extract %slice3A_2408[0] : i32 from vector<1xi32>
        %and3A_2410 = arith.constant -128 : i32
        %and3A_2411 = arith.andi %squeeze3A_2409, %and3A_2410 : i32
        %multiple_of3A_2412 = tpu.assume_multiple %and3A_2411, 128 : i32
        %slice3A_2413 = vector.extract_strided_slice %get3A_2263 {offsets = [4], sizes = [1], strides = [1]} : vector<16xi32> to vector<1xi32>
        %squeeze3A_2414 = vector.extract %slice3A_2413[0] : i32 from vector<1xi32>
        %and3A_2415 = arith.constant -128 : i32
        %and3A_2416 = arith.andi %squeeze3A_2414, %and3A_2415 : i32
        %multiple_of3A_2417 = tpu.assume_multiple %and3A_2416, 128 : i32
        %dma_start3A_2418 = arith.constant 4 : i32
        %dma_start3A_2419 = arith.constant 0 : i32
        %dma_start3A_2420 = arith.constant 0 : i32
        %dma_start3A_2421 = tpu.memref_slice %arg9[%dma_start3A_2418, %dma_start3A_2419, %dma_start3A_2420] : memref<16x8x128xf32, #tpu.memory_space<vmem>> -> memref<1x8x128xf32, #tpu.memory_space<vmem>>
        %dma_start3A_2422 = tpu.memref_squeeze %dma_start3A_2421 : memref<1x8x128xf32, #tpu.memory_space<vmem>> -> memref<8x128xf32, #tpu.memory_space<vmem>>
        %dma_start3A_2423 = arith.constant 0 : i32
        %dma_start3A_2424 = tpu.memref_slice %arg4[%dma_start3A_2423, %multiple_of3A_2412] : memref<16x1000000xf32, #tpu.memory_space<hbm>> -> memref<8x128xf32, #tpu.memory_space<hbm>>
        %dma_start3A_2425 = arith.constant 0 : i32
        %dma_start3A_2426 = arith.constant 0 : i32
        %dma_start3A_2427 = tpu.memref_slice %arg9[%dma_start3A_2418, %dma_start3A_2425, %dma_start3A_2426] : memref<16x8x128xf32, #tpu.memory_space<vmem>> -> memref<1x8x128xf32, #tpu.memory_space<vmem>>
        %dma_start3A_2428 = tpu.memref_squeeze %dma_start3A_2427 : memref<1x8x128xf32, #tpu.memory_space<vmem>> -> memref<8x128xf32, #tpu.memory_space<vmem>>
        %dma_start3A_2429 = arith.constant 0 : i32
        %dma_start3A_2430 = tpu.memref_slice %arg4[%dma_start3A_2429, %multiple_of3A_2412] : memref<16x1000000xf32, #tpu.memory_space<hbm>> -> memref<8x128xf32, #tpu.memory_space<hbm>>
        tpu.enqueue_dma source(%dma_start3A_2430 : memref<8x128xf32, #tpu.memory_space<hbm>>) target(%dma_start3A_2428 : memref<8x128xf32, #tpu.memory_space<vmem>>) target_semaphore(%arg15 : memref<!tpu.dma_semaphore, #tpu.memory_space<semaphore_mem>>)
        %dma_start3A_2431 = arith.constant 4 : i32
        %dma_start3A_2432 = arith.constant 0 : i32
        %dma_start3A_2433 = arith.constant 0 : i32
        %dma_start3A_2434 = tpu.memref_slice %arg10[%dma_start3A_2431, %dma_start3A_2432, %dma_start3A_2433] : memref<16x8x128xf32, #tpu.memory_space<vmem>> -> memref<1x8x128xf32, #tpu.memory_space<vmem>>
        %dma_start3A_2435 = tpu.memref_squeeze %dma_start3A_2434 : memref<1x8x128xf32, #tpu.memory_space<vmem>> -> memref<8x128xf32, #tpu.memory_space<vmem>>
        %dma_start3A_2436 = arith.constant 0 : i32
        %dma_start3A_2437 = tpu.memref_slice %arg5[%dma_start3A_2436, %multiple_of3A_2417] : memref<16x1000000xf32, #tpu.memory_space<hbm>> -> memref<8x128xf32, #tpu.memory_space<hbm>>
        %dma_start3A_2438 = arith.constant 0 : i32
        %dma_start3A_2439 = arith.constant 0 : i32
        %dma_start3A_2440 = tpu.memref_slice %arg10[%dma_start3A_2431, %dma_start3A_2438, %dma_start3A_2439] : memref<16x8x128xf32, #tpu.memory_space<vmem>> -> memref<1x8x128xf32, #tpu.memory_space<vmem>>
        %dma_start3A_2441 = tpu.memref_squeeze %dma_start3A_2440 : memref<1x8x128xf32, #tpu.memory_space<vmem>> -> memref<8x128xf32, #tpu.memory_space<vmem>>
        %dma_start3A_2442 = arith.constant 0 : i32
        %dma_start3A_2443 = tpu.memref_slice %arg5[%dma_start3A_2442, %multiple_of3A_2417] : memref<16x1000000xf32, #tpu.memory_space<hbm>> -> memref<8x128xf32, #tpu.memory_space<hbm>>
        tpu.enqueue_dma source(%dma_start3A_2443 : memref<8x128xf32, #tpu.memory_space<hbm>>) target(%dma_start3A_2441 : memref<8x128xf32, #tpu.memory_space<vmem>>) target_semaphore(%arg15 : memref<!tpu.dma_semaphore, #tpu.memory_space<semaphore_mem>>)
        %slice3A_2444 = vector.extract_strided_slice %get3A_2261 {offsets = [5], sizes = [1], strides = [1]} : vector<16xi32> to vector<1xi32>
        %squeeze3A_2445 = vector.extract %slice3A_2444[0] : i32 from vector<1xi32>
        %and3A_2446 = arith.constant -128 : i32
        %and3A_2447 = arith.andi %squeeze3A_2445, %and3A_2446 : i32
        %multiple_of3A_2448 = tpu.assume_multiple %and3A_2447, 128 : i32
        %slice3A_2449 = vector.extract_strided_slice %get3A_2263 {offsets = [5], sizes = [1], strides = [1]} : vector<16xi32> to vector<1xi32>
        %squeeze3A_2450 = vector.extract %slice3A_2449[0] : i32 from vector<1xi32>
        %and3A_2451 = arith.constant -128 : i32
        %and3A_2452 = arith.andi %squeeze3A_2450, %and3A_2451 : i32
        %multiple_of3A_2453 = tpu.assume_multiple %and3A_2452, 128 : i32
        %dma_start3A_2454 = arith.constant 5 : i32
        %dma_start3A_2455 = arith.constant 0 : i32
        %dma_start3A_2456 = arith.constant 0 : i32
        %dma_start3A_2457 = tpu.memref_slice %arg9[%dma_start3A_2454, %dma_start3A_2455, %dma_start3A_2456] : memref<16x8x128xf32, #tpu.memory_space<vmem>> -> memref<1x8x128xf32, #tpu.memory_space<vmem>>
        %dma_start3A_2458 = tpu.memref_squeeze %dma_start3A_2457 : memref<1x8x128xf32, #tpu.memory_space<vmem>> -> memref<8x128xf32, #tpu.memory_space<vmem>>
        %dma_start3A_2459 = arith.constant 0 : i32
        %dma_start3A_2460 = tpu.memref_slice %arg4[%dma_start3A_2459, %multiple_of3A_2448] : memref<16x1000000xf32, #tpu.memory_space<hbm>> -> memref<8x128xf32, #tpu.memory_space<hbm>>
        %dma_start3A_2461 = arith.constant 0 : i32
        %dma_start3A_2462 = arith.constant 0 : i32
        %dma_start3A_2463 = tpu.memref_slice %arg9[%dma_start3A_2454, %dma_start3A_2461, %dma_start3A_2462] : memref<16x8x128xf32, #tpu.memory_space<vmem>> -> memref<1x8x128xf32, #tpu.memory_space<vmem>>
        %dma_start3A_2464 = tpu.memref_squeeze %dma_start3A_2463 : memref<1x8x128xf32, #tpu.memory_space<vmem>> -> memref<8x128xf32, #tpu.memory_space<vmem>>
        %dma_start3A_2465 = arith.constant 0 : i32
        %dma_start3A_2466 = tpu.memref_slice %arg4[%dma_start3A_2465, %multiple_of3A_2448] : memref<16x1000000xf32, #tpu.memory_space<hbm>> -> memref<8x128xf32, #tpu.memory_space<hbm>>
        tpu.enqueue_dma source(%dma_start3A_2466 : memref<8x128xf32, #tpu.memory_space<hbm>>) target(%dma_start3A_2464 : memref<8x128xf32, #tpu.memory_space<vmem>>) target_semaphore(%arg15 : memref<!tpu.dma_semaphore, #tpu.memory_space<semaphore_mem>>)
        %dma_start3A_2467 = arith.constant 5 : i32
        %dma_start3A_2468 = arith.constant 0 : i32
        %dma_start3A_2469 = arith.constant 0 : i32
        %dma_start3A_2470 = tpu.memref_slice %arg10[%dma_start3A_2467, %dma_start3A_2468, %dma_start3A_2469] : memref<16x8x128xf32, #tpu.memory_space<vmem>> -> memref<1x8x128xf32, #tpu.memory_space<vmem>>
        %dma_start3A_2471 = tpu.memref_squeeze %dma_start3A_2470 : memref<1x8x128xf32, #tpu.memory_space<vmem>> -> memref<8x128xf32, #tpu.memory_space<vmem>>
        %dma_start3A_2472 = arith.constant 0 : i32
        %dma_start3A_2473 = tpu.memref_slice %arg5[%dma_start3A_2472, %multiple_of3A_2453] : memref<16x1000000xf32, #tpu.memory_space<hbm>> -> memref<8x128xf32, #tpu.memory_space<hbm>>
        %dma_start3A_2474 = arith.constant 0 : i32
        %dma_start3A_2475 = arith.constant 0 : i32
        %dma_start3A_2476 = tpu.memref_slice %arg10[%dma_start3A_2467, %dma_start3A_2474, %dma_start3A_2475] : memref<16x8x128xf32, #tpu.memory_space<vmem>> -> memref<1x8x128xf32, #tpu.memory_space<vmem>>
        %dma_start3A_2477 = tpu.memref_squeeze %dma_start3A_2476 : memref<1x8x128xf32, #tpu.memory_space<vmem>> -> memref<8x128xf32, #tpu.memory_space<vmem>>
        %dma_start3A_2478 = arith.constant 0 : i32
        %dma_start3A_2479 = tpu.memref_slice %arg5[%dma_start3A_2478, %multiple_of3A_2453] : memref<16x1000000xf32, #tpu.memory_space<hbm>> -> memref<8x128xf32, #tpu.memory_space<hbm>>
        tpu.enqueue_dma source(%dma_start3A_2479 : memref<8x128xf32, #tpu.memory_space<hbm>>) target(%dma_start3A_2477 : memref<8x128xf32, #tpu.memory_space<vmem>>) target_semaphore(%arg15 : memref<!tpu.dma_semaphore, #tpu.memory_space<semaphore_mem>>)
        %slice3A_2480 = vector.extract_strided_slice %get3A_2261 {offsets = [6], sizes = [1], strides = [1]} : vector<16xi32> to vector<1xi32>
        %squeeze3A_2481 = vector.extract %slice3A_2480[0] : i32 from vector<1xi32>
        %and3A_2482 = arith.constant -128 : i32
        %and3A_2483 = arith.andi %squeeze3A_2481, %and3A_2482 : i32
        %multiple_of3A_2484 = tpu.assume_multiple %and3A_2483, 128 : i32
        %slice3A_2485 = vector.extract_strided_slice %get3A_2263 {offsets = [6], sizes = [1], strides = [1]} : vector<16xi32> to vector<1xi32>
        %squeeze3A_2486 = vector.extract %slice3A_2485[0] : i32 from vector<1xi32>
        %and3A_2487 = arith.constant -128 : i32
        %and3A_2488 = arith.andi %squeeze3A_2486, %and3A_2487 : i32
        %multiple_of3A_2489 = tpu.assume_multiple %and3A_2488, 128 : i32
        %dma_start3A_2490 = arith.constant 6 : i32
        %dma_start3A_2491 = arith.constant 0 : i32
        %dma_start3A_2492 = arith.constant 0 : i32
        %dma_start3A_2493 = tpu.memref_slice %arg9[%dma_start3A_2490, %dma_start3A_2491, %dma_start3A_2492] : memref<16x8x128xf32, #tpu.memory_space<vmem>> -> memref<1x8x128xf32, #tpu.memory_space<vmem>>
        %dma_start3A_2494 = tpu.memref_squeeze %dma_start3A_2493 : memref<1x8x128xf32, #tpu.memory_space<vmem>> -> memref<8x128xf32, #tpu.memory_space<vmem>>
        %dma_start3A_2495 = arith.constant 0 : i32
        %dma_start3A_2496 = tpu.memref_slice %arg4[%dma_start3A_2495, %multiple_of3A_2484] : memref<16x1000000xf32, #tpu.memory_space<hbm>> -> memref<8x128xf32, #tpu.memory_space<hbm>>
        %dma_start3A_2497 = arith.constant 0 : i32
        %dma_start3A_2498 = arith.constant 0 : i32
        %dma_start3A_2499 = tpu.memref_slice %arg9[%dma_start3A_2490, %dma_start3A_2497, %dma_start3A_2498] : memref<16x8x128xf32, #tpu.memory_space<vmem>> -> memref<1x8x128xf32, #tpu.memory_space<vmem>>
        %dma_start3A_2500 = tpu.memref_squeeze %dma_start3A_2499 : memref<1x8x128xf32, #tpu.memory_space<vmem>> -> memref<8x128xf32, #tpu.memory_space<vmem>>
        %dma_start3A_2501 = arith.constant 0 : i32
        %dma_start3A_2502 = tpu.memref_slice %arg4[%dma_start3A_2501, %multiple_of3A_2484] : memref<16x1000000xf32, #tpu.memory_space<hbm>> -> memref<8x128xf32, #tpu.memory_space<hbm>>
        tpu.enqueue_dma source(%dma_start3A_2502 : memref<8x128xf32, #tpu.memory_space<hbm>>) target(%dma_start3A_2500 : memref<8x128xf32, #tpu.memory_space<vmem>>) target_semaphore(%arg15 : memref<!tpu.dma_semaphore, #tpu.memory_space<semaphore_mem>>)
        %dma_start3A_2503 = arith.constant 6 : i32
        %dma_start3A_2504 = arith.constant 0 : i32
        %dma_start3A_2505 = arith.constant 0 : i32
        %dma_start3A_2506 = tpu.memref_slice %arg10[%dma_start3A_2503, %dma_start3A_2504, %dma_start3A_2505] : memref<16x8x128xf32, #tpu.memory_space<vmem>> -> memref<1x8x128xf32, #tpu.memory_space<vmem>>
        %dma_start3A_2507 = tpu.memref_squeeze %dma_start3A_2506 : memref<1x8x128xf32, #tpu.memory_space<vmem>> -> memref<8x128xf32, #tpu.memory_space<vmem>>
        %dma_start3A_2508 = arith.constant 0 : i32
        %dma_start3A_2509 = tpu.memref_slice %arg5[%dma_start3A_2508, %multiple_of3A_2489] : memref<16x1000000xf32, #tpu.memory_space<hbm>> -> memref<8x128xf32, #tpu.memory_space<hbm>>
        %dma_start3A_2510 = arith.constant 0 : i32
        %dma_start3A_2511 = arith.constant 0 : i32
        %dma_start3A_2512 = tpu.memref_slice %arg10[%dma_start3A_2503, %dma_start3A_2510, %dma_start3A_2511] : memref<16x8x128xf32, #tpu.memory_space<vmem>> -> memref<1x8x128xf32, #tpu.memory_space<vmem>>
        %dma_start3A_2513 = tpu.memref_squeeze %dma_start3A_2512 : memref<1x8x128xf32, #tpu.memory_space<vmem>> -> memref<8x128xf32, #tpu.memory_space<vmem>>
        %dma_start3A_2514 = arith.constant 0 : i32
        %dma_start3A_2515 = tpu.memref_slice %arg5[%dma_start3A_2514, %multiple_of3A_2489] : memref<16x1000000xf32, #tpu.memory_space<hbm>> -> memref<8x128xf32, #tpu.memory_space<hbm>>
        tpu.enqueue_dma source(%dma_start3A_2515 : memref<8x128xf32, #tpu.memory_space<hbm>>) target(%dma_start3A_2513 : memref<8x128xf32, #tpu.memory_space<vmem>>) target_semaphore(%arg15 : memref<!tpu.dma_semaphore, #tpu.memory_space<semaphore_mem>>)
        %slice3A_2516 = vector.extract_strided_slice %get3A_2261 {offsets = [7], sizes = [1], strides = [1]} : vector<16xi32> to vector<1xi32>
        %squeeze3A_2517 = vector.extract %slice3A_2516[0] : i32 from vector<1xi32>
        %and3A_2518 = arith.constant -128 : i32
        %and3A_2519 = arith.andi %squeeze3A_2517, %and3A_2518 : i32
        %multiple_of3A_2520 = tpu.assume_multiple %and3A_2519, 128 : i32
        %slice3A_2521 = vector.extract_strided_slice %get3A_2263 {offsets = [7], sizes = [1], strides = [1]} : vector<16xi32> to vector<1xi32>
        %squeeze3A_2522 = vector.extract %slice3A_2521[0] : i32 from vector<1xi32>
        %and3A_2523 = arith.constant -128 : i32
        %and3A_2524 = arith.andi %squeeze3A_2522, %and3A_2523 : i32
        %multiple_of3A_2525 = tpu.assume_multiple %and3A_2524, 128 : i32
        %dma_start3A_2526 = arith.constant 7 : i32
        %dma_start3A_2527 = arith.constant 0 : i32
        %dma_start3A_2528 = arith.constant 0 : i32
        %dma_start3A_2529 = tpu.memref_slice %arg9[%dma_start3A_2526, %dma_start3A_2527, %dma_start3A_2528] : memref<16x8x128xf32, #tpu.memory_space<vmem>> -> memref<1x8x128xf32, #tpu.memory_space<vmem>>
        %dma_start3A_2530 = tpu.memref_squeeze %dma_start3A_2529 : memref<1x8x128xf32, #tpu.memory_space<vmem>> -> memref<8x128xf32, #tpu.memory_space<vmem>>
        %dma_start3A_2531 = arith.constant 0 : i32
        %dma_start3A_2532 = tpu.memref_slice %arg4[%dma_start3A_2531, %multiple_of3A_2520] : memref<16x1000000xf32, #tpu.memory_space<hbm>> -> memref<8x128xf32, #tpu.memory_space<hbm>>
        %dma_start3A_2533 = arith.constant 0 : i32
        %dma_start3A_2534 = arith.constant 0 : i32
        %dma_start3A_2535 = tpu.memref_slice %arg9[%dma_start3A_2526, %dma_start3A_2533, %dma_start3A_2534] : memref<16x8x128xf32, #tpu.memory_space<vmem>> -> memref<1x8x128xf32, #tpu.memory_space<vmem>>
        %dma_start3A_2536 = tpu.memref_squeeze %dma_start3A_2535 : memref<1x8x128xf32, #tpu.memory_space<vmem>> -> memref<8x128xf32, #tpu.memory_space<vmem>>
        %dma_start3A_2537 = arith.constant 0 : i32
        %dma_start3A_2538 = tpu.memref_slice %arg4[%dma_start3A_2537, %multiple_of3A_2520] : memref<16x1000000xf32, #tpu.memory_space<hbm>> -> memref<8x128xf32, #tpu.memory_space<hbm>>
        tpu.enqueue_dma source(%dma_start3A_2538 : memref<8x128xf32, #tpu.memory_space<hbm>>) target(%dma_start3A_2536 : memref<8x128xf32, #tpu.memory_space<vmem>>) target_semaphore(%arg15 : memref<!tpu.dma_semaphore, #tpu.memory_space<semaphore_mem>>)
        %dma_start3A_2539 = arith.constant 7 : i32
        %dma_start3A_2540 = arith.constant 0 : i32
        %dma_start3A_2541 = arith.constant 0 : i32
        %dma_start3A_2542 = tpu.memref_slice %arg10[%dma_start3A_2539, %dma_start3A_2540, %dma_start3A_2541] : memref<16x8x128xf32, #tpu.memory_space<vmem>> -> memref<1x8x128xf32, #tpu.memory_space<vmem>>
        %dma_start3A_2543 = tpu.memref_squeeze %dma_start3A_2542 : memref<1x8x128xf32, #tpu.memory_space<vmem>> -> memref<8x128xf32, #tpu.memory_space<vmem>>
        %dma_start3A_2544 = arith.constant 0 : i32
        %dma_start3A_2545 = tpu.memref_slice %arg5[%dma_start3A_2544, %multiple_of3A_2525] : memref<16x1000000xf32, #tpu.memory_space<hbm>> -> memref<8x128xf32, #tpu.memory_space<hbm>>
        %dma_start3A_2546 = arith.constant 0 : i32
        %dma_start3A_2547 = arith.constant 0 : i32
        %dma_start3A_2548 = tpu.memref_slice %arg10[%dma_start3A_2539, %dma_start3A_2546, %dma_start3A_2547] : memref<16x8x128xf32, #tpu.memory_space<vmem>> -> memref<1x8x128xf32, #tpu.memory_space<vmem>>
        %dma_start3A_2549 = tpu.memref_squeeze %dma_start3A_2548 : memref<1x8x128xf32, #tpu.memory_space<vmem>> -> memref<8x128xf32, #tpu.memory_space<vmem>>
        %dma_start3A_2550 = arith.constant 0 : i32
        %dma_start3A_2551 = tpu.memref_slice %arg5[%dma_start3A_2550, %multiple_of3A_2525] : memref<16x1000000xf32, #tpu.memory_space<hbm>> -> memref<8x128xf32, #tpu.memory_space<hbm>>
        tpu.enqueue_dma source(%dma_start3A_2551 : memref<8x128xf32, #tpu.memory_space<hbm>>) target(%dma_start3A_2549 : memref<8x128xf32, #tpu.memory_space<vmem>>) target_semaphore(%arg15 : memref<!tpu.dma_semaphore, #tpu.memory_space<semaphore_mem>>)
        %slice3A_2552 = vector.extract_strided_slice %get3A_2261 {offsets = [8], sizes = [1], strides = [1]} : vector<16xi32> to vector<1xi32>
        %squeeze3A_2553 = vector.extract %slice3A_2552[0] : i32 from vector<1xi32>
        %and3A_2554 = arith.constant -128 : i32
        %and3A_2555 = arith.andi %squeeze3A_2553, %and3A_2554 : i32
        %multiple_of3A_2556 = tpu.assume_multiple %and3A_2555, 128 : i32
        %slice3A_2557 = vector.extract_strided_slice %get3A_2263 {offsets = [8], sizes = [1], strides = [1]} : vector<16xi32> to vector<1xi32>
        %squeeze3A_2558 = vector.extract %slice3A_2557[0] : i32 from vector<1xi32>
        %and3A_2559 = arith.constant -128 : i32
        %and3A_2560 = arith.andi %squeeze3A_2558, %and3A_2559 : i32
        %multiple_of3A_2561 = tpu.assume_multiple %and3A_2560, 128 : i32
        %dma_start3A_2562 = arith.constant 8 : i32
        %dma_start3A_2563 = arith.constant 0 : i32
        %dma_start3A_2564 = arith.constant 0 : i32
        %dma_start3A_2565 = tpu.memref_slice %arg9[%dma_start3A_2562, %dma_start3A_2563, %dma_start3A_2564] : memref<16x8x128xf32, #tpu.memory_space<vmem>> -> memref<1x8x128xf32, #tpu.memory_space<vmem>>
        %dma_start3A_2566 = tpu.memref_squeeze %dma_start3A_2565 : memref<1x8x128xf32, #tpu.memory_space<vmem>> -> memref<8x128xf32, #tpu.memory_space<vmem>>
        %dma_start3A_2567 = arith.constant 0 : i32
        %dma_start3A_2568 = tpu.memref_slice %arg4[%dma_start3A_2567, %multiple_of3A_2556] : memref<16x1000000xf32, #tpu.memory_space<hbm>> -> memref<8x128xf32, #tpu.memory_space<hbm>>
        %dma_start3A_2569 = arith.constant 0 : i32
        %dma_start3A_2570 = arith.constant 0 : i32
        %dma_start3A_2571 = tpu.memref_slice %arg9[%dma_start3A_2562, %dma_start3A_2569, %dma_start3A_2570] : memref<16x8x128xf32, #tpu.memory_space<vmem>> -> memref<1x8x128xf32, #tpu.memory_space<vmem>>
        %dma_start3A_2572 = tpu.memref_squeeze %dma_start3A_2571 : memref<1x8x128xf32, #tpu.memory_space<vmem>> -> memref<8x128xf32, #tpu.memory_space<vmem>>
        %dma_start3A_2573 = arith.constant 0 : i32
        %dma_start3A_2574 = tpu.memref_slice %arg4[%dma_start3A_2573, %multiple_of3A_2556] : memref<16x1000000xf32, #tpu.memory_space<hbm>> -> memref<8x128xf32, #tpu.memory_space<hbm>>
        tpu.enqueue_dma source(%dma_start3A_2574 : memref<8x128xf32, #tpu.memory_space<hbm>>) target(%dma_start3A_2572 : memref<8x128xf32, #tpu.memory_space<vmem>>) target_semaphore(%arg15 : memref<!tpu.dma_semaphore, #tpu.memory_space<semaphore_mem>>)
        %dma_start3A_2575 = arith.constant 8 : i32
        %dma_start3A_2576 = arith.constant 0 : i32
        %dma_start3A_2577 = arith.constant 0 : i32
        %dma_start3A_2578 = tpu.memref_slice %arg10[%dma_start3A_2575, %dma_start3A_2576, %dma_start3A_2577] : memref<16x8x128xf32, #tpu.memory_space<vmem>> -> memref<1x8x128xf32, #tpu.memory_space<vmem>>
        %dma_start3A_2579 = tpu.memref_squeeze %dma_start3A_2578 : memref<1x8x128xf32, #tpu.memory_space<vmem>> -> memref<8x128xf32, #tpu.memory_space<vmem>>
        %dma_start3A_2580 = arith.constant 0 : i32
        %dma_start3A_2581 = tpu.memref_slice %arg5[%dma_start3A_2580, %multiple_of3A_2561] : memref<16x1000000xf32, #tpu.memory_space<hbm>> -> memref<8x128xf32, #tpu.memory_space<hbm>>
        %dma_start3A_2582 = arith.constant 0 : i32
        %dma_start3A_2583 = arith.constant 0 : i32
        %dma_start3A_2584 = tpu.memref_slice %arg10[%dma_start3A_2575, %dma_start3A_2582, %dma_start3A_2583] : memref<16x8x128xf32, #tpu.memory_space<vmem>> -> memref<1x8x128xf32, #tpu.memory_space<vmem>>
        %dma_start3A_2585 = tpu.memref_squeeze %dma_start3A_2584 : memref<1x8x128xf32, #tpu.memory_space<vmem>> -> memref<8x128xf32, #tpu.memory_space<vmem>>
        %dma_start3A_2586 = arith.constant 0 : i32
        %dma_start3A_2587 = tpu.memref_slice %arg5[%dma_start3A_2586, %multiple_of3A_2561] : memref<16x1000000xf32, #tpu.memory_space<hbm>> -> memref<8x128xf32, #tpu.memory_space<hbm>>
        tpu.enqueue_dma source(%dma_start3A_2587 : memref<8x128xf32, #tpu.memory_space<hbm>>) target(%dma_start3A_2585 : memref<8x128xf32, #tpu.memory_space<vmem>>) target_semaphore(%arg15 : memref<!tpu.dma_semaphore, #tpu.memory_space<semaphore_mem>>)
        %slice3A_2588 = vector.extract_strided_slice %get3A_2261 {offsets = [9], sizes = [1], strides = [1]} : vector<16xi32> to vector<1xi32>
        %squeeze3A_2589 = vector.extract %slice3A_2588[0] : i32 from vector<1xi32>
        %and3A_2590 = arith.constant -128 : i32
        %and3A_2591 = arith.andi %squeeze3A_2589, %and3A_2590 : i32
        %multiple_of3A_2592 = tpu.assume_multiple %and3A_2591, 128 : i32
        %slice3A_2593 = vector.extract_strided_slice %get3A_2263 {offsets = [9], sizes = [1], strides = [1]} : vector<16xi32> to vector<1xi32>
        %squeeze3A_2594 = vector.extract %slice3A_2593[0] : i32 from vector<1xi32>
        %and3A_2595 = arith.constant -128 : i32
        %and3A_2596 = arith.andi %squeeze3A_2594, %and3A_2595 : i32
        %multiple_of3A_2597 = tpu.assume_multiple %and3A_2596, 128 : i32
        %dma_start3A_2598 = arith.constant 9 : i32
        %dma_start3A_2599 = arith.constant 0 : i32
        %dma_start3A_2600 = arith.constant 0 : i32
        %dma_start3A_2601 = tpu.memref_slice %arg9[%dma_start3A_2598, %dma_start3A_2599, %dma_start3A_2600] : memref<16x8x128xf32, #tpu.memory_space<vmem>> -> memref<1x8x128xf32, #tpu.memory_space<vmem>>
        %dma_start3A_2602 = tpu.memref_squeeze %dma_start3A_2601 : memref<1x8x128xf32, #tpu.memory_space<vmem>> -> memref<8x128xf32, #tpu.memory_space<vmem>>
        %dma_start3A_2603 = arith.constant 0 : i32
        %dma_start3A_2604 = tpu.memref_slice %arg4[%dma_start3A_2603, %multiple_of3A_2592] : memref<16x1000000xf32, #tpu.memory_space<hbm>> -> memref<8x128xf32, #tpu.memory_space<hbm>>
        %dma_start3A_2605 = arith.constant 0 : i32
        %dma_start3A_2606 = arith.constant 0 : i32
        %dma_start3A_2607 = tpu.memref_slice %arg9[%dma_start3A_2598, %dma_start3A_2605, %dma_start3A_2606] : memref<16x8x128xf32, #tpu.memory_space<vmem>> -> memref<1x8x128xf32, #tpu.memory_space<vmem>>
        %dma_start3A_2608 = tpu.memref_squeeze %dma_start3A_2607 : memref<1x8x128xf32, #tpu.memory_space<vmem>> -> memref<8x128xf32, #tpu.memory_space<vmem>>
        %dma_start3A_2609 = arith.constant 0 : i32
        %dma_start3A_2610 = tpu.memref_slice %arg4[%dma_start3A_2609, %multiple_of3A_2592] : memref<16x1000000xf32, #tpu.memory_space<hbm>> -> memref<8x128xf32, #tpu.memory_space<hbm>>
        tpu.enqueue_dma source(%dma_start3A_2610 : memref<8x128xf32, #tpu.memory_space<hbm>>) target(%dma_start3A_2608 : memref<8x128xf32, #tpu.memory_space<vmem>>) target_semaphore(%arg15 : memref<!tpu.dma_semaphore, #tpu.memory_space<semaphore_mem>>)
        %dma_start3A_2611 = arith.constant 9 : i32
        %dma_start3A_2612 = arith.constant 0 : i32
        %dma_start3A_2613 = arith.constant 0 : i32
        %dma_start3A_2614 = tpu.memref_slice %arg10[%dma_start3A_2611, %dma_start3A_2612, %dma_start3A_2613] : memref<16x8x128xf32, #tpu.memory_space<vmem>> -> memref<1x8x128xf32, #tpu.memory_space<vmem>>
        %dma_start3A_2615 = tpu.memref_squeeze %dma_start3A_2614 : memref<1x8x128xf32, #tpu.memory_space<vmem>> -> memref<8x128xf32, #tpu.memory_space<vmem>>
        %dma_start3A_2616 = arith.constant 0 : i32
        %dma_start3A_2617 = tpu.memref_slice %arg5[%dma_start3A_2616, %multiple_of3A_2597] : memref<16x1000000xf32, #tpu.memory_space<hbm>> -> memref<8x128xf32, #tpu.memory_space<hbm>>
        %dma_start3A_2618 = arith.constant 0 : i32
        %dma_start3A_2619 = arith.constant 0 : i32
        %dma_start3A_2620 = tpu.memref_slice %arg10[%dma_start3A_2611, %dma_start3A_2618, %dma_start3A_2619] : memref<16x8x128xf32, #tpu.memory_space<vmem>> -> memref<1x8x128xf32, #tpu.memory_space<vmem>>
        %dma_start3A_2621 = tpu.memref_squeeze %dma_start3A_2620 : memref<1x8x128xf32, #tpu.memory_space<vmem>> -> memref<8x128xf32, #tpu.memory_space<vmem>>
        %dma_start3A_2622 = arith.constant 0 : i32
        %dma_start3A_2623 = tpu.memref_slice %arg5[%dma_start3A_2622, %multiple_of3A_2597] : memref<16x1000000xf32, #tpu.memory_space<hbm>> -> memref<8x128xf32, #tpu.memory_space<hbm>>
        tpu.enqueue_dma source(%dma_start3A_2623 : memref<8x128xf32, #tpu.memory_space<hbm>>) target(%dma_start3A_2621 : memref<8x128xf32, #tpu.memory_space<vmem>>) target_semaphore(%arg15 : memref<!tpu.dma_semaphore, #tpu.memory_space<semaphore_mem>>)
        %slice3A_2624 = vector.extract_strided_slice %get3A_2261 {offsets = [10], sizes = [1], strides = [1]} : vector<16xi32> to vector<1xi32>
        %squeeze3A_2625 = vector.extract %slice3A_2624[0] : i32 from vector<1xi32>
        %and3A_2626 = arith.constant -128 : i32
        %and3A_2627 = arith.andi %squeeze3A_2625, %and3A_2626 : i32
        %multiple_of3A_2628 = tpu.assume_multiple %and3A_2627, 128 : i32
        %slice3A_2629 = vector.extract_strided_slice %get3A_2263 {offsets = [10], sizes = [1], strides = [1]} : vector<16xi32> to vector<1xi32>
        %squeeze3A_2630 = vector.extract %slice3A_2629[0] : i32 from vector<1xi32>
        %and3A_2631 = arith.constant -128 : i32
        %and3A_2632 = arith.andi %squeeze3A_2630, %and3A_2631 : i32
        %multiple_of3A_2633 = tpu.assume_multiple %and3A_2632, 128 : i32
        %dma_start3A_2634 = arith.constant 10 : i32
        %dma_start3A_2635 = arith.constant 0 : i32
        %dma_start3A_2636 = arith.constant 0 : i32
        %dma_start3A_2637 = tpu.memref_slice %arg9[%dma_start3A_2634, %dma_start3A_2635, %dma_start3A_2636] : memref<16x8x128xf32, #tpu.memory_space<vmem>> -> memref<1x8x128xf32, #tpu.memory_space<vmem>>
        %dma_start3A_2638 = tpu.memref_squeeze %dma_start3A_2637 : memref<1x8x128xf32, #tpu.memory_space<vmem>> -> memref<8x128xf32, #tpu.memory_space<vmem>>
        %dma_start3A_2639 = arith.constant 0 : i32
        %dma_start3A_2640 = tpu.memref_slice %arg4[%dma_start3A_2639, %multiple_of3A_2628] : memref<16x1000000xf32, #tpu.memory_space<hbm>> -> memref<8x128xf32, #tpu.memory_space<hbm>>
        %dma_start3A_2641 = arith.constant 0 : i32
        %dma_start3A_2642 = arith.constant 0 : i32
        %dma_start3A_2643 = tpu.memref_slice %arg9[%dma_start3A_2634, %dma_start3A_2641, %dma_start3A_2642] : memref<16x8x128xf32, #tpu.memory_space<vmem>> -> memref<1x8x128xf32, #tpu.memory_space<vmem>>
        %dma_start3A_2644 = tpu.memref_squeeze %dma_start3A_2643 : memref<1x8x128xf32, #tpu.memory_space<vmem>> -> memref<8x128xf32, #tpu.memory_space<vmem>>
        %dma_start3A_2645 = arith.constant 0 : i32
        %dma_start3A_2646 = tpu.memref_slice %arg4[%dma_start3A_2645, %multiple_of3A_2628] : memref<16x1000000xf32, #tpu.memory_space<hbm>> -> memref<8x128xf32, #tpu.memory_space<hbm>>
        tpu.enqueue_dma source(%dma_start3A_2646 : memref<8x128xf32, #tpu.memory_space<hbm>>) target(%dma_start3A_2644 : memref<8x128xf32, #tpu.memory_space<vmem>>) target_semaphore(%arg15 : memref<!tpu.dma_semaphore, #tpu.memory_space<semaphore_mem>>)
        %dma_start3A_2647 = arith.constant 10 : i32
        %dma_start3A_2648 = arith.constant 0 : i32
        %dma_start3A_2649 = arith.constant 0 : i32
        %dma_start3A_2650 = tpu.memref_slice %arg10[%dma_start3A_2647, %dma_start3A_2648, %dma_start3A_2649] : memref<16x8x128xf32, #tpu.memory_space<vmem>> -> memref<1x8x128xf32, #tpu.memory_space<vmem>>
        %dma_start3A_2651 = tpu.memref_squeeze %dma_start3A_2650 : memref<1x8x128xf32, #tpu.memory_space<vmem>> -> memref<8x128xf32, #tpu.memory_space<vmem>>
        %dma_start3A_2652 = arith.constant 0 : i32
        %dma_start3A_2653 = tpu.memref_slice %arg5[%dma_start3A_2652, %multiple_of3A_2633] : memref<16x1000000xf32, #tpu.memory_space<hbm>> -> memref<8x128xf32, #tpu.memory_space<hbm>>
        %dma_start3A_2654 = arith.constant 0 : i32
        %dma_start3A_2655 = arith.constant 0 : i32
        %dma_start3A_2656 = tpu.memref_slice %arg10[%dma_start3A_2647, %dma_start3A_2654, %dma_start3A_2655] : memref<16x8x128xf32, #tpu.memory_space<vmem>> -> memref<1x8x128xf32, #tpu.memory_space<vmem>>
        %dma_start3A_2657 = tpu.memref_squeeze %dma_start3A_2656 : memref<1x8x128xf32, #tpu.memory_space<vmem>> -> memref<8x128xf32, #tpu.memory_space<vmem>>
        %dma_start3A_2658 = arith.constant 0 : i32
        %dma_start3A_2659 = tpu.memref_slice %arg5[%dma_start3A_2658, %multiple_of3A_2633] : memref<16x1000000xf32, #tpu.memory_space<hbm>> -> memref<8x128xf32, #tpu.memory_space<hbm>>
        tpu.enqueue_dma source(%dma_start3A_2659 : memref<8x128xf32, #tpu.memory_space<hbm>>) target(%dma_start3A_2657 : memref<8x128xf32, #tpu.memory_space<vmem>>) target_semaphore(%arg15 : memref<!tpu.dma_semaphore, #tpu.memory_space<semaphore_mem>>)
        %slice3A_2660 = vector.extract_strided_slice %get3A_2261 {offsets = [11], sizes = [1], strides = [1]} : vector<16xi32> to vector<1xi32>
        %squeeze3A_2661 = vector.extract %slice3A_2660[0] : i32 from vector<1xi32>
        %and3A_2662 = arith.constant -128 : i32
        %and3A_2663 = arith.andi %squeeze3A_2661, %and3A_2662 : i32
        %multiple_of3A_2664 = tpu.assume_multiple %and3A_2663, 128 : i32
        %slice3A_2665 = vector.extract_strided_slice %get3A_2263 {offsets = [11], sizes = [1], strides = [1]} : vector<16xi32> to vector<1xi32>
        %squeeze3A_2666 = vector.extract %slice3A_2665[0] : i32 from vector<1xi32>
        %and3A_2667 = arith.constant -128 : i32
        %and3A_2668 = arith.andi %squeeze3A_2666, %and3A_2667 : i32
        %multiple_of3A_2669 = tpu.assume_multiple %and3A_2668, 128 : i32
        %dma_start3A_2670 = arith.constant 11 : i32
        %dma_start3A_2671 = arith.constant 0 : i32
        %dma_start3A_2672 = arith.constant 0 : i32
        %dma_start3A_2673 = tpu.memref_slice %arg9[%dma_start3A_2670, %dma_start3A_2671, %dma_start3A_2672] : memref<16x8x128xf32, #tpu.memory_space<vmem>> -> memref<1x8x128xf32, #tpu.memory_space<vmem>>
        %dma_start3A_2674 = tpu.memref_squeeze %dma_start3A_2673 : memref<1x8x128xf32, #tpu.memory_space<vmem>> -> memref<8x128xf32, #tpu.memory_space<vmem>>
        %dma_start3A_2675 = arith.constant 0 : i32
        %dma_start3A_2676 = tpu.memref_slice %arg4[%dma_start3A_2675, %multiple_of3A_2664] : memref<16x1000000xf32, #tpu.memory_space<hbm>> -> memref<8x128xf32, #tpu.memory_space<hbm>>
        %dma_start3A_2677 = arith.constant 0 : i32
        %dma_start3A_2678 = arith.constant 0 : i32
        %dma_start3A_2679 = tpu.memref_slice %arg9[%dma_start3A_2670, %dma_start3A_2677, %dma_start3A_2678] : memref<16x8x128xf32, #tpu.memory_space<vmem>> -> memref<1x8x128xf32, #tpu.memory_space<vmem>>
        %dma_start3A_2680 = tpu.memref_squeeze %dma_start3A_2679 : memref<1x8x128xf32, #tpu.memory_space<vmem>> -> memref<8x128xf32, #tpu.memory_space<vmem>>
        %dma_start3A_2681 = arith.constant 0 : i32
        %dma_start3A_2682 = tpu.memref_slice %arg4[%dma_start3A_2681, %multiple_of3A_2664] : memref<16x1000000xf32, #tpu.memory_space<hbm>> -> memref<8x128xf32, #tpu.memory_space<hbm>>
        tpu.enqueue_dma source(%dma_start3A_2682 : memref<8x128xf32, #tpu.memory_space<hbm>>) target(%dma_start3A_2680 : memref<8x128xf32, #tpu.memory_space<vmem>>) target_semaphore(%arg15 : memref<!tpu.dma_semaphore, #tpu.memory_space<semaphore_mem>>)
        %dma_start3A_2683 = arith.constant 11 : i32
        %dma_start3A_2684 = arith.constant 0 : i32
        %dma_start3A_2685 = arith.constant 0 : i32
        %dma_start3A_2686 = tpu.memref_slice %arg10[%dma_start3A_2683, %dma_start3A_2684, %dma_start3A_2685] : memref<16x8x128xf32, #tpu.memory_space<vmem>> -> memref<1x8x128xf32, #tpu.memory_space<vmem>>
        %dma_start3A_2687 = tpu.memref_squeeze %dma_start3A_2686 : memref<1x8x128xf32, #tpu.memory_space<vmem>> -> memref<8x128xf32, #tpu.memory_space<vmem>>
        %dma_start3A_2688 = arith.constant 0 : i32
        %dma_start3A_2689 = tpu.memref_slice %arg5[%dma_start3A_2688, %multiple_of3A_2669] : memref<16x1000000xf32, #tpu.memory_space<hbm>> -> memref<8x128xf32, #tpu.memory_space<hbm>>
        %dma_start3A_2690 = arith.constant 0 : i32
        %dma_start3A_2691 = arith.constant 0 : i32
        %dma_start3A_2692 = tpu.memref_slice %arg10[%dma_start3A_2683, %dma_start3A_2690, %dma_start3A_2691] : memref<16x8x128xf32, #tpu.memory_space<vmem>> -> memref<1x8x128xf32, #tpu.memory_space<vmem>>
        %dma_start3A_2693 = tpu.memref_squeeze %dma_start3A_2692 : memref<1x8x128xf32, #tpu.memory_space<vmem>> -> memref<8x128xf32, #tpu.memory_space<vmem>>
        %dma_start3A_2694 = arith.constant 0 : i32
        %dma_start3A_2695 = tpu.memref_slice %arg5[%dma_start3A_2694, %multiple_of3A_2669] : memref<16x1000000xf32, #tpu.memory_space<hbm>> -> memref<8x128xf32, #tpu.memory_space<hbm>>
        tpu.enqueue_dma source(%dma_start3A_2695 : memref<8x128xf32, #tpu.memory_space<hbm>>) target(%dma_start3A_2693 : memref<8x128xf32, #tpu.memory_space<vmem>>) target_semaphore(%arg15 : memref<!tpu.dma_semaphore, #tpu.memory_space<semaphore_mem>>)
        %slice3A_2696 = vector.extract_strided_slice %get3A_2261 {offsets = [12], sizes = [1], strides = [1]} : vector<16xi32> to vector<1xi32>
        %squeeze3A_2697 = vector.extract %slice3A_2696[0] : i32 from vector<1xi32>
        %and3A_2698 = arith.constant -128 : i32
        %and3A_2699 = arith.andi %squeeze3A_2697, %and3A_2698 : i32
        %multiple_of3A_2700 = tpu.assume_multiple %and3A_2699, 128 : i32
        %slice3A_2701 = vector.extract_strided_slice %get3A_2263 {offsets = [12], sizes = [1], strides = [1]} : vector<16xi32> to vector<1xi32>
        %squeeze3A_2702 = vector.extract %slice3A_2701[0] : i32 from vector<1xi32>
        %and3A_2703 = arith.constant -128 : i32
        %and3A_2704 = arith.andi %squeeze3A_2702, %and3A_2703 : i32
        %multiple_of3A_2705 = tpu.assume_multiple %and3A_2704, 128 : i32
        %dma_start3A_2706 = arith.constant 12 : i32
        %dma_start3A_2707 = arith.constant 0 : i32
        %dma_start3A_2708 = arith.constant 0 : i32
        %dma_start3A_2709 = tpu.memref_slice %arg9[%dma_start3A_2706, %dma_start3A_2707, %dma_start3A_2708] : memref<16x8x128xf32, #tpu.memory_space<vmem>> -> memref<1x8x128xf32, #tpu.memory_space<vmem>>
        %dma_start3A_2710 = tpu.memref_squeeze %dma_start3A_2709 : memref<1x8x128xf32, #tpu.memory_space<vmem>> -> memref<8x128xf32, #tpu.memory_space<vmem>>
        %dma_start3A_2711 = arith.constant 0 : i32
        %dma_start3A_2712 = tpu.memref_slice %arg4[%dma_start3A_2711, %multiple_of3A_2700] : memref<16x1000000xf32, #tpu.memory_space<hbm>> -> memref<8x128xf32, #tpu.memory_space<hbm>>
        %dma_start3A_2713 = arith.constant 0 : i32
        %dma_start3A_2714 = arith.constant 0 : i32
        %dma_start3A_2715 = tpu.memref_slice %arg9[%dma_start3A_2706, %dma_start3A_2713, %dma_start3A_2714] : memref<16x8x128xf32, #tpu.memory_space<vmem>> -> memref<1x8x128xf32, #tpu.memory_space<vmem>>
        %dma_start3A_2716 = tpu.memref_squeeze %dma_start3A_2715 : memref<1x8x128xf32, #tpu.memory_space<vmem>> -> memref<8x128xf32, #tpu.memory_space<vmem>>
        %dma_start3A_2717 = arith.constant 0 : i32
        %dma_start3A_2718 = tpu.memref_slice %arg4[%dma_start3A_2717, %multiple_of3A_2700] : memref<16x1000000xf32, #tpu.memory_space<hbm>> -> memref<8x128xf32, #tpu.memory_space<hbm>>
        tpu.enqueue_dma source(%dma_start3A_2718 : memref<8x128xf32, #tpu.memory_space<hbm>>) target(%dma_start3A_2716 : memref<8x128xf32, #tpu.memory_space<vmem>>) target_semaphore(%arg15 : memref<!tpu.dma_semaphore, #tpu.memory_space<semaphore_mem>>)
        %dma_start3A_2719 = arith.constant 12 : i32
        %dma_start3A_2720 = arith.constant 0 : i32
        %dma_start3A_2721 = arith.constant 0 : i32
        %dma_start3A_2722 = tpu.memref_slice %arg10[%dma_start3A_2719, %dma_start3A_2720, %dma_start3A_2721] : memref<16x8x128xf32, #tpu.memory_space<vmem>> -> memref<1x8x128xf32, #tpu.memory_space<vmem>>
        %dma_start3A_2723 = tpu.memref_squeeze %dma_start3A_2722 : memref<1x8x128xf32, #tpu.memory_space<vmem>> -> memref<8x128xf32, #tpu.memory_space<vmem>>
        %dma_start3A_2724 = arith.constant 0 : i32
        %dma_start3A_2725 = tpu.memref_slice %arg5[%dma_start3A_2724, %multiple_of3A_2705] : memref<16x1000000xf32, #tpu.memory_space<hbm>> -> memref<8x128xf32, #tpu.memory_space<hbm>>
        %dma_start3A_2726 = arith.constant 0 : i32
        %dma_start3A_2727 = arith.constant 0 : i32
        %dma_start3A_2728 = tpu.memref_slice %arg10[%dma_start3A_2719, %dma_start3A_2726, %dma_start3A_2727] : memref<16x8x128xf32, #tpu.memory_space<vmem>> -> memref<1x8x128xf32, #tpu.memory_space<vmem>>
        %dma_start3A_2729 = tpu.memref_squeeze %dma_start3A_2728 : memref<1x8x128xf32, #tpu.memory_space<vmem>> -> memref<8x128xf32, #tpu.memory_space<vmem>>
        %dma_start3A_2730 = arith.constant 0 : i32
        %dma_start3A_2731 = tpu.memref_slice %arg5[%dma_start3A_2730, %multiple_of3A_2705] : memref<16x1000000xf32, #tpu.memory_space<hbm>> -> memref<8x128xf32, #tpu.memory_space<hbm>>
        tpu.enqueue_dma source(%dma_start3A_2731 : memref<8x128xf32, #tpu.memory_space<hbm>>) target(%dma_start3A_2729 : memref<8x128xf32, #tpu.memory_space<vmem>>) target_semaphore(%arg15 : memref<!tpu.dma_semaphore, #tpu.memory_space<semaphore_mem>>)
        %slice3A_2732 = vector.extract_strided_slice %get3A_2261 {offsets = [13], sizes = [1], strides = [1]} : vector<16xi32> to vector<1xi32>
        %squeeze3A_2733 = vector.extract %slice3A_2732[0] : i32 from vector<1xi32>
        %and3A_2734 = arith.constant -128 : i32
        %and3A_2735 = arith.andi %squeeze3A_2733, %and3A_2734 : i32
        %multiple_of3A_2736 = tpu.assume_multiple %and3A_2735, 128 : i32
        %slice3A_2737 = vector.extract_strided_slice %get3A_2263 {offsets = [13], sizes = [1], strides = [1]} : vector<16xi32> to vector<1xi32>
        %squeeze3A_2738 = vector.extract %slice3A_2737[0] : i32 from vector<1xi32>
        %and3A_2739 = arith.constant -128 : i32
        %and3A_2740 = arith.andi %squeeze3A_2738, %and3A_2739 : i32
        %multiple_of3A_2741 = tpu.assume_multiple %and3A_2740, 128 : i32
        %dma_start3A_2742 = arith.constant 13 : i32
        %dma_start3A_2743 = arith.constant 0 : i32
        %dma_start3A_2744 = arith.constant 0 : i32
        %dma_start3A_2745 = tpu.memref_slice %arg9[%dma_start3A_2742, %dma_start3A_2743, %dma_start3A_2744] : memref<16x8x128xf32, #tpu.memory_space<vmem>> -> memref<1x8x128xf32, #tpu.memory_space<vmem>>
        %dma_start3A_2746 = tpu.memref_squeeze %dma_start3A_2745 : memref<1x8x128xf32, #tpu.memory_space<vmem>> -> memref<8x128xf32, #tpu.memory_space<vmem>>
        %dma_start3A_2747 = arith.constant 0 : i32
        %dma_start3A_2748 = tpu.memref_slice %arg4[%dma_start3A_2747, %multiple_of3A_2736] : memref<16x1000000xf32, #tpu.memory_space<hbm>> -> memref<8x128xf32, #tpu.memory_space<hbm>>
        %dma_start3A_2749 = arith.constant 0 : i32
        %dma_start3A_2750 = arith.constant 0 : i32
        %dma_start3A_2751 = tpu.memref_slice %arg9[%dma_start3A_2742, %dma_start3A_2749, %dma_start3A_2750] : memref<16x8x128xf32, #tpu.memory_space<vmem>> -> memref<1x8x128xf32, #tpu.memory_space<vmem>>
        %dma_start3A_2752 = tpu.memref_squeeze %dma_start3A_2751 : memref<1x8x128xf32, #tpu.memory_space<vmem>> -> memref<8x128xf32, #tpu.memory_space<vmem>>
        %dma_start3A_2753 = arith.constant 0 : i32
        %dma_start3A_2754 = tpu.memref_slice %arg4[%dma_start3A_2753, %multiple_of3A_2736] : memref<16x1000000xf32, #tpu.memory_space<hbm>> -> memref<8x128xf32, #tpu.memory_space<hbm>>
        tpu.enqueue_dma source(%dma_start3A_2754 : memref<8x128xf32, #tpu.memory_space<hbm>>) target(%dma_start3A_2752 : memref<8x128xf32, #tpu.memory_space<vmem>>) target_semaphore(%arg15 : memref<!tpu.dma_semaphore, #tpu.memory_space<semaphore_mem>>)
        %dma_start3A_2755 = arith.constant 13 : i32
        %dma_start3A_2756 = arith.constant 0 : i32
        %dma_start3A_2757 = arith.constant 0 : i32
        %dma_start3A_2758 = tpu.memref_slice %arg10[%dma_start3A_2755, %dma_start3A_2756, %dma_start3A_2757] : memref<16x8x128xf32, #tpu.memory_space<vmem>> -> memref<1x8x128xf32, #tpu.memory_space<vmem>>
        %dma_start3A_2759 = tpu.memref_squeeze %dma_start3A_2758 : memref<1x8x128xf32, #tpu.memory_space<vmem>> -> memref<8x128xf32, #tpu.memory_space<vmem>>
        %dma_start3A_2760 = arith.constant 0 : i32
        %dma_start3A_2761 = tpu.memref_slice %arg5[%dma_start3A_2760, %multiple_of3A_2741] : memref<16x1000000xf32, #tpu.memory_space<hbm>> -> memref<8x128xf32, #tpu.memory_space<hbm>>
        %dma_start3A_2762 = arith.constant 0 : i32
        %dma_start3A_2763 = arith.constant 0 : i32
        %dma_start3A_2764 = tpu.memref_slice %arg10[%dma_start3A_2755, %dma_start3A_2762, %dma_start3A_2763] : memref<16x8x128xf32, #tpu.memory_space<vmem>> -> memref<1x8x128xf32, #tpu.memory_space<vmem>>
        %dma_start3A_2765 = tpu.memref_squeeze %dma_start3A_2764 : memref<1x8x128xf32, #tpu.memory_space<vmem>> -> memref<8x128xf32, #tpu.memory_space<vmem>>
        %dma_start3A_2766 = arith.constant 0 : i32
        %dma_start3A_2767 = tpu.memref_slice %arg5[%dma_start3A_2766, %multiple_of3A_2741] : memref<16x1000000xf32, #tpu.memory_space<hbm>> -> memref<8x128xf32, #tpu.memory_space<hbm>>
        tpu.enqueue_dma source(%dma_start3A_2767 : memref<8x128xf32, #tpu.memory_space<hbm>>) target(%dma_start3A_2765 : memref<8x128xf32, #tpu.memory_space<vmem>>) target_semaphore(%arg15 : memref<!tpu.dma_semaphore, #tpu.memory_space<semaphore_mem>>)
        %slice3A_2768 = vector.extract_strided_slice %get3A_2261 {offsets = [14], sizes = [1], strides = [1]} : vector<16xi32> to vector<1xi32>
        %squeeze3A_2769 = vector.extract %slice3A_2768[0] : i32 from vector<1xi32>
        %and3A_2770 = arith.constant -128 : i32
        %and3A_2771 = arith.andi %squeeze3A_2769, %and3A_2770 : i32
        %multiple_of3A_2772 = tpu.assume_multiple %and3A_2771, 128 : i32
        %slice3A_2773 = vector.extract_strided_slice %get3A_2263 {offsets = [14], sizes = [1], strides = [1]} : vector<16xi32> to vector<1xi32>
        %squeeze3A_2774 = vector.extract %slice3A_2773[0] : i32 from vector<1xi32>
        %and3A_2775 = arith.constant -128 : i32
        %and3A_2776 = arith.andi %squeeze3A_2774, %and3A_2775 : i32
        %multiple_of3A_2777 = tpu.assume_multiple %and3A_2776, 128 : i32
        %dma_start3A_2778 = arith.constant 14 : i32
        %dma_start3A_2779 = arith.constant 0 : i32
        %dma_start3A_2780 = arith.constant 0 : i32
        %dma_start3A_2781 = tpu.memref_slice %arg9[%dma_start3A_2778, %dma_start3A_2779, %dma_start3A_2780] : memref<16x8x128xf32, #tpu.memory_space<vmem>> -> memref<1x8x128xf32, #tpu.memory_space<vmem>>
        %dma_start3A_2782 = tpu.memref_squeeze %dma_start3A_2781 : memref<1x8x128xf32, #tpu.memory_space<vmem>> -> memref<8x128xf32, #tpu.memory_space<vmem>>
        %dma_start3A_2783 = arith.constant 0 : i32
        %dma_start3A_2784 = tpu.memref_slice %arg4[%dma_start3A_2783, %multiple_of3A_2772] : memref<16x1000000xf32, #tpu.memory_space<hbm>> -> memref<8x128xf32, #tpu.memory_space<hbm>>
        %dma_start3A_2785 = arith.constant 0 : i32
        %dma_start3A_2786 = arith.constant 0 : i32
        %dma_start3A_2787 = tpu.memref_slice %arg9[%dma_start3A_2778, %dma_start3A_2785, %dma_start3A_2786] : memref<16x8x128xf32, #tpu.memory_space<vmem>> -> memref<1x8x128xf32, #tpu.memory_space<vmem>>
        %dma_start3A_2788 = tpu.memref_squeeze %dma_start3A_2787 : memref<1x8x128xf32, #tpu.memory_space<vmem>> -> memref<8x128xf32, #tpu.memory_space<vmem>>
        %dma_start3A_2789 = arith.constant 0 : i32
        %dma_start3A_2790 = tpu.memref_slice %arg4[%dma_start3A_2789, %multiple_of3A_2772] : memref<16x1000000xf32, #tpu.memory_space<hbm>> -> memref<8x128xf32, #tpu.memory_space<hbm>>
        tpu.enqueue_dma source(%dma_start3A_2790 : memref<8x128xf32, #tpu.memory_space<hbm>>) target(%dma_start3A_2788 : memref<8x128xf32, #tpu.memory_space<vmem>>) target_semaphore(%arg15 : memref<!tpu.dma_semaphore, #tpu.memory_space<semaphore_mem>>)
        %dma_start3A_2791 = arith.constant 14 : i32
        %dma_start3A_2792 = arith.constant 0 : i32
        %dma_start3A_2793 = arith.constant 0 : i32
        %dma_start3A_2794 = tpu.memref_slice %arg10[%dma_start3A_2791, %dma_start3A_2792, %dma_start3A_2793] : memref<16x8x128xf32, #tpu.memory_space<vmem>> -> memref<1x8x128xf32, #tpu.memory_space<vmem>>
        %dma_start3A_2795 = tpu.memref_squeeze %dma_start3A_2794 : memref<1x8x128xf32, #tpu.memory_space<vmem>> -> memref<8x128xf32, #tpu.memory_space<vmem>>
        %dma_start3A_2796 = arith.constant 0 : i32
        %dma_start3A_2797 = tpu.memref_slice %arg5[%dma_start3A_2796, %multiple_of3A_2777] : memref<16x1000000xf32, #tpu.memory_space<hbm>> -> memref<8x128xf32, #tpu.memory_space<hbm>>
        %dma_start3A_2798 = arith.constant 0 : i32
        %dma_start3A_2799 = arith.constant 0 : i32
        %dma_start3A_2800 = tpu.memref_slice %arg10[%dma_start3A_2791, %dma_start3A_2798, %dma_start3A_2799] : memref<16x8x128xf32, #tpu.memory_space<vmem>> -> memref<1x8x128xf32, #tpu.memory_space<vmem>>
        %dma_start3A_2801 = tpu.memref_squeeze %dma_start3A_2800 : memref<1x8x128xf32, #tpu.memory_space<vmem>> -> memref<8x128xf32, #tpu.memory_space<vmem>>
        %dma_start3A_2802 = arith.constant 0 : i32
        %dma_start3A_2803 = tpu.memref_slice %arg5[%dma_start3A_2802, %multiple_of3A_2777] : memref<16x1000000xf32, #tpu.memory_space<hbm>> -> memref<8x128xf32, #tpu.memory_space<hbm>>
        tpu.enqueue_dma source(%dma_start3A_2803 : memref<8x128xf32, #tpu.memory_space<hbm>>) target(%dma_start3A_2801 : memref<8x128xf32, #tpu.memory_space<vmem>>) target_semaphore(%arg15 : memref<!tpu.dma_semaphore, #tpu.memory_space<semaphore_mem>>)
        %slice3A_2804 = vector.extract_strided_slice %get3A_2261 {offsets = [15], sizes = [1], strides = [1]} : vector<16xi32> to vector<1xi32>
        %squeeze3A_2805 = vector.extract %slice3A_2804[0] : i32 from vector<1xi32>
        %and3A_2806 = arith.constant -128 : i32
        %and3A_2807 = arith.andi %squeeze3A_2805, %and3A_2806 : i32
        %multiple_of3A_2808 = tpu.assume_multiple %and3A_2807, 128 : i32
        %slice3A_2809 = vector.extract_strided_slice %get3A_2263 {offsets = [15], sizes = [1], strides = [1]} : vector<16xi32> to vector<1xi32>
        %squeeze3A_2810 = vector.extract %slice3A_2809[0] : i32 from vector<1xi32>
        %and3A_2811 = arith.constant -128 : i32
        %and3A_2812 = arith.andi %squeeze3A_2810, %and3A_2811 : i32
        %multiple_of3A_2813 = tpu.assume_multiple %and3A_2812, 128 : i32
        %dma_start3A_2814 = arith.constant 15 : i32
        %dma_start3A_2815 = arith.constant 0 : i32
        %dma_start3A_2816 = arith.constant 0 : i32
        %dma_start3A_2817 = tpu.memref_slice %arg9[%dma_start3A_2814, %dma_start3A_2815, %dma_start3A_2816] : memref<16x8x128xf32, #tpu.memory_space<vmem>> -> memref<1x8x128xf32, #tpu.memory_space<vmem>>
        %dma_start3A_2818 = tpu.memref_squeeze %dma_start3A_2817 : memref<1x8x128xf32, #tpu.memory_space<vmem>> -> memref<8x128xf32, #tpu.memory_space<vmem>>
        %dma_start3A_2819 = arith.constant 0 : i32
        %dma_start3A_2820 = tpu.memref_slice %arg4[%dma_start3A_2819, %multiple_of3A_2808] : memref<16x1000000xf32, #tpu.memory_space<hbm>> -> memref<8x128xf32, #tpu.memory_space<hbm>>
        %dma_start3A_2821 = arith.constant 0 : i32
        %dma_start3A_2822 = arith.constant 0 : i32
        %dma_start3A_2823 = tpu.memref_slice %arg9[%dma_start3A_2814, %dma_start3A_2821, %dma_start3A_2822] : memref<16x8x128xf32, #tpu.memory_space<vmem>> -> memref<1x8x128xf32, #tpu.memory_space<vmem>>
        %dma_start3A_2824 = tpu.memref_squeeze %dma_start3A_2823 : memref<1x8x128xf32, #tpu.memory_space<vmem>> -> memref<8x128xf32, #tpu.memory_space<vmem>>
        %dma_start3A_2825 = arith.constant 0 : i32
        %dma_start3A_2826 = tpu.memref_slice %arg4[%dma_start3A_2825, %multiple_of3A_2808] : memref<16x1000000xf32, #tpu.memory_space<hbm>> -> memref<8x128xf32, #tpu.memory_space<hbm>>
        tpu.enqueue_dma source(%dma_start3A_2826 : memref<8x128xf32, #tpu.memory_space<hbm>>) target(%dma_start3A_2824 : memref<8x128xf32, #tpu.memory_space<vmem>>) target_semaphore(%arg15 : memref<!tpu.dma_semaphore, #tpu.memory_space<semaphore_mem>>)
        %dma_start3A_2827 = arith.constant 15 : i32
        %dma_start3A_2828 = arith.constant 0 : i32
        %dma_start3A_2829 = arith.constant 0 : i32
        %dma_start3A_2830 = tpu.memref_slice %arg10[%dma_start3A_2827, %dma_start3A_2828, %dma_start3A_2829] : memref<16x8x128xf32, #tpu.memory_space<vmem>> -> memref<1x8x128xf32, #tpu.memory_space<vmem>>
        %dma_start3A_2831 = tpu.memref_squeeze %dma_start3A_2830 : memref<1x8x128xf32, #tpu.memory_space<vmem>> -> memref<8x128xf32, #tpu.memory_space<vmem>>
        %dma_start3A_2832 = arith.constant 0 : i32
        %dma_start3A_2833 = tpu.memref_slice %arg5[%dma_start3A_2832, %multiple_of3A_2813] : memref<16x1000000xf32, #tpu.memory_space<hbm>> -> memref<8x128xf32, #tpu.memory_space<hbm>>
        %dma_start3A_2834 = arith.constant 0 : i32
        %dma_start3A_2835 = arith.constant 0 : i32
        %dma_start3A_2836 = tpu.memref_slice %arg10[%dma_start3A_2827, %dma_start3A_2834, %dma_start3A_2835] : memref<16x8x128xf32, #tpu.memory_space<vmem>> -> memref<1x8x128xf32, #tpu.memory_space<vmem>>
        %dma_start3A_2837 = tpu.memref_squeeze %dma_start3A_2836 : memref<1x8x128xf32, #tpu.memory_space<vmem>> -> memref<8x128xf32, #tpu.memory_space<vmem>>
        %dma_start3A_2838 = arith.constant 0 : i32
        %dma_start3A_2839 = tpu.memref_slice %arg5[%dma_start3A_2838, %multiple_of3A_2813] : memref<16x1000000xf32, #tpu.memory_space<hbm>> -> memref<8x128xf32, #tpu.memory_space<hbm>>
        tpu.enqueue_dma source(%dma_start3A_2839 : memref<8x128xf32, #tpu.memory_space<hbm>>) target(%dma_start3A_2837 : memref<8x128xf32, #tpu.memory_space<vmem>>) target_semaphore(%arg15 : memref<!tpu.dma_semaphore, #tpu.memory_space<semaphore_mem>>)
      } else {
      }
      %dma_wait3A_1713 = arith.constant 0 : i32
      %dma_wait3A_1714 = arith.constant 0 : i32
      %dma_wait3A_1715 = arith.constant 0 : i32
      %dma_wait3A_1716 = tpu.memref_slice %arg11[%dma_wait3A_1713, %dma_wait3A_1714, %dma_wait3A_1715] : memref<16x8x128xf32, #tpu.memory_space<vmem>> -> memref<1x8x128xf32, #tpu.memory_space<vmem>>
      %dma_wait3A_1717 = tpu.memref_squeeze %dma_wait3A_1716 : memref<1x8x128xf32, #tpu.memory_space<vmem>> -> memref<8x128xf32, #tpu.memory_space<vmem>>
      %dma_wait3A_1718 = arith.constant 0 : i32
      %dma_wait3A_1719 = arith.constant 0 : i32
      %dma_wait3A_1720 = tpu.memref_slice %arg4[%dma_wait3A_1718, %dma_wait3A_1719] : memref<16x1000000xf32, #tpu.memory_space<hbm>> -> memref<8x128xf32, #tpu.memory_space<hbm>>
      %dma_wait3A_1721 = arith.constant 0 : i32
      %dma_wait3A_1722 = arith.constant 0 : i32
      %dma_wait3A_1723 = tpu.memref_slice %arg11[%dma_wait3A_1713, %dma_wait3A_1721, %dma_wait3A_1722] : memref<16x8x128xf32, #tpu.memory_space<vmem>> -> memref<1x8x128xf32, #tpu.memory_space<vmem>>
      %dma_wait3A_1724 = tpu.memref_squeeze %dma_wait3A_1723 : memref<1x8x128xf32, #tpu.memory_space<vmem>> -> memref<8x128xf32, #tpu.memory_space<vmem>>
      %dma_wait3A_1725 = arith.constant 0 : i32
      %dma_wait3A_1726 = arith.constant 0 : i32
      %dma_wait3A_1727 = tpu.memref_slice %arg4[%dma_wait3A_1725, %dma_wait3A_1726] : memref<16x1000000xf32, #tpu.memory_space<hbm>> -> memref<8x128xf32, #tpu.memory_space<hbm>>
      tpu.wait_dma2 semaphore(%arg16 : memref<!tpu.dma_semaphore, #tpu.memory_space<semaphore_mem>>) src(%dma_wait3A_1727 : memref<8x128xf32, #tpu.memory_space<hbm>>) dst(%dma_wait3A_1724 : memref<8x128xf32, #tpu.memory_space<vmem>>)
      %dma_wait3A_1728 = arith.constant 0 : i32
      %dma_wait3A_1729 = arith.constant 0 : i32
      %dma_wait3A_1730 = arith.constant 0 : i32
      %dma_wait3A_1731 = tpu.memref_slice %arg12[%dma_wait3A_1728, %dma_wait3A_1729, %dma_wait3A_1730] : memref<16x8x128xf32, #tpu.memory_space<vmem>> -> memref<1x8x128xf32, #tpu.memory_space<vmem>>
      %dma_wait3A_1732 = tpu.memref_squeeze %dma_wait3A_1731 : memref<1x8x128xf32, #tpu.memory_space<vmem>> -> memref<8x128xf32, #tpu.memory_space<vmem>>
      %dma_wait3A_1733 = arith.constant 0 : i32
      %dma_wait3A_1734 = arith.constant 0 : i32
      %dma_wait3A_1735 = tpu.memref_slice %arg4[%dma_wait3A_1733, %dma_wait3A_1734] : memref<16x1000000xf32, #tpu.memory_space<hbm>> -> memref<8x128xf32, #tpu.memory_space<hbm>>
      %dma_wait3A_1736 = arith.constant 0 : i32
      %dma_wait3A_1737 = arith.constant 0 : i32
      %dma_wait3A_1738 = tpu.memref_slice %arg12[%dma_wait3A_1728, %dma_wait3A_1736, %dma_wait3A_1737] : memref<16x8x128xf32, #tpu.memory_space<vmem>> -> memref<1x8x128xf32, #tpu.memory_space<vmem>>
      %dma_wait3A_1739 = tpu.memref_squeeze %dma_wait3A_1738 : memref<1x8x128xf32, #tpu.memory_space<vmem>> -> memref<8x128xf32, #tpu.memory_space<vmem>>
      %dma_wait3A_1740 = arith.constant 0 : i32
      %dma_wait3A_1741 = arith.constant 0 : i32
      %dma_wait3A_1742 = tpu.memref_slice %arg4[%dma_wait3A_1740, %dma_wait3A_1741] : memref<16x1000000xf32, #tpu.memory_space<hbm>> -> memref<8x128xf32, #tpu.memory_space<hbm>>
      tpu.wait_dma2 semaphore(%arg16 : memref<!tpu.dma_semaphore, #tpu.memory_space<semaphore_mem>>) src(%dma_wait3A_1742 : memref<8x128xf32, #tpu.memory_space<hbm>>) dst(%dma_wait3A_1739 : memref<8x128xf32, #tpu.memory_space<vmem>>)
      %dma_wait3A_1743 = arith.constant 1 : i32
      %dma_wait3A_1744 = arith.constant 0 : i32
      %dma_wait3A_1745 = arith.constant 0 : i32
      %dma_wait3A_1746 = tpu.memref_slice %arg11[%dma_wait3A_1743, %dma_wait3A_1744, %dma_wait3A_1745] : memref<16x8x128xf32, #tpu.memory_space<vmem>> -> memref<1x8x128xf32, #tpu.memory_space<vmem>>
      %dma_wait3A_1747 = tpu.memref_squeeze %dma_wait3A_1746 : memref<1x8x128xf32, #tpu.memory_space<vmem>> -> memref<8x128xf32, #tpu.memory_space<vmem>>
      %dma_wait3A_1748 = arith.constant 0 : i32
      %dma_wait3A_1749 = arith.constant 0 : i32
      %dma_wait3A_1750 = tpu.memref_slice %arg4[%dma_wait3A_1748, %dma_wait3A_1749] : memref<16x1000000xf32, #tpu.memory_space<hbm>> -> memref<8x128xf32, #tpu.memory_space<hbm>>
      %dma_wait3A_1751 = arith.constant 0 : i32
      %dma_wait3A_1752 = arith.constant 0 : i32
      %dma_wait3A_1753 = tpu.memref_slice %arg11[%dma_wait3A_1743, %dma_wait3A_1751, %dma_wait3A_1752] : memref<16x8x128xf32, #tpu.memory_space<vmem>> -> memref<1x8x128xf32, #tpu.memory_space<vmem>>
      %dma_wait3A_1754 = tpu.memref_squeeze %dma_wait3A_1753 : memref<1x8x128xf32, #tpu.memory_space<vmem>> -> memref<8x128xf32, #tpu.memory_space<vmem>>
      %dma_wait3A_1755 = arith.constant 0 : i32
      %dma_wait3A_1756 = arith.constant 0 : i32
      %dma_wait3A_1757 = tpu.memref_slice %arg4[%dma_wait3A_1755, %dma_wait3A_1756] : memref<16x1000000xf32, #tpu.memory_space<hbm>> -> memref<8x128xf32, #tpu.memory_space<hbm>>
      tpu.wait_dma2 semaphore(%arg16 : memref<!tpu.dma_semaphore, #tpu.memory_space<semaphore_mem>>) src(%dma_wait3A_1757 : memref<8x128xf32, #tpu.memory_space<hbm>>) dst(%dma_wait3A_1754 : memref<8x128xf32, #tpu.memory_space<vmem>>)
      %dma_wait3A_1758 = arith.constant 1 : i32
      %dma_wait3A_1759 = arith.constant 0 : i32
      %dma_wait3A_1760 = arith.constant 0 : i32
      %dma_wait3A_1761 = tpu.memref_slice %arg12[%dma_wait3A_1758, %dma_wait3A_1759, %dma_wait3A_1760] : memref<16x8x128xf32, #tpu.memory_space<vmem>> -> memref<1x8x128xf32, #tpu.memory_space<vmem>>
      %dma_wait3A_1762 = tpu.memref_squeeze %dma_wait3A_1761 : memref<1x8x128xf32, #tpu.memory_space<vmem>> -> memref<8x128xf32, #tpu.memory_space<vmem>>
      %dma_wait3A_1763 = arith.constant 0 : i32
      %dma_wait3A_1764 = arith.constant 0 : i32
      %dma_wait3A_1765 = tpu.memref_slice %arg4[%dma_wait3A_1763, %dma_wait3A_1764] : memref<16x1000000xf32, #tpu.memory_space<hbm>> -> memref<8x128xf32, #tpu.memory_space<hbm>>
      %dma_wait3A_1766 = arith.constant 0 : i32
      %dma_wait3A_1767 = arith.constant 0 : i32
      %dma_wait3A_1768 = tpu.memref_slice %arg12[%dma_wait3A_1758, %dma_wait3A_1766, %dma_wait3A_1767] : memref<16x8x128xf32, #tpu.memory_space<vmem>> -> memref<1x8x128xf32, #tpu.memory_space<vmem>>
      %dma_wait3A_1769 = tpu.memref_squeeze %dma_wait3A_1768 : memref<1x8x128xf32, #tpu.memory_space<vmem>> -> memref<8x128xf32, #tpu.memory_space<vmem>>
      %dma_wait3A_1770 = arith.constant 0 : i32
      %dma_wait3A_1771 = arith.constant 0 : i32
      %dma_wait3A_1772 = tpu.memref_slice %arg4[%dma_wait3A_1770, %dma_wait3A_1771] : memref<16x1000000xf32, #tpu.memory_space<hbm>> -> memref<8x128xf32, #tpu.memory_space<hbm>>
      tpu.wait_dma2 semaphore(%arg16 : memref<!tpu.dma_semaphore, #tpu.memory_space<semaphore_mem>>) src(%dma_wait3A_1772 : memref<8x128xf32, #tpu.memory_space<hbm>>) dst(%dma_wait3A_1769 : memref<8x128xf32, #tpu.memory_space<vmem>>)
      %dma_wait3A_1773 = arith.constant 2 : i32
      %dma_wait3A_1774 = arith.constant 0 : i32
      %dma_wait3A_1775 = arith.constant 0 : i32
      %dma_wait3A_1776 = tpu.memref_slice %arg11[%dma_wait3A_1773, %dma_wait3A_1774, %dma_wait3A_1775] : memref<16x8x128xf32, #tpu.memory_space<vmem>> -> memref<1x8x128xf32, #tpu.memory_space<vmem>>
      %dma_wait3A_1777 = tpu.memref_squeeze %dma_wait3A_1776 : memref<1x8x128xf32, #tpu.memory_space<vmem>> -> memref<8x128xf32, #tpu.memory_space<vmem>>
      %dma_wait3A_1778 = arith.constant 0 : i32
      %dma_wait3A_1779 = arith.constant 0 : i32
      %dma_wait3A_1780 = tpu.memref_slice %arg4[%dma_wait3A_1778, %dma_wait3A_1779] : memref<16x1000000xf32, #tpu.memory_space<hbm>> -> memref<8x128xf32, #tpu.memory_space<hbm>>
      %dma_wait3A_1781 = arith.constant 0 : i32
      %dma_wait3A_1782 = arith.constant 0 : i32
      %dma_wait3A_1783 = tpu.memref_slice %arg11[%dma_wait3A_1773, %dma_wait3A_1781, %dma_wait3A_1782] : memref<16x8x128xf32, #tpu.memory_space<vmem>> -> memref<1x8x128xf32, #tpu.memory_space<vmem>>
      %dma_wait3A_1784 = tpu.memref_squeeze %dma_wait3A_1783 : memref<1x8x128xf32, #tpu.memory_space<vmem>> -> memref<8x128xf32, #tpu.memory_space<vmem>>
      %dma_wait3A_1785 = arith.constant 0 : i32
      %dma_wait3A_1786 = arith.constant 0 : i32
      %dma_wait3A_1787 = tpu.memref_slice %arg4[%dma_wait3A_1785, %dma_wait3A_1786] : memref<16x1000000xf32, #tpu.memory_space<hbm>> -> memref<8x128xf32, #tpu.memory_space<hbm>>
      tpu.wait_dma2 semaphore(%arg16 : memref<!tpu.dma_semaphore, #tpu.memory_space<semaphore_mem>>) src(%dma_wait3A_1787 : memref<8x128xf32, #tpu.memory_space<hbm>>) dst(%dma_wait3A_1784 : memref<8x128xf32, #tpu.memory_space<vmem>>)
      %dma_wait3A_1788 = arith.constant 2 : i32
      %dma_wait3A_1789 = arith.constant 0 : i32
      %dma_wait3A_1790 = arith.constant 0 : i32
      %dma_wait3A_1791 = tpu.memref_slice %arg12[%dma_wait3A_1788, %dma_wait3A_1789, %dma_wait3A_1790] : memref<16x8x128xf32, #tpu.memory_space<vmem>> -> memref<1x8x128xf32, #tpu.memory_space<vmem>>
      %dma_wait3A_1792 = tpu.memref_squeeze %dma_wait3A_1791 : memref<1x8x128xf32, #tpu.memory_space<vmem>> -> memref<8x128xf32, #tpu.memory_space<vmem>>
      %dma_wait3A_1793 = arith.constant 0 : i32
      %dma_wait3A_1794 = arith.constant 0 : i32
      %dma_wait3A_1795 = tpu.memref_slice %arg4[%dma_wait3A_1793, %dma_wait3A_1794] : memref<16x1000000xf32, #tpu.memory_space<hbm>> -> memref<8x128xf32, #tpu.memory_space<hbm>>
      %dma_wait3A_1796 = arith.constant 0 : i32
      %dma_wait3A_1797 = arith.constant 0 : i32
      %dma_wait3A_1798 = tpu.memref_slice %arg12[%dma_wait3A_1788, %dma_wait3A_1796, %dma_wait3A_1797] : memref<16x8x128xf32, #tpu.memory_space<vmem>> -> memref<1x8x128xf32, #tpu.memory_space<vmem>>
      %dma_wait3A_1799 = tpu.memref_squeeze %dma_wait3A_1798 : memref<1x8x128xf32, #tpu.memory_space<vmem>> -> memref<8x128xf32, #tpu.memory_space<vmem>>
      %dma_wait3A_1800 = arith.constant 0 : i32
      %dma_wait3A_1801 = arith.constant 0 : i32
      %dma_wait3A_1802 = tpu.memref_slice %arg4[%dma_wait3A_1800, %dma_wait3A_1801] : memref<16x1000000xf32, #tpu.memory_space<hbm>> -> memref<8x128xf32, #tpu.memory_space<hbm>>
      tpu.wait_dma2 semaphore(%arg16 : memref<!tpu.dma_semaphore, #tpu.memory_space<semaphore_mem>>) src(%dma_wait3A_1802 : memref<8x128xf32, #tpu.memory_space<hbm>>) dst(%dma_wait3A_1799 : memref<8x128xf32, #tpu.memory_space<vmem>>)
      %dma_wait3A_1803 = arith.constant 3 : i32
      %dma_wait3A_1804 = arith.constant 0 : i32
      %dma_wait3A_1805 = arith.constant 0 : i32
      %dma_wait3A_1806 = tpu.memref_slice %arg11[%dma_wait3A_1803, %dma_wait3A_1804, %dma_wait3A_1805] : memref<16x8x128xf32, #tpu.memory_space<vmem>> -> memref<1x8x128xf32, #tpu.memory_space<vmem>>
      %dma_wait3A_1807 = tpu.memref_squeeze %dma_wait3A_1806 : memref<1x8x128xf32, #tpu.memory_space<vmem>> -> memref<8x128xf32, #tpu.memory_space<vmem>>
      %dma_wait3A_1808 = arith.constant 0 : i32
      %dma_wait3A_1809 = arith.constant 0 : i32
      %dma_wait3A_1810 = tpu.memref_slice %arg4[%dma_wait3A_1808, %dma_wait3A_1809] : memref<16x1000000xf32, #tpu.memory_space<hbm>> -> memref<8x128xf32, #tpu.memory_space<hbm>>
      %dma_wait3A_1811 = arith.constant 0 : i32
      %dma_wait3A_1812 = arith.constant 0 : i32
      %dma_wait3A_1813 = tpu.memref_slice %arg11[%dma_wait3A_1803, %dma_wait3A_1811, %dma_wait3A_1812] : memref<16x8x128xf32, #tpu.memory_space<vmem>> -> memref<1x8x128xf32, #tpu.memory_space<vmem>>
      %dma_wait3A_1814 = tpu.memref_squeeze %dma_wait3A_1813 : memref<1x8x128xf32, #tpu.memory_space<vmem>> -> memref<8x128xf32, #tpu.memory_space<vmem>>
      %dma_wait3A_1815 = arith.constant 0 : i32
      %dma_wait3A_1816 = arith.constant 0 : i32
      %dma_wait3A_1817 = tpu.memref_slice %arg4[%dma_wait3A_1815, %dma_wait3A_1816] : memref<16x1000000xf32, #tpu.memory_space<hbm>> -> memref<8x128xf32, #tpu.memory_space<hbm>>
      tpu.wait_dma2 semaphore(%arg16 : memref<!tpu.dma_semaphore, #tpu.memory_space<semaphore_mem>>) src(%dma_wait3A_1817 : memref<8x128xf32, #tpu.memory_space<hbm>>) dst(%dma_wait3A_1814 : memref<8x128xf32, #tpu.memory_space<vmem>>)
      %dma_wait3A_1818 = arith.constant 3 : i32
      %dma_wait3A_1819 = arith.constant 0 : i32
      %dma_wait3A_1820 = arith.constant 0 : i32
      %dma_wait3A_1821 = tpu.memref_slice %arg12[%dma_wait3A_1818, %dma_wait3A_1819, %dma_wait3A_1820] : memref<16x8x128xf32, #tpu.memory_space<vmem>> -> memref<1x8x128xf32, #tpu.memory_space<vmem>>
      %dma_wait3A_1822 = tpu.memref_squeeze %dma_wait3A_1821 : memref<1x8x128xf32, #tpu.memory_space<vmem>> -> memref<8x128xf32, #tpu.memory_space<vmem>>
      %dma_wait3A_1823 = arith.constant 0 : i32
      %dma_wait3A_1824 = arith.constant 0 : i32
      %dma_wait3A_1825 = tpu.memref_slice %arg4[%dma_wait3A_1823, %dma_wait3A_1824] : memref<16x1000000xf32, #tpu.memory_space<hbm>> -> memref<8x128xf32, #tpu.memory_space<hbm>>
      %dma_wait3A_1826 = arith.constant 0 : i32
      %dma_wait3A_1827 = arith.constant 0 : i32
      %dma_wait3A_1828 = tpu.memref_slice %arg12[%dma_wait3A_1818, %dma_wait3A_1826, %dma_wait3A_1827] : memref<16x8x128xf32, #tpu.memory_space<vmem>> -> memref<1x8x128xf32, #tpu.memory_space<vmem>>
      %dma_wait3A_1829 = tpu.memref_squeeze %dma_wait3A_1828 : memref<1x8x128xf32, #tpu.memory_space<vmem>> -> memref<8x128xf32, #tpu.memory_space<vmem>>
      %dma_wait3A_1830 = arith.constant 0 : i32
      %dma_wait3A_1831 = arith.constant 0 : i32
      %dma_wait3A_1832 = tpu.memref_slice %arg4[%dma_wait3A_1830, %dma_wait3A_1831] : memref<16x1000000xf32, #tpu.memory_space<hbm>> -> memref<8x128xf32, #tpu.memory_space<hbm>>
      tpu.wait_dma2 semaphore(%arg16 : memref<!tpu.dma_semaphore, #tpu.memory_space<semaphore_mem>>) src(%dma_wait3A_1832 : memref<8x128xf32, #tpu.memory_space<hbm>>) dst(%dma_wait3A_1829 : memref<8x128xf32, #tpu.memory_space<vmem>>)
      %dma_wait3A_1833 = arith.constant 4 : i32
      %dma_wait3A_1834 = arith.constant 0 : i32
      %dma_wait3A_1835 = arith.constant 0 : i32
      %dma_wait3A_1836 = tpu.memref_slice %arg11[%dma_wait3A_1833, %dma_wait3A_1834, %dma_wait3A_1835] : memref<16x8x128xf32, #tpu.memory_space<vmem>> -> memref<1x8x128xf32, #tpu.memory_space<vmem>>
      %dma_wait3A_1837 = tpu.memref_squeeze %dma_wait3A_1836 : memref<1x8x128xf32, #tpu.memory_space<vmem>> -> memref<8x128xf32, #tpu.memory_space<vmem>>
      %dma_wait3A_1838 = arith.constant 0 : i32
      %dma_wait3A_1839 = arith.constant 0 : i32
      %dma_wait3A_1840 = tpu.memref_slice %arg4[%dma_wait3A_1838, %dma_wait3A_1839] : memref<16x1000000xf32, #tpu.memory_space<hbm>> -> memref<8x128xf32, #tpu.memory_space<hbm>>
      %dma_wait3A_1841 = arith.constant 0 : i32
      %dma_wait3A_1842 = arith.constant 0 : i32
      %dma_wait3A_1843 = tpu.memref_slice %arg11[%dma_wait3A_1833, %dma_wait3A_1841, %dma_wait3A_1842] : memref<16x8x128xf32, #tpu.memory_space<vmem>> -> memref<1x8x128xf32, #tpu.memory_space<vmem>>
      %dma_wait3A_1844 = tpu.memref_squeeze %dma_wait3A_1843 : memref<1x8x128xf32, #tpu.memory_space<vmem>> -> memref<8x128xf32, #tpu.memory_space<vmem>>
      %dma_wait3A_1845 = arith.constant 0 : i32
      %dma_wait3A_1846 = arith.constant 0 : i32
      %dma_wait3A_1847 = tpu.memref_slice %arg4[%dma_wait3A_1845, %dma_wait3A_1846] : memref<16x1000000xf32, #tpu.memory_space<hbm>> -> memref<8x128xf32, #tpu.memory_space<hbm>>
      tpu.wait_dma2 semaphore(%arg16 : memref<!tpu.dma_semaphore, #tpu.memory_space<semaphore_mem>>) src(%dma_wait3A_1847 : memref<8x128xf32, #tpu.memory_space<hbm>>) dst(%dma_wait3A_1844 : memref<8x128xf32, #tpu.memory_space<vmem>>)
      %dma_wait3A_1848 = arith.constant 4 : i32
      %dma_wait3A_1849 = arith.constant 0 : i32
      %dma_wait3A_1850 = arith.constant 0 : i32
      %dma_wait3A_1851 = tpu.memref_slice %arg12[%dma_wait3A_1848, %dma_wait3A_1849, %dma_wait3A_1850] : memref<16x8x128xf32, #tpu.memory_space<vmem>> -> memref<1x8x128xf32, #tpu.memory_space<vmem>>
      %dma_wait3A_1852 = tpu.memref_squeeze %dma_wait3A_1851 : memref<1x8x128xf32, #tpu.memory_space<vmem>> -> memref<8x128xf32, #tpu.memory_space<vmem>>
      %dma_wait3A_1853 = arith.constant 0 : i32
      %dma_wait3A_1854 = arith.constant 0 : i32
      %dma_wait3A_1855 = tpu.memref_slice %arg4[%dma_wait3A_1853, %dma_wait3A_1854] : memref<16x1000000xf32, #tpu.memory_space<hbm>> -> memref<8x128xf32, #tpu.memory_space<hbm>>
      %dma_wait3A_1856 = arith.constant 0 : i32
      %dma_wait3A_1857 = arith.constant 0 : i32
      %dma_wait3A_1858 = tpu.memref_slice %arg12[%dma_wait3A_1848, %dma_wait3A_1856, %dma_wait3A_1857] : memref<16x8x128xf32, #tpu.memory_space<vmem>> -> memref<1x8x128xf32, #tpu.memory_space<vmem>>
      %dma_wait3A_1859 = tpu.memref_squeeze %dma_wait3A_1858 : memref<1x8x128xf32, #tpu.memory_space<vmem>> -> memref<8x128xf32, #tpu.memory_space<vmem>>
      %dma_wait3A_1860 = arith.constant 0 : i32
      %dma_wait3A_1861 = arith.constant 0 : i32
      %dma_wait3A_1862 = tpu.memref_slice %arg4[%dma_wait3A_1860, %dma_wait3A_1861] : memref<16x1000000xf32, #tpu.memory_space<hbm>> -> memref<8x128xf32, #tpu.memory_space<hbm>>
      tpu.wait_dma2 semaphore(%arg16 : memref<!tpu.dma_semaphore, #tpu.memory_space<semaphore_mem>>) src(%dma_wait3A_1862 : memref<8x128xf32, #tpu.memory_space<hbm>>) dst(%dma_wait3A_1859 : memref<8x128xf32, #tpu.memory_space<vmem>>)
      %dma_wait3A_1863 = arith.constant 5 : i32
      %dma_wait3A_1864 = arith.constant 0 : i32
      %dma_wait3A_1865 = arith.constant 0 : i32
      %dma_wait3A_1866 = tpu.memref_slice %arg11[%dma_wait3A_1863, %dma_wait3A_1864, %dma_wait3A_1865] : memref<16x8x128xf32, #tpu.memory_space<vmem>> -> memref<1x8x128xf32, #tpu.memory_space<vmem>>
      %dma_wait3A_1867 = tpu.memref_squeeze %dma_wait3A_1866 : memref<1x8x128xf32, #tpu.memory_space<vmem>> -> memref<8x128xf32, #tpu.memory_space<vmem>>
      %dma_wait3A_1868 = arith.constant 0 : i32
      %dma_wait3A_1869 = arith.constant 0 : i32
      %dma_wait3A_1870 = tpu.memref_slice %arg4[%dma_wait3A_1868, %dma_wait3A_1869] : memref<16x1000000xf32, #tpu.memory_space<hbm>> -> memref<8x128xf32, #tpu.memory_space<hbm>>
      %dma_wait3A_1871 = arith.constant 0 : i32
      %dma_wait3A_1872 = arith.constant 0 : i32
      %dma_wait3A_1873 = tpu.memref_slice %arg11[%dma_wait3A_1863, %dma_wait3A_1871, %dma_wait3A_1872] : memref<16x8x128xf32, #tpu.memory_space<vmem>> -> memref<1x8x128xf32, #tpu.memory_space<vmem>>
      %dma_wait3A_1874 = tpu.memref_squeeze %dma_wait3A_1873 : memref<1x8x128xf32, #tpu.memory_space<vmem>> -> memref<8x128xf32, #tpu.memory_space<vmem>>
      %dma_wait3A_1875 = arith.constant 0 : i32
      %dma_wait3A_1876 = arith.constant 0 : i32
      %dma_wait3A_1877 = tpu.memref_slice %arg4[%dma_wait3A_1875, %dma_wait3A_1876] : memref<16x1000000xf32, #tpu.memory_space<hbm>> -> memref<8x128xf32, #tpu.memory_space<hbm>>
      tpu.wait_dma2 semaphore(%arg16 : memref<!tpu.dma_semaphore, #tpu.memory_space<semaphore_mem>>) src(%dma_wait3A_1877 : memref<8x128xf32, #tpu.memory_space<hbm>>) dst(%dma_wait3A_1874 : memref<8x128xf32, #tpu.memory_space<vmem>>)
      %dma_wait3A_1878 = arith.constant 5 : i32
      %dma_wait3A_1879 = arith.constant 0 : i32
      %dma_wait3A_1880 = arith.constant 0 : i32
      %dma_wait3A_1881 = tpu.memref_slice %arg12[%dma_wait3A_1878, %dma_wait3A_1879, %dma_wait3A_1880] : memref<16x8x128xf32, #tpu.memory_space<vmem>> -> memref<1x8x128xf32, #tpu.memory_space<vmem>>
      %dma_wait3A_1882 = tpu.memref_squeeze %dma_wait3A_1881 : memref<1x8x128xf32, #tpu.memory_space<vmem>> -> memref<8x128xf32, #tpu.memory_space<vmem>>
      %dma_wait3A_1883 = arith.constant 0 : i32
      %dma_wait3A_1884 = arith.constant 0 : i32
      %dma_wait3A_1885 = tpu.memref_slice %arg4[%dma_wait3A_1883, %dma_wait3A_1884] : memref<16x1000000xf32, #tpu.memory_space<hbm>> -> memref<8x128xf32, #tpu.memory_space<hbm>>
      %dma_wait3A_1886 = arith.constant 0 : i32
      %dma_wait3A_1887 = arith.constant 0 : i32
      %dma_wait3A_1888 = tpu.memref_slice %arg12[%dma_wait3A_1878, %dma_wait3A_1886, %dma_wait3A_1887] : memref<16x8x128xf32, #tpu.memory_space<vmem>> -> memref<1x8x128xf32, #tpu.memory_space<vmem>>
      %dma_wait3A_1889 = tpu.memref_squeeze %dma_wait3A_1888 : memref<1x8x128xf32, #tpu.memory_space<vmem>> -> memref<8x128xf32, #tpu.memory_space<vmem>>
      %dma_wait3A_1890 = arith.constant 0 : i32
      %dma_wait3A_1891 = arith.constant 0 : i32
      %dma_wait3A_1892 = tpu.memref_slice %arg4[%dma_wait3A_1890, %dma_wait3A_1891] : memref<16x1000000xf32, #tpu.memory_space<hbm>> -> memref<8x128xf32, #tpu.memory_space<hbm>>
      tpu.wait_dma2 semaphore(%arg16 : memref<!tpu.dma_semaphore, #tpu.memory_space<semaphore_mem>>) src(%dma_wait3A_1892 : memref<8x128xf32, #tpu.memory_space<hbm>>) dst(%dma_wait3A_1889 : memref<8x128xf32, #tpu.memory_space<vmem>>)
      %dma_wait3A_1893 = arith.constant 6 : i32
      %dma_wait3A_1894 = arith.constant 0 : i32
      %dma_wait3A_1895 = arith.constant 0 : i32
      %dma_wait3A_1896 = tpu.memref_slice %arg11[%dma_wait3A_1893, %dma_wait3A_1894, %dma_wait3A_1895] : memref<16x8x128xf32, #tpu.memory_space<vmem>> -> memref<1x8x128xf32, #tpu.memory_space<vmem>>
      %dma_wait3A_1897 = tpu.memref_squeeze %dma_wait3A_1896 : memref<1x8x128xf32, #tpu.memory_space<vmem>> -> memref<8x128xf32, #tpu.memory_space<vmem>>
      %dma_wait3A_1898 = arith.constant 0 : i32
      %dma_wait3A_1899 = arith.constant 0 : i32
      %dma_wait3A_1900 = tpu.memref_slice %arg4[%dma_wait3A_1898, %dma_wait3A_1899] : memref<16x1000000xf32, #tpu.memory_space<hbm>> -> memref<8x128xf32, #tpu.memory_space<hbm>>
      %dma_wait3A_1901 = arith.constant 0 : i32
      %dma_wait3A_1902 = arith.constant 0 : i32
      %dma_wait3A_1903 = tpu.memref_slice %arg11[%dma_wait3A_1893, %dma_wait3A_1901, %dma_wait3A_1902] : memref<16x8x128xf32, #tpu.memory_space<vmem>> -> memref<1x8x128xf32, #tpu.memory_space<vmem>>
      %dma_wait3A_1904 = tpu.memref_squeeze %dma_wait3A_1903 : memref<1x8x128xf32, #tpu.memory_space<vmem>> -> memref<8x128xf32, #tpu.memory_space<vmem>>
      %dma_wait3A_1905 = arith.constant 0 : i32
      %dma_wait3A_1906 = arith.constant 0 : i32
      %dma_wait3A_1907 = tpu.memref_slice %arg4[%dma_wait3A_1905, %dma_wait3A_1906] : memref<16x1000000xf32, #tpu.memory_space<hbm>> -> memref<8x128xf32, #tpu.memory_space<hbm>>
      tpu.wait_dma2 semaphore(%arg16 : memref<!tpu.dma_semaphore, #tpu.memory_space<semaphore_mem>>) src(%dma_wait3A_1907 : memref<8x128xf32, #tpu.memory_space<hbm>>) dst(%dma_wait3A_1904 : memref<8x128xf32, #tpu.memory_space<vmem>>)
      %dma_wait3A_1908 = arith.constant 6 : i32
      %dma_wait3A_1909 = arith.constant 0 : i32
      %dma_wait3A_1910 = arith.constant 0 : i32
      %dma_wait3A_1911 = tpu.memref_slice %arg12[%dma_wait3A_1908, %dma_wait3A_1909, %dma_wait3A_1910] : memref<16x8x128xf32, #tpu.memory_space<vmem>> -> memref<1x8x128xf32, #tpu.memory_space<vmem>>
      %dma_wait3A_1912 = tpu.memref_squeeze %dma_wait3A_1911 : memref<1x8x128xf32, #tpu.memory_space<vmem>> -> memref<8x128xf32, #tpu.memory_space<vmem>>
      %dma_wait3A_1913 = arith.constant 0 : i32
      %dma_wait3A_1914 = arith.constant 0 : i32
      %dma_wait3A_1915 = tpu.memref_slice %arg4[%dma_wait3A_1913, %dma_wait3A_1914] : memref<16x1000000xf32, #tpu.memory_space<hbm>> -> memref<8x128xf32, #tpu.memory_space<hbm>>
      %dma_wait3A_1916 = arith.constant 0 : i32
      %dma_wait3A_1917 = arith.constant 0 : i32
      %dma_wait3A_1918 = tpu.memref_slice %arg12[%dma_wait3A_1908, %dma_wait3A_1916, %dma_wait3A_1917] : memref<16x8x128xf32, #tpu.memory_space<vmem>> -> memref<1x8x128xf32, #tpu.memory_space<vmem>>
      %dma_wait3A_1919 = tpu.memref_squeeze %dma_wait3A_1918 : memref<1x8x128xf32, #tpu.memory_space<vmem>> -> memref<8x128xf32, #tpu.memory_space<vmem>>
      %dma_wait3A_1920 = arith.constant 0 : i32
      %dma_wait3A_1921 = arith.constant 0 : i32
      %dma_wait3A_1922 = tpu.memref_slice %arg4[%dma_wait3A_1920, %dma_wait3A_1921] : memref<16x1000000xf32, #tpu.memory_space<hbm>> -> memref<8x128xf32, #tpu.memory_space<hbm>>
      tpu.wait_dma2 semaphore(%arg16 : memref<!tpu.dma_semaphore, #tpu.memory_space<semaphore_mem>>) src(%dma_wait3A_1922 : memref<8x128xf32, #tpu.memory_space<hbm>>) dst(%dma_wait3A_1919 : memref<8x128xf32, #tpu.memory_space<vmem>>)
      %dma_wait3A_1923 = arith.constant 7 : i32
      %dma_wait3A_1924 = arith.constant 0 : i32
      %dma_wait3A_1925 = arith.constant 0 : i32
      %dma_wait3A_1926 = tpu.memref_slice %arg11[%dma_wait3A_1923, %dma_wait3A_1924, %dma_wait3A_1925] : memref<16x8x128xf32, #tpu.memory_space<vmem>> -> memref<1x8x128xf32, #tpu.memory_space<vmem>>
      %dma_wait3A_1927 = tpu.memref_squeeze %dma_wait3A_1926 : memref<1x8x128xf32, #tpu.memory_space<vmem>> -> memref<8x128xf32, #tpu.memory_space<vmem>>
      %dma_wait3A_1928 = arith.constant 0 : i32
      %dma_wait3A_1929 = arith.constant 0 : i32
      %dma_wait3A_1930 = tpu.memref_slice %arg4[%dma_wait3A_1928, %dma_wait3A_1929] : memref<16x1000000xf32, #tpu.memory_space<hbm>> -> memref<8x128xf32, #tpu.memory_space<hbm>>
      %dma_wait3A_1931 = arith.constant 0 : i32
      %dma_wait3A_1932 = arith.constant 0 : i32
      %dma_wait3A_1933 = tpu.memref_slice %arg11[%dma_wait3A_1923, %dma_wait3A_1931, %dma_wait3A_1932] : memref<16x8x128xf32, #tpu.memory_space<vmem>> -> memref<1x8x128xf32, #tpu.memory_space<vmem>>
      %dma_wait3A_1934 = tpu.memref_squeeze %dma_wait3A_1933 : memref<1x8x128xf32, #tpu.memory_space<vmem>> -> memref<8x128xf32, #tpu.memory_space<vmem>>
      %dma_wait3A_1935 = arith.constant 0 : i32
      %dma_wait3A_1936 = arith.constant 0 : i32
      %dma_wait3A_1937 = tpu.memref_slice %arg4[%dma_wait3A_1935, %dma_wait3A_1936] : memref<16x1000000xf32, #tpu.memory_space<hbm>> -> memref<8x128xf32, #tpu.memory_space<hbm>>
      tpu.wait_dma2 semaphore(%arg16 : memref<!tpu.dma_semaphore, #tpu.memory_space<semaphore_mem>>) src(%dma_wait3A_1937 : memref<8x128xf32, #tpu.memory_space<hbm>>) dst(%dma_wait3A_1934 : memref<8x128xf32, #tpu.memory_space<vmem>>)
      %dma_wait3A_1938 = arith.constant 7 : i32
      %dma_wait3A_1939 = arith.constant 0 : i32
      %dma_wait3A_1940 = arith.constant 0 : i32
      %dma_wait3A_1941 = tpu.memref_slice %arg12[%dma_wait3A_1938, %dma_wait3A_1939, %dma_wait3A_1940] : memref<16x8x128xf32, #tpu.memory_space<vmem>> -> memref<1x8x128xf32, #tpu.memory_space<vmem>>
      %dma_wait3A_1942 = tpu.memref_squeeze %dma_wait3A_1941 : memref<1x8x128xf32, #tpu.memory_space<vmem>> -> memref<8x128xf32, #tpu.memory_space<vmem>>
      %dma_wait3A_1943 = arith.constant 0 : i32
      %dma_wait3A_1944 = arith.constant 0 : i32
      %dma_wait3A_1945 = tpu.memref_slice %arg4[%dma_wait3A_1943, %dma_wait3A_1944] : memref<16x1000000xf32, #tpu.memory_space<hbm>> -> memref<8x128xf32, #tpu.memory_space<hbm>>
      %dma_wait3A_1946 = arith.constant 0 : i32
      %dma_wait3A_1947 = arith.constant 0 : i32
      %dma_wait3A_1948 = tpu.memref_slice %arg12[%dma_wait3A_1938, %dma_wait3A_1946, %dma_wait3A_1947] : memref<16x8x128xf32, #tpu.memory_space<vmem>> -> memref<1x8x128xf32, #tpu.memory_space<vmem>>
      %dma_wait3A_1949 = tpu.memref_squeeze %dma_wait3A_1948 : memref<1x8x128xf32, #tpu.memory_space<vmem>> -> memref<8x128xf32, #tpu.memory_space<vmem>>
      %dma_wait3A_1950 = arith.constant 0 : i32
      %dma_wait3A_1951 = arith.constant 0 : i32
      %dma_wait3A_1952 = tpu.memref_slice %arg4[%dma_wait3A_1950, %dma_wait3A_1951] : memref<16x1000000xf32, #tpu.memory_space<hbm>> -> memref<8x128xf32, #tpu.memory_space<hbm>>
      tpu.wait_dma2 semaphore(%arg16 : memref<!tpu.dma_semaphore, #tpu.memory_space<semaphore_mem>>) src(%dma_wait3A_1952 : memref<8x128xf32, #tpu.memory_space<hbm>>) dst(%dma_wait3A_1949 : memref<8x128xf32, #tpu.memory_space<vmem>>)
      %dma_wait3A_1953 = arith.constant 8 : i32
      %dma_wait3A_1954 = arith.constant 0 : i32
      %dma_wait3A_1955 = arith.constant 0 : i32
      %dma_wait3A_1956 = tpu.memref_slice %arg11[%dma_wait3A_1953, %dma_wait3A_1954, %dma_wait3A_1955] : memref<16x8x128xf32, #tpu.memory_space<vmem>> -> memref<1x8x128xf32, #tpu.memory_space<vmem>>
      %dma_wait3A_1957 = tpu.memref_squeeze %dma_wait3A_1956 : memref<1x8x128xf32, #tpu.memory_space<vmem>> -> memref<8x128xf32, #tpu.memory_space<vmem>>
      %dma_wait3A_1958 = arith.constant 0 : i32
      %dma_wait3A_1959 = arith.constant 0 : i32
      %dma_wait3A_1960 = tpu.memref_slice %arg4[%dma_wait3A_1958, %dma_wait3A_1959] : memref<16x1000000xf32, #tpu.memory_space<hbm>> -> memref<8x128xf32, #tpu.memory_space<hbm>>
      %dma_wait3A_1961 = arith.constant 0 : i32
      %dma_wait3A_1962 = arith.constant 0 : i32
      %dma_wait3A_1963 = tpu.memref_slice %arg11[%dma_wait3A_1953, %dma_wait3A_1961, %dma_wait3A_1962] : memref<16x8x128xf32, #tpu.memory_space<vmem>> -> memref<1x8x128xf32, #tpu.memory_space<vmem>>
      %dma_wait3A_1964 = tpu.memref_squeeze %dma_wait3A_1963 : memref<1x8x128xf32, #tpu.memory_space<vmem>> -> memref<8x128xf32, #tpu.memory_space<vmem>>
      %dma_wait3A_1965 = arith.constant 0 : i32
      %dma_wait3A_1966 = arith.constant 0 : i32
      %dma_wait3A_1967 = tpu.memref_slice %arg4[%dma_wait3A_1965, %dma_wait3A_1966] : memref<16x1000000xf32, #tpu.memory_space<hbm>> -> memref<8x128xf32, #tpu.memory_space<hbm>>
      tpu.wait_dma2 semaphore(%arg16 : memref<!tpu.dma_semaphore, #tpu.memory_space<semaphore_mem>>) src(%dma_wait3A_1967 : memref<8x128xf32, #tpu.memory_space<hbm>>) dst(%dma_wait3A_1964 : memref<8x128xf32, #tpu.memory_space<vmem>>)
      %dma_wait3A_1968 = arith.constant 8 : i32
      %dma_wait3A_1969 = arith.constant 0 : i32
      %dma_wait3A_1970 = arith.constant 0 : i32
      %dma_wait3A_1971 = tpu.memref_slice %arg12[%dma_wait3A_1968, %dma_wait3A_1969, %dma_wait3A_1970] : memref<16x8x128xf32, #tpu.memory_space<vmem>> -> memref<1x8x128xf32, #tpu.memory_space<vmem>>
      %dma_wait3A_1972 = tpu.memref_squeeze %dma_wait3A_1971 : memref<1x8x128xf32, #tpu.memory_space<vmem>> -> memref<8x128xf32, #tpu.memory_space<vmem>>
      %dma_wait3A_1973 = arith.constant 0 : i32
      %dma_wait3A_1974 = arith.constant 0 : i32
      %dma_wait3A_1975 = tpu.memref_slice %arg4[%dma_wait3A_1973, %dma_wait3A_1974] : memref<16x1000000xf32, #tpu.memory_space<hbm>> -> memref<8x128xf32, #tpu.memory_space<hbm>>
      %dma_wait3A_1976 = arith.constant 0 : i32
      %dma_wait3A_1977 = arith.constant 0 : i32
      %dma_wait3A_1978 = tpu.memref_slice %arg12[%dma_wait3A_1968, %dma_wait3A_1976, %dma_wait3A_1977] : memref<16x8x128xf32, #tpu.memory_space<vmem>> -> memref<1x8x128xf32, #tpu.memory_space<vmem>>
      %dma_wait3A_1979 = tpu.memref_squeeze %dma_wait3A_1978 : memref<1x8x128xf32, #tpu.memory_space<vmem>> -> memref<8x128xf32, #tpu.memory_space<vmem>>
      %dma_wait3A_1980 = arith.constant 0 : i32
      %dma_wait3A_1981 = arith.constant 0 : i32
      %dma_wait3A_1982 = tpu.memref_slice %arg4[%dma_wait3A_1980, %dma_wait3A_1981] : memref<16x1000000xf32, #tpu.memory_space<hbm>> -> memref<8x128xf32, #tpu.memory_space<hbm>>
      tpu.wait_dma2 semaphore(%arg16 : memref<!tpu.dma_semaphore, #tpu.memory_space<semaphore_mem>>) src(%dma_wait3A_1982 : memref<8x128xf32, #tpu.memory_space<hbm>>) dst(%dma_wait3A_1979 : memref<8x128xf32, #tpu.memory_space<vmem>>)
      %dma_wait3A_1983 = arith.constant 9 : i32
      %dma_wait3A_1984 = arith.constant 0 : i32
      %dma_wait3A_1985 = arith.constant 0 : i32
      %dma_wait3A_1986 = tpu.memref_slice %arg11[%dma_wait3A_1983, %dma_wait3A_1984, %dma_wait3A_1985] : memref<16x8x128xf32, #tpu.memory_space<vmem>> -> memref<1x8x128xf32, #tpu.memory_space<vmem>>
      %dma_wait3A_1987 = tpu.memref_squeeze %dma_wait3A_1986 : memref<1x8x128xf32, #tpu.memory_space<vmem>> -> memref<8x128xf32, #tpu.memory_space<vmem>>
      %dma_wait3A_1988 = arith.constant 0 : i32
      %dma_wait3A_1989 = arith.constant 0 : i32
      %dma_wait3A_1990 = tpu.memref_slice %arg4[%dma_wait3A_1988, %dma_wait3A_1989] : memref<16x1000000xf32, #tpu.memory_space<hbm>> -> memref<8x128xf32, #tpu.memory_space<hbm>>
      %dma_wait3A_1991 = arith.constant 0 : i32
      %dma_wait3A_1992 = arith.constant 0 : i32
      %dma_wait3A_1993 = tpu.memref_slice %arg11[%dma_wait3A_1983, %dma_wait3A_1991, %dma_wait3A_1992] : memref<16x8x128xf32, #tpu.memory_space<vmem>> -> memref<1x8x128xf32, #tpu.memory_space<vmem>>
      %dma_wait3A_1994 = tpu.memref_squeeze %dma_wait3A_1993 : memref<1x8x128xf32, #tpu.memory_space<vmem>> -> memref<8x128xf32, #tpu.memory_space<vmem>>
      %dma_wait3A_1995 = arith.constant 0 : i32
      %dma_wait3A_1996 = arith.constant 0 : i32
      %dma_wait3A_1997 = tpu.memref_slice %arg4[%dma_wait3A_1995, %dma_wait3A_1996] : memref<16x1000000xf32, #tpu.memory_space<hbm>> -> memref<8x128xf32, #tpu.memory_space<hbm>>
      tpu.wait_dma2 semaphore(%arg16 : memref<!tpu.dma_semaphore, #tpu.memory_space<semaphore_mem>>) src(%dma_wait3A_1997 : memref<8x128xf32, #tpu.memory_space<hbm>>) dst(%dma_wait3A_1994 : memref<8x128xf32, #tpu.memory_space<vmem>>)
      %dma_wait3A_1998 = arith.constant 9 : i32
      %dma_wait3A_1999 = arith.constant 0 : i32
      %dma_wait3A_2000 = arith.constant 0 : i32
      %dma_wait3A_2001 = tpu.memref_slice %arg12[%dma_wait3A_1998, %dma_wait3A_1999, %dma_wait3A_2000] : memref<16x8x128xf32, #tpu.memory_space<vmem>> -> memref<1x8x128xf32, #tpu.memory_space<vmem>>
      %dma_wait3A_2002 = tpu.memref_squeeze %dma_wait3A_2001 : memref<1x8x128xf32, #tpu.memory_space<vmem>> -> memref<8x128xf32, #tpu.memory_space<vmem>>
      %dma_wait3A_2003 = arith.constant 0 : i32
      %dma_wait3A_2004 = arith.constant 0 : i32
      %dma_wait3A_2005 = tpu.memref_slice %arg4[%dma_wait3A_2003, %dma_wait3A_2004] : memref<16x1000000xf32, #tpu.memory_space<hbm>> -> memref<8x128xf32, #tpu.memory_space<hbm>>
      %dma_wait3A_2006 = arith.constant 0 : i32
      %dma_wait3A_2007 = arith.constant 0 : i32
      %dma_wait3A_2008 = tpu.memref_slice %arg12[%dma_wait3A_1998, %dma_wait3A_2006, %dma_wait3A_2007] : memref<16x8x128xf32, #tpu.memory_space<vmem>> -> memref<1x8x128xf32, #tpu.memory_space<vmem>>
      %dma_wait3A_2009 = tpu.memref_squeeze %dma_wait3A_2008 : memref<1x8x128xf32, #tpu.memory_space<vmem>> -> memref<8x128xf32, #tpu.memory_space<vmem>>
      %dma_wait3A_2010 = arith.constant 0 : i32
      %dma_wait3A_2011 = arith.constant 0 : i32
      %dma_wait3A_2012 = tpu.memref_slice %arg4[%dma_wait3A_2010, %dma_wait3A_2011] : memref<16x1000000xf32, #tpu.memory_space<hbm>> -> memref<8x128xf32, #tpu.memory_space<hbm>>
      tpu.wait_dma2 semaphore(%arg16 : memref<!tpu.dma_semaphore, #tpu.memory_space<semaphore_mem>>) src(%dma_wait3A_2012 : memref<8x128xf32, #tpu.memory_space<hbm>>) dst(%dma_wait3A_2009 : memref<8x128xf32, #tpu.memory_space<vmem>>)
      %dma_wait3A_2013 = arith.constant 10 : i32
      %dma_wait3A_2014 = arith.constant 0 : i32
      %dma_wait3A_2015 = arith.constant 0 : i32
      %dma_wait3A_2016 = tpu.memref_slice %arg11[%dma_wait3A_2013, %dma_wait3A_2014, %dma_wait3A_2015] : memref<16x8x128xf32, #tpu.memory_space<vmem>> -> memref<1x8x128xf32, #tpu.memory_space<vmem>>
      %dma_wait3A_2017 = tpu.memref_squeeze %dma_wait3A_2016 : memref<1x8x128xf32, #tpu.memory_space<vmem>> -> memref<8x128xf32, #tpu.memory_space<vmem>>
      %dma_wait3A_2018 = arith.constant 0 : i32
      %dma_wait3A_2019 = arith.constant 0 : i32
      %dma_wait3A_2020 = tpu.memref_slice %arg4[%dma_wait3A_2018, %dma_wait3A_2019] : memref<16x1000000xf32, #tpu.memory_space<hbm>> -> memref<8x128xf32, #tpu.memory_space<hbm>>
      %dma_wait3A_2021 = arith.constant 0 : i32
      %dma_wait3A_2022 = arith.constant 0 : i32
      %dma_wait3A_2023 = tpu.memref_slice %arg11[%dma_wait3A_2013, %dma_wait3A_2021, %dma_wait3A_2022] : memref<16x8x128xf32, #tpu.memory_space<vmem>> -> memref<1x8x128xf32, #tpu.memory_space<vmem>>
      %dma_wait3A_2024 = tpu.memref_squeeze %dma_wait3A_2023 : memref<1x8x128xf32, #tpu.memory_space<vmem>> -> memref<8x128xf32, #tpu.memory_space<vmem>>
      %dma_wait3A_2025 = arith.constant 0 : i32
      %dma_wait3A_2026 = arith.constant 0 : i32
      %dma_wait3A_2027 = tpu.memref_slice %arg4[%dma_wait3A_2025, %dma_wait3A_2026] : memref<16x1000000xf32, #tpu.memory_space<hbm>> -> memref<8x128xf32, #tpu.memory_space<hbm>>
      tpu.wait_dma2 semaphore(%arg16 : memref<!tpu.dma_semaphore, #tpu.memory_space<semaphore_mem>>) src(%dma_wait3A_2027 : memref<8x128xf32, #tpu.memory_space<hbm>>) dst(%dma_wait3A_2024 : memref<8x128xf32, #tpu.memory_space<vmem>>)
      %dma_wait3A_2028 = arith.constant 10 : i32
      %dma_wait3A_2029 = arith.constant 0 : i32
      %dma_wait3A_2030 = arith.constant 0 : i32
      %dma_wait3A_2031 = tpu.memref_slice %arg12[%dma_wait3A_2028, %dma_wait3A_2029, %dma_wait3A_2030] : memref<16x8x128xf32, #tpu.memory_space<vmem>> -> memref<1x8x128xf32, #tpu.memory_space<vmem>>
      %dma_wait3A_2032 = tpu.memref_squeeze %dma_wait3A_2031 : memref<1x8x128xf32, #tpu.memory_space<vmem>> -> memref<8x128xf32, #tpu.memory_space<vmem>>
      %dma_wait3A_2033 = arith.constant 0 : i32
      %dma_wait3A_2034 = arith.constant 0 : i32
      %dma_wait3A_2035 = tpu.memref_slice %arg4[%dma_wait3A_2033, %dma_wait3A_2034] : memref<16x1000000xf32, #tpu.memory_space<hbm>> -> memref<8x128xf32, #tpu.memory_space<hbm>>
      %dma_wait3A_2036 = arith.constant 0 : i32
      %dma_wait3A_2037 = arith.constant 0 : i32
      %dma_wait3A_2038 = tpu.memref_slice %arg12[%dma_wait3A_2028, %dma_wait3A_2036, %dma_wait3A_2037] : memref<16x8x128xf32, #tpu.memory_space<vmem>> -> memref<1x8x128xf32, #tpu.memory_space<vmem>>
      %dma_wait3A_2039 = tpu.memref_squeeze %dma_wait3A_2038 : memref<1x8x128xf32, #tpu.memory_space<vmem>> -> memref<8x128xf32, #tpu.memory_space<vmem>>
      %dma_wait3A_2040 = arith.constant 0 : i32
      %dma_wait3A_2041 = arith.constant 0 : i32
      %dma_wait3A_2042 = tpu.memref_slice %arg4[%dma_wait3A_2040, %dma_wait3A_2041] : memref<16x1000000xf32, #tpu.memory_space<hbm>> -> memref<8x128xf32, #tpu.memory_space<hbm>>
      tpu.wait_dma2 semaphore(%arg16 : memref<!tpu.dma_semaphore, #tpu.memory_space<semaphore_mem>>) src(%dma_wait3A_2042 : memref<8x128xf32, #tpu.memory_space<hbm>>) dst(%dma_wait3A_2039 : memref<8x128xf32, #tpu.memory_space<vmem>>)
      %dma_wait3A_2043 = arith.constant 11 : i32
      %dma_wait3A_2044 = arith.constant 0 : i32
      %dma_wait3A_2045 = arith.constant 0 : i32
      %dma_wait3A_2046 = tpu.memref_slice %arg11[%dma_wait3A_2043, %dma_wait3A_2044, %dma_wait3A_2045] : memref<16x8x128xf32, #tpu.memory_space<vmem>> -> memref<1x8x128xf32, #tpu.memory_space<vmem>>
      %dma_wait3A_2047 = tpu.memref_squeeze %dma_wait3A_2046 : memref<1x8x128xf32, #tpu.memory_space<vmem>> -> memref<8x128xf32, #tpu.memory_space<vmem>>
      %dma_wait3A_2048 = arith.constant 0 : i32
      %dma_wait3A_2049 = arith.constant 0 : i32
      %dma_wait3A_2050 = tpu.memref_slice %arg4[%dma_wait3A_2048, %dma_wait3A_2049] : memref<16x1000000xf32, #tpu.memory_space<hbm>> -> memref<8x128xf32, #tpu.memory_space<hbm>>
      %dma_wait3A_2051 = arith.constant 0 : i32
      %dma_wait3A_2052 = arith.constant 0 : i32
      %dma_wait3A_2053 = tpu.memref_slice %arg11[%dma_wait3A_2043, %dma_wait3A_2051, %dma_wait3A_2052] : memref<16x8x128xf32, #tpu.memory_space<vmem>> -> memref<1x8x128xf32, #tpu.memory_space<vmem>>
      %dma_wait3A_2054 = tpu.memref_squeeze %dma_wait3A_2053 : memref<1x8x128xf32, #tpu.memory_space<vmem>> -> memref<8x128xf32, #tpu.memory_space<vmem>>
      %dma_wait3A_2055 = arith.constant 0 : i32
      %dma_wait3A_2056 = arith.constant 0 : i32
      %dma_wait3A_2057 = tpu.memref_slice %arg4[%dma_wait3A_2055, %dma_wait3A_2056] : memref<16x1000000xf32, #tpu.memory_space<hbm>> -> memref<8x128xf32, #tpu.memory_space<hbm>>
      tpu.wait_dma2 semaphore(%arg16 : memref<!tpu.dma_semaphore, #tpu.memory_space<semaphore_mem>>) src(%dma_wait3A_2057 : memref<8x128xf32, #tpu.memory_space<hbm>>) dst(%dma_wait3A_2054 : memref<8x128xf32, #tpu.memory_space<vmem>>)
      %dma_wait3A_2058 = arith.constant 11 : i32
      %dma_wait3A_2059 = arith.constant 0 : i32
      %dma_wait3A_2060 = arith.constant 0 : i32
      %dma_wait3A_2061 = tpu.memref_slice %arg12[%dma_wait3A_2058, %dma_wait3A_2059, %dma_wait3A_2060] : memref<16x8x128xf32, #tpu.memory_space<vmem>> -> memref<1x8x128xf32, #tpu.memory_space<vmem>>
      %dma_wait3A_2062 = tpu.memref_squeeze %dma_wait3A_2061 : memref<1x8x128xf32, #tpu.memory_space<vmem>> -> memref<8x128xf32, #tpu.memory_space<vmem>>
      %dma_wait3A_2063 = arith.constant 0 : i32
      %dma_wait3A_2064 = arith.constant 0 : i32
      %dma_wait3A_2065 = tpu.memref_slice %arg4[%dma_wait3A_2063, %dma_wait3A_2064] : memref<16x1000000xf32, #tpu.memory_space<hbm>> -> memref<8x128xf32, #tpu.memory_space<hbm>>
      %dma_wait3A_2066 = arith.constant 0 : i32
      %dma_wait3A_2067 = arith.constant 0 : i32
      %dma_wait3A_2068 = tpu.memref_slice %arg12[%dma_wait3A_2058, %dma_wait3A_2066, %dma_wait3A_2067] : memref<16x8x128xf32, #tpu.memory_space<vmem>> -> memref<1x8x128xf32, #tpu.memory_space<vmem>>
      %dma_wait3A_2069 = tpu.memref_squeeze %dma_wait3A_2068 : memref<1x8x128xf32, #tpu.memory_space<vmem>> -> memref<8x128xf32, #tpu.memory_space<vmem>>
      %dma_wait3A_2070 = arith.constant 0 : i32
      %dma_wait3A_2071 = arith.constant 0 : i32
      %dma_wait3A_2072 = tpu.memref_slice %arg4[%dma_wait3A_2070, %dma_wait3A_2071] : memref<16x1000000xf32, #tpu.memory_space<hbm>> -> memref<8x128xf32, #tpu.memory_space<hbm>>
      tpu.wait_dma2 semaphore(%arg16 : memref<!tpu.dma_semaphore, #tpu.memory_space<semaphore_mem>>) src(%dma_wait3A_2072 : memref<8x128xf32, #tpu.memory_space<hbm>>) dst(%dma_wait3A_2069 : memref<8x128xf32, #tpu.memory_space<vmem>>)
      %dma_wait3A_2073 = arith.constant 12 : i32
      %dma_wait3A_2074 = arith.constant 0 : i32
      %dma_wait3A_2075 = arith.constant 0 : i32
      %dma_wait3A_2076 = tpu.memref_slice %arg11[%dma_wait3A_2073, %dma_wait3A_2074, %dma_wait3A_2075] : memref<16x8x128xf32, #tpu.memory_space<vmem>> -> memref<1x8x128xf32, #tpu.memory_space<vmem>>
      %dma_wait3A_2077 = tpu.memref_squeeze %dma_wait3A_2076 : memref<1x8x128xf32, #tpu.memory_space<vmem>> -> memref<8x128xf32, #tpu.memory_space<vmem>>
      %dma_wait3A_2078 = arith.constant 0 : i32
      %dma_wait3A_2079 = arith.constant 0 : i32
      %dma_wait3A_2080 = tpu.memref_slice %arg4[%dma_wait3A_2078, %dma_wait3A_2079] : memref<16x1000000xf32, #tpu.memory_space<hbm>> -> memref<8x128xf32, #tpu.memory_space<hbm>>
      %dma_wait3A_2081 = arith.constant 0 : i32
      %dma_wait3A_2082 = arith.constant 0 : i32
      %dma_wait3A_2083 = tpu.memref_slice %arg11[%dma_wait3A_2073, %dma_wait3A_2081, %dma_wait3A_2082] : memref<16x8x128xf32, #tpu.memory_space<vmem>> -> memref<1x8x128xf32, #tpu.memory_space<vmem>>
      %dma_wait3A_2084 = tpu.memref_squeeze %dma_wait3A_2083 : memref<1x8x128xf32, #tpu.memory_space<vmem>> -> memref<8x128xf32, #tpu.memory_space<vmem>>
      %dma_wait3A_2085 = arith.constant 0 : i32
      %dma_wait3A_2086 = arith.constant 0 : i32
      %dma_wait3A_2087 = tpu.memref_slice %arg4[%dma_wait3A_2085, %dma_wait3A_2086] : memref<16x1000000xf32, #tpu.memory_space<hbm>> -> memref<8x128xf32, #tpu.memory_space<hbm>>
      tpu.wait_dma2 semaphore(%arg16 : memref<!tpu.dma_semaphore, #tpu.memory_space<semaphore_mem>>) src(%dma_wait3A_2087 : memref<8x128xf32, #tpu.memory_space<hbm>>) dst(%dma_wait3A_2084 : memref<8x128xf32, #tpu.memory_space<vmem>>)
      %dma_wait3A_2088 = arith.constant 12 : i32
      %dma_wait3A_2089 = arith.constant 0 : i32
      %dma_wait3A_2090 = arith.constant 0 : i32
      %dma_wait3A_2091 = tpu.memref_slice %arg12[%dma_wait3A_2088, %dma_wait3A_2089, %dma_wait3A_2090] : memref<16x8x128xf32, #tpu.memory_space<vmem>> -> memref<1x8x128xf32, #tpu.memory_space<vmem>>
      %dma_wait3A_2092 = tpu.memref_squeeze %dma_wait3A_2091 : memref<1x8x128xf32, #tpu.memory_space<vmem>> -> memref<8x128xf32, #tpu.memory_space<vmem>>
      %dma_wait3A_2093 = arith.constant 0 : i32
      %dma_wait3A_2094 = arith.constant 0 : i32
      %dma_wait3A_2095 = tpu.memref_slice %arg4[%dma_wait3A_2093, %dma_wait3A_2094] : memref<16x1000000xf32, #tpu.memory_space<hbm>> -> memref<8x128xf32, #tpu.memory_space<hbm>>
      %dma_wait3A_2096 = arith.constant 0 : i32
      %dma_wait3A_2097 = arith.constant 0 : i32
      %dma_wait3A_2098 = tpu.memref_slice %arg12[%dma_wait3A_2088, %dma_wait3A_2096, %dma_wait3A_2097] : memref<16x8x128xf32, #tpu.memory_space<vmem>> -> memref<1x8x128xf32, #tpu.memory_space<vmem>>
      %dma_wait3A_2099 = tpu.memref_squeeze %dma_wait3A_2098 : memref<1x8x128xf32, #tpu.memory_space<vmem>> -> memref<8x128xf32, #tpu.memory_space<vmem>>
      %dma_wait3A_2100 = arith.constant 0 : i32
      %dma_wait3A_2101 = arith.constant 0 : i32
      %dma_wait3A_2102 = tpu.memref_slice %arg4[%dma_wait3A_2100, %dma_wait3A_2101] : memref<16x1000000xf32, #tpu.memory_space<hbm>> -> memref<8x128xf32, #tpu.memory_space<hbm>>
      tpu.wait_dma2 semaphore(%arg16 : memref<!tpu.dma_semaphore, #tpu.memory_space<semaphore_mem>>) src(%dma_wait3A_2102 : memref<8x128xf32, #tpu.memory_space<hbm>>) dst(%dma_wait3A_2099 : memref<8x128xf32, #tpu.memory_space<vmem>>)
      %dma_wait3A_2103 = arith.constant 13 : i32
      %dma_wait3A_2104 = arith.constant 0 : i32
      %dma_wait3A_2105 = arith.constant 0 : i32
      %dma_wait3A_2106 = tpu.memref_slice %arg11[%dma_wait3A_2103, %dma_wait3A_2104, %dma_wait3A_2105] : memref<16x8x128xf32, #tpu.memory_space<vmem>> -> memref<1x8x128xf32, #tpu.memory_space<vmem>>
      %dma_wait3A_2107 = tpu.memref_squeeze %dma_wait3A_2106 : memref<1x8x128xf32, #tpu.memory_space<vmem>> -> memref<8x128xf32, #tpu.memory_space<vmem>>
      %dma_wait3A_2108 = arith.constant 0 : i32
      %dma_wait3A_2109 = arith.constant 0 : i32
      %dma_wait3A_2110 = tpu.memref_slice %arg4[%dma_wait3A_2108, %dma_wait3A_2109] : memref<16x1000000xf32, #tpu.memory_space<hbm>> -> memref<8x128xf32, #tpu.memory_space<hbm>>
      %dma_wait3A_2111 = arith.constant 0 : i32
      %dma_wait3A_2112 = arith.constant 0 : i32
      %dma_wait3A_2113 = tpu.memref_slice %arg11[%dma_wait3A_2103, %dma_wait3A_2111, %dma_wait3A_2112] : memref<16x8x128xf32, #tpu.memory_space<vmem>> -> memref<1x8x128xf32, #tpu.memory_space<vmem>>
      %dma_wait3A_2114 = tpu.memref_squeeze %dma_wait3A_2113 : memref<1x8x128xf32, #tpu.memory_space<vmem>> -> memref<8x128xf32, #tpu.memory_space<vmem>>
      %dma_wait3A_2115 = arith.constant 0 : i32
      %dma_wait3A_2116 = arith.constant 0 : i32
      %dma_wait3A_2117 = tpu.memref_slice %arg4[%dma_wait3A_2115, %dma_wait3A_2116] : memref<16x1000000xf32, #tpu.memory_space<hbm>> -> memref<8x128xf32, #tpu.memory_space<hbm>>
      tpu.wait_dma2 semaphore(%arg16 : memref<!tpu.dma_semaphore, #tpu.memory_space<semaphore_mem>>) src(%dma_wait3A_2117 : memref<8x128xf32, #tpu.memory_space<hbm>>) dst(%dma_wait3A_2114 : memref<8x128xf32, #tpu.memory_space<vmem>>)
      %dma_wait3A_2118 = arith.constant 13 : i32
      %dma_wait3A_2119 = arith.constant 0 : i32
      %dma_wait3A_2120 = arith.constant 0 : i32
      %dma_wait3A_2121 = tpu.memref_slice %arg12[%dma_wait3A_2118, %dma_wait3A_2119, %dma_wait3A_2120] : memref<16x8x128xf32, #tpu.memory_space<vmem>> -> memref<1x8x128xf32, #tpu.memory_space<vmem>>
      %dma_wait3A_2122 = tpu.memref_squeeze %dma_wait3A_2121 : memref<1x8x128xf32, #tpu.memory_space<vmem>> -> memref<8x128xf32, #tpu.memory_space<vmem>>
      %dma_wait3A_2123 = arith.constant 0 : i32
      %dma_wait3A_2124 = arith.constant 0 : i32
      %dma_wait3A_2125 = tpu.memref_slice %arg4[%dma_wait3A_2123, %dma_wait3A_2124] : memref<16x1000000xf32, #tpu.memory_space<hbm>> -> memref<8x128xf32, #tpu.memory_space<hbm>>
      %dma_wait3A_2126 = arith.constant 0 : i32
      %dma_wait3A_2127 = arith.constant 0 : i32
      %dma_wait3A_2128 = tpu.memref_slice %arg12[%dma_wait3A_2118, %dma_wait3A_2126, %dma_wait3A_2127] : memref<16x8x128xf32, #tpu.memory_space<vmem>> -> memref<1x8x128xf32, #tpu.memory_space<vmem>>
      %dma_wait3A_2129 = tpu.memref_squeeze %dma_wait3A_2128 : memref<1x8x128xf32, #tpu.memory_space<vmem>> -> memref<8x128xf32, #tpu.memory_space<vmem>>
      %dma_wait3A_2130 = arith.constant 0 : i32
      %dma_wait3A_2131 = arith.constant 0 : i32
      %dma_wait3A_2132 = tpu.memref_slice %arg4[%dma_wait3A_2130, %dma_wait3A_2131] : memref<16x1000000xf32, #tpu.memory_space<hbm>> -> memref<8x128xf32, #tpu.memory_space<hbm>>
      tpu.wait_dma2 semaphore(%arg16 : memref<!tpu.dma_semaphore, #tpu.memory_space<semaphore_mem>>) src(%dma_wait3A_2132 : memref<8x128xf32, #tpu.memory_space<hbm>>) dst(%dma_wait3A_2129 : memref<8x128xf32, #tpu.memory_space<vmem>>)
      %dma_wait3A_2133 = arith.constant 14 : i32
      %dma_wait3A_2134 = arith.constant 0 : i32
      %dma_wait3A_2135 = arith.constant 0 : i32
      %dma_wait3A_2136 = tpu.memref_slice %arg11[%dma_wait3A_2133, %dma_wait3A_2134, %dma_wait3A_2135] : memref<16x8x128xf32, #tpu.memory_space<vmem>> -> memref<1x8x128xf32, #tpu.memory_space<vmem>>
      %dma_wait3A_2137 = tpu.memref_squeeze %dma_wait3A_2136 : memref<1x8x128xf32, #tpu.memory_space<vmem>> -> memref<8x128xf32, #tpu.memory_space<vmem>>
      %dma_wait3A_2138 = arith.constant 0 : i32
      %dma_wait3A_2139 = arith.constant 0 : i32
      %dma_wait3A_2140 = tpu.memref_slice %arg4[%dma_wait3A_2138, %dma_wait3A_2139] : memref<16x1000000xf32, #tpu.memory_space<hbm>> -> memref<8x128xf32, #tpu.memory_space<hbm>>
      %dma_wait3A_2141 = arith.constant 0 : i32
      %dma_wait3A_2142 = arith.constant 0 : i32
      %dma_wait3A_2143 = tpu.memref_slice %arg11[%dma_wait3A_2133, %dma_wait3A_2141, %dma_wait3A_2142] : memref<16x8x128xf32, #tpu.memory_space<vmem>> -> memref<1x8x128xf32, #tpu.memory_space<vmem>>
      %dma_wait3A_2144 = tpu.memref_squeeze %dma_wait3A_2143 : memref<1x8x128xf32, #tpu.memory_space<vmem>> -> memref<8x128xf32, #tpu.memory_space<vmem>>
      %dma_wait3A_2145 = arith.constant 0 : i32
      %dma_wait3A_2146 = arith.constant 0 : i32
      %dma_wait3A_2147 = tpu.memref_slice %arg4[%dma_wait3A_2145, %dma_wait3A_2146] : memref<16x1000000xf32, #tpu.memory_space<hbm>> -> memref<8x128xf32, #tpu.memory_space<hbm>>
      tpu.wait_dma2 semaphore(%arg16 : memref<!tpu.dma_semaphore, #tpu.memory_space<semaphore_mem>>) src(%dma_wait3A_2147 : memref<8x128xf32, #tpu.memory_space<hbm>>) dst(%dma_wait3A_2144 : memref<8x128xf32, #tpu.memory_space<vmem>>)
      %dma_wait3A_2148 = arith.constant 14 : i32
      %dma_wait3A_2149 = arith.constant 0 : i32
      %dma_wait3A_2150 = arith.constant 0 : i32
      %dma_wait3A_2151 = tpu.memref_slice %arg12[%dma_wait3A_2148, %dma_wait3A_2149, %dma_wait3A_2150] : memref<16x8x128xf32, #tpu.memory_space<vmem>> -> memref<1x8x128xf32, #tpu.memory_space<vmem>>
      %dma_wait3A_2152 = tpu.memref_squeeze %dma_wait3A_2151 : memref<1x8x128xf32, #tpu.memory_space<vmem>> -> memref<8x128xf32, #tpu.memory_space<vmem>>
      %dma_wait3A_2153 = arith.constant 0 : i32
      %dma_wait3A_2154 = arith.constant 0 : i32
      %dma_wait3A_2155 = tpu.memref_slice %arg4[%dma_wait3A_2153, %dma_wait3A_2154] : memref<16x1000000xf32, #tpu.memory_space<hbm>> -> memref<8x128xf32, #tpu.memory_space<hbm>>
      %dma_wait3A_2156 = arith.constant 0 : i32
      %dma_wait3A_2157 = arith.constant 0 : i32
      %dma_wait3A_2158 = tpu.memref_slice %arg12[%dma_wait3A_2148, %dma_wait3A_2156, %dma_wait3A_2157] : memref<16x8x128xf32, #tpu.memory_space<vmem>> -> memref<1x8x128xf32, #tpu.memory_space<vmem>>
      %dma_wait3A_2159 = tpu.memref_squeeze %dma_wait3A_2158 : memref<1x8x128xf32, #tpu.memory_space<vmem>> -> memref<8x128xf32, #tpu.memory_space<vmem>>
      %dma_wait3A_2160 = arith.constant 0 : i32
      %dma_wait3A_2161 = arith.constant 0 : i32
      %dma_wait3A_2162 = tpu.memref_slice %arg4[%dma_wait3A_2160, %dma_wait3A_2161] : memref<16x1000000xf32, #tpu.memory_space<hbm>> -> memref<8x128xf32, #tpu.memory_space<hbm>>
      tpu.wait_dma2 semaphore(%arg16 : memref<!tpu.dma_semaphore, #tpu.memory_space<semaphore_mem>>) src(%dma_wait3A_2162 : memref<8x128xf32, #tpu.memory_space<hbm>>) dst(%dma_wait3A_2159 : memref<8x128xf32, #tpu.memory_space<vmem>>)
      %dma_wait3A_2163 = arith.constant 15 : i32
      %dma_wait3A_2164 = arith.constant 0 : i32
      %dma_wait3A_2165 = arith.constant 0 : i32
      %dma_wait3A_2166 = tpu.memref_slice %arg11[%dma_wait3A_2163, %dma_wait3A_2164, %dma_wait3A_2165] : memref<16x8x128xf32, #tpu.memory_space<vmem>> -> memref<1x8x128xf32, #tpu.memory_space<vmem>>
      %dma_wait3A_2167 = tpu.memref_squeeze %dma_wait3A_2166 : memref<1x8x128xf32, #tpu.memory_space<vmem>> -> memref<8x128xf32, #tpu.memory_space<vmem>>
      %dma_wait3A_2168 = arith.constant 0 : i32
      %dma_wait3A_2169 = arith.constant 0 : i32
      %dma_wait3A_2170 = tpu.memref_slice %arg4[%dma_wait3A_2168, %dma_wait3A_2169] : memref<16x1000000xf32, #tpu.memory_space<hbm>> -> memref<8x128xf32, #tpu.memory_space<hbm>>
      %dma_wait3A_2171 = arith.constant 0 : i32
      %dma_wait3A_2172 = arith.constant 0 : i32
      %dma_wait3A_2173 = tpu.memref_slice %arg11[%dma_wait3A_2163, %dma_wait3A_2171, %dma_wait3A_2172] : memref<16x8x128xf32, #tpu.memory_space<vmem>> -> memref<1x8x128xf32, #tpu.memory_space<vmem>>
      %dma_wait3A_2174 = tpu.memref_squeeze %dma_wait3A_2173 : memref<1x8x128xf32, #tpu.memory_space<vmem>> -> memref<8x128xf32, #tpu.memory_space<vmem>>
      %dma_wait3A_2175 = arith.constant 0 : i32
      %dma_wait3A_2176 = arith.constant 0 : i32
      %dma_wait3A_2177 = tpu.memref_slice %arg4[%dma_wait3A_2175, %dma_wait3A_2176] : memref<16x1000000xf32, #tpu.memory_space<hbm>> -> memref<8x128xf32, #tpu.memory_space<hbm>>
      tpu.wait_dma2 semaphore(%arg16 : memref<!tpu.dma_semaphore, #tpu.memory_space<semaphore_mem>>) src(%dma_wait3A_2177 : memref<8x128xf32, #tpu.memory_space<hbm>>) dst(%dma_wait3A_2174 : memref<8x128xf32, #tpu.memory_space<vmem>>)
      %dma_wait3A_2178 = arith.constant 15 : i32
      %dma_wait3A_2179 = arith.constant 0 : i32
      %dma_wait3A_2180 = arith.constant 0 : i32
      %dma_wait3A_2181 = tpu.memref_slice %arg12[%dma_wait3A_2178, %dma_wait3A_2179, %dma_wait3A_2180] : memref<16x8x128xf32, #tpu.memory_space<vmem>> -> memref<1x8x128xf32, #tpu.memory_space<vmem>>
      %dma_wait3A_2182 = tpu.memref_squeeze %dma_wait3A_2181 : memref<1x8x128xf32, #tpu.memory_space<vmem>> -> memref<8x128xf32, #tpu.memory_space<vmem>>
      %dma_wait3A_2183 = arith.constant 0 : i32
      %dma_wait3A_2184 = arith.constant 0 : i32
      %dma_wait3A_2185 = tpu.memref_slice %arg4[%dma_wait3A_2183, %dma_wait3A_2184] : memref<16x1000000xf32, #tpu.memory_space<hbm>> -> memref<8x128xf32, #tpu.memory_space<hbm>>
      %dma_wait3A_2186 = arith.constant 0 : i32
      %dma_wait3A_2187 = arith.constant 0 : i32
      %dma_wait3A_2188 = tpu.memref_slice %arg12[%dma_wait3A_2178, %dma_wait3A_2186, %dma_wait3A_2187] : memref<16x8x128xf32, #tpu.memory_space<vmem>> -> memref<1x8x128xf32, #tpu.memory_space<vmem>>
      %dma_wait3A_2189 = tpu.memref_squeeze %dma_wait3A_2188 : memref<1x8x128xf32, #tpu.memory_space<vmem>> -> memref<8x128xf32, #tpu.memory_space<vmem>>
      %dma_wait3A_2190 = arith.constant 0 : i32
      %dma_wait3A_2191 = arith.constant 0 : i32
      %dma_wait3A_2192 = tpu.memref_slice %arg4[%dma_wait3A_2190, %dma_wait3A_2191] : memref<16x1000000xf32, #tpu.memory_space<hbm>> -> memref<8x128xf32, #tpu.memory_space<hbm>>
      tpu.wait_dma2 semaphore(%arg16 : memref<!tpu.dma_semaphore, #tpu.memory_space<semaphore_mem>>) src(%dma_wait3A_2192 : memref<8x128xf32, #tpu.memory_space<hbm>>) dst(%dma_wait3A_2189 : memref<8x128xf32, #tpu.memory_space<vmem>>)
      %broadcast_in_dim3A_2193 = arith.constant 0.000000e+00 : f32
      %broadcast_in_dim3A_2194 = vector.broadcast %broadcast_in_dim3A_2193 : f32 to vector<16xf32>
      %broadcast_in_dim3A_2195 = arith.constant 0 : i32
      %broadcast_in_dim3A_2196 = vector.broadcast %broadcast_in_dim3A_2195 : i32 to vector<16xi32>
      %gather3A_2197 = tpu.vector_load_idx %arg11[%iota3A, %broadcast_in_dim3A_2196, %and3A_601] : memref<16x8x128xf32, #tpu.memory_space<vmem>>[vector<16xi32>, vector<16xi32>, vector<16xi32>], vector<16xf32>,
      %gather3A_2198 = tpu.vector_load_idx %arg12[%iota3A, %broadcast_in_dim3A_2196, %and3A_604] : memref<16x8x128xf32, #tpu.memory_space<vmem>>[vector<16xi32>, vector<16xi32>, vector<16xi32>], vector<16xf32>,
      %mul3A_2199 = arith.mulf %gather3A_2197, %gather3A_2198 : vector<16xf32>
      %add3A_2200 = arith.addf %broadcast_in_dim3A_2194, %mul3A_2199 : vector<16xf32>
      %broadcast_in_dim3A_2201 = arith.constant 1 : i32
      %broadcast_in_dim3A_2202 = vector.broadcast %broadcast_in_dim3A_2201 : i32 to vector<16xi32>
      %gather3A_2203 = tpu.vector_load_idx %arg11[%iota3A, %broadcast_in_dim3A_2202, %and3A_601] : memref<16x8x128xf32, #tpu.memory_space<vmem>>[vector<16xi32>, vector<16xi32>, vector<16xi32>], vector<16xf32>,
      %gather3A_2204 = tpu.vector_load_idx %arg12[%iota3A, %broadcast_in_dim3A_2202, %and3A_604] : memref<16x8x128xf32, #tpu.memory_space<vmem>>[vector<16xi32>, vector<16xi32>, vector<16xi32>], vector<16xf32>,
      %mul3A_2205 = arith.mulf %gather3A_2203, %gather3A_2204 : vector<16xf32>
      %add3A_2206 = arith.addf %add3A_2200, %mul3A_2205 : vector<16xf32>
      %broadcast_in_dim3A_2207 = arith.constant 2 : i32
      %broadcast_in_dim3A_2208 = vector.broadcast %broadcast_in_dim3A_2207 : i32 to vector<16xi32>
      %gather3A_2209 = tpu.vector_load_idx %arg11[%iota3A, %broadcast_in_dim3A_2208, %and3A_601] : memref<16x8x128xf32, #tpu.memory_space<vmem>>[vector<16xi32>, vector<16xi32>, vector<16xi32>], vector<16xf32>,
      %gather3A_2210 = tpu.vector_load_idx %arg12[%iota3A, %broadcast_in_dim3A_2208, %and3A_604] : memref<16x8x128xf32, #tpu.memory_space<vmem>>[vector<16xi32>, vector<16xi32>, vector<16xi32>], vector<16xf32>,
      %mul3A_2211 = arith.mulf %gather3A_2209, %gather3A_2210 : vector<16xf32>
      %add3A_2212 = arith.addf %add3A_2206, %mul3A_2211 : vector<16xf32>
      %broadcast_in_dim3A_2213 = arith.constant 3 : i32
      %broadcast_in_dim3A_2214 = vector.broadcast %broadcast_in_dim3A_2213 : i32 to vector<16xi32>
      %gather3A_2215 = tpu.vector_load_idx %arg11[%iota3A, %broadcast_in_dim3A_2214, %and3A_601] : memref<16x8x128xf32, #tpu.memory_space<vmem>>[vector<16xi32>, vector<16xi32>, vector<16xi32>], vector<16xf32>,
      %gather3A_2216 = tpu.vector_load_idx %arg12[%iota3A, %broadcast_in_dim3A_2214, %and3A_604] : memref<16x8x128xf32, #tpu.memory_space<vmem>>[vector<16xi32>, vector<16xi32>, vector<16xi32>], vector<16xf32>,
      %mul3A_2217 = arith.mulf %gather3A_2215, %gather3A_2216 : vector<16xf32>
      %add3A_2218 = arith.addf %add3A_2212, %mul3A_2217 : vector<16xf32>
      %broadcast_in_dim3A_2219 = arith.constant 4 : i32
      %broadcast_in_dim3A_2220 = vector.broadcast %broadcast_in_dim3A_2219 : i32 to vector<16xi32>
      %gather3A_2221 = tpu.vector_load_idx %arg11[%iota3A, %broadcast_in_dim3A_2220, %and3A_601] : memref<16x8x128xf32, #tpu.memory_space<vmem>>[vector<16xi32>, vector<16xi32>, vector<16xi32>], vector<16xf32>,
      %gather3A_2222 = tpu.vector_load_idx %arg12[%iota3A, %broadcast_in_dim3A_2220, %and3A_604] : memref<16x8x128xf32, #tpu.memory_space<vmem>>[vector<16xi32>, vector<16xi32>, vector<16xi32>], vector<16xf32>,
      %mul3A_2223 = arith.mulf %gather3A_2221, %gather3A_2222 : vector<16xf32>
      %add3A_2224 = arith.addf %add3A_2218, %mul3A_2223 : vector<16xf32>
      %broadcast_in_dim3A_2225 = arith.constant 5 : i32
      %broadcast_in_dim3A_2226 = vector.broadcast %broadcast_in_dim3A_2225 : i32 to vector<16xi32>
      %gather3A_2227 = tpu.vector_load_idx %arg11[%iota3A, %broadcast_in_dim3A_2226, %and3A_601] : memref<16x8x128xf32, #tpu.memory_space<vmem>>[vector<16xi32>, vector<16xi32>, vector<16xi32>], vector<16xf32>,
      %gather3A_2228 = tpu.vector_load_idx %arg12[%iota3A, %broadcast_in_dim3A_2226, %and3A_604] : memref<16x8x128xf32, #tpu.memory_space<vmem>>[vector<16xi32>, vector<16xi32>, vector<16xi32>], vector<16xf32>,
      %mul3A_2229 = arith.mulf %gather3A_2227, %gather3A_2228 : vector<16xf32>
      %add3A_2230 = arith.addf %add3A_2224, %mul3A_2229 : vector<16xf32>
      %broadcast_in_dim3A_2231 = arith.constant 6 : i32
      %broadcast_in_dim3A_2232 = vector.broadcast %broadcast_in_dim3A_2231 : i32 to vector<16xi32>
      %gather3A_2233 = tpu.vector_load_idx %arg11[%iota3A, %broadcast_in_dim3A_2232, %and3A_601] : memref<16x8x128xf32, #tpu.memory_space<vmem>>[vector<16xi32>, vector<16xi32>, vector<16xi32>], vector<16xf32>,
      %gather3A_2234 = tpu.vector_load_idx %arg12[%iota3A, %broadcast_in_dim3A_2232, %and3A_604] : memref<16x8x128xf32, #tpu.memory_space<vmem>>[vector<16xi32>, vector<16xi32>, vector<16xi32>], vector<16xf32>,
      %mul3A_2235 = arith.mulf %gather3A_2233, %gather3A_2234 : vector<16xf32>
      %add3A_2236 = arith.addf %add3A_2230, %mul3A_2235 : vector<16xf32>
      %broadcast_in_dim3A_2237 = arith.constant 7 : i32
      %broadcast_in_dim3A_2238 = vector.broadcast %broadcast_in_dim3A_2237 : i32 to vector<16xi32>
      %gather3A_2239 = tpu.vector_load_idx %arg11[%iota3A, %broadcast_in_dim3A_2238, %and3A_601] : memref<16x8x128xf32, #tpu.memory_space<vmem>>[vector<16xi32>, vector<16xi32>, vector<16xi32>], vector<16xf32>,
      %gather3A_2240 = tpu.vector_load_idx %arg12[%iota3A, %broadcast_in_dim3A_2238, %and3A_604] : memref<16x8x128xf32, #tpu.memory_space<vmem>>[vector<16xi32>, vector<16xi32>, vector<16xi32>], vector<16xf32>,
      %mul3A_2241 = arith.mulf %gather3A_2239, %gather3A_2240 : vector<16xf32>
      %add3A_2242 = arith.addf %add3A_2236, %mul3A_2241 : vector<16xf32>
      %mul3A_2243 = arith.constant 16 : i32
      %mul3A_2244 = arith.muli %scan3A_591, %mul3A_2243 : i32
      %multiple_of3A_2245 = tpu.assume_multiple %mul3A_2244, 16 : i32
      %add3A_2246 = arith.addf %add3A_1708, %add3A_2242 : vector<16xf32>
      %neg3A = arith.constant 0.000000e+00 : f32
      %neg3A_2247 = vector.broadcast %neg3A : f32 to vector<16xf32>
      %neg3A_2248 = arith.subf %neg3A_2247, %add3A_2246 : vector<16xf32>
      %exp3A = math.exp %neg3A_2248 : vector<16xf32>
      %add3A_2249 = arith.constant 1.000000e+00 : f32
      %add3A_2250 = vector.broadcast %add3A_2249 : f32 to vector<16xf32>
      %add3A_2251 = arith.addf %add3A_2250, %exp3A : vector<16xf32>
      %div3A = arith.constant 1.000000e+00 : f32
      %div3A_2252 = vector.broadcast %div3A : f32 to vector<16xf32>
      %div3A_2253 = arith.divf %div3A_2252, %add3A_2251 : vector<16xf32>
      %swap3A = arith.index_cast %multiple_of3A_2245 : i32 to index
      %swap3A_2254 = tpu.vector_load %arg13[%swap3A] {strides = array<i32>} : memref<512xf32, #tpu.memory_space<vmem>>, vector<16xf32>,
      tpu.vector_store %arg13[%swap3A], %div3A_2253 {strides = array<i32>} : memref<512xf32, #tpu.memory_space<vmem>>, vector<16xf32>,
    }
    %scan3A_590 = arith.constant 32 : i32
    "tpu.region"() ({
      %run_scoped3A = tpu.sem_alloc : memref<!tpu.dma_semaphore, #tpu.memory_space<semaphore_mem>>
      %dma_start3A_591 = tpu.memref_slice %arg6[%mul3A_2] : memref<16384xf32, #tpu.memory_space<hbm>> -> memref<512xf32, #tpu.memory_space<hbm>>
      %dma_start3A_592 = tpu.memref_slice %arg6[%mul3A_2] : memref<16384xf32, #tpu.memory_space<hbm>> -> memref<512xf32, #tpu.memory_space<hbm>>
      tpu.enqueue_dma source(%arg13 : memref<512xf32, #tpu.memory_space<vmem>>) target(%dma_start3A_592 : memref<512xf32, #tpu.memory_space<hbm>>) target_semaphore(%run_scoped3A : memref<!tpu.dma_semaphore, #tpu.memory_space<semaphore_mem>>)
      %dma_wait3A_593 = tpu.memref_slice %arg6[%mul3A_2] : memref<16384xf32, #tpu.memory_space<hbm>> -> memref<512xf32, #tpu.memory_space<hbm>>
      %dma_wait3A_594 = tpu.memref_slice %arg6[%mul3A_2] : memref<16384xf32, #tpu.memory_space<hbm>> -> memref<512xf32, #tpu.memory_space<hbm>>
      tpu.wait_dma2 semaphore(%run_scoped3A : memref<!tpu.dma_semaphore, #tpu.memory_space<semaphore_mem>>) src(%arg13 : memref<512xf32, #tpu.memory_space<vmem>>) dst(%dma_wait3A_594 : memref<512xf32, #tpu.memory_space<hbm>>)
      tpu.yield
    }) : () -> ()
    return
  }
}

</mosaic_0001>

<sc_bundles>
// kernel: kernel.3.cloned.1.call-start
scs
__scs_entry_jumppad:
0x0: {  	(pc) =	sbr.rel $0x88, $3  }
0x1: {  	(tag) =	ssettag $0x0;
	lr =	simm.s32 $0x1  }
0x2: {  	[smem:$0x3F9D] =	sst lr;
	_ =	strace $0xD0000000  }
0x3: {  	_ = 	snop  }
0x4: {  	_ = 	snop  }
0x5: {  	_ = 	snop  }
0x6: {  	_ = 	snop  }
0x7: {  	_ = 	snop  }
__scs_overlays_trampoline_lowered:
0x8: {  	[smem:$0x3FAC] =	sst s0  }
0x9: {  	[smem:$0x3FAD] =	sst s1  }
0xa: {  	[smem:$0x3FAE] =	sst s2  }
0xb: {  	[smem:$0x3FAF] =	sst s3  }
0xc: {  	[smem:$0x3FB0] =	sst s4  }
0xd: {  	[smem:$0x3FB1] =	sst s5  }
0xe: {  	[smem:$0x3FB2] =	sst s6  }
0xf: {  	[smem:$0x3FB3] =	sst s7  }
0x10: {  	[smem:$0x3FB4] =	sst s8  }
0x11: {  	[smem:$0x3FB5] =	sst s9;
	s0 =	simm.s32 @!p0 $0x0  }
0x12: {  	s1 =	sld [smem:$0x3F9B];
	s0 =	simm.s32 @p0 $0x1  }
0x13: {  	[smem:$0x3FB6] =	sst s0;
	s0 =	simm.s32 @!p1 $0x0  }
0x14: {  	s2 =	sld [smem:$0x3F9A];
	s0 =	simm.s32 @p1 $0x1  }
0x15: {  	[smem:$0x3FB7] =	sst s0;
	s0 =	simm.s32 @!p2 $0x0  }
0x16: {  	s3 =	sld [smem:$0x3FDB];
	s0 =	simm.s32 @p2 $0x1  }
0x17: {  	s4 =	simm.s32 $0x1BF5;
	[smem:$0x3FB9] =	sst s0  }
0x18: {  	s0 =	sld [smem:$0x3F9C];
	_ =	swait.ge [sflag:s4], $0x0  }
0x19: {  	s7 =	sld [smem:$0x3F9D]  }
0x1a: {  	s8 =	sadd.s32 $0xFFFFE003, lr  }
0x1b: {  	s9 =	sadd.s32 $0xFFFFFEF7, lr;
	s5 =	simm.s32 $0xFFFFFFFF;
	p2 =	slt.u32 s8, $0xFFFFF086  }
0x1c: {  	p1 =	slt.u32 s9, $0xF7A;
	s5 =	simm.s32 @!p2 $0x0  }
0x1d: {  	s5 =	simm.s32 @p1 $0x1;
	p0 =	seq.s32 s7, s2  }
0x1e: {  	s7 =	smul.u32 @!p0 $0xF7A, s2;
	p2 =	seq.s32 @!p0 s5, $0x0  }
0x1f: {  	s9 =	smul.u32 $0xF7A, s1;
	s8 =	simm.s32 @!p0 $0x1BF5;
	p2 =	por !p2, p0  }
0x20: {  	[sflag:s8] =	ssyncset.s32 @!p0 $0xFFFFF086;
	s6 =	sadd.s32 @!p0 s3, s7;
	s7 =	simm.s32 @!p0 $0x108  }
0x21: {  	s3 =	sadd.s32 s3, s9;
	s6 =	sadd.s32 @!p0 $0x88, s6;
	s7 =	simm.s32 @p2 $0x1082  }
0x22: {  	[simem:s7], [sflag:s8] =	dma.local @!p0 [hbm:s6], $0xF7A  }
0x23: {  	s9 =	sor.u32 $0xD0000000, s2;
	s6 =	simm.s32 $0x108;
	_ =	swait.ge @!p0 [sflag:s8], $0x0  }
0x24: {  	s3 =	sadd.s32 $0x88, s3;
	s6 =	simm.s32 @!p1 $0x1082;
	[sflag:s4] =	ssyncset.s32 $0xFFFFF086  }
0x25: {  	[simem:s6], [sflag:s4] =	dma.local [hbm:s3], $0xF7A  }
0x26: {  	[smem:$0x3F9D] =	sst s1;
	(tag) =	ssettag s2;
	_ =	strace s9  }
0x27: {  	s1 =	sld [smem:$0x3FAD]  }
0x28: {  	s2 =	sld [smem:$0x3FAE]  }
0x29: {  	s4 =	sld [smem:$0x3FB0]  }
0x2a: {  	p0 =	seq.s32 s5, $0x0;
	s5 =	sld [smem:$0x3FB1]  }
0x2b: {  	s6 =	sld [smem:$0x3FB2]  }
0x2c: {  	s7 =	sld [smem:$0x3FB3]  }
0x2d: {  	s3 =	simm.s32 $0x108;
	s8 =	sld [smem:$0x3FB4]  }
0x2e: {  	s3 =	simm.s32 @!p0 $0x1082;
	s9 =	sld [smem:$0x3FB5]  }
0x2f: {  	lr =	sadd.s32 s0, s3;
	s0 =	sld [smem:$0x3FAC]  }
0x30: {  	s3 =	sld [smem:$0x3FAF]  }
0x31: {  	[smem:$0x3FB8] =	sst s10  }
0x32: {  	s10 =	sld [smem:$0x3FB6];
	_ =	sdelay $0x3  }
0x33: {  	p0 =	seq.s32 s10, $0x1;
	s10 =	sld [smem:$0x3FB8];
	_ =	sdelay $0x3  }
0x34: {  	[smem:$0x3FB8] =	sst s10  }
0x35: {  	s10 =	sld [smem:$0x3FB7];
	_ =	sdelay $0x3  }
0x36: {  	p1 =	seq.s32 s10, $0x1;
	s10 =	sld [smem:$0x3FB8];
	_ =	sdelay $0x3  }
0x37: {  	[smem:$0x3FB8] =	sst s10  }
0x38: {  	s10 =	sld [smem:$0x3FB9]  }
0x39: {  	_ = 	snop;
	(pc) =	sbr.ind lr, $3  }
0x3a: {  	_ = 	snop  }
0x3b: {  	_ = 	snop  }
0x3c: {  	p2 =	seq.s32 s10, $0x1;
	s10 =	sld [smem:$0x3FB8]  }
0x3d: {  	_ =	shalt  }
0x3e: {  	_ =	shalt  }
0x3f: {  	_ =	shalt  }
0x40: {  	_ =	shalt  }
0x41: {  	_ =	shalt  }
0x42: {  	_ =	shalt  }
0x43: {  	_ =	shalt  }
0x44: {  	_ =	shalt  }
0x45: {  	_ =	shalt  }
0x46: {  	_ =	shalt  }
0x47: {  	_ =	shalt  }
0x48: {  	_ =	shalt  }
0x49: {  	_ =	shalt  }
0x4a: {  	_ =	shalt  }
0x4b: {  	_ =	shalt  }
0x4c: {  	_ =	shalt  }
0x4d: {  	_ =	shalt  }
0x4e: {  	_ =	shalt  }
0x4f: {  	_ =	shalt  }
0x50: {  	_ =	shalt  }
0x51: {  	_ =	shalt  }
0x52: {  	_ =	shalt  }
0x53: {  	_ =	shalt  }
0x54: {  	_ =	shalt  }
0x55: {  	_ =	shalt  }
0x56: {  	_ =	shalt  }
0x57: {  	_ =	shalt  }
0x58: {  	_ =	shalt  }
0x59: {  	_ =	shalt  }
0x5a: {  	_ =	shalt  }
0x5b: {  	_ =	shalt  }
0x5c: {  	_ =	shalt  }
0x5d: {  	_ =	shalt  }
0x5e: {  	_ =	shalt  }
0x5f: {  	_ =	shalt  }
0x60: {  	_ =	shalt  }
0x61: {  	_ =	shalt  }
0x62: {  	_ =	shalt  }
0x63: {  	_ =	shalt  }
0x64: {  	_ =	shalt  }
0x65: {  	_ =	shalt  }
0x66: {  	_ =	shalt  }
0x67: {  	_ =	shalt  }
0x68: {  	_ =	shalt  }
0x69: {  	_ =	shalt  }
0x6a: {  	_ =	shalt  }
0x6b: {  	_ =	shalt  }
0x6c: {  	_ =	shalt  }
0x6d: {  	_ =	shalt  }
0x6e: {  	_ =	shalt  }
0x6f: {  	_ =	shalt  }
0x70: {  	_ =	shalt  }
0x71: {  	_ =	shalt  }
0x72: {  	_ =	shalt  }
0x73: {  	_ =	shalt  }
0x74: {  	_ =	shalt  }
0x75: {  	_ =	shalt  }
0x76: {  	_ =	shalt  }
0x77: {  	_ =	shalt  }
0x78: {  	_ =	shalt  }
0x79: {  	_ =	shalt  }
0x7a: {  	_ =	shalt  }
0x7b: {  	_ =	shalt  }
0x7c: {  	_ =	shalt  }
0x7d: {  	_ =	shalt  }
0x7e: {  	_ =	shalt  }
0x7f: {  	_ =	shalt  }
0x80: {  	_ =	shalt  }
0x81: {  	_ =	shalt  }
0x82: {  	_ =	shalt  }
0x83: {  	_ =	shalt  }
0x84: {  	_ =	shalt  }
0x85: {  	_ =	shalt  }
0x86: {  	_ =	shalt  }
0x87: {  	_ =	shalt  }
.Lfunc_end0:
.L_simem_size_0:
called_computation_lowered:
.L_overlay_start_0:
0x88: {  	s2 =	sld [smem:$0x3FD9]  }
0x89: {  	s3 =	sld [smem:$0x3FFE];
	_ =	sdelay $0x1  }
0x8a: {  	s1 =	srdreg.scid  }
0x8b: {  	s0 =	sand.u32 $0x1, s1  }
0x8c: {  	s18 =	sshll.u32 s0, $0xA;
	s2 =	sadd.s32 s3, s2  }
0x8d: {  	s2 =	sadd.s32 s2, s18  }
0x8e: {  	[smem:$0x3FC4] =	sst s2  }
0x8f: {  	_ = 	snop  }
0x90: {  	s2 =	sld [smem:$0x3FC9]  }
0x91: {  	s19 =	sld [smem:$0x3FC8]  }
0x92: {  	s4 =	sld [smem:$0x3FC7]  }
0x93: {  	s5 =	sld [smem:$0x3FC6]  }
0x94: {  	s6 =	sld [smem:$0x3FD0];
	(tm) =	ssettm $0x1  }
0x95: {  	s7 =	sld [smem:$0x3FFB];
	_ =	sdelay $0x3  }
0x96: {  	_ =	strace s7  }
0x97: {  	s7 =	sld [smem:$0x3FFC];
	_ =	sdelay $0x3  }
0x98: {  	_ =	strace s7  }
0x99: {  	s7 =	sld [smem:$0x3FFD];
	_ =	sdelay $0x3  }
0x9a: {  	_ =	strace s7  }
0x9b: {  	_ =	strace $0x8FFFFFFF  }
0x9c: {  	s20 =	sld [smem:$0x3FDB];
	_ =	sdelay $0x1  }
0x9d: {  	s8 =	simm.s32 $_scs_section_size  }
0x9e: {  	s9 =	simm.s32 $_size__tile_overlayer_lowered;
	s10 =	simm.s32 $_tile_overlayer_lowered  }
0x9f: {  	s23 =	simm.s32 $0x1BFF;
	s22 =	sshll.u32 s10, $0x1;
	s7 =	sadd.s32 s8, s20  }
0xa0: {  	s11 =	simm.s32 $0x0;
	s21 =	sshll.u32 s9, $0x1;
	s9 =	sadd.s32 s22, s7  }
0xa1: {  	[timem:s11], [sflag:s23] =	dma.local [hbm:s9], s21  }
0xa2: {  	_ =	swait.ge [sflag:s23], s21  }
0xa3: {  	s8 =	ssub.s32 $0x0, s21;
	[sflag:s23] =	ssyncset.done $0x0  }
0xa4: {  	[sflag:s23] =	ssyncadd.s32 s8;
	_ =	sdelay $0x1  }
0xa5: {  	s24 =	simm.s32 $0x1B8B  }
0xa6: {  	_ =	swait.ge [sflag:s24], $0x1  }
0xa7: {  	[sflag:s24] =	ssyncset.done $0x0  }
0xa8: {  	s25 =	simm.s32 $0x1B8E;
	[sflag:s24] =	ssyncadd.s32 $0xFFFFFFFF  }
0xa9: {  	s26 =	simm.s32 $execute0_lowered;
	[smem:$0x3FD2] =	sst s25  }
0xaa: {  	s8 =	sshll.u32 s26, $0x1;
	_ =	strace $0x80000046;
	[dreg:$0x1] =	wrdreg $0xFFFFFFFF  }
0xab: {  	s28 =	simm.s32 $_size_execute0_lowered;
	s7 =	sadd.s32 s7, s8;
	[dreg:$0x0] =	wrdreg $0x0  }
0xac: {  	s8 =	sshll.u32 s28, $0x1;
	[dreg:$0x2] =	wrdreg s7  }
0xad: {  	[dreg:$0x3] =	wrdreg s8  }
0xae: {  	[dreg:$0x4] =	wrdreg $0xC0  }
0xaf: {  	_ =	task [dreg:s11], $0x5FFFF  }
0xb0: {  	[dreg:$0x1] =	wrdreg $0xFFFFFFFF  }
0xb1: {  	[dreg:$0x0] =	wrdreg $0x60  }
0xb2: {  	[dreg:$0x2] =	wrdreg s2  }
0xb3: {  	[dreg:$0x3] =	wrdreg s19  }
0xb4: {  	[dreg:$0x4] =	wrdreg s4  }
0xb5: {  	[dreg:$0x5] =	wrdreg s5  }
0xb6: {  	[dreg:$0x6] =	wrdreg s6  }
0xb7: {  	[dreg:$0x7] =	wrdreg $0x9  }
0xb8: {  	_ =	task.clear_ibuf [dreg:s11], $0x8FFFF;
	_ =	strace $0x90000046  }
0xb9: {  	s29 =	simm.s32 $0x9;
	_ =	strace $0x80000048  }
0xba: {  	_ =	swait.ge [sflag:s29], $0x1  }
0xbb: {  	[sflag:s29] =	ssyncadd.s32 $0xFFFFFFFF  }
0xbc: {  	_ =	strace $0x90000048  }
0xbd: {  	_ =	sfence  }
0xbe: {  	s30 =	sld [smem:$0x0];
	_ =	sdelay $0x2  }
0xbf: {  	s31 =	sshll.u32 s1, $0xD;
	s1 =	sshrl.u32 s1, $0x2  }
0xc0: {  	s3 =	sand.u32 $0x4000, s31;
	s1 =	sadd.s32 s1, s30  }
0xc1: {  	s0 =	sor.u32 s3, s0;
	s1 =	sshll.u32 s1, $0x11  }
0xc2: {  	s0 =	sor.u32 s1, s0  }
0xc3: {  	s0 =	sadd.s32 $0x8F2B, s0  }
0xc4: {  	[sflag:s0] =	ssyncadd.remote.s32 $0x1  }
0xc5: {  	_ =	sfence.sel $0xFFFF  }
0xc6: {  	[dreg:$0x0] =	wrdreg $0xFFFFFFFF;
	(pc) =	sbr.abs _section_cstart, $3  }
0xc7: {  	[dreg:$0x1] =	wrdreg $0xFFFFFFFF  }
0xc8: {  	_ =	task.clear_ibuf [dreg:s11], $0x2FFFF;
	_ =	strace $0x9FFFFFFF  }
0xc9: {  	(tm) =	ssettm $0x7FFFFFFF  }
tec
execute0_lowered:
.L_overlay_start_1:
0x0: {  	(tag) =	ssettag $0x1  }
0x1: {  	s0 =	rddreg [dreg:$0x0]  }
0x2: {  	s3 =	rddreg [dreg:$0x1]  }
0x3: {  	s1 =	rddreg [dreg:$0x2]  }
0x4: {  	s2 =	rddreg [dreg:$0x3]  }
0x5: {  	s5 =	rddreg [dreg:$0x4];
	s4 =	simm.s32 $0x0  }
0x6: {  	s6 =	srdreg.scid;
	s8 =	stileid.u32;
	s13 =	simm.s32 $0x400  }
0x7: {  	s14 =	simm.s32 $0x4400;
	s21 =	simm.s32 $0x8400;
	s22 =	simm.s32 $0xC400  }
0x8: {  	s12 =	simm.s32 $0xE400;
	s15 =	simm.s32 $0xA800;
	s16 =	simm.s32 $0xE800  }
0x9: {  	s17 =	simm.s32 $0xAC00;
	s18 =	simm.s32 $0xEC00;
	s19 =	simm.s32 $0xB000  }
0xa: {  	s20 =	simm.s32 $0xF000;
	s23 =	simm.s32 $0xB400;
	s28 =	simm.s32 $0xBC00  }
0xb: {  	s29 =	simm.s32 $0xFC00;
	s30 =	simm.s32 $0xC000;
	s31 =	simm.s32 $0x10000  }
0xc: {  	s10 =	simm.s32 $0x0;
	[smem:$0x7FF] =	sst s4;
	s6 =	sand.u32 $0x1, s6  }
0xd: {  	s8 =	sshll.u32 s8, $0x7;
	s7 =	ssub.s32 $0x2, s6;
	s6 =	sshll.u32 s6, $0x6  }
0xe: {  	_ =	strace $0x80000047;
	s9 =	sshrl.u32 s7, $0x1;
	s6 =	sor.u32 s6, s8  }
0xf: {  	v0 =	vlaneseq.u32;
	s8 =	sadd.s32 $0xF4280, s2;
	s9 =	ssub.s32 s7, s9;
	s0 =	sadd.s32 s0, s6  }
.Ltmp0:
0x10: {  	v0 =	vmul.u32 $0x400, v0;
	s24 =	sadd.s32 s3, s6;
	[dreg:$0x6] =	wrdreg s0;
	(pc) =	sbr.rel .LBB2_1-.Ltmp0, $4  }
0x11: {  	s7 =	sadd.s32 $0xF4280, s1;
	s25 =	sadd.s32 s5, s6;
	[dreg:$0x7] =	wrdreg s24  }
0x12: {  	v1 =	vor.u32 $0x80, v0;
	s3 =	simm.s32 $0x3;
	[dreg:$0x8] =	wrdreg s25;
	s26 =	smax.u32 s9, $0x1  }
0x13: {  	v2 =	vor.u32 $0x100, v0;
	v3 =	vor.u32 $0x180, v0;
	v4 =	vor.u32 $0x200, v0;
	s9 =	simm.s32 $0x8800;
	s24 =	simm.s32 $0xF400;
	s25 =	simm.s32 $0xB800  }
0x14: {  	v5 =	vor.u32 $0x280, v0;
	v6 =	vor.u32 $0x300, v0;
	v7 =	vor.u32 $0x380, v0;
	s0 =	simm.s32 $0x2;
	[dreg:$0x9] =	wrdreg s26;
	s26 =	simm.s32 $0xF800  }
.LBB2_5:
0x15: {  	s5 =	rddreg [dreg:$0x8];
	s6 =	simm.s32 $0x10400  }
0x16: {  	[hbm4b:s5+s4] =	stream.linear.scatter [tilespmem:s6], [sflag:$0x4], $0x200, $0x38;
	[tilespmem:$0x10600] =	vst v63  }
0x17: {  	s6 =	simm.s32 $0x4  }
0x18: {  	_ =	swait.ge [sflag:s6], $0x200  }
0x19: {  	s10 =	rddreg [dreg:$0xa]  }
0x1a: {  	s11 =	rddreg [dreg:$0x9];
	s10 =	sadd.s32 $0x1, s10  }
0x1b: {  	p0 =	sne.s32 s10, s11  }
.Ltmp1:
0x1c: {  	_ = 	snop;
	(pc) =	sbr.rel @!p0 .LBB2_6-.Ltmp1, $3  }
0x1d: {  	_ =	sdelay $0x1  }
0x1e: {  	[sflag:s6] =	ssyncset.done $0x0  }
0x1f: {  	[sflag:s6] =	ssyncadd.s32 $0xFFFFFE00  }
.LBB2_1:
0x20: {  	[dreg:$0xa] =	wrdreg s10  }
0x21: {  	s5 =	rddreg [dreg:$0x6]  }
0x22: {  	[tilespmem:s4], [sflag:$0x1] =	stream.linear.gather [hbm4b:s5+s4], $0x200, $0x38;
	[tilespmem:$0x10600] =	vst v63  }
0x23: {  	s11 =	rddreg [dreg:$0x7];
	s6 =	simm.s32 $0x200;
	s10 =	simm.s32 $0x1  }
0x24: {  	[tilespmem:s6], [sflag:$0x1] =	stream.linear.gather [hbm4b:s11+s4], $0x200, $0x38;
	[tilespmem:$0x10600] =	vst v63  }
0x25: {  	_ =	swait.ge [sflag:s10], $0x200  }
0x26: {  	[sflag:s10] =	ssyncset.done $0x0  }
0x27: {  	[sflag:s10] =	ssyncadd.s32 $0xFFFFFE00  }
0x28: {  	_ =	swait.ge [sflag:s10], $0x200  }
0x29: {  	[sflag:s10] =	ssyncset.done $0x0  }
0x2a: {  	[sflag:s10] =	ssyncadd.s32 $0xFFFFFE00  }
0x2b: {  	v9 =	vld [tilespmem:$0x0];
	_ =	sdelay $0x1  }
0x2c: {  	v8 =	vld [tilespmem:$0x200];
	_ =	sdelay $0x2  }
0x2d: {  	(v2sf) =	vpush v9, $0x0;
	_ =	sdelay $0x1  }
0x2e: {  	(v2sf) =	vpush v8, $0x0;
	_ =	sdelay $0x2  }
0x2f: {  	(v2sf) =	vpush v9, $0x1;
	_ =	sdelay $0x4  }
0x30: {  	(v2sf) =	vpush v8, $0x1;
	_ =	sdelay $0x4  }
0x31: {  	s11 =	spop (v2sf);
	(v2sf) =	vpush v9, $0x2;
	_ =	sdelay $0x1  }
0x32: {  	s6 =	spop (v2sf);
	(v2sf) =	vpush v8, $0x2;
	_ =	sdelay $0x1  }
0x33: {  	s5 =	sand.u32 $0xFFFFF80, s11  }
0x34: {  	s5 =	sadd.s32 s1, s5;
	s10 =	spop (v2sf);
	(v2sf) =	vpush v9, $0x3  }
0x35: {  	[tilespmem:s13], [sflag:$0x2] =	stream.linear.gather [hbm4b:s5+s4], $0x400, $0x38;
	[tilespmem:$0x10600] =	vst v63  }
0x36: {  	s5 =	sand.u32 $0xFFFFF80, s6  }
0x37: {  	s5 =	sadd.s32 s2, s5  }
0x38: {  	[tilespmem:s14], [sflag:$0x2] =	stream.linear.gather [hbm4b:s5+s4], $0x400, $0x38;
	[tilespmem:$0x10600] =	vst v63  }
0x39: {  	s5 =	sand.u32 $0xFFFFF80, s10;
	s10 =	spop (v2sf);
	(v2sf) =	vpush v8, $0x3;
	_ =	sdelay $0x1  }
0x3a: {  	s11 =	simm.s32 $0x800;
	s5 =	sadd.s32 s1, s5  }
0x3b: {  	[tilespmem:s11], [sflag:$0x2] =	stream.linear.gather [hbm4b:s5+s4], $0x400, $0x38;
	[tilespmem:$0x10600] =	vst v63  }
0x3c: {  	s5 =	sand.u32 $0xFFFFF80, s10  }
0x3d: {  	s11 =	simm.s32 $0x4800;
	s5 =	sadd.s32 s2, s5;
	s10 =	spop (v2sf);
	(v2sf) =	vpush v9, $0x4  }
0x3e: {  	[tilespmem:s11], [sflag:$0x2] =	stream.linear.gather [hbm4b:s5+s4], $0x400, $0x38;
	[tilespmem:$0x10600] =	vst v63  }
0x3f: {  	s5 =	sand.u32 $0xFFFFF80, s10;
	s10 =	spop (v2sf);
	(v2sf) =	vpush v8, $0x4  }
0x40: {  	s11 =	simm.s32 $0xC00;
	s5 =	sadd.s32 s1, s5  }
0x41: {  	[tilespmem:s11], [sflag:$0x2] =	stream.linear.gather [hbm4b:s5+s4], $0x400, $0x38;
	[tilespmem:$0x10600] =	vst v63  }
0x42: {  	s5 =	sand.u32 $0xFFFFF80, s10;
	s10 =	spop (v2sf);
	(v2sf) =	vpush v9, $0x5;
	_ =	sdelay $0x2  }
0x43: {  	s11 =	simm.s32 $0x4C00;
	s5 =	sadd.s32 s2, s5  }
0x44: {  	[tilespmem:s11], [sflag:$0x2] =	stream.linear.gather [hbm4b:s5+s4], $0x400, $0x38;
	[tilespmem:$0x10600] =	vst v63  }
0x45: {  	s5 =	sand.u32 $0xFFFFF80, s10;
	s10 =	spop (v2sf);
	(v2sf) =	vpush v8, $0x5;
	_ =	sdelay $0x1  }
0x46: {  	s11 =	simm.s32 $0x1000;
	s5 =	sadd.s32 s1, s5  }
0x47: {  	[tilespmem:s11], [sflag:$0x2] =	stream.linear.gather [hbm4b:s5+s4], $0x400, $0x38;
	[tilespmem:$0x10600] =	vst v63  }
0x48: {  	s5 =	sand.u32 $0xFFFFF80, s10  }
0x49: {  	s11 =	simm.s32 $0x5000;
	s5 =	sadd.s32 s2, s5;
	s10 =	spop (v2sf);
	(v2sf) =	vpush v9, $0x6  }
0x4a: {  	[tilespmem:s11], [sflag:$0x2] =	stream.linear.gather [hbm4b:s5+s4], $0x400, $0x38;
	[tilespmem:$0x10600] =	vst v63  }
0x4b: {  	s5 =	sand.u32 $0xFFFFF80, s10;
	s10 =	spop (v2sf);
	(v2sf) =	vpush v8, $0x6  }
0x4c: {  	s11 =	simm.s32 $0x1400;
	s5 =	sadd.s32 s1, s5  }
0x4d: {  	[tilespmem:s11], [sflag:$0x2] =	stream.linear.gather [hbm4b:s5+s4], $0x400, $0x38;
	[tilespmem:$0x10600] =	vst v63  }
0x4e: {  	s5 =	sand.u32 $0xFFFFF80, s10;
	s10 =	spop (v2sf);
	(v2sf) =	vpush v9, $0x7;
	_ =	sdelay $0x2  }
0x4f: {  	s11 =	simm.s32 $0x5400;
	s5 =	sadd.s32 s2, s5  }
0x50: {  	[tilespmem:s11], [sflag:$0x2] =	stream.linear.gather [hbm4b:s5+s4], $0x400, $0x38;
	[tilespmem:$0x10600] =	vst v63  }
0x51: {  	s5 =	sand.u32 $0xFFFFF80, s10;
	s10 =	spop (v2sf);
	(v2sf) =	vpush v8, $0x7;
	_ =	sdelay $0x1  }
0x52: {  	s11 =	simm.s32 $0x1800;
	s5 =	sadd.s32 s1, s5  }
0x53: {  	[tilespmem:s11], [sflag:$0x2] =	stream.linear.gather [hbm4b:s5+s4], $0x400, $0x38;
	[tilespmem:$0x10600] =	vst v63  }
0x54: {  	s5 =	sand.u32 $0xFFFFF80, s10  }
0x55: {  	s11 =	simm.s32 $0x5800;
	s5 =	sadd.s32 s2, s5;
	s10 =	spop (v2sf);
	(v2sf) =	vpush v9, $0x8  }
0x56: {  	[tilespmem:s11], [sflag:$0x2] =	stream.linear.gather [hbm4b:s5+s4], $0x400, $0x38;
	[tilespmem:$0x10600] =	vst v63  }
0x57: {  	s5 =	sand.u32 $0xFFFFF80, s10;
	s10 =	spop (v2sf);
	(v2sf) =	vpush v8, $0x8  }
0x58: {  	s11 =	simm.s32 $0x1C00;
	s5 =	sadd.s32 s1, s5  }
0x59: {  	[tilespmem:s11], [sflag:$0x2] =	stream.linear.gather [hbm4b:s5+s4], $0x400, $0x38;
	[tilespmem:$0x10600] =	vst v63  }
0x5a: {  	s5 =	sand.u32 $0xFFFFF80, s10;
	s10 =	spop (v2sf);
	(v2sf) =	vpush v9, $0x9;
	_ =	sdelay $0x2  }
0x5b: {  	s11 =	simm.s32 $0x5C00;
	s5 =	sadd.s32 s2, s5  }
0x5c: {  	[tilespmem:s11], [sflag:$0x2] =	stream.linear.gather [hbm4b:s5+s4], $0x400, $0x38;
	[tilespmem:$0x10600] =	vst v63  }
0x5d: {  	s5 =	sand.u32 $0xFFFFF80, s10;
	s10 =	spop (v2sf);
	(v2sf) =	vpush v8, $0x9;
	_ =	sdelay $0x1  }
0x5e: {  	s11 =	simm.s32 $0x2000;
	s5 =	sadd.s32 s1, s5  }
0x5f: {  	[tilespmem:s11], [sflag:$0x2] =	stream.linear.gather [hbm4b:s5+s4], $0x400, $0x38;
	[tilespmem:$0x10600] =	vst v63  }
0x60: {  	s5 =	sand.u32 $0xFFFFF80, s10  }
0x61: {  	s11 =	simm.s32 $0x6000;
	s5 =	sadd.s32 s2, s5;
	s10 =	spop (v2sf);
	(v2sf) =	vpush v9, $0xA  }
0x62: {  	[tilespmem:s11], [sflag:$0x2] =	stream.linear.gather [hbm4b:s5+s4], $0x400, $0x38;
	[tilespmem:$0x10600] =	vst v63  }
0x63: {  	s5 =	sand.u32 $0xFFFFF80, s10;
	s10 =	spop (v2sf);
	(v2sf) =	vpush v8, $0xA  }
0x64: {  	s11 =	simm.s32 $0x2400;
	s5 =	sadd.s32 s1, s5  }
0x65: {  	[tilespmem:s11], [sflag:$0x2] =	stream.linear.gather [hbm4b:s5+s4], $0x400, $0x38;
	[tilespmem:$0x10600] =	vst v63  }
0x66: {  	s5 =	sand.u32 $0xFFFFF80, s10;
	s10 =	spop (v2sf);
	(v2sf) =	vpush v9, $0xB;
	_ =	sdelay $0x2  }
0x67: {  	s11 =	simm.s32 $0x6400;
	s5 =	sadd.s32 s2, s5  }
0x68: {  	[tilespmem:s11], [sflag:$0x2] =	stream.linear.gather [hbm4b:s5+s4], $0x400, $0x38;
	[tilespmem:$0x10600] =	vst v63  }
0x69: {  	s5 =	sand.u32 $0xFFFFF80, s10;
	s10 =	spop (v2sf);
	(v2sf) =	vpush v8, $0xB;
	_ =	sdelay $0x1  }
0x6a: {  	s11 =	simm.s32 $0x2800;
	s5 =	sadd.s32 s1, s5  }
0x6b: {  	[tilespmem:s11], [sflag:$0x2] =	stream.linear.gather [hbm4b:s5+s4], $0x400, $0x38;
	[tilespmem:$0x10600] =	vst v63  }
0x6c: {  	s5 =	sand.u32 $0xFFFFF80, s10  }
0x6d: {  	s11 =	simm.s32 $0x6800;
	s5 =	sadd.s32 s2, s5;
	s10 =	spop (v2sf);
	(v2sf) =	vpush v9, $0xC  }
0x6e: {  	[tilespmem:s11], [sflag:$0x2] =	stream.linear.gather [hbm4b:s5+s4], $0x400, $0x38;
	[tilespmem:$0x10600] =	vst v63  }
0x6f: {  	s5 =	sand.u32 $0xFFFFF80, s10;
	s10 =	spop (v2sf);
	(v2sf) =	vpush v8, $0xC  }
0x70: {  	s11 =	simm.s32 $0x2C00;
	s5 =	sadd.s32 s1, s5  }
0x71: {  	[tilespmem:s11], [sflag:$0x2] =	stream.linear.gather [hbm4b:s5+s4], $0x400, $0x38;
	[tilespmem:$0x10600] =	vst v63  }
0x72: {  	s5 =	sand.u32 $0xFFFFF80, s10;
	s10 =	spop (v2sf);
	(v2sf) =	vpush v9, $0xD;
	_ =	sdelay $0x2  }
0x73: {  	s11 =	simm.s32 $0x6C00;
	s5 =	sadd.s32 s2, s5  }
0x74: {  	[tilespmem:s11], [sflag:$0x2] =	stream.linear.gather [hbm4b:s5+s4], $0x400, $0x38;
	[tilespmem:$0x10600] =	vst v63  }
0x75: {  	s5 =	sand.u32 $0xFFFFF80, s10;
	s10 =	spop (v2sf);
	(v2sf) =	vpush v8, $0xD;
	_ =	sdelay $0x1  }
0x76: {  	s11 =	simm.s32 $0x3000;
	s5 =	sadd.s32 s1, s5  }
0x77: {  	[tilespmem:s11], [sflag:$0x2] =	stream.linear.gather [hbm4b:s5+s4], $0x400, $0x38;
	[tilespmem:$0x10600] =	vst v63  }
0x78: {  	s5 =	sand.u32 $0xFFFFF80, s10  }
0x79: {  	s11 =	simm.s32 $0x7000;
	s5 =	sadd.s32 s2, s5;
	s10 =	spop (v2sf);
	(v2sf) =	vpush v9, $0xE  }
0x7a: {  	[tilespmem:s11], [sflag:$0x2] =	stream.linear.gather [hbm4b:s5+s4], $0x400, $0x38;
	[tilespmem:$0x10600] =	vst v63  }
0x7b: {  	s5 =	sand.u32 $0xFFFFF80, s10;
	s10 =	spop (v2sf);
	(v2sf) =	vpush v8, $0xE  }
0x7c: {  	s11 =	simm.s32 $0x3400;
	s5 =	sadd.s32 s1, s5  }
0x7d: {  	[tilespmem:s11], [sflag:$0x2] =	stream.linear.gather [hbm4b:s5+s4], $0x400, $0x38;
	[tilespmem:$0x10600] =	vst v63  }
0x7e: {  	s5 =	sand.u32 $0xFFFFF80, s10;
	s10 =	spop (v2sf);
	(v2sf) =	vpush v9, $0xF;
	_ =	sdelay $0x1  }
0x7f: {  	s11 =	simm.s32 $0x7400;
	s5 =	sadd.s32 s2, s5  }
0x80: {  	[tilespmem:s11], [sflag:$0x2] =	stream.linear.gather [hbm4b:s5+s4], $0x400, $0x38;
	[tilespmem:$0x10600] =	vst v63  }
0x81: {  	s5 =	sand.u32 $0xFFFFF80, s10  }
0x82: {  	s11 =	simm.s32 $0x3800;
	s10 =	spop (v2sf);
	(v2sf) =	vpush v8, $0xF;
	s5 =	sadd.s32 s1, s5  }
0x83: {  	[tilespmem:s11], [sflag:$0x2] =	stream.linear.gather [hbm4b:s5+s4], $0x400, $0x38;
	[tilespmem:$0x10600] =	vst v63  }
0x84: {  	s5 =	sand.u32 $0xFFFFF80, s10  }
0x85: {  	s11 =	simm.s32 $0x7800;
	s5 =	sadd.s32 s2, s5  }
0x86: {  	[tilespmem:s11], [sflag:$0x2] =	stream.linear.gather [hbm4b:s5+s4], $0x400, $0x38;
	[tilespmem:$0x10600] =	vst v63  }
0x87: {  	s10 =	spop (v2sf)  }
0x88: {  	s5 =	sand.u32 $0xFFFFF80, s10  }
0x89: {  	s11 =	simm.s32 $0x3C00;
	s10 =	spop (v2sf);
	s5 =	sadd.s32 s1, s5  }
0x8a: {  	[tilespmem:s11], [sflag:$0x2] =	stream.linear.gather [hbm4b:s5+s4], $0x400, $0x38;
	[tilespmem:$0x10600] =	vst v63  }
0x8b: {  	s5 =	sand.u32 $0xFFFFF80, s10  }
0x8c: {  	s11 =	simm.s32 $0x7C00;
	s10 =	spop (v2sf);
	s5 =	sadd.s32 s2, s5  }
0x8d: {  	[tilespmem:s11], [sflag:$0x2] =	stream.linear.gather [hbm4b:s5+s4], $0x400, $0x38;
	[tilespmem:$0x10600] =	vst v63  }
0x8e: {  	s5 =	sand.u32 $0xFFFFF80, s10  }
0x8f: {  	s11 =	simm.s32 $0x4000;
	s5 =	sadd.s32 s1, s5  }
0x90: {  	[tilespmem:s11], [sflag:$0x2] =	stream.linear.gather [hbm4b:s5+s4], $0x400, $0x38;
	[tilespmem:$0x10600] =	vst v63  }
.Ltmp2:
0x91: {  	s10 =	spop (v2sf);
	(pc) =	sbr.rel .LBB2_2-.Ltmp2, $4  }
0x92: {  	s5 =	sand.u32 $0xFFFFF80, s10  }
0x93: {  	s11 =	simm.s32 $0x8000;
	s5 =	sadd.s32 s2, s5  }
0x94: {  	[tilespmem:s11], [sflag:$0x2] =	stream.linear.gather [hbm4b:s5+s4], $0x400, $0x38;
	[tilespmem:$0x10600] =	vst v63  }
0x95: {  	s11 =	simm.s32 $0x0  }
.LBB2_4:
0x96: {  	_ =	swait.ge [sflag:s3], $0x400  }
0x97: {  	[sflag:s3] =	ssyncset.done $0x0  }
0x98: {  	[sflag:s3] =	ssyncadd.s32 $0xFFFFFC00  }
0x99: {  	_ =	swait.ge [sflag:s3], $0x400  }
0x9a: {  	[sflag:s3] =	ssyncset.done $0x0  }
0x9b: {  	[sflag:s3] =	ssyncadd.s32 $0xFFFFFC00  }
0x9c: {  	_ =	swait.ge [sflag:s3], $0x400  }
0x9d: {  	[sflag:s3] =	ssyncset.done $0x0  }
0x9e: {  	[sflag:s3] =	ssyncadd.s32 $0xFFFFFC00  }
0x9f: {  	_ =	swait.ge [sflag:s3], $0x400  }
0xa0: {  	[sflag:s3] =	ssyncset.done $0x0  }
0xa1: {  	[sflag:s3] =	ssyncadd.s32 $0xFFFFFC00  }
0xa2: {  	_ =	swait.ge [sflag:s3], $0x400  }
0xa3: {  	[sflag:s3] =	ssyncset.done $0x0  }
0xa4: {  	[sflag:s3] =	ssyncadd.s32 $0xFFFFFC00  }
0xa5: {  	_ =	swait.ge [sflag:s3], $0x400  }
0xa6: {  	[sflag:s3] =	ssyncset.done $0x0  }
0xa7: {  	[sflag:s3] =	ssyncadd.s32 $0xFFFFFC00  }
0xa8: {  	_ =	swait.ge [sflag:s3], $0x400  }
0xa9: {  	[sflag:s3] =	ssyncset.done $0x0  }
0xaa: {  	[sflag:s3] =	ssyncadd.s32 $0xFFFFFC00  }
0xab: {  	_ =	swait.ge [sflag:s3], $0x400  }
0xac: {  	[sflag:s3] =	ssyncset.done $0x0  }
0xad: {  	[sflag:s3] =	ssyncadd.s32 $0xFFFFFC00  }
0xae: {  	_ =	swait.ge [sflag:s3], $0x400  }
0xaf: {  	[sflag:s3] =	ssyncset.done $0x0  }
0xb0: {  	[sflag:s3] =	ssyncadd.s32 $0xFFFFFC00  }
0xb1: {  	_ =	swait.ge [sflag:s3], $0x400  }
0xb2: {  	[sflag:s3] =	ssyncset.done $0x0  }
0xb3: {  	[sflag:s3] =	ssyncadd.s32 $0xFFFFFC00  }
0xb4: {  	_ =	swait.ge [sflag:s3], $0x400  }
0xb5: {  	[sflag:s3] =	ssyncset.done $0x0  }
0xb6: {  	[sflag:s3] =	ssyncadd.s32 $0xFFFFFC00  }
0xb7: {  	_ =	swait.ge [sflag:s3], $0x400  }
0xb8: {  	[sflag:s3] =	ssyncset.done $0x0  }
0xb9: {  	[sflag:s3] =	ssyncadd.s32 $0xFFFFFC00  }
0xba: {  	_ =	swait.ge [sflag:s3], $0x400  }
0xbb: {  	[sflag:s3] =	ssyncset.done $0x0  }
0xbc: {  	[sflag:s3] =	ssyncadd.s32 $0xFFFFFC00  }
0xbd: {  	_ =	swait.ge [sflag:s3], $0x400  }
0xbe: {  	[sflag:s3] =	ssyncset.done $0x0  }
0xbf: {  	[sflag:s3] =	ssyncadd.s32 $0xFFFFFC00  }
0xc0: {  	_ =	swait.ge [sflag:s3], $0x400  }
0xc1: {  	[sflag:s3] =	ssyncset.done $0x0  }
0xc2: {  	[sflag:s3] =	ssyncadd.s32 $0xFFFFFC00  }
0xc3: {  	_ =	swait.ge [sflag:s3], $0x400  }
0xc4: {  	[sflag:s3] =	ssyncset.done $0x0  }
0xc5: {  	[sflag:s3] =	ssyncadd.s32 $0xFFFFFC00  }
0xc6: {  	_ =	swait.ge [sflag:s3], $0x400  }
0xc7: {  	[sflag:s3] =	ssyncset.done $0x0  }
0xc8: {  	[sflag:s3] =	ssyncadd.s32 $0xFFFFFC00  }
0xc9: {  	_ =	swait.ge [sflag:s3], $0x400  }
0xca: {  	[sflag:s3] =	ssyncset.done $0x0  }
0xcb: {  	[sflag:s3] =	ssyncadd.s32 $0xFFFFFC00  }
0xcc: {  	_ =	swait.ge [sflag:s3], $0x400  }
0xcd: {  	[sflag:s3] =	ssyncset.done $0x0  }
0xce: {  	[sflag:s3] =	ssyncadd.s32 $0xFFFFFC00  }
0xcf: {  	_ =	swait.ge [sflag:s3], $0x400  }
0xd0: {  	[sflag:s3] =	ssyncset.done $0x0  }
0xd1: {  	[sflag:s3] =	ssyncadd.s32 $0xFFFFFC00  }
0xd2: {  	_ =	swait.ge [sflag:s3], $0x400  }
0xd3: {  	[sflag:s3] =	ssyncset.done $0x0  }
0xd4: {  	[sflag:s3] =	ssyncadd.s32 $0xFFFFFC00  }
0xd5: {  	_ =	swait.ge [sflag:s3], $0x400  }
0xd6: {  	[sflag:s3] =	ssyncset.done $0x0  }
0xd7: {  	[sflag:s3] =	ssyncadd.s32 $0xFFFFFC00  }
0xd8: {  	_ =	swait.ge [sflag:s3], $0x400  }
0xd9: {  	[sflag:s3] =	ssyncset.done $0x0  }
0xda: {  	[sflag:s3] =	ssyncadd.s32 $0xFFFFFC00  }
0xdb: {  	_ =	swait.ge [sflag:s3], $0x400  }
0xdc: {  	[sflag:s3] =	ssyncset.done $0x0  }
0xdd: {  	[sflag:s3] =	ssyncadd.s32 $0xFFFFFC00  }
0xde: {  	_ =	swait.ge [sflag:s3], $0x400  }
0xdf: {  	[sflag:s3] =	ssyncset.done $0x0  }
0xe0: {  	[sflag:s3] =	ssyncadd.s32 $0xFFFFFC00  }
0xe1: {  	_ =	swait.ge [sflag:s3], $0x400  }
0xe2: {  	[sflag:s3] =	ssyncset.done $0x0  }
0xe3: {  	[sflag:s3] =	ssyncadd.s32 $0xFFFFFC00  }
0xe4: {  	_ =	swait.ge [sflag:s3], $0x400  }
0xe5: {  	[sflag:s3] =	ssyncset.done $0x0  }
0xe6: {  	[sflag:s3] =	ssyncadd.s32 $0xFFFFFC00  }
0xe7: {  	_ =	swait.ge [sflag:s3], $0x400  }
0xe8: {  	[sflag:s3] =	ssyncset.done $0x0  }
0xe9: {  	[sflag:s3] =	ssyncadd.s32 $0xFFFFFC00  }
0xea: {  	_ =	swait.ge [sflag:s3], $0x400  }
0xeb: {  	[sflag:s3] =	ssyncset.done $0x0  }
0xec: {  	[sflag:s3] =	ssyncadd.s32 $0xFFFFFC00  }
0xed: {  	_ =	swait.ge [sflag:s3], $0x400  }
0xee: {  	[sflag:s3] =	ssyncset.done $0x0  }
0xef: {  	[sflag:s3] =	ssyncadd.s32 $0xFFFFFC00  }
0xf0: {  	_ =	swait.ge [sflag:s3], $0x400  }
0xf1: {  	[sflag:s3] =	ssyncset.done $0x0  }
0xf2: {  	[sflag:s3] =	ssyncadd.s32 $0xFFFFFC00  }
0xf3: {  	_ =	swait.ge [sflag:s3], $0x400  }
0xf4: {  	[sflag:s3] =	ssyncset.done $0x0  }
0xf5: {  	[sflag:s3] =	ssyncadd.s32 $0xFFFFFC00  }
0xf6: {  	v22 =	vld.idx.msk [tilespmem:v22+s21+$0x0], $0xffff  }
0xf7: {  	v24 =	vld.idx.msk [tilespmem:v24+s22+$0x0], $0xffff  }
0xf8: {  	v28 =	vld.idx.msk [tilespmem:v28+s21+$0x0], $0xffff  }
0xf9: {  	v30 =	vld.idx.msk [tilespmem:v30+s22+$0x0], $0xffff  }
0xfa: {  	v34 =	vld.idx.msk [tilespmem:v34+s21+$0x0], $0xffff  }
0xfb: {  	v35 =	vld.idx.msk [tilespmem:v35+s22+$0x0], $0xffff  }
0xfc: {  	v37 =	vmul.f32 v39, v37;
	v53 =	vld.idx.msk [tilespmem:v36+s21+$0x0], $0xffff;
	v22 =	vmul.f32 v24, v22  }
0xfd: {  	v32 =	vmul.f32 v38, v32;
	v31 =	vld.idx.msk [tilespmem:v31+s22+$0x0], $0xffff  }
0xfe: {  	v54 =	vadd.f32 $0.0e+00, v37;
	v29 =	vld.idx.msk [tilespmem:v29+s21+$0x0], $0xffff;
	v28 =	vmul.f32 v30, v28;
	v22 =	vadd.f32 $0.0e+00, v22  }
0xff: {  	v26 =	vmul.f32 v33, v26;
	v25 =	vld.idx.msk [tilespmem:v25+s22+$0x0], $0xffff  }
0x100: {  	v55 =	vadd.f32 v32, v54;
	v23 =	vld.idx.msk [tilespmem:v23+s21+$0x0], $0xffff;
	v56 =	vmul.f32 v35, v34;
	v22 =	vadd.f32 v28, v22  }
0x101: {  	v20 =	vmul.f32 v27, v20;
	v19 =	vld.idx.msk [tilespmem:v19+s22+$0x0], $0xffff  }
0x102: {  	v26 =	vadd.f32 v26, v55;
	v18 =	vld.idx.msk [tilespmem:v18+s21+$0x0], $0xffff;
	v24 =	vmul.f32 v31, v53;
	v22 =	vadd.f32 v56, v22  }
0x103: {  	v16 =	vmul.f32 v21, v16;
	v15 =	vld.idx.msk [tilespmem:v15+s22+$0x0], $0xffff  }
0x104: {  	v20 =	vadd.f32 v20, v26;
	v14 =	vld.idx.msk [tilespmem:v14+s21+$0x0], $0xffff;
	v58 =	vmul.f32 v25, v29;
	v57 =	vadd.f32 v24, v22  }
0x105: {  	v13 =	vmul.f32 v17, v13;
	v12 =	vld.idx.msk [tilespmem:v12+s22+$0x0], $0xffff  }
0x106: {  	v16 =	vadd.f32 v16, v20;
	v19 =	vmul.f32 v19, v23;
	v59 =	vadd.f32 v58, v57  }
0x107: {  	v9 =	vmul.f32 v11, v9  }
0x108: {  	v13 =	vadd.f32 v13, v16;
	v15 =	vmul.f32 v15, v18;
	v60 =	vadd.f32 v19, v59  }
0x109: {  	v8 =	vmul.f32 v10, v8  }
0x10a: {  	v9 =	vadd.f32 v9, v13;
	v62 =	vmul.f32 v12, v14;
	v61 =	vadd.f32 v15, v60;
	_ =	sdelay $0x1  }
0x10b: {  	v8 =	vadd.f32 v8, v9;
	v63 =	vadd.f32 v62, v61;
	_ =	sdelay $0x1  }
0x10c: {  	v8 =	vadd.f32 v63, v8;
	_ =	sdelay $0x1  }
0x10d: {  	v8 =	vsub.f32 $0.0e+00, v8;
	_ =	sdelay $0x1  }
0x10e: {  	v8 =	vmul.f32 $1.442695020e+00, v8;
	_ =	sdelay $0x1  }
0x10f: {  	(erf) = vpow2.f32 v8;
	_ =	sdelay $0x8  }
0x110: {  	v8 =	vpop (erf)  }
0x111: {  	v8 =	vadd.f32 $1.000000000e+00, v8;
	_ =	sdelay $0x1  }
0x112: {  	(erf) = vrcp.f32 v8;
	_ =	sdelay $0x3  }
0x113: {  	s11 =	sadd.s32 $0x40, s11  }
0x114: {  	p0 =	sne.s32 s11, $0x800  }
.Ltmp3:
0x115: {  	_ = 	snop;
	(pc) =	sbr.rel @!p0 .LBB2_5-.Ltmp3, $3  }
0x116: {  	_ =	sdelay $0x1  }
0x117: {  	v8 =	vpop (erf)  }
0x118: {  	[tilespmem:s5+$0x10400] =	vst v8  }
.LBB2_2:
0x119: {  	s5 =	sshra.s32 s11, $0x2  }
0x11a: {  	v9 =	vld [tilespmem:s5+$0x0];
	_ =	sdelay $0x3  }
0x11b: {  	v8 =	vld [tilespmem:s5+$0x200]  }
0x11c: {  	(v2sf) =	vpush v9, $0x0;
	_ =	sdelay $0x3  }
0x11d: {  	(v2sf) =	vpush v8, $0x0;
	_ =	sdelay $0x2  }
0x11e: {  	(v2sf) =	vpush v9, $0x1;
	_ =	sdelay $0x2  }
0x11f: {  	(v2sf) =	vpush v8, $0x1;
	_ =	sdelay $0x4  }
0x120: {  	s6 =	spop (v2sf);
	(v2sf) =	vpush v9, $0x2;
	_ =	sdelay $0x2  }
0x121: {  	s6 =	sand.u32 $0xFFFFF80, s6  }
0x122: {  	s10 =	spop (v2sf);
	(v2sf) =	vpush v8, $0x2;
	s6 =	sadd.s32 s6, s7  }
0x123: {  	[tilespmem:s21], [sflag:$0x3] =	stream.linear.gather [hbm4b:s6+s4], $0x400, $0x38;
	[tilespmem:$0x10600] =	vst v63  }
0x124: {  	s6 =	sand.u32 $0xFFFFF80, s10  }
0x125: {  	s10 =	spop (v2sf);
	s6 =	sadd.s32 s6, s8  }
0x126: {  	(v2sf) =	vpush v9, $0x3;
	[tilespmem:s22], [sflag:$0x3] =	stream.linear.gather [hbm4b:s6+s4], $0x400, $0x38;
	[tilespmem:$0x10600] =	vst v63  }
0x127: {  	s6 =	sand.u32 $0xFFFFF80, s10  }
0x128: {  	s10 =	spop (v2sf);
	s6 =	sadd.s32 s6, s7  }
0x129: {  	[tilespmem:s9], [sflag:$0x3] =	stream.linear.gather [hbm4b:s6+s4], $0x400, $0x38;
	[tilespmem:$0x10600] =	vst v63  }
0x12a: {  	(v2sf) =	vpush v8, $0x3;
	s6 =	sand.u32 $0xFFFFF80, s10  }
0x12b: {  	s10 =	simm.s32 $0xC800;
	s6 =	sadd.s32 s6, s8  }
0x12c: {  	[tilespmem:s10], [sflag:$0x3] =	stream.linear.gather [hbm4b:s6+s4], $0x400, $0x38;
	[tilespmem:$0x10600] =	vst v63  }
0x12d: {  	s10 =	spop (v2sf)  }
0x12e: {  	(v2sf) =	vpush v9, $0x4;
	s6 =	sand.u32 $0xFFFFF80, s10  }
0x12f: {  	s10 =	simm.s32 $0x8C00;
	s6 =	sadd.s32 s6, s7  }
0x130: {  	[tilespmem:s10], [sflag:$0x3] =	stream.linear.gather [hbm4b:s6+s4], $0x400, $0x38;
	[tilespmem:$0x10600] =	vst v63  }
0x131: {  	s10 =	spop (v2sf)  }
0x132: {  	(v2sf) =	vpush v8, $0x4;
	s6 =	sand.u32 $0xFFFFF80, s10  }
0x133: {  	s10 =	simm.s32 $0xCC00;
	s6 =	sadd.s32 s6, s8  }
0x134: {  	[tilespmem:s10], [sflag:$0x3] =	stream.linear.gather [hbm4b:s6+s4], $0x400, $0x38;
	[tilespmem:$0x10600] =	vst v63  }
0x135: {  	s10 =	spop (v2sf)  }
0x136: {  	(v2sf) =	vpush v9, $0x5;
	s6 =	sand.u32 $0xFFFFF80, s10  }
0x137: {  	s10 =	simm.s32 $0x9000;
	s6 =	sadd.s32 s6, s7  }
0x138: {  	[tilespmem:s10], [sflag:$0x3] =	stream.linear.gather [hbm4b:s6+s4], $0x400, $0x38;
	[tilespmem:$0x10600] =	vst v63  }
0x139: {  	s10 =	spop (v2sf)  }
0x13a: {  	(v2sf) =	vpush v8, $0x5;
	s6 =	sand.u32 $0xFFFFF80, s10  }
0x13b: {  	s10 =	simm.s32 $0xD000;
	s6 =	sadd.s32 s6, s8  }
0x13c: {  	[tilespmem:s10], [sflag:$0x3] =	stream.linear.gather [hbm4b:s6+s4], $0x400, $0x38;
	[tilespmem:$0x10600] =	vst v63  }
0x13d: {  	s10 =	spop (v2sf)  }
0x13e: {  	(v2sf) =	vpush v9, $0x6;
	s6 =	sand.u32 $0xFFFFF80, s10  }
0x13f: {  	s10 =	simm.s32 $0x9400;
	s6 =	sadd.s32 s6, s7  }
0x140: {  	[tilespmem:s10], [sflag:$0x3] =	stream.linear.gather [hbm4b:s6+s4], $0x400, $0x38;
	[tilespmem:$0x10600] =	vst v63  }
0x141: {  	s10 =	spop (v2sf)  }
0x142: {  	(v2sf) =	vpush v8, $0x6;
	s6 =	sand.u32 $0xFFFFF80, s10  }
0x143: {  	s10 =	simm.s32 $0xD400;
	s6 =	sadd.s32 s6, s8  }
0x144: {  	[tilespmem:s10], [sflag:$0x3] =	stream.linear.gather [hbm4b:s6+s4], $0x400, $0x38;
	[tilespmem:$0x10600] =	vst v63  }
0x145: {  	s10 =	spop (v2sf)  }
0x146: {  	(v2sf) =	vpush v9, $0x7;
	s6 =	sand.u32 $0xFFFFF80, s10  }
0x147: {  	s10 =	simm.s32 $0x9800;
	s6 =	sadd.s32 s6, s7  }
0x148: {  	[tilespmem:s10], [sflag:$0x3] =	stream.linear.gather [hbm4b:s6+s4], $0x400, $0x38;
	[tilespmem:$0x10600] =	vst v63  }
0x149: {  	s10 =	spop (v2sf)  }
0x14a: {  	(v2sf) =	vpush v8, $0x7;
	s6 =	sand.u32 $0xFFFFF80, s10  }
0x14b: {  	s10 =	simm.s32 $0xD800;
	s6 =	sadd.s32 s6, s8  }
0x14c: {  	[tilespmem:s10], [sflag:$0x3] =	stream.linear.gather [hbm4b:s6+s4], $0x400, $0x38;
	[tilespmem:$0x10600] =	vst v63  }
0x14d: {  	s10 =	spop (v2sf)  }
0x14e: {  	(v2sf) =	vpush v9, $0x8;
	s6 =	sand.u32 $0xFFFFF80, s10  }
0x14f: {  	s10 =	simm.s32 $0x9C00;
	s6 =	sadd.s32 s6, s7  }
0x150: {  	[tilespmem:s10], [sflag:$0x3] =	stream.linear.gather [hbm4b:s6+s4], $0x400, $0x38;
	[tilespmem:$0x10600] =	vst v63  }
0x151: {  	s10 =	spop (v2sf)  }
0x152: {  	(v2sf) =	vpush v8, $0x8;
	s6 =	sand.u32 $0xFFFFF80, s10  }
0x153: {  	s10 =	simm.s32 $0xDC00;
	s6 =	sadd.s32 s6, s8  }
0x154: {  	[tilespmem:s10], [sflag:$0x3] =	stream.linear.gather [hbm4b:s6+s4], $0x400, $0x38;
	[tilespmem:$0x10600] =	vst v63  }
0x155: {  	s10 =	spop (v2sf)  }
0x156: {  	(v2sf) =	vpush v9, $0x9;
	s6 =	sand.u32 $0xFFFFF80, s10  }
0x157: {  	s10 =	simm.s32 $0xA000;
	s6 =	sadd.s32 s6, s7  }
0x158: {  	[tilespmem:s10], [sflag:$0x3] =	stream.linear.gather [hbm4b:s6+s4], $0x400, $0x38;
	[tilespmem:$0x10600] =	vst v63  }
0x159: {  	s10 =	spop (v2sf)  }
0x15a: {  	(v2sf) =	vpush v8, $0x9;
	s6 =	sand.u32 $0xFFFFF80, s10  }
0x15b: {  	s10 =	simm.s32 $0xE000;
	s6 =	sadd.s32 s6, s8  }
0x15c: {  	[tilespmem:s10], [sflag:$0x3] =	stream.linear.gather [hbm4b:s6+s4], $0x400, $0x38;
	[tilespmem:$0x10600] =	vst v63  }
0x15d: {  	s10 =	spop (v2sf)  }
0x15e: {  	(v2sf) =	vpush v9, $0xA;
	s6 =	sand.u32 $0xFFFFF80, s10  }
0x15f: {  	s10 =	simm.s32 $0xA400;
	s6 =	sadd.s32 s6, s7  }
0x160: {  	[tilespmem:s10], [sflag:$0x3] =	stream.linear.gather [hbm4b:s6+s4], $0x400, $0x38;
	[tilespmem:$0x10600] =	vst v63  }
0x161: {  	s10 =	spop (v2sf)  }
0x162: {  	(v2sf) =	vpush v8, $0xA;
	s6 =	sand.u32 $0xFFFFF80, s10  }
0x163: {  	s6 =	sadd.s32 s6, s8  }
0x164: {  	[tilespmem:s12], [sflag:$0x3] =	stream.linear.gather [hbm4b:s6+s4], $0x400, $0x38;
	[tilespmem:$0x10600] =	vst v63  }
0x165: {  	s10 =	spop (v2sf)  }
0x166: {  	(v2sf) =	vpush v9, $0xB;
	s6 =	sand.u32 $0xFFFFF80, s10  }
0x167: {  	s6 =	sadd.s32 s6, s7  }
0x168: {  	[tilespmem:s15], [sflag:$0x3] =	stream.linear.gather [hbm4b:s6+s4], $0x400, $0x38;
	[tilespmem:$0x10600] =	vst v63  }
0x169: {  	s10 =	spop (v2sf)  }
0x16a: {  	(v2sf) =	vpush v8, $0xB;
	s6 =	sand.u32 $0xFFFFF80, s10  }
0x16b: {  	s6 =	sadd.s32 s6, s8  }
0x16c: {  	[tilespmem:s16], [sflag:$0x3] =	stream.linear.gather [hbm4b:s6+s4], $0x400, $0x38;
	[tilespmem:$0x10600] =	vst v63  }
0x16d: {  	s10 =	spop (v2sf)  }
0x16e: {  	(v2sf) =	vpush v9, $0xC;
	s6 =	sand.u32 $0xFFFFF80, s10  }
0x16f: {  	s6 =	sadd.s32 s6, s7  }
0x170: {  	[tilespmem:s17], [sflag:$0x3] =	stream.linear.gather [hbm4b:s6+s4], $0x400, $0x38;
	[tilespmem:$0x10600] =	vst v63  }
0x171: {  	s10 =	spop (v2sf)  }
0x172: {  	(v2sf) =	vpush v8, $0xC;
	s6 =	sand.u32 $0xFFFFF80, s10  }
0x173: {  	s6 =	sadd.s32 s6, s8  }
0x174: {  	[tilespmem:s18], [sflag:$0x3] =	stream.linear.gather [hbm4b:s6+s4], $0x400, $0x38;
	[tilespmem:$0x10600] =	vst v63  }
0x175: {  	s10 =	spop (v2sf)  }
0x176: {  	(v2sf) =	vpush v9, $0xD;
	s6 =	sand.u32 $0xFFFFF80, s10  }
0x177: {  	s6 =	sadd.s32 s6, s7  }
0x178: {  	[tilespmem:s19], [sflag:$0x3] =	stream.linear.gather [hbm4b:s6+s4], $0x400, $0x38;
	[tilespmem:$0x10600] =	vst v63  }
0x179: {  	s10 =	spop (v2sf)  }
0x17a: {  	(v2sf) =	vpush v8, $0xD;
	s6 =	sand.u32 $0xFFFFF80, s10  }
0x17b: {  	s6 =	sadd.s32 s6, s8  }
0x17c: {  	[tilespmem:s20], [sflag:$0x3] =	stream.linear.gather [hbm4b:s6+s4], $0x400, $0x38;
	[tilespmem:$0x10600] =	vst v63  }
0x17d: {  	s10 =	spop (v2sf)  }
0x17e: {  	(v2sf) =	vpush v9, $0xE;
	s6 =	sand.u32 $0xFFFFF80, s10  }
0x17f: {  	s6 =	sadd.s32 s6, s7  }
0x180: {  	[tilespmem:s23], [sflag:$0x3] =	stream.linear.gather [hbm4b:s6+s4], $0x400, $0x38;
	[tilespmem:$0x10600] =	vst v63  }
0x181: {  	s10 =	spop (v2sf)  }
0x182: {  	(v2sf) =	vpush v8, $0xE;
	s6 =	sand.u32 $0xFFFFF80, s10  }
0x183: {  	s6 =	sadd.s32 s6, s8  }
0x184: {  	[tilespmem:s24], [sflag:$0x3] =	stream.linear.gather [hbm4b:s6+s4], $0x400, $0x38;
	[tilespmem:$0x10600] =	vst v63  }
0x185: {  	s10 =	spop (v2sf)  }
0x186: {  	(v2sf) =	vpush v9, $0xF;
	s6 =	sand.u32 $0xFFFFF80, s10  }
0x187: {  	s6 =	sadd.s32 s6, s7  }
0x188: {  	[tilespmem:s25], [sflag:$0x3] =	stream.linear.gather [hbm4b:s6+s4], $0x400, $0x38;
	[tilespmem:$0x10600] =	vst v63  }
0x189: {  	s10 =	spop (v2sf)  }
0x18a: {  	(v2sf) =	vpush v8, $0xF;
	s6 =	sand.u32 $0xFFFFF80, s10  }
0x18b: {  	s6 =	sadd.s32 s6, s8  }
0x18c: {  	[tilespmem:s26], [sflag:$0x3] =	stream.linear.gather [hbm4b:s6+s4], $0x400, $0x38;
	[tilespmem:$0x10600] =	vst v63  }
0x18d: {  	s10 =	spop (v2sf)  }
0x18e: {  	s6 =	sand.u32 $0xFFFFF80, s10  }
0x18f: {  	s6 =	sadd.s32 s6, s7  }
0x190: {  	[tilespmem:s28], [sflag:$0x3] =	stream.linear.gather [hbm4b:s6+s4], $0x400, $0x38;
	[tilespmem:$0x10600] =	vst v63  }
0x191: {  	s10 =	spop (v2sf)  }
0x192: {  	s6 =	sand.u32 $0xFFFFF80, s10  }
0x193: {  	s6 =	sadd.s32 s6, s8  }
0x194: {  	[tilespmem:s29], [sflag:$0x3] =	stream.linear.gather [hbm4b:s6+s4], $0x400, $0x38;
	[tilespmem:$0x10600] =	vst v63  }
0x195: {  	s10 =	spop (v2sf)  }
0x196: {  	s6 =	sand.u32 $0xFFFFF80, s10  }
0x197: {  	s6 =	sadd.s32 s6, s7  }
0x198: {  	[tilespmem:s30], [sflag:$0x3] =	stream.linear.gather [hbm4b:s6+s4], $0x400, $0x38;
	[tilespmem:$0x10600] =	vst v63  }
0x199: {  	s10 =	spop (v2sf)  }
0x19a: {  	s6 =	sand.u32 $0xFFFFF80, s10  }
0x19b: {  	s6 =	sadd.s32 s6, s8  }
0x19c: {  	[tilespmem:s31], [sflag:$0x3] =	stream.linear.gather [hbm4b:s6+s4], $0x400, $0x38;
	[tilespmem:$0x10600] =	vst v63  }
0x19d: {  	_ =	swait.ge [sflag:s0], $0x400  }
0x19e: {  	[sflag:s0] =	ssyncset.done $0x0  }
0x19f: {  	[sflag:s0] =	ssyncadd.s32 $0xFFFFFC00  }
0x1a0: {  	_ =	swait.ge [sflag:s0], $0x400  }
0x1a1: {  	[sflag:s0] =	ssyncset.done $0x0  }
0x1a2: {  	[sflag:s0] =	ssyncadd.s32 $0xFFFFFC00  }
0x1a3: {  	_ =	swait.ge [sflag:s0], $0x400  }
0x1a4: {  	[sflag:s0] =	ssyncset.done $0x0  }
0x1a5: {  	[sflag:s0] =	ssyncadd.s32 $0xFFFFFC00  }
0x1a6: {  	_ =	swait.ge [sflag:s0], $0x400  }
0x1a7: {  	[sflag:s0] =	ssyncset.done $0x0  }
0x1a8: {  	[sflag:s0] =	ssyncadd.s32 $0xFFFFFC00  }
0x1a9: {  	_ =	swait.ge [sflag:s0], $0x400  }
0x1aa: {  	[sflag:s0] =	ssyncset.done $0x0  }
0x1ab: {  	[sflag:s0] =	ssyncadd.s32 $0xFFFFFC00  }
0x1ac: {  	_ =	swait.ge [sflag:s0], $0x400  }
0x1ad: {  	[sflag:s0] =	ssyncset.done $0x0  }
0x1ae: {  	[sflag:s0] =	ssyncadd.s32 $0xFFFFFC00  }
0x1af: {  	_ =	swait.ge [sflag:s0], $0x400  }
0x1b0: {  	[sflag:s0] =	ssyncset.done $0x0  }
0x1b1: {  	[sflag:s0] =	ssyncadd.s32 $0xFFFFFC00  }
0x1b2: {  	_ =	swait.ge [sflag:s0], $0x400  }
0x1b3: {  	[sflag:s0] =	ssyncset.done $0x0  }
0x1b4: {  	[sflag:s0] =	ssyncadd.s32 $0xFFFFFC00  }
0x1b5: {  	_ =	swait.ge [sflag:s0], $0x400  }
0x1b6: {  	[sflag:s0] =	ssyncset.done $0x0  }
0x1b7: {  	[sflag:s0] =	ssyncadd.s32 $0xFFFFFC00  }
0x1b8: {  	_ =	swait.ge [sflag:s0], $0x400  }
0x1b9: {  	[sflag:s0] =	ssyncset.done $0x0  }
0x1ba: {  	[sflag:s0] =	ssyncadd.s32 $0xFFFFFC00  }
0x1bb: {  	_ =	swait.ge [sflag:s0], $0x400  }
0x1bc: {  	[sflag:s0] =	ssyncset.done $0x0  }
0x1bd: {  	[sflag:s0] =	ssyncadd.s32 $0xFFFFFC00  }
0x1be: {  	_ =	swait.ge [sflag:s0], $0x400  }
0x1bf: {  	[sflag:s0] =	ssyncset.done $0x0  }
0x1c0: {  	[sflag:s0] =	ssyncadd.s32 $0xFFFFFC00  }
0x1c1: {  	_ =	swait.ge [sflag:s0], $0x400  }
0x1c2: {  	[sflag:s0] =	ssyncset.done $0x0  }
0x1c3: {  	[sflag:s0] =	ssyncadd.s32 $0xFFFFFC00  }
0x1c4: {  	_ =	swait.ge [sflag:s0], $0x400  }
0x1c5: {  	[sflag:s0] =	ssyncset.done $0x0  }
0x1c6: {  	[sflag:s0] =	ssyncadd.s32 $0xFFFFFC00  }
0x1c7: {  	_ =	swait.ge [sflag:s0], $0x400  }
0x1c8: {  	[sflag:s0] =	ssyncset.done $0x0  }
0x1c9: {  	[sflag:s0] =	ssyncadd.s32 $0xFFFFFC00  }
0x1ca: {  	_ =	swait.ge [sflag:s0], $0x400  }
0x1cb: {  	[sflag:s0] =	ssyncset.done $0x0  }
0x1cc: {  	[sflag:s0] =	ssyncadd.s32 $0xFFFFFC00  }
0x1cd: {  	_ =	swait.ge [sflag:s0], $0x400  }
0x1ce: {  	[sflag:s0] =	ssyncset.done $0x0  }
0x1cf: {  	[sflag:s0] =	ssyncadd.s32 $0xFFFFFC00  }
0x1d0: {  	_ =	swait.ge [sflag:s0], $0x400  }
0x1d1: {  	[sflag:s0] =	ssyncset.done $0x0  }
0x1d2: {  	[sflag:s0] =	ssyncadd.s32 $0xFFFFFC00  }
0x1d3: {  	_ =	swait.ge [sflag:s0], $0x400  }
0x1d4: {  	[sflag:s0] =	ssyncset.done $0x0  }
0x1d5: {  	[sflag:s0] =	ssyncadd.s32 $0xFFFFFC00  }
0x1d6: {  	_ =	swait.ge [sflag:s0], $0x400  }
0x1d7: {  	[sflag:s0] =	ssyncset.done $0x0  }
0x1d8: {  	[sflag:s0] =	ssyncadd.s32 $0xFFFFFC00  }
0x1d9: {  	_ =	swait.ge [sflag:s0], $0x400  }
0x1da: {  	[sflag:s0] =	ssyncset.done $0x0  }
0x1db: {  	[sflag:s0] =	ssyncadd.s32 $0xFFFFFC00  }
0x1dc: {  	_ =	swait.ge [sflag:s0], $0x400  }
0x1dd: {  	[sflag:s0] =	ssyncset.done $0x0  }
0x1de: {  	[sflag:s0] =	ssyncadd.s32 $0xFFFFFC00  }
0x1df: {  	_ =	swait.ge [sflag:s0], $0x400  }
0x1e0: {  	[sflag:s0] =	ssyncset.done $0x0  }
0x1e1: {  	[sflag:s0] =	ssyncadd.s32 $0xFFFFFC00  }
0x1e2: {  	_ =	swait.ge [sflag:s0], $0x400  }
0x1e3: {  	[sflag:s0] =	ssyncset.done $0x0  }
0x1e4: {  	[sflag:s0] =	ssyncadd.s32 $0xFFFFFC00  }
0x1e5: {  	_ =	swait.ge [sflag:s0], $0x400  }
0x1e6: {  	[sflag:s0] =	ssyncset.done $0x0  }
0x1e7: {  	[sflag:s0] =	ssyncadd.s32 $0xFFFFFC00  }
0x1e8: {  	_ =	swait.ge [sflag:s0], $0x400  }
0x1e9: {  	[sflag:s0] =	ssyncset.done $0x0  }
0x1ea: {  	[sflag:s0] =	ssyncadd.s32 $0xFFFFFC00  }
0x1eb: {  	_ =	swait.ge [sflag:s0], $0x400  }
0x1ec: {  	[sflag:s0] =	ssyncset.done $0x0  }
0x1ed: {  	[sflag:s0] =	ssyncadd.s32 $0xFFFFFC00  }
0x1ee: {  	_ =	swait.ge [sflag:s0], $0x400  }
0x1ef: {  	[sflag:s0] =	ssyncset.done $0x0  }
0x1f0: {  	[sflag:s0] =	ssyncadd.s32 $0xFFFFFC00  }
0x1f1: {  	_ =	swait.ge [sflag:s0], $0x400  }
0x1f2: {  	[sflag:s0] =	ssyncset.done $0x0  }
0x1f3: {  	[sflag:s0] =	ssyncadd.s32 $0xFFFFFC00  }
0x1f4: {  	_ =	swait.ge [sflag:s0], $0x400  }
0x1f5: {  	[sflag:s0] =	ssyncset.done $0x0  }
0x1f6: {  	[sflag:s0] =	ssyncadd.s32 $0xFFFFFC00  }
0x1f7: {  	v9 =	vand.u32 $0x7F, v9;
	_ =	swait.ge [sflag:s0], $0x400  }
0x1f8: {  	v22 =	vor.u32 v0, v9;
	v8 =	vand.u32 $0x7F, v8;
	[sflag:s0] =	ssyncset.done $0x0  }
0x1f9: {  	v24 =	vor.u32 v0, v8;
	[sflag:s0] =	ssyncadd.s32 $0xFFFFFC00  }
0x1fa: {  	v28 =	vor.u32 v1, v9;
	_ =	swait.ge [sflag:s0], $0x400  }
0x1fb: {  	v30 =	vor.u32 v1, v8;
	[sflag:s0] =	ssyncset.done $0x0  }
0x1fc: {  	v34 =	vor.u32 v2, v9;
	[sflag:s0] =	ssyncadd.s32 $0xFFFFFC00  }
0x1fd: {  	v35 =	vor.u32 v2, v8;
	v37 =	vld.idx.msk [tilespmem:v22+s13+$0x0], $0xffff  }
0x1fe: {  	v36 =	vor.u32 v3, v9;
	v39 =	vld.idx.msk [tilespmem:v24+s14+$0x0], $0xffff  }
0x1ff: {  	v31 =	vor.u32 v3, v8;
	v32 =	vld.idx.msk [tilespmem:v28+s13+$0x0], $0xffff  }
0x200: {  	v29 =	vor.u32 v4, v9;
	v38 =	vld.idx.msk [tilespmem:v30+s14+$0x0], $0xffff  }
0x201: {  	v25 =	vor.u32 v4, v8;
	v26 =	vld.idx.msk [tilespmem:v34+s13+$0x0], $0xffff  }
0x202: {  	v23 =	vor.u32 v5, v9;
	v33 =	vld.idx.msk [tilespmem:v35+s14+$0x0], $0xffff  }
0x203: {  	v19 =	vor.u32 v5, v8;
	v20 =	vld.idx.msk [tilespmem:v36+s13+$0x0], $0xffff  }
0x204: {  	v18 =	vor.u32 v6, v9;
	v27 =	vld.idx.msk [tilespmem:v31+s14+$0x0], $0xffff  }
0x205: {  	v15 =	vor.u32 v6, v8;
	v16 =	vld.idx.msk [tilespmem:v29+s13+$0x0], $0xffff  }
0x206: {  	v14 =	vor.u32 v7, v9;
	v21 =	vld.idx.msk [tilespmem:v25+s14+$0x0], $0xffff  }
0x207: {  	p0 =	seq.s32 s11, $0x7C0;
	v12 =	vor.u32 v7, v8;
	v13 =	vld.idx.msk [tilespmem:v23+s13+$0x0], $0xffff  }
.Ltmp4:
0x208: {  	v17 =	vld.idx.msk [tilespmem:v19+s14+$0x0], $0xffff;
	(pc) =	sbr.rel @p0 .LBB2_4-.Ltmp4, $4  }
0x209: {  	v9 =	vld.idx.msk [tilespmem:v18+s13+$0x0], $0xffff  }
0x20a: {  	v11 =	vld.idx.msk [tilespmem:v15+s14+$0x0], $0xffff  }
0x20b: {  	v8 =	vld.idx.msk [tilespmem:v14+s13+$0x0], $0xffff  }
0x20c: {  	v10 =	vld.idx.msk [tilespmem:v12+s14+$0x0], $0xffff  }
0x20d: {  	v41 =	vld [tilespmem:s5+$0x10];
	_ =	sdelay $0x1  }
0x20e: {  	v40 =	vld [tilespmem:s5+$0x210];
	_ =	sdelay $0x2  }
0x20f: {  	(v2sf) =	vpush v41, $0x0;
	_ =	sdelay $0x1  }
0x210: {  	(v2sf) =	vpush v40, $0x0;
	_ =	sdelay $0x2  }
0x211: {  	(v2sf) =	vpush v41, $0x1;
	_ =	sdelay $0x5  }
0x212: {  	(v2sf) =	vpush v40, $0x1;
	_ =	sdelay $0x3  }
0x213: {  	s6 =	spop (v2sf);
	(v2sf) =	vpush v41, $0x2;
	_ =	sdelay $0x1  }
0x214: {  	s6 =	sand.u32 $0xFFFFF80, s6;
	s9 =	spop (v2sf);
	(v2sf) =	vpush v40, $0x2  }
0x215: {  	s6 =	sadd.s32 s1, s6  }
0x216: {  	[tilespmem:s13], [sflag:$0x2] =	stream.linear.gather [hbm4b:s6+s4], $0x400, $0x38;
	[tilespmem:$0x10600] =	vst v63  }
0x217: {  	s10 =	spop (v2sf);
	(v2sf) =	vpush v41, $0x3;
	s6 =	sand.u32 $0xFFFFF80, s9  }
0x218: {  	s6 =	sadd.s32 s2, s6  }
0x219: {  	[tilespmem:s14], [sflag:$0x2] =	stream.linear.gather [hbm4b:s6+s4], $0x400, $0x38;
	[tilespmem:$0x10600] =	vst v63  }
0x21a: {  	s6 =	sand.u32 $0xFFFFF80, s10  }
0x21b: {  	s9 =	simm.s32 $0x800;
	s6 =	sadd.s32 s1, s6  }
0x21c: {  	[tilespmem:s9], [sflag:$0x2] =	stream.linear.gather [hbm4b:s6+s4], $0x400, $0x38;
	[tilespmem:$0x10600] =	vst v63  }
0x21d: {  	s9 =	spop (v2sf);
	(v2sf) =	vpush v40, $0x3;
	_ =	sdelay $0x2  }
0x21e: {  	s6 =	sand.u32 $0xFFFFF80, s9  }
0x21f: {  	s10 =	simm.s32 $0x4800;
	s6 =	sadd.s32 s2, s6;
	s9 =	spop (v2sf);
	(v2sf) =	vpush v41, $0x4  }
0x220: {  	[tilespmem:s10], [sflag:$0x2] =	stream.linear.gather [hbm4b:s6+s4], $0x400, $0x38;
	[tilespmem:$0x10600] =	vst v63  }
0x221: {  	s6 =	sand.u32 $0xFFFFF80, s9;
	s9 =	spop (v2sf);
	(v2sf) =	vpush v40, $0x4  }
0x222: {  	s10 =	simm.s32 $0xC00;
	s6 =	sadd.s32 s1, s6  }
0x223: {  	[tilespmem:s10], [sflag:$0x2] =	stream.linear.gather [hbm4b:s6+s4], $0x400, $0x38;
	[tilespmem:$0x10600] =	vst v63  }
0x224: {  	s6 =	sand.u32 $0xFFFFF80, s9;
	s9 =	spop (v2sf);
	(v2sf) =	vpush v41, $0x5;
	_ =	sdelay $0x3  }
0x225: {  	s10 =	simm.s32 $0x4C00;
	s6 =	sadd.s32 s2, s6  }
0x226: {  	[tilespmem:s10], [sflag:$0x2] =	stream.linear.gather [hbm4b:s6+s4], $0x400, $0x38;
	[tilespmem:$0x10600] =	vst v63  }
0x227: {  	s6 =	sand.u32 $0xFFFFF80, s9;
	s9 =	spop (v2sf);
	(v2sf) =	vpush v40, $0x5  }
0x228: {  	s10 =	simm.s32 $0x1000;
	s6 =	sadd.s32 s1, s6  }
0x229: {  	[tilespmem:s10], [sflag:$0x2] =	stream.linear.gather [hbm4b:s6+s4], $0x400, $0x38;
	[tilespmem:$0x10600] =	vst v63  }
0x22a: {  	s6 =	sand.u32 $0xFFFFF80, s9  }
0x22b: {  	s10 =	simm.s32 $0x5000;
	s6 =	sadd.s32 s2, s6;
	s9 =	spop (v2sf);
	(v2sf) =	vpush v41, $0x6  }
0x22c: {  	[tilespmem:s10], [sflag:$0x2] =	stream.linear.gather [hbm4b:s6+s4], $0x400, $0x38;
	[tilespmem:$0x10600] =	vst v63  }
0x22d: {  	s6 =	sand.u32 $0xFFFFF80, s9;
	s9 =	spop (v2sf);
	(v2sf) =	vpush v40, $0x6  }
0x22e: {  	s10 =	simm.s32 $0x1400;
	s6 =	sadd.s32 s1, s6  }
0x22f: {  	[tilespmem:s10], [sflag:$0x2] =	stream.linear.gather [hbm4b:s6+s4], $0x400, $0x38;
	[tilespmem:$0x10600] =	vst v63  }
0x230: {  	s6 =	sand.u32 $0xFFFFF80, s9;
	s9 =	spop (v2sf);
	(v2sf) =	vpush v41, $0x7;
	_ =	sdelay $0x3  }
0x231: {  	s10 =	simm.s32 $0x5400;
	s6 =	sadd.s32 s2, s6  }
0x232: {  	[tilespmem:s10], [sflag:$0x2] =	stream.linear.gather [hbm4b:s6+s4], $0x400, $0x38;
	[tilespmem:$0x10600] =	vst v63  }
0x233: {  	s6 =	sand.u32 $0xFFFFF80, s9;
	s9 =	spop (v2sf);
	(v2sf) =	vpush v40, $0x7  }
0x234: {  	s10 =	simm.s32 $0x1800;
	s6 =	sadd.s32 s1, s6  }
0x235: {  	[tilespmem:s10], [sflag:$0x2] =	stream.linear.gather [hbm4b:s6+s4], $0x400, $0x38;
	[tilespmem:$0x10600] =	vst v63  }
0x236: {  	s6 =	sand.u32 $0xFFFFF80, s9  }
0x237: {  	s10 =	simm.s32 $0x5800;
	s6 =	sadd.s32 s2, s6;
	s9 =	spop (v2sf);
	(v2sf) =	vpush v41, $0x8  }
0x238: {  	[tilespmem:s10], [sflag:$0x2] =	stream.linear.gather [hbm4b:s6+s4], $0x400, $0x38;
	[tilespmem:$0x10600] =	vst v63  }
0x239: {  	s6 =	sand.u32 $0xFFFFF80, s9;
	s9 =	spop (v2sf);
	(v2sf) =	vpush v40, $0x8  }
0x23a: {  	s10 =	simm.s32 $0x1C00;
	s6 =	sadd.s32 s1, s6  }
0x23b: {  	[tilespmem:s10], [sflag:$0x2] =	stream.linear.gather [hbm4b:s6+s4], $0x400, $0x38;
	[tilespmem:$0x10600] =	vst v63  }
0x23c: {  	s6 =	sand.u32 $0xFFFFF80, s9;
	s9 =	spop (v2sf);
	(v2sf) =	vpush v41, $0x9;
	_ =	sdelay $0x3  }
0x23d: {  	s10 =	simm.s32 $0x5C00;
	s6 =	sadd.s32 s2, s6  }
0x23e: {  	[tilespmem:s10], [sflag:$0x2] =	stream.linear.gather [hbm4b:s6+s4], $0x400, $0x38;
	[tilespmem:$0x10600] =	vst v63  }
0x23f: {  	s6 =	sand.u32 $0xFFFFF80, s9;
	s9 =	spop (v2sf);
	(v2sf) =	vpush v40, $0x9  }
0x240: {  	s10 =	simm.s32 $0x2000;
	s6 =	sadd.s32 s1, s6  }
0x241: {  	[tilespmem:s10], [sflag:$0x2] =	stream.linear.gather [hbm4b:s6+s4], $0x400, $0x38;
	[tilespmem:$0x10600] =	vst v63  }
0x242: {  	s6 =	sand.u32 $0xFFFFF80, s9  }
0x243: {  	s10 =	simm.s32 $0x6000;
	s6 =	sadd.s32 s2, s6;
	s9 =	spop (v2sf);
	(v2sf) =	vpush v41, $0xA  }
0x244: {  	[tilespmem:s10], [sflag:$0x2] =	stream.linear.gather [hbm4b:s6+s4], $0x400, $0x38;
	[tilespmem:$0x10600] =	vst v63  }
0x245: {  	s6 =	sand.u32 $0xFFFFF80, s9;
	s9 =	spop (v2sf);
	(v2sf) =	vpush v40, $0xA  }
0x246: {  	s10 =	simm.s32 $0x2400;
	s6 =	sadd.s32 s1, s6  }
0x247: {  	[tilespmem:s10], [sflag:$0x2] =	stream.linear.gather [hbm4b:s6+s4], $0x400, $0x38;
	[tilespmem:$0x10600] =	vst v63  }
0x248: {  	s6 =	sand.u32 $0xFFFFF80, s9;
	s9 =	spop (v2sf);
	(v2sf) =	vpush v41, $0xB;
	_ =	sdelay $0x3  }
0x249: {  	s10 =	simm.s32 $0x6400;
	s6 =	sadd.s32 s2, s6  }
0x24a: {  	[tilespmem:s10], [sflag:$0x2] =	stream.linear.gather [hbm4b:s6+s4], $0x400, $0x38;
	[tilespmem:$0x10600] =	vst v63  }
0x24b: {  	s6 =	sand.u32 $0xFFFFF80, s9;
	s9 =	spop (v2sf);
	(v2sf) =	vpush v40, $0xB  }
0x24c: {  	s10 =	simm.s32 $0x2800;
	s6 =	sadd.s32 s1, s6  }
0x24d: {  	[tilespmem:s10], [sflag:$0x2] =	stream.linear.gather [hbm4b:s6+s4], $0x400, $0x38;
	[tilespmem:$0x10600] =	vst v63  }
0x24e: {  	s6 =	sand.u32 $0xFFFFF80, s9  }
0x24f: {  	s10 =	simm.s32 $0x6800;
	s6 =	sadd.s32 s2, s6;
	s9 =	spop (v2sf);
	(v2sf) =	vpush v41, $0xC  }
0x250: {  	[tilespmem:s10], [sflag:$0x2] =	stream.linear.gather [hbm4b:s6+s4], $0x400, $0x38;
	[tilespmem:$0x10600] =	vst v63  }
0x251: {  	s6 =	sand.u32 $0xFFFFF80, s9;
	s9 =	spop (v2sf);
	(v2sf) =	vpush v40, $0xC  }
0x252: {  	s10 =	simm.s32 $0x2C00;
	s6 =	sadd.s32 s1, s6  }
0x253: {  	[tilespmem:s10], [sflag:$0x2] =	stream.linear.gather [hbm4b:s6+s4], $0x400, $0x38;
	[tilespmem:$0x10600] =	vst v63  }
0x254: {  	s6 =	sand.u32 $0xFFFFF80, s9;
	s9 =	spop (v2sf);
	(v2sf) =	vpush v41, $0xD;
	_ =	sdelay $0x3  }
0x255: {  	s10 =	simm.s32 $0x6C00;
	s6 =	sadd.s32 s2, s6  }
0x256: {  	[tilespmem:s10], [sflag:$0x2] =	stream.linear.gather [hbm4b:s6+s4], $0x400, $0x38;
	[tilespmem:$0x10600] =	vst v63  }
0x257: {  	s6 =	sand.u32 $0xFFFFF80, s9;
	s9 =	spop (v2sf);
	(v2sf) =	vpush v40, $0xD  }
0x258: {  	s10 =	simm.s32 $0x3000;
	s6 =	sadd.s32 s1, s6  }
0x259: {  	[tilespmem:s10], [sflag:$0x2] =	stream.linear.gather [hbm4b:s6+s4], $0x400, $0x38;
	[tilespmem:$0x10600] =	vst v63  }
0x25a: {  	s6 =	sand.u32 $0xFFFFF80, s9  }
0x25b: {  	s10 =	simm.s32 $0x7000;
	s6 =	sadd.s32 s2, s6;
	s9 =	spop (v2sf);
	(v2sf) =	vpush v41, $0xE  }
0x25c: {  	[tilespmem:s10], [sflag:$0x2] =	stream.linear.gather [hbm4b:s6+s4], $0x400, $0x38;
	[tilespmem:$0x10600] =	vst v63  }
0x25d: {  	s6 =	sand.u32 $0xFFFFF80, s9;
	s9 =	spop (v2sf);
	(v2sf) =	vpush v40, $0xE  }
0x25e: {  	s10 =	simm.s32 $0x3400;
	s6 =	sadd.s32 s1, s6  }
0x25f: {  	[tilespmem:s10], [sflag:$0x2] =	stream.linear.gather [hbm4b:s6+s4], $0x400, $0x38;
	[tilespmem:$0x10600] =	vst v63  }
0x260: {  	s6 =	sand.u32 $0xFFFFF80, s9;
	s9 =	spop (v2sf);
	(v2sf) =	vpush v41, $0xF  }
0x261: {  	s10 =	simm.s32 $0x7400;
	s6 =	sadd.s32 s2, s6  }
0x262: {  	[tilespmem:s10], [sflag:$0x2] =	stream.linear.gather [hbm4b:s6+s4], $0x400, $0x38;
	[tilespmem:$0x10600] =	vst v63  }
0x263: {  	s6 =	sand.u32 $0xFFFFF80, s9  }
0x264: {  	s10 =	simm.s32 $0x3800;
	s6 =	sadd.s32 s1, s6  }
0x265: {  	[tilespmem:s10], [sflag:$0x2] =	stream.linear.gather [hbm4b:s6+s4], $0x400, $0x38;
	[tilespmem:$0x10600] =	vst v63  }
0x266: {  	s9 =	spop (v2sf);
	(v2sf) =	vpush v40, $0xF  }
0x267: {  	s6 =	sand.u32 $0xFFFFF80, s9  }
0x268: {  	s10 =	simm.s32 $0x7800;
	s6 =	sadd.s32 s2, s6  }
0x269: {  	[tilespmem:s10], [sflag:$0x2] =	stream.linear.gather [hbm4b:s6+s4], $0x400, $0x38;
	[tilespmem:$0x10600] =	vst v63  }
0x26a: {  	s9 =	spop (v2sf)  }
0x26b: {  	s6 =	sand.u32 $0xFFFFF80, s9  }
0x26c: {  	s10 =	simm.s32 $0x3C00;
	s9 =	spop (v2sf);
	s6 =	sadd.s32 s1, s6  }
0x26d: {  	[tilespmem:s10], [sflag:$0x2] =	stream.linear.gather [hbm4b:s6+s4], $0x400, $0x38;
	[tilespmem:$0x10600] =	vst v63  }
0x26e: {  	s6 =	sand.u32 $0xFFFFF80, s9  }
0x26f: {  	s10 =	simm.s32 $0x7C00;
	s9 =	spop (v2sf);
	s6 =	sadd.s32 s2, s6  }
0x270: {  	[tilespmem:s10], [sflag:$0x2] =	stream.linear.gather [hbm4b:s6+s4], $0x400, $0x38;
	[tilespmem:$0x10600] =	vst v63  }
0x271: {  	s6 =	sand.u32 $0xFFFFF80, s9  }
0x272: {  	s10 =	simm.s32 $0x4000;
	s6 =	sadd.s32 s1, s6  }
0x273: {  	[tilespmem:s10], [sflag:$0x2] =	stream.linear.gather [hbm4b:s6+s4], $0x400, $0x38;
	[tilespmem:$0x10600] =	vst v63  }
.Ltmp5:
0x274: {  	_ = 	snop;
	(pc) =	sbr.rel .LBB2_4-.Ltmp5, $4  }
0x275: {  	s9 =	spop (v2sf)  }
0x276: {  	s6 =	sand.u32 $0xFFFFF80, s9  }
0x277: {  	s10 =	simm.s32 $0x8000;
	s9 =	simm.s32 $0x8800;
	s6 =	sadd.s32 s2, s6  }
0x278: {  	[tilespmem:s10], [sflag:$0x2] =	stream.linear.gather [hbm4b:s6+s4], $0x400, $0x38;
	[tilespmem:$0x10600] =	vst v63  }
.LBB2_6:
0x279: {  	_ =	sfence.sel $0x180000  }
0x27a: {  	[bflag:$0x0] =	sbarrier.arrive $0xFFFF  }
0x27b: {  	_ =	strace $0x90000047  }
0x27c: {  	s0 =	stileid.u32;
	[bflag:$0x2] =	sbarrier.arrive $0xFFFF  }
0x27d: {  	p0 =	sne.s32 s0, $0x0;
	s0 =	rddreg [dreg:$0x5]  }
0x27e: {  	s0 =	sadd.s32 @!p0 $0x100000, s0  }
0x27f: {  	[sflag:s0] =	ssyncadd.tile.s32 @!p0 $0x1;
	_ =	shalt  }
.Lfunc_end2:
_tile_overlayer_lowered:
.L_overlay_start_2:
0x280: {  	(tag) =	ssettag $0x2  }
0x281: {  	s0 =	rddreg [dreg:$0x0];
	s2 =	stileid.u32  }
0x282: {  	s1 =	rddreg [dreg:$0x1];
	p0 =	sne.s32 s2, $0x0  }
0x283: {  	s3 =	rddreg [dreg:$0x2];
	[bflag:$0x3] =	sbarrier.arrive $0xFFFF;
	s2 =	simm.s32 @!p0 $0x1C04  }
0x284: {  	[timem:s3], [sflag:s2] =	dma.local @!p0 [hbm:s0], s1  }
0x285: {  	s0 =	simm.s32 @!p0 $0x4  }
0x286: {  	_ =	swait.ge @!p0 [sflag:s0], s1  }
0x287: {  	s1 =	ssub.s32 @!p0 $0x0, s1;
	[sflag:s0] =	ssyncset.done @!p0 $0x0  }
0x288: {  	[sflag:s0] =	ssyncadd.s32 @!p0 s1  }
0x289: {  	[bflag:$0x3] =	sbarrier.arrive $0xFFFF  }
0x28a: {  	_ =	shalt  }

</sc_bundles>
